<compile_context>
chip_gen: v7x
topology: tpu7x:2x2x1
jax: 0.10.2.dev20260603
libtpu: 0.0.44.dev20260713+nightly
codegen_flags: <defaults>
</compile_context>

<pallas_src>
import functools

import jax
import jax.numpy as jnp
from jax import lax
from jax.experimental import pallas as pl
from jax.experimental.pallas import tpu as pltpu
from jax.experimental.pallas import tpu_sc as plsc

from jax._src import core as _jax_core
from jax._src.lib.mlir import ir as _ir
from jax._src.lib.mlir.dialects import arith as _arith
from jax._src.lib.mlir.dialects import vector as _vector
from jax._src.pallas.mosaic import core as _tpu_core
from jax._src.pallas.mosaic import lowering as _tc_lowering
from jax.experimental.mosaic.dialects import tpu as _tpu_d

_lane_xor_p = _jax_core.Primitive("sc_lane_xor_perm")


@_lane_xor_p.def_abstract_eval
def _lane_xor_abstract_eval(x, *, k):
    del k
    return x


@_tc_lowering.register_lowering_rule(
    _lane_xor_p, kernel_types=[_tpu_core.CoreType.SC_VECTOR_SUBCORE]
)
def _lane_xor_lowering(ctx, x, *, k):
    del ctx
    i32 = _ir.IntegerType.get_signless(32)
    vec_ty = _ir.VectorType.get([16], i32)
    c = _arith.constant(i32, _ir.IntegerAttr.get(i32, k))
    cv = _vector.broadcast(vec_ty, c)
    idx = _arith.xori(cv, _tpu_d.iota(vec_ty, dimensions=[0]))
    return _tpu_d.dynamic_gather(x, idx, dimensions=[0])


def _lane_xor(x, k):
    return _lane_xor_p.bind(x, k=k)

N = 100000
D = 128
S = 512
RB = 128
NW = 32
BPW = 13
M = BPW * NW * RB
NT = N - M
BT = 4096
GT = (NT + BT - 1) // BT
WIDTH = D + 16
WT = D + 8

_mesh = plsc.VectorSubcoreMesh(
    core_axis_name="c", subcore_axis_name="s", num_cores=2, num_subcores=16
)


@functools.partial(
    pl.kernel,
    out_type=jax.ShapeDtypeStruct((2, S, WIDTH), jnp.float32),
    mesh=_mesh,
    scratch_types=[
        pltpu.VMEM((2, RB, D), jnp.float32),
        pltpu.VMEM((2, RB), jnp.int32),
        pltpu.VMEM((2, RB, WIDTH), jnp.float32),
        pltpu.VMEM((WIDTH,), jnp.float32),
        pltpu.VMEM_SHARED((S, WIDTH), jnp.float32),
        pltpu.SemaphoreType.DMA((2,)),
        pltpu.SemaphoreType.DMA((2,)),
        pltpu.SemaphoreType.DMA((2,)),
    ],
    compiler_params=pltpu.CompilerParams(use_tc_tiling_on_sc=False),
)
def _sc_partials(
    feats_hbm, ids_hbm, wb_hbm, out_hbm,
    fbuf, ibuf, sbuf, wbuf, acc, dfsem, disem, ssem,
):
    c = lax.axis_index("c")
    s = lax.axis_index("s")
    w = c * 16 + s

    for r in range(32):
        for j in range(WIDTH // 16):
            sbuf[0, r, pl.ds(16 * j, 16)] = jnp.zeros((16,), jnp.float32)
    pltpu.sync_copy(sbuf.at[0, pl.ds(0, 32)], acc.at[pl.ds(s * 32, 32)])
    plsc.subcore_barrier()

    pltpu.sync_copy(wb_hbm, wbuf)
    wv = [wbuf[pl.ds(16 * j, 16)] for j in range(8)]
    bv = wbuf[pl.ds(128, 16)]
    dmask = lax.iota(jnp.int32, 16) == 0

    def lane_allsum(a):
        for k in (1, 2, 4, 8):
            a = a + _lane_xor(a, k)
        return a

    nblk = BPW

    def issue_in(t, buf):
        row0 = (w + 32 * t) * RB
        pltpu.async_copy(
            feats_hbm.at[pl.ds(row0, RB)], fbuf.at[buf], dfsem.at[buf]
        )
        pltpu.async_copy(ids_hbm.at[pl.ds(row0, RB)], ibuf.at[buf], disem.at[buf])

    issue_in(0, 0)

    def blk_body(t, carry):
        buf = lax.rem(t, 2)
        nbuf = 1 - buf

        @pl.when(t >= 1)
        def _():
            pltpu.make_async_copy(
                sbuf.at[nbuf], acc.at[ibuf.at[nbuf]], ssem.at[nbuf]
            ).wait()

        @pl.when(t + 1 < nblk)
        def _():
            issue_in(t + 1, nbuf)

        pltpu.make_async_copy(
            feats_hbm.at[pl.ds(0, RB)], fbuf.at[buf], dfsem.at[buf]
        ).wait()
        pltpu.make_async_copy(
            ids_hbm.at[pl.ds(0, RB)], ibuf.at[buf], disem.at[buf]
        ).wait()

        def group_body(g, carry2):
            rows = []
            for k in range(8):
                r = g * 8 + k
                fs = [fbuf[buf, r, pl.ds(16 * j, 16)] for j in range(8)]
                p0 = fs[0] * wv[0]
                p1 = fs[1] * wv[1]
                for j in range(2, 8, 2):
                    p0 = p0 + fs[j] * wv[j]
                    p1 = p1 + fs[j + 1] * wv[j + 1]
                a = p0 + p1
                rows.append((r, fs, a))
            for r, fs, a in rows:
                sv = lane_allsum(a) + bv
                w16 = 1.0 / (1.0 + jnp.exp(-sv))
                for j in range(8):
                    sbuf[buf, r, pl.ds(16 * j, 16)] = fs[j] * w16
                sbuf[buf, r, pl.ds(128, 16)] = jnp.where(dmask, w16, 0.0)
            return carry2

        lax.fori_loop(0, RB // 8, group_body, 0)
        pltpu.async_copy(sbuf.at[buf], acc.at[ibuf.at[buf]], ssem.at[buf], add=True)
        return carry

    lax.fori_loop(0, nblk, blk_body, 0)
    lastbuf = lax.rem(nblk - 1, 2)
    pltpu.make_async_copy(
        sbuf.at[lastbuf], acc.at[ibuf.at[lastbuf]], ssem.at[lastbuf]
    ).wait()
    plsc.subcore_barrier()
    pltpu.sync_copy(acc.at[pl.ds(s * 32, 32)], out_hbm.at[c, pl.ds(s * 32, 32)])


def _tc_partial_body(feats_ref, ids_ref, w_ref, b_ref, out_ref):
    i = pl.program_id(0)
    f = feats_ref[...]
    logits = lax.dot_general(
        w_ref[...], f, (((1,), (1,)), ((), ())),
        preferred_element_type=jnp.float32,
    )
    wt = 1.0 / (1.0 + jnp.exp(-(logits + b_ref[0])))
    valid = (lax.broadcasted_iota(jnp.int32, (1, BT), 1) + i * BT) < NT
    wt = jnp.where(valid, wt, 0.0)
    wtc = wt.reshape(BT, 1)
    gid = lax.broadcasted_iota(jnp.int32, (S, BT), 0)
    onehot = jnp.where(gid == ids_ref[...], 1.0, 0.0)
    aug = jnp.concatenate(
        [f * wtc, jnp.broadcast_to(wtc, (BT, 8))], axis=1
    )
    nd = jnp.dot(onehot, aug, preferred_element_type=jnp.float32)

    @pl.when(i == 0)
    def _():
        out_ref[...] = jnp.zeros((S, WT), jnp.float32)

    out_ref[...] += nd


_tc_partial = pl.pallas_call(
    _tc_partial_body,
    grid=(GT,),
    in_specs=[
        pl.BlockSpec((BT, D), lambda i: (M // BT + i, 0)),
        pl.BlockSpec((1, BT), lambda i: (0, M // BT + i)),
        pl.BlockSpec((1, D), lambda i: (0, 0)),
        pl.BlockSpec(memory_space=pltpu.SMEM),
    ],
    out_specs=pl.BlockSpec((S, WT), lambda i: (0, 0)),
    out_shape=jax.ShapeDtypeStruct((S, WT), jnp.float32),
)


def _tc_combine_body(parts_ref, tcp_ref, out_ref):
    p = parts_ref[0] + parts_ref[1]
    t = tcp_ref[...]
    num = p[:, :D] + t[:, :D]
    den = p[:, D:D + 1] + t[:, D:D + 1]
    out_ref[...] = num / (den + 1e-12)


_tc_combine = pl.pallas_call(
    _tc_combine_body,
    in_specs=[
        pl.BlockSpec(memory_space=pltpu.MemorySpace.VMEM),
        pl.BlockSpec(memory_space=pltpu.MemorySpace.VMEM),
    ],
    out_shape=jax.ShapeDtypeStruct((S, D), jnp.float32),
)


@jax.jit
def kernel(feats_node, segment_ids, W, b):
    ids = segment_ids.astype(jnp.int32)
    wb = jnp.concatenate(
        [W.reshape(D), jnp.broadcast_to(b.reshape(1), (16,))]
    )
    parts = _sc_partials(feats_node, ids, wb)
    tcp = _tc_partial(
        feats_node, ids.reshape(1, N), W.reshape(1, D), b.reshape(1)
    )
    return _tc_combine(parts, tcp)

# --- scband reference (transcript-rebuilt; emitter-appended) ---
"""Pipeline reference for scband-weighted-average-26834955665918 (READ-ONLY COPY).

The authoritative reference and input builder live on the scoring server;
editing this copy changes nothing except your own understanding.
"""

import jax, jax.numpy as jnp
import numpy as np

N_NODES = 100000
D_FEAT = 128
NUM_GRAPHS = 512

def setup_inputs(seed: int = 0) -> dict:
    key = jax.random.key(seed)
    k1, k2, k3 = jax.random.split(key, 3)
    feats_node = jax.random.normal(k1, (N_NODES, D_FEAT), dtype=jnp.float32)
    segment_ids = jnp.sort(jax.random.randint(k2, (N_NODES,), 0, NUM_GRAPHS, dtype=jnp.int64))
    # nn.Linear(in_feats, 1): weight [1, in_feats] init normal(std=0.5), bias zeros
    W = jax.random.normal(k3, (1, D_FEAT), dtype=jnp.float32) * 0.5
    b = jnp.zeros((1,), dtype=jnp.float32)
    return {"feats_node": feats_node, "segment_ids": segment_ids, "W": W, "b": b}

def reference(feats_node, segment_ids, W, b):
    # w = sigmoid(Linear(feats_node)) -> [N, 1]
    w = jax.nn.sigmoid(feats_node @ W.T + b)
    # dgl.mean_nodes(graph, 'n', 'w') = per-graph sum(w_i * n_i) / sum(w_i)
    num = jax.ops.segment_sum(w * feats_node, segment_ids, num_segments=NUM_GRAPHS)
    den = jax.ops.segment_sum(w, segment_ids, num_segments=NUM_GRAPHS)
    embedding = num / (den + 1e-12)
    return embedding

if __name__ == "__main__":
    import jax
    _d = setup_inputs()
    print(jax.jit(kernel)(*tuple(_d.values())))

</pallas_src>

<mosaic_0001>
#map = affine_map<(d0, d1) -> (0, 0)>
#map1 = affine_map<(d0, d1) -> (0)>
#map2 = affine_map<(d0, d1) -> (0, 0, 0)>
module attributes {stable_mosaic.version = 14 : i64} {
  func.func @_sc_partials(%arg0: i32, %arg1: i32, %arg2: memref<100000x128xf32, #tpu.memory_space<hbm>>, %arg3: memref<100000xi32, #tpu.memory_space<hbm>>, %arg4: memref<144xf32, #tpu.memory_space<hbm>>, %arg5: memref<2x512x144xf32, #tpu.memory_space<hbm>>, %arg6: memref<2x128x128xf32, #tpu.memory_space<vmem>>, %arg7: memref<2x128xi32, #tpu.memory_space<vmem>>, %arg8: memref<2x128x144xf32, #tpu.memory_space<vmem>>, %arg9: memref<144xf32, #tpu.memory_space<vmem>>, %arg10: memref<512x144xf32, #tpu.memory_space<vmem_shared>>, %arg11: memref<2x!tpu.dma_semaphore, #tpu.memory_space<semaphore_mem>>, %arg12: memref<2x!tpu.dma_semaphore, #tpu.memory_space<semaphore_mem>>, %arg13: memref<2x!tpu.dma_semaphore, #tpu.memory_space<semaphore_mem>>) attributes {dimension_semantics = [#tpu.dimension_semantics<core_parallel>, #tpu.dimension_semantics<subcore_parallel>], iteration_bounds = array<i64: 2, 16>, scalar_prefetch = 0 : i64, scratch_operands = 8 : i64, tpu.core_type = #tpu.core_type<sc_vector_subcore>, window_params = [{transform_indices = #map}, {transform_indices = #map1}, {transform_indices = #map1}, {transform_indices = #map2}]} {
    %mul3A = arith.constant 16 : i32
    %mul3A_0 = arith.muli %arg0, %mul3A : i32
    %add3A = arith.addi %mul3A_0, %arg1 : i32
    %broadcast_in_dim3A = arith.constant 0.000000e+00 : f32
    %broadcast_in_dim3A_1 = vector.broadcast %broadcast_in_dim3A : f32 to vector<16xf32>
    %swap3A = arith.constant 0 : i32
    %swap3A_2 = arith.constant 0 : i32
    %swap3A_3 = arith.index_cast %swap3A : i32 to index
    %swap3A_4 = arith.index_cast %swap3A_2 : i32 to index
    %swap3A_5 = arith.constant 0 : index
    %swap3A_6 = tpu.vector_load %arg8[%swap3A_3, %swap3A_4, %swap3A_5] {strides = array<i32>} : memref<2x128x144xf32, #tpu.memory_space<vmem>>, vector<1x1x16xf32>,
    %swap3A_7 = vector.shape_cast %swap3A_6 : vector<1x1x16xf32> to vector<16xf32>
    %swap3A_8 = vector.shape_cast %broadcast_in_dim3A_1 : vector<16xf32> to vector<1x1x16xf32>
    tpu.vector_store %arg8[%swap3A_3, %swap3A_4, %swap3A_5], %swap3A_8 {strides = array<i32>} : memref<2x128x144xf32, #tpu.memory_space<vmem>>, vector<1x1x16xf32>,
    %broadcast_in_dim3A_9 = arith.constant 0.000000e+00 : f32
    %broadcast_in_dim3A_10 = vector.broadcast %broadcast_in_dim3A_9 : f32 to vector<16xf32>
    %swap3A_11 = arith.constant 0 : i32
    %swap3A_12 = arith.constant 0 : i32
    %swap3A_13 = arith.index_cast %swap3A_11 : i32 to index
    %swap3A_14 = arith.index_cast %swap3A_12 : i32 to index
    %swap3A_15 = arith.constant 16 : index
    %swap3A_16 = tpu.vector_load %arg8[%swap3A_13, %swap3A_14, %swap3A_15] {strides = array<i32>} : memref<2x128x144xf32, #tpu.memory_space<vmem>>, vector<1x1x16xf32>,
    %swap3A_17 = vector.shape_cast %swap3A_16 : vector<1x1x16xf32> to vector<16xf32>
    %swap3A_18 = vector.shape_cast %broadcast_in_dim3A_10 : vector<16xf32> to vector<1x1x16xf32>
    tpu.vector_store %arg8[%swap3A_13, %swap3A_14, %swap3A_15], %swap3A_18 {strides = array<i32>} : memref<2x128x144xf32, #tpu.memory_space<vmem>>, vector<1x1x16xf32>,
    %broadcast_in_dim3A_19 = arith.constant 0.000000e+00 : f32
    %broadcast_in_dim3A_20 = vector.broadcast %broadcast_in_dim3A_19 : f32 to vector<16xf32>
    %swap3A_21 = arith.constant 0 : i32
    %swap3A_22 = arith.constant 0 : i32
    %swap3A_23 = arith.index_cast %swap3A_21 : i32 to index
    %swap3A_24 = arith.index_cast %swap3A_22 : i32 to index
    %swap3A_25 = arith.constant 32 : index
    %swap3A_26 = tpu.vector_load %arg8[%swap3A_23, %swap3A_24, %swap3A_25] {strides = array<i32>} : memref<2x128x144xf32, #tpu.memory_space<vmem>>, vector<1x1x16xf32>,
    %swap3A_27 = vector.shape_cast %swap3A_26 : vector<1x1x16xf32> to vector<16xf32>
    %swap3A_28 = vector.shape_cast %broadcast_in_dim3A_20 : vector<16xf32> to vector<1x1x16xf32>
    tpu.vector_store %arg8[%swap3A_23, %swap3A_24, %swap3A_25], %swap3A_28 {strides = array<i32>} : memref<2x128x144xf32, #tpu.memory_space<vmem>>, vector<1x1x16xf32>,
    %broadcast_in_dim3A_29 = arith.constant 0.000000e+00 : f32
    %broadcast_in_dim3A_30 = vector.broadcast %broadcast_in_dim3A_29 : f32 to vector<16xf32>
    %swap3A_31 = arith.constant 0 : i32
    %swap3A_32 = arith.constant 0 : i32
    %swap3A_33 = arith.index_cast %swap3A_31 : i32 to index
    %swap3A_34 = arith.index_cast %swap3A_32 : i32 to index
    %swap3A_35 = arith.constant 48 : index
    %swap3A_36 = tpu.vector_load %arg8[%swap3A_33, %swap3A_34, %swap3A_35] {strides = array<i32>} : memref<2x128x144xf32, #tpu.memory_space<vmem>>, vector<1x1x16xf32>,
    %swap3A_37 = vector.shape_cast %swap3A_36 : vector<1x1x16xf32> to vector<16xf32>
    %swap3A_38 = vector.shape_cast %broadcast_in_dim3A_30 : vector<16xf32> to vector<1x1x16xf32>
    tpu.vector_store %arg8[%swap3A_33, %swap3A_34, %swap3A_35], %swap3A_38 {strides = array<i32>} : memref<2x128x144xf32, #tpu.memory_space<vmem>>, vector<1x1x16xf32>,
    %broadcast_in_dim3A_39 = arith.constant 0.000000e+00 : f32
    %broadcast_in_dim3A_40 = vector.broadcast %broadcast_in_dim3A_39 : f32 to vector<16xf32>
    %swap3A_41 = arith.constant 0 : i32
    %swap3A_42 = arith.constant 0 : i32
    %swap3A_43 = arith.index_cast %swap3A_41 : i32 to index
    %swap3A_44 = arith.index_cast %swap3A_42 : i32 to index
    %swap3A_45 = arith.constant 64 : index
    %swap3A_46 = tpu.vector_load %arg8[%swap3A_43, %swap3A_44, %swap3A_45] {strides = array<i32>} : memref<2x128x144xf32, #tpu.memory_space<vmem>>, vector<1x1x16xf32>,
    %swap3A_47 = vector.shape_cast %swap3A_46 : vector<1x1x16xf32> to vector<16xf32>
    %swap3A_48 = vector.shape_cast %broadcast_in_dim3A_40 : vector<16xf32> to vector<1x1x16xf32>
    tpu.vector_store %arg8[%swap3A_43, %swap3A_44, %swap3A_45], %swap3A_48 {strides = array<i32>} : memref<2x128x144xf32, #tpu.memory_space<vmem>>, vector<1x1x16xf32>,
    %broadcast_in_dim3A_49 = arith.constant 0.000000e+00 : f32
    %broadcast_in_dim3A_50 = vector.broadcast %broadcast_in_dim3A_49 : f32 to vector<16xf32>
    %swap3A_51 = arith.constant 0 : i32
    %swap3A_52 = arith.constant 0 : i32
    %swap3A_53 = arith.index_cast %swap3A_51 : i32 to index
    %swap3A_54 = arith.index_cast %swap3A_52 : i32 to index
    %swap3A_55 = arith.constant 80 : index
    %swap3A_56 = tpu.vector_load %arg8[%swap3A_53, %swap3A_54, %swap3A_55] {strides = array<i32>} : memref<2x128x144xf32, #tpu.memory_space<vmem>>, vector<1x1x16xf32>,
    %swap3A_57 = vector.shape_cast %swap3A_56 : vector<1x1x16xf32> to vector<16xf32>
    %swap3A_58 = vector.shape_cast %broadcast_in_dim3A_50 : vector<16xf32> to vector<1x1x16xf32>
    tpu.vector_store %arg8[%swap3A_53, %swap3A_54, %swap3A_55], %swap3A_58 {strides = array<i32>} : memref<2x128x144xf32, #tpu.memory_space<vmem>>, vector<1x1x16xf32>,
    %broadcast_in_dim3A_59 = arith.constant 0.000000e+00 : f32
    %broadcast_in_dim3A_60 = vector.broadcast %broadcast_in_dim3A_59 : f32 to vector<16xf32>
    %swap3A_61 = arith.constant 0 : i32
    %swap3A_62 = arith.constant 0 : i32
    %swap3A_63 = arith.index_cast %swap3A_61 : i32 to index
    %swap3A_64 = arith.index_cast %swap3A_62 : i32 to index
    %swap3A_65 = arith.constant 96 : index
    %swap3A_66 = tpu.vector_load %arg8[%swap3A_63, %swap3A_64, %swap3A_65] {strides = array<i32>} : memref<2x128x144xf32, #tpu.memory_space<vmem>>, vector<1x1x16xf32>,
    %swap3A_67 = vector.shape_cast %swap3A_66 : vector<1x1x16xf32> to vector<16xf32>
    %swap3A_68 = vector.shape_cast %broadcast_in_dim3A_60 : vector<16xf32> to vector<1x1x16xf32>
    tpu.vector_store %arg8[%swap3A_63, %swap3A_64, %swap3A_65], %swap3A_68 {strides = array<i32>} : memref<2x128x144xf32, #tpu.memory_space<vmem>>, vector<1x1x16xf32>,
    %broadcast_in_dim3A_69 = arith.constant 0.000000e+00 : f32
    %broadcast_in_dim3A_70 = vector.broadcast %broadcast_in_dim3A_69 : f32 to vector<16xf32>
    %swap3A_71 = arith.constant 0 : i32
    %swap3A_72 = arith.constant 0 : i32
    %swap3A_73 = arith.index_cast %swap3A_71 : i32 to index
    %swap3A_74 = arith.index_cast %swap3A_72 : i32 to index
    %swap3A_75 = arith.constant 112 : index
    %swap3A_76 = tpu.vector_load %arg8[%swap3A_73, %swap3A_74, %swap3A_75] {strides = array<i32>} : memref<2x128x144xf32, #tpu.memory_space<vmem>>, vector<1x1x16xf32>,
    %swap3A_77 = vector.shape_cast %swap3A_76 : vector<1x1x16xf32> to vector<16xf32>
    %swap3A_78 = vector.shape_cast %broadcast_in_dim3A_70 : vector<16xf32> to vector<1x1x16xf32>
    tpu.vector_store %arg8[%swap3A_73, %swap3A_74, %swap3A_75], %swap3A_78 {strides = array<i32>} : memref<2x128x144xf32, #tpu.memory_space<vmem>>, vector<1x1x16xf32>,
    %broadcast_in_dim3A_79 = arith.constant 0.000000e+00 : f32
    %broadcast_in_dim3A_80 = vector.broadcast %broadcast_in_dim3A_79 : f32 to vector<16xf32>
    %swap3A_81 = arith.constant 0 : i32
    %swap3A_82 = arith.constant 0 : i32
    %swap3A_83 = arith.index_cast %swap3A_81 : i32 to index
    %swap3A_84 = arith.index_cast %swap3A_82 : i32 to index
    %swap3A_85 = arith.constant 128 : index
    %swap3A_86 = tpu.vector_load %arg8[%swap3A_83, %swap3A_84, %swap3A_85] {strides = array<i32>} : memref<2x128x144xf32, #tpu.memory_space<vmem>>, vector<1x1x16xf32>,
    %swap3A_87 = vector.shape_cast %swap3A_86 : vector<1x1x16xf32> to vector<16xf32>
    %swap3A_88 = vector.shape_cast %broadcast_in_dim3A_80 : vector<16xf32> to vector<1x1x16xf32>
    tpu.vector_store %arg8[%swap3A_83, %swap3A_84, %swap3A_85], %swap3A_88 {strides = array<i32>} : memref<2x128x144xf32, #tpu.memory_space<vmem>>, vector<1x1x16xf32>,
    %broadcast_in_dim3A_89 = arith.constant 0.000000e+00 : f32
    %broadcast_in_dim3A_90 = vector.broadcast %broadcast_in_dim3A_89 : f32 to vector<16xf32>
    %swap3A_91 = arith.constant 0 : i32
    %swap3A_92 = arith.constant 1 : i32
    %swap3A_93 = arith.index_cast %swap3A_91 : i32 to index
    %swap3A_94 = arith.index_cast %swap3A_92 : i32 to index
    %swap3A_95 = arith.constant 0 : index
    %swap3A_96 = tpu.vector_load %arg8[%swap3A_93, %swap3A_94, %swap3A_95] {strides = array<i32>} : memref<2x128x144xf32, #tpu.memory_space<vmem>>, vector<1x1x16xf32>,
    %swap3A_97 = vector.shape_cast %swap3A_96 : vector<1x1x16xf32> to vector<16xf32>
    %swap3A_98 = vector.shape_cast %broadcast_in_dim3A_90 : vector<16xf32> to vector<1x1x16xf32>
    tpu.vector_store %arg8[%swap3A_93, %swap3A_94, %swap3A_95], %swap3A_98 {strides = array<i32>} : memref<2x128x144xf32, #tpu.memory_space<vmem>>, vector<1x1x16xf32>,
    %broadcast_in_dim3A_99 = arith.constant 0.000000e+00 : f32
    %broadcast_in_dim3A_100 = vector.broadcast %broadcast_in_dim3A_99 : f32 to vector<16xf32>
    %swap3A_101 = arith.constant 0 : i32
    %swap3A_102 = arith.constant 1 : i32
    %swap3A_103 = arith.index_cast %swap3A_101 : i32 to index
    %swap3A_104 = arith.index_cast %swap3A_102 : i32 to index
    %swap3A_105 = arith.constant 16 : index
    %swap3A_106 = tpu.vector_load %arg8[%swap3A_103, %swap3A_104, %swap3A_105] {strides = array<i32>} : memref<2x128x144xf32, #tpu.memory_space<vmem>>, vector<1x1x16xf32>,
    %swap3A_107 = vector.shape_cast %swap3A_106 : vector<1x1x16xf32> to vector<16xf32>
    %swap3A_108 = vector.shape_cast %broadcast_in_dim3A_100 : vector<16xf32> to vector<1x1x16xf32>
    tpu.vector_store %arg8[%swap3A_103, %swap3A_104, %swap3A_105], %swap3A_108 {strides = array<i32>} : memref<2x128x144xf32, #tpu.memory_space<vmem>>, vector<1x1x16xf32>,
    %broadcast_in_dim3A_109 = arith.constant 0.000000e+00 : f32
    %broadcast_in_dim3A_110 = vector.broadcast %broadcast_in_dim3A_109 : f32 to vector<16xf32>
    %swap3A_111 = arith.constant 0 : i32
    %swap3A_112 = arith.constant 1 : i32
    %swap3A_113 = arith.index_cast %swap3A_111 : i32 to index
    %swap3A_114 = arith.index_cast %swap3A_112 : i32 to index
    %swap3A_115 = arith.constant 32 : index
    %swap3A_116 = tpu.vector_load %arg8[%swap3A_113, %swap3A_114, %swap3A_115] {strides = array<i32>} : memref<2x128x144xf32, #tpu.memory_space<vmem>>, vector<1x1x16xf32>,
    %swap3A_117 = vector.shape_cast %swap3A_116 : vector<1x1x16xf32> to vector<16xf32>
    %swap3A_118 = vector.shape_cast %broadcast_in_dim3A_110 : vector<16xf32> to vector<1x1x16xf32>
    tpu.vector_store %arg8[%swap3A_113, %swap3A_114, %swap3A_115], %swap3A_118 {strides = array<i32>} : memref<2x128x144xf32, #tpu.memory_space<vmem>>, vector<1x1x16xf32>,
    %broadcast_in_dim3A_119 = arith.constant 0.000000e+00 : f32
    %broadcast_in_dim3A_120 = vector.broadcast %broadcast_in_dim3A_119 : f32 to vector<16xf32>
    %swap3A_121 = arith.constant 0 : i32
    %swap3A_122 = arith.constant 1 : i32
    %swap3A_123 = arith.index_cast %swap3A_121 : i32 to index
    %swap3A_124 = arith.index_cast %swap3A_122 : i32 to index
    %swap3A_125 = arith.constant 48 : index
    %swap3A_126 = tpu.vector_load %arg8[%swap3A_123, %swap3A_124, %swap3A_125] {strides = array<i32>} : memref<2x128x144xf32, #tpu.memory_space<vmem>>, vector<1x1x16xf32>,
    %swap3A_127 = vector.shape_cast %swap3A_126 : vector<1x1x16xf32> to vector<16xf32>
    %swap3A_128 = vector.shape_cast %broadcast_in_dim3A_120 : vector<16xf32> to vector<1x1x16xf32>
    tpu.vector_store %arg8[%swap3A_123, %swap3A_124, %swap3A_125], %swap3A_128 {strides = array<i32>} : memref<2x128x144xf32, #tpu.memory_space<vmem>>, vector<1x1x16xf32>,
    %broadcast_in_dim3A_129 = arith.constant 0.000000e+00 : f32
    %broadcast_in_dim3A_130 = vector.broadcast %broadcast_in_dim3A_129 : f32 to vector<16xf32>
    %swap3A_131 = arith.constant 0 : i32
    %swap3A_132 = arith.constant 1 : i32
    %swap3A_133 = arith.index_cast %swap3A_131 : i32 to index
    %swap3A_134 = arith.index_cast %swap3A_132 : i32 to index
    %swap3A_135 = arith.constant 64 : index
    %swap3A_136 = tpu.vector_load %arg8[%swap3A_133, %swap3A_134, %swap3A_135] {strides = array<i32>} : memref<2x128x144xf32, #tpu.memory_space<vmem>>, vector<1x1x16xf32>,
    %swap3A_137 = vector.shape_cast %swap3A_136 : vector<1x1x16xf32> to vector<16xf32>
    %swap3A_138 = vector.shape_cast %broadcast_in_dim3A_130 : vector<16xf32> to vector<1x1x16xf32>
    tpu.vector_store %arg8[%swap3A_133, %swap3A_134, %swap3A_135], %swap3A_138 {strides = array<i32>} : memref<2x128x144xf32, #tpu.memory_space<vmem>>, vector<1x1x16xf32>,
    %broadcast_in_dim3A_139 = arith.constant 0.000000e+00 : f32
    %broadcast_in_dim3A_140 = vector.broadcast %broadcast_in_dim3A_139 : f32 to vector<16xf32>
    %swap3A_141 = arith.constant 0 : i32
    %swap3A_142 = arith.constant 1 : i32
    %swap3A_143 = arith.index_cast %swap3A_141 : i32 to index
    %swap3A_144 = arith.index_cast %swap3A_142 : i32 to index
    %swap3A_145 = arith.constant 80 : index
    %swap3A_146 = tpu.vector_load %arg8[%swap3A_143, %swap3A_144, %swap3A_145] {strides = array<i32>} : memref<2x128x144xf32, #tpu.memory_space<vmem>>, vector<1x1x16xf32>,
    %swap3A_147 = vector.shape_cast %swap3A_146 : vector<1x1x16xf32> to vector<16xf32>
    %swap3A_148 = vector.shape_cast %broadcast_in_dim3A_140 : vector<16xf32> to vector<1x1x16xf32>
    tpu.vector_store %arg8[%swap3A_143, %swap3A_144, %swap3A_145], %swap3A_148 {strides = array<i32>} : memref<2x128x144xf32, #tpu.memory_space<vmem>>, vector<1x1x16xf32>,
    %broadcast_in_dim3A_149 = arith.constant 0.000000e+00 : f32
    %broadcast_in_dim3A_150 = vector.broadcast %broadcast_in_dim3A_149 : f32 to vector<16xf32>
    %swap3A_151 = arith.constant 0 : i32
    %swap3A_152 = arith.constant 1 : i32
    %swap3A_153 = arith.index_cast %swap3A_151 : i32 to index
    %swap3A_154 = arith.index_cast %swap3A_152 : i32 to index
    %swap3A_155 = arith.constant 96 : index
    %swap3A_156 = tpu.vector_load %arg8[%swap3A_153, %swap3A_154, %swap3A_155] {strides = array<i32>} : memref<2x128x144xf32, #tpu.memory_space<vmem>>, vector<1x1x16xf32>,
    %swap3A_157 = vector.shape_cast %swap3A_156 : vector<1x1x16xf32> to vector<16xf32>
    %swap3A_158 = vector.shape_cast %broadcast_in_dim3A_150 : vector<16xf32> to vector<1x1x16xf32>
    tpu.vector_store %arg8[%swap3A_153, %swap3A_154, %swap3A_155], %swap3A_158 {strides = array<i32>} : memref<2x128x144xf32, #tpu.memory_space<vmem>>, vector<1x1x16xf32>,
    %broadcast_in_dim3A_159 = arith.constant 0.000000e+00 : f32
    %broadcast_in_dim3A_160 = vector.broadcast %broadcast_in_dim3A_159 : f32 to vector<16xf32>
    %swap3A_161 = arith.constant 0 : i32
    %swap3A_162 = arith.constant 1 : i32
    %swap3A_163 = arith.index_cast %swap3A_161 : i32 to index
    %swap3A_164 = arith.index_cast %swap3A_162 : i32 to index
    %swap3A_165 = arith.constant 112 : index
    %swap3A_166 = tpu.vector_load %arg8[%swap3A_163, %swap3A_164, %swap3A_165] {strides = array<i32>} : memref<2x128x144xf32, #tpu.memory_space<vmem>>, vector<1x1x16xf32>,
    %swap3A_167 = vector.shape_cast %swap3A_166 : vector<1x1x16xf32> to vector<16xf32>
    %swap3A_168 = vector.shape_cast %broadcast_in_dim3A_160 : vector<16xf32> to vector<1x1x16xf32>
    tpu.vector_store %arg8[%swap3A_163, %swap3A_164, %swap3A_165], %swap3A_168 {strides = array<i32>} : memref<2x128x144xf32, #tpu.memory_space<vmem>>, vector<1x1x16xf32>,
    %broadcast_in_dim3A_169 = arith.constant 0.000000e+00 : f32
    %broadcast_in_dim3A_170 = vector.broadcast %broadcast_in_dim3A_169 : f32 to vector<16xf32>
    %swap3A_171 = arith.constant 0 : i32
    %swap3A_172 = arith.constant 1 : i32
    %swap3A_173 = arith.index_cast %swap3A_171 : i32 to index
    %swap3A_174 = arith.index_cast %swap3A_172 : i32 to index
    %swap3A_175 = arith.constant 128 : index
    %swap3A_176 = tpu.vector_load %arg8[%swap3A_173, %swap3A_174, %swap3A_175] {strides = array<i32>} : memref<2x128x144xf32, #tpu.memory_space<vmem>>, vector<1x1x16xf32>,
    %swap3A_177 = vector.shape_cast %swap3A_176 : vector<1x1x16xf32> to vector<16xf32>
    %swap3A_178 = vector.shape_cast %broadcast_in_dim3A_170 : vector<16xf32> to vector<1x1x16xf32>
    tpu.vector_store %arg8[%swap3A_173, %swap3A_174, %swap3A_175], %swap3A_178 {strides = array<i32>} : memref<2x128x144xf32, #tpu.memory_space<vmem>>, vector<1x1x16xf32>,
    %broadcast_in_dim3A_179 = arith.constant 0.000000e+00 : f32
    %broadcast_in_dim3A_180 = vector.broadcast %broadcast_in_dim3A_179 : f32 to vector<16xf32>
    %swap3A_181 = arith.constant 0 : i32
    %swap3A_182 = arith.constant 2 : i32
    %swap3A_183 = arith.index_cast %swap3A_181 : i32 to index
    %swap3A_184 = arith.index_cast %swap3A_182 : i32 to index
    %swap3A_185 = arith.constant 0 : index
    %swap3A_186 = tpu.vector_load %arg8[%swap3A_183, %swap3A_184, %swap3A_185] {strides = array<i32>} : memref<2x128x144xf32, #tpu.memory_space<vmem>>, vector<1x1x16xf32>,
    %swap3A_187 = vector.shape_cast %swap3A_186 : vector<1x1x16xf32> to vector<16xf32>
    %swap3A_188 = vector.shape_cast %broadcast_in_dim3A_180 : vector<16xf32> to vector<1x1x16xf32>
    tpu.vector_store %arg8[%swap3A_183, %swap3A_184, %swap3A_185], %swap3A_188 {strides = array<i32>} : memref<2x128x144xf32, #tpu.memory_space<vmem>>, vector<1x1x16xf32>,
    %broadcast_in_dim3A_189 = arith.constant 0.000000e+00 : f32
    %broadcast_in_dim3A_190 = vector.broadcast %broadcast_in_dim3A_189 : f32 to vector<16xf32>
    %swap3A_191 = arith.constant 0 : i32
    %swap3A_192 = arith.constant 2 : i32
    %swap3A_193 = arith.index_cast %swap3A_191 : i32 to index
    %swap3A_194 = arith.index_cast %swap3A_192 : i32 to index
    %swap3A_195 = arith.constant 16 : index
    %swap3A_196 = tpu.vector_load %arg8[%swap3A_193, %swap3A_194, %swap3A_195] {strides = array<i32>} : memref<2x128x144xf32, #tpu.memory_space<vmem>>, vector<1x1x16xf32>,
    %swap3A_197 = vector.shape_cast %swap3A_196 : vector<1x1x16xf32> to vector<16xf32>
    %swap3A_198 = vector.shape_cast %broadcast_in_dim3A_190 : vector<16xf32> to vector<1x1x16xf32>
    tpu.vector_store %arg8[%swap3A_193, %swap3A_194, %swap3A_195], %swap3A_198 {strides = array<i32>} : memref<2x128x144xf32, #tpu.memory_space<vmem>>, vector<1x1x16xf32>,
    %broadcast_in_dim3A_199 = arith.constant 0.000000e+00 : f32
    %broadcast_in_dim3A_200 = vector.broadcast %broadcast_in_dim3A_199 : f32 to vector<16xf32>
    %swap3A_201 = arith.constant 0 : i32
    %swap3A_202 = arith.constant 2 : i32
    %swap3A_203 = arith.index_cast %swap3A_201 : i32 to index
    %swap3A_204 = arith.index_cast %swap3A_202 : i32 to index
    %swap3A_205 = arith.constant 32 : index
    %swap3A_206 = tpu.vector_load %arg8[%swap3A_203, %swap3A_204, %swap3A_205] {strides = array<i32>} : memref<2x128x144xf32, #tpu.memory_space<vmem>>, vector<1x1x16xf32>,
    %swap3A_207 = vector.shape_cast %swap3A_206 : vector<1x1x16xf32> to vector<16xf32>
    %swap3A_208 = vector.shape_cast %broadcast_in_dim3A_200 : vector<16xf32> to vector<1x1x16xf32>
    tpu.vector_store %arg8[%swap3A_203, %swap3A_204, %swap3A_205], %swap3A_208 {strides = array<i32>} : memref<2x128x144xf32, #tpu.memory_space<vmem>>, vector<1x1x16xf32>,
    %broadcast_in_dim3A_209 = arith.constant 0.000000e+00 : f32
    %broadcast_in_dim3A_210 = vector.broadcast %broadcast_in_dim3A_209 : f32 to vector<16xf32>
    %swap3A_211 = arith.constant 0 : i32
    %swap3A_212 = arith.constant 2 : i32
    %swap3A_213 = arith.index_cast %swap3A_211 : i32 to index
    %swap3A_214 = arith.index_cast %swap3A_212 : i32 to index
    %swap3A_215 = arith.constant 48 : index
    %swap3A_216 = tpu.vector_load %arg8[%swap3A_213, %swap3A_214, %swap3A_215] {strides = array<i32>} : memref<2x128x144xf32, #tpu.memory_space<vmem>>, vector<1x1x16xf32>,
    %swap3A_217 = vector.shape_cast %swap3A_216 : vector<1x1x16xf32> to vector<16xf32>
    %swap3A_218 = vector.shape_cast %broadcast_in_dim3A_210 : vector<16xf32> to vector<1x1x16xf32>
    tpu.vector_store %arg8[%swap3A_213, %swap3A_214, %swap3A_215], %swap3A_218 {strides = array<i32>} : memref<2x128x144xf32, #tpu.memory_space<vmem>>, vector<1x1x16xf32>,
    %broadcast_in_dim3A_219 = arith.constant 0.000000e+00 : f32
    %broadcast_in_dim3A_220 = vector.broadcast %broadcast_in_dim3A_219 : f32 to vector<16xf32>
    %swap3A_221 = arith.constant 0 : i32
    %swap3A_222 = arith.constant 2 : i32
    %swap3A_223 = arith.index_cast %swap3A_221 : i32 to index
    %swap3A_224 = arith.index_cast %swap3A_222 : i32 to index
    %swap3A_225 = arith.constant 64 : index
    %swap3A_226 = tpu.vector_load %arg8[%swap3A_223, %swap3A_224, %swap3A_225] {strides = array<i32>} : memref<2x128x144xf32, #tpu.memory_space<vmem>>, vector<1x1x16xf32>,
    %swap3A_227 = vector.shape_cast %swap3A_226 : vector<1x1x16xf32> to vector<16xf32>
    %swap3A_228 = vector.shape_cast %broadcast_in_dim3A_220 : vector<16xf32> to vector<1x1x16xf32>
    tpu.vector_store %arg8[%swap3A_223, %swap3A_224, %swap3A_225], %swap3A_228 {strides = array<i32>} : memref<2x128x144xf32, #tpu.memory_space<vmem>>, vector<1x1x16xf32>,
    %broadcast_in_dim3A_229 = arith.constant 0.000000e+00 : f32
    %broadcast_in_dim3A_230 = vector.broadcast %broadcast_in_dim3A_229 : f32 to vector<16xf32>
    %swap3A_231 = arith.constant 0 : i32
    %swap3A_232 = arith.constant 2 : i32
    %swap3A_233 = arith.index_cast %swap3A_231 : i32 to index
    %swap3A_234 = arith.index_cast %swap3A_232 : i32 to index
    %swap3A_235 = arith.constant 80 : index
    %swap3A_236 = tpu.vector_load %arg8[%swap3A_233, %swap3A_234, %swap3A_235] {strides = array<i32>} : memref<2x128x144xf32, #tpu.memory_space<vmem>>, vector<1x1x16xf32>,
    %swap3A_237 = vector.shape_cast %swap3A_236 : vector<1x1x16xf32> to vector<16xf32>
    %swap3A_238 = vector.shape_cast %broadcast_in_dim3A_230 : vector<16xf32> to vector<1x1x16xf32>
    tpu.vector_store %arg8[%swap3A_233, %swap3A_234, %swap3A_235], %swap3A_238 {strides = array<i32>} : memref<2x128x144xf32, #tpu.memory_space<vmem>>, vector<1x1x16xf32>,
    %broadcast_in_dim3A_239 = arith.constant 0.000000e+00 : f32
    %broadcast_in_dim3A_240 = vector.broadcast %broadcast_in_dim3A_239 : f32 to vector<16xf32>
    %swap3A_241 = arith.constant 0 : i32
    %swap3A_242 = arith.constant 2 : i32
    %swap3A_243 = arith.index_cast %swap3A_241 : i32 to index
    %swap3A_244 = arith.index_cast %swap3A_242 : i32 to index
    %swap3A_245 = arith.constant 96 : index
    %swap3A_246 = tpu.vector_load %arg8[%swap3A_243, %swap3A_244, %swap3A_245] {strides = array<i32>} : memref<2x128x144xf32, #tpu.memory_space<vmem>>, vector<1x1x16xf32>,
    %swap3A_247 = vector.shape_cast %swap3A_246 : vector<1x1x16xf32> to vector<16xf32>
    %swap3A_248 = vector.shape_cast %broadcast_in_dim3A_240 : vector<16xf32> to vector<1x1x16xf32>
    tpu.vector_store %arg8[%swap3A_243, %swap3A_244, %swap3A_245], %swap3A_248 {strides = array<i32>} : memref<2x128x144xf32, #tpu.memory_space<vmem>>, vector<1x1x16xf32>,
    %broadcast_in_dim3A_249 = arith.constant 0.000000e+00 : f32
    %broadcast_in_dim3A_250 = vector.broadcast %broadcast_in_dim3A_249 : f32 to vector<16xf32>
    %swap3A_251 = arith.constant 0 : i32
    %swap3A_252 = arith.constant 2 : i32
    %swap3A_253 = arith.index_cast %swap3A_251 : i32 to index
    %swap3A_254 = arith.index_cast %swap3A_252 : i32 to index
    %swap3A_255 = arith.constant 112 : index
    %swap3A_256 = tpu.vector_load %arg8[%swap3A_253, %swap3A_254, %swap3A_255] {strides = array<i32>} : memref<2x128x144xf32, #tpu.memory_space<vmem>>, vector<1x1x16xf32>,
    %swap3A_257 = vector.shape_cast %swap3A_256 : vector<1x1x16xf32> to vector<16xf32>
    %swap3A_258 = vector.shape_cast %broadcast_in_dim3A_250 : vector<16xf32> to vector<1x1x16xf32>
    tpu.vector_store %arg8[%swap3A_253, %swap3A_254, %swap3A_255], %swap3A_258 {strides = array<i32>} : memref<2x128x144xf32, #tpu.memory_space<vmem>>, vector<1x1x16xf32>,
    %broadcast_in_dim3A_259 = arith.constant 0.000000e+00 : f32
    %broadcast_in_dim3A_260 = vector.broadcast %broadcast_in_dim3A_259 : f32 to vector<16xf32>
    %swap3A_261 = arith.constant 0 : i32
    %swap3A_262 = arith.constant 2 : i32
    %swap3A_263 = arith.index_cast %swap3A_261 : i32 to index
    %swap3A_264 = arith.index_cast %swap3A_262 : i32 to index
    %swap3A_265 = arith.constant 128 : index
    %swap3A_266 = tpu.vector_load %arg8[%swap3A_263, %swap3A_264, %swap3A_265] {strides = array<i32>} : memref<2x128x144xf32, #tpu.memory_space<vmem>>, vector<1x1x16xf32>,
    %swap3A_267 = vector.shape_cast %swap3A_266 : vector<1x1x16xf32> to vector<16xf32>
    %swap3A_268 = vector.shape_cast %broadcast_in_dim3A_260 : vector<16xf32> to vector<1x1x16xf32>
    tpu.vector_store %arg8[%swap3A_263, %swap3A_264, %swap3A_265], %swap3A_268 {strides = array<i32>} : memref<2x128x144xf32, #tpu.memory_space<vmem>>, vector<1x1x16xf32>,
    %broadcast_in_dim3A_269 = arith.constant 0.000000e+00 : f32
    %broadcast_in_dim3A_270 = vector.broadcast %broadcast_in_dim3A_269 : f32 to vector<16xf32>
    %swap3A_271 = arith.constant 0 : i32
    %swap3A_272 = arith.constant 3 : i32
    %swap3A_273 = arith.index_cast %swap3A_271 : i32 to index
    %swap3A_274 = arith.index_cast %swap3A_272 : i32 to index
    %swap3A_275 = arith.constant 0 : index
    %swap3A_276 = tpu.vector_load %arg8[%swap3A_273, %swap3A_274, %swap3A_275] {strides = array<i32>} : memref<2x128x144xf32, #tpu.memory_space<vmem>>, vector<1x1x16xf32>,
    %swap3A_277 = vector.shape_cast %swap3A_276 : vector<1x1x16xf32> to vector<16xf32>
    %swap3A_278 = vector.shape_cast %broadcast_in_dim3A_270 : vector<16xf32> to vector<1x1x16xf32>
    tpu.vector_store %arg8[%swap3A_273, %swap3A_274, %swap3A_275], %swap3A_278 {strides = array<i32>} : memref<2x128x144xf32, #tpu.memory_space<vmem>>, vector<1x1x16xf32>,
    %broadcast_in_dim3A_279 = arith.constant 0.000000e+00 : f32
    %broadcast_in_dim3A_280 = vector.broadcast %broadcast_in_dim3A_279 : f32 to vector<16xf32>
    %swap3A_281 = arith.constant 0 : i32
    %swap3A_282 = arith.constant 3 : i32
    %swap3A_283 = arith.index_cast %swap3A_281 : i32 to index
    %swap3A_284 = arith.index_cast %swap3A_282 : i32 to index
    %swap3A_285 = arith.constant 16 : index
    %swap3A_286 = tpu.vector_load %arg8[%swap3A_283, %swap3A_284, %swap3A_285] {strides = array<i32>} : memref<2x128x144xf32, #tpu.memory_space<vmem>>, vector<1x1x16xf32>,
    %swap3A_287 = vector.shape_cast %swap3A_286 : vector<1x1x16xf32> to vector<16xf32>
    %swap3A_288 = vector.shape_cast %broadcast_in_dim3A_280 : vector<16xf32> to vector<1x1x16xf32>
    tpu.vector_store %arg8[%swap3A_283, %swap3A_284, %swap3A_285], %swap3A_288 {strides = array<i32>} : memref<2x128x144xf32, #tpu.memory_space<vmem>>, vector<1x1x16xf32>,
    %broadcast_in_dim3A_289 = arith.constant 0.000000e+00 : f32
    %broadcast_in_dim3A_290 = vector.broadcast %broadcast_in_dim3A_289 : f32 to vector<16xf32>
    %swap3A_291 = arith.constant 0 : i32
    %swap3A_292 = arith.constant 3 : i32
    %swap3A_293 = arith.index_cast %swap3A_291 : i32 to index
    %swap3A_294 = arith.index_cast %swap3A_292 : i32 to index
    %swap3A_295 = arith.constant 32 : index
    %swap3A_296 = tpu.vector_load %arg8[%swap3A_293, %swap3A_294, %swap3A_295] {strides = array<i32>} : memref<2x128x144xf32, #tpu.memory_space<vmem>>, vector<1x1x16xf32>,
    %swap3A_297 = vector.shape_cast %swap3A_296 : vector<1x1x16xf32> to vector<16xf32>
    %swap3A_298 = vector.shape_cast %broadcast_in_dim3A_290 : vector<16xf32> to vector<1x1x16xf32>
    tpu.vector_store %arg8[%swap3A_293, %swap3A_294, %swap3A_295], %swap3A_298 {strides = array<i32>} : memref<2x128x144xf32, #tpu.memory_space<vmem>>, vector<1x1x16xf32>,
    %broadcast_in_dim3A_299 = arith.constant 0.000000e+00 : f32
    %broadcast_in_dim3A_300 = vector.broadcast %broadcast_in_dim3A_299 : f32 to vector<16xf32>
    %swap3A_301 = arith.constant 0 : i32
    %swap3A_302 = arith.constant 3 : i32
    %swap3A_303 = arith.index_cast %swap3A_301 : i32 to index
    %swap3A_304 = arith.index_cast %swap3A_302 : i32 to index
    %swap3A_305 = arith.constant 48 : index
    %swap3A_306 = tpu.vector_load %arg8[%swap3A_303, %swap3A_304, %swap3A_305] {strides = array<i32>} : memref<2x128x144xf32, #tpu.memory_space<vmem>>, vector<1x1x16xf32>,
    %swap3A_307 = vector.shape_cast %swap3A_306 : vector<1x1x16xf32> to vector<16xf32>
    %swap3A_308 = vector.shape_cast %broadcast_in_dim3A_300 : vector<16xf32> to vector<1x1x16xf32>
    tpu.vector_store %arg8[%swap3A_303, %swap3A_304, %swap3A_305], %swap3A_308 {strides = array<i32>} : memref<2x128x144xf32, #tpu.memory_space<vmem>>, vector<1x1x16xf32>,
    %broadcast_in_dim3A_309 = arith.constant 0.000000e+00 : f32
    %broadcast_in_dim3A_310 = vector.broadcast %broadcast_in_dim3A_309 : f32 to vector<16xf32>
    %swap3A_311 = arith.constant 0 : i32
    %swap3A_312 = arith.constant 3 : i32
    %swap3A_313 = arith.index_cast %swap3A_311 : i32 to index
    %swap3A_314 = arith.index_cast %swap3A_312 : i32 to index
    %swap3A_315 = arith.constant 64 : index
    %swap3A_316 = tpu.vector_load %arg8[%swap3A_313, %swap3A_314, %swap3A_315] {strides = array<i32>} : memref<2x128x144xf32, #tpu.memory_space<vmem>>, vector<1x1x16xf32>,
    %swap3A_317 = vector.shape_cast %swap3A_316 : vector<1x1x16xf32> to vector<16xf32>
    %swap3A_318 = vector.shape_cast %broadcast_in_dim3A_310 : vector<16xf32> to vector<1x1x16xf32>
    tpu.vector_store %arg8[%swap3A_313, %swap3A_314, %swap3A_315], %swap3A_318 {strides = array<i32>} : memref<2x128x144xf32, #tpu.memory_space<vmem>>, vector<1x1x16xf32>,
    %broadcast_in_dim3A_319 = arith.constant 0.000000e+00 : f32
    %broadcast_in_dim3A_320 = vector.broadcast %broadcast_in_dim3A_319 : f32 to vector<16xf32>
    %swap3A_321 = arith.constant 0 : i32
    %swap3A_322 = arith.constant 3 : i32
    %swap3A_323 = arith.index_cast %swap3A_321 : i32 to index
    %swap3A_324 = arith.index_cast %swap3A_322 : i32 to index
    %swap3A_325 = arith.constant 80 : index
    %swap3A_326 = tpu.vector_load %arg8[%swap3A_323, %swap3A_324, %swap3A_325] {strides = array<i32>} : memref<2x128x144xf32, #tpu.memory_space<vmem>>, vector<1x1x16xf32>,
    %swap3A_327 = vector.shape_cast %swap3A_326 : vector<1x1x16xf32> to vector<16xf32>
    %swap3A_328 = vector.shape_cast %broadcast_in_dim3A_320 : vector<16xf32> to vector<1x1x16xf32>
    tpu.vector_store %arg8[%swap3A_323, %swap3A_324, %swap3A_325], %swap3A_328 {strides = array<i32>} : memref<2x128x144xf32, #tpu.memory_space<vmem>>, vector<1x1x16xf32>,
    %broadcast_in_dim3A_329 = arith.constant 0.000000e+00 : f32
    %broadcast_in_dim3A_330 = vector.broadcast %broadcast_in_dim3A_329 : f32 to vector<16xf32>
    %swap3A_331 = arith.constant 0 : i32
    %swap3A_332 = arith.constant 3 : i32
    %swap3A_333 = arith.index_cast %swap3A_331 : i32 to index
    %swap3A_334 = arith.index_cast %swap3A_332 : i32 to index
    %swap3A_335 = arith.constant 96 : index
    %swap3A_336 = tpu.vector_load %arg8[%swap3A_333, %swap3A_334, %swap3A_335] {strides = array<i32>} : memref<2x128x144xf32, #tpu.memory_space<vmem>>, vector<1x1x16xf32>,
    %swap3A_337 = vector.shape_cast %swap3A_336 : vector<1x1x16xf32> to vector<16xf32>
    %swap3A_338 = vector.shape_cast %broadcast_in_dim3A_330 : vector<16xf32> to vector<1x1x16xf32>
    tpu.vector_store %arg8[%swap3A_333, %swap3A_334, %swap3A_335], %swap3A_338 {strides = array<i32>} : memref<2x128x144xf32, #tpu.memory_space<vmem>>, vector<1x1x16xf32>,
    %broadcast_in_dim3A_339 = arith.constant 0.000000e+00 : f32
    %broadcast_in_dim3A_340 = vector.broadcast %broadcast_in_dim3A_339 : f32 to vector<16xf32>
    %swap3A_341 = arith.constant 0 : i32
    %swap3A_342 = arith.constant 3 : i32
    %swap3A_343 = arith.index_cast %swap3A_341 : i32 to index
    %swap3A_344 = arith.index_cast %swap3A_342 : i32 to index
    %swap3A_345 = arith.constant 112 : index
    %swap3A_346 = tpu.vector_load %arg8[%swap3A_343, %swap3A_344, %swap3A_345] {strides = array<i32>} : memref<2x128x144xf32, #tpu.memory_space<vmem>>, vector<1x1x16xf32>,
    %swap3A_347 = vector.shape_cast %swap3A_346 : vector<1x1x16xf32> to vector<16xf32>
    %swap3A_348 = vector.shape_cast %broadcast_in_dim3A_340 : vector<16xf32> to vector<1x1x16xf32>
    tpu.vector_store %arg8[%swap3A_343, %swap3A_344, %swap3A_345], %swap3A_348 {strides = array<i32>} : memref<2x128x144xf32, #tpu.memory_space<vmem>>, vector<1x1x16xf32>,
    %broadcast_in_dim3A_349 = arith.constant 0.000000e+00 : f32
    %broadcast_in_dim3A_350 = vector.broadcast %broadcast_in_dim3A_349 : f32 to vector<16xf32>
    %swap3A_351 = arith.constant 0 : i32
    %swap3A_352 = arith.constant 3 : i32
    %swap3A_353 = arith.index_cast %swap3A_351 : i32 to index
    %swap3A_354 = arith.index_cast %swap3A_352 : i32 to index
    %swap3A_355 = arith.constant 128 : index
    %swap3A_356 = tpu.vector_load %arg8[%swap3A_353, %swap3A_354, %swap3A_355] {strides = array<i32>} : memref<2x128x144xf32, #tpu.memory_space<vmem>>, vector<1x1x16xf32>,
    %swap3A_357 = vector.shape_cast %swap3A_356 : vector<1x1x16xf32> to vector<16xf32>
    %swap3A_358 = vector.shape_cast %broadcast_in_dim3A_350 : vector<16xf32> to vector<1x1x16xf32>
    tpu.vector_store %arg8[%swap3A_353, %swap3A_354, %swap3A_355], %swap3A_358 {strides = array<i32>} : memref<2x128x144xf32, #tpu.memory_space<vmem>>, vector<1x1x16xf32>,
    %broadcast_in_dim3A_359 = arith.constant 0.000000e+00 : f32
    %broadcast_in_dim3A_360 = vector.broadcast %broadcast_in_dim3A_359 : f32 to vector<16xf32>
    %swap3A_361 = arith.constant 0 : i32
    %swap3A_362 = arith.constant 4 : i32
    %swap3A_363 = arith.index_cast %swap3A_361 : i32 to index
    %swap3A_364 = arith.index_cast %swap3A_362 : i32 to index
    %swap3A_365 = arith.constant 0 : index
    %swap3A_366 = tpu.vector_load %arg8[%swap3A_363, %swap3A_364, %swap3A_365] {strides = array<i32>} : memref<2x128x144xf32, #tpu.memory_space<vmem>>, vector<1x1x16xf32>,
    %swap3A_367 = vector.shape_cast %swap3A_366 : vector<1x1x16xf32> to vector<16xf32>
    %swap3A_368 = vector.shape_cast %broadcast_in_dim3A_360 : vector<16xf32> to vector<1x1x16xf32>
    tpu.vector_store %arg8[%swap3A_363, %swap3A_364, %swap3A_365], %swap3A_368 {strides = array<i32>} : memref<2x128x144xf32, #tpu.memory_space<vmem>>, vector<1x1x16xf32>,
    %broadcast_in_dim3A_369 = arith.constant 0.000000e+00 : f32
    %broadcast_in_dim3A_370 = vector.broadcast %broadcast_in_dim3A_369 : f32 to vector<16xf32>
    %swap3A_371 = arith.constant 0 : i32
    %swap3A_372 = arith.constant 4 : i32
    %swap3A_373 = arith.index_cast %swap3A_371 : i32 to index
    %swap3A_374 = arith.index_cast %swap3A_372 : i32 to index
    %swap3A_375 = arith.constant 16 : index
    %swap3A_376 = tpu.vector_load %arg8[%swap3A_373, %swap3A_374, %swap3A_375] {strides = array<i32>} : memref<2x128x144xf32, #tpu.memory_space<vmem>>, vector<1x1x16xf32>,
    %swap3A_377 = vector.shape_cast %swap3A_376 : vector<1x1x16xf32> to vector<16xf32>
    %swap3A_378 = vector.shape_cast %broadcast_in_dim3A_370 : vector<16xf32> to vector<1x1x16xf32>
    tpu.vector_store %arg8[%swap3A_373, %swap3A_374, %swap3A_375], %swap3A_378 {strides = array<i32>} : memref<2x128x144xf32, #tpu.memory_space<vmem>>, vector<1x1x16xf32>,
    %broadcast_in_dim3A_379 = arith.constant 0.000000e+00 : f32
    %broadcast_in_dim3A_380 = vector.broadcast %broadcast_in_dim3A_379 : f32 to vector<16xf32>
    %swap3A_381 = arith.constant 0 : i32
    %swap3A_382 = arith.constant 4 : i32
    %swap3A_383 = arith.index_cast %swap3A_381 : i32 to index
    %swap3A_384 = arith.index_cast %swap3A_382 : i32 to index
    %swap3A_385 = arith.constant 32 : index
    %swap3A_386 = tpu.vector_load %arg8[%swap3A_383, %swap3A_384, %swap3A_385] {strides = array<i32>} : memref<2x128x144xf32, #tpu.memory_space<vmem>>, vector<1x1x16xf32>,
    %swap3A_387 = vector.shape_cast %swap3A_386 : vector<1x1x16xf32> to vector<16xf32>
    %swap3A_388 = vector.shape_cast %broadcast_in_dim3A_380 : vector<16xf32> to vector<1x1x16xf32>
    tpu.vector_store %arg8[%swap3A_383, %swap3A_384, %swap3A_385], %swap3A_388 {strides = array<i32>} : memref<2x128x144xf32, #tpu.memory_space<vmem>>, vector<1x1x16xf32>,
    %broadcast_in_dim3A_389 = arith.constant 0.000000e+00 : f32
    %broadcast_in_dim3A_390 = vector.broadcast %broadcast_in_dim3A_389 : f32 to vector<16xf32>
    %swap3A_391 = arith.constant 0 : i32
    %swap3A_392 = arith.constant 4 : i32
    %swap3A_393 = arith.index_cast %swap3A_391 : i32 to index
    %swap3A_394 = arith.index_cast %swap3A_392 : i32 to index
    %swap3A_395 = arith.constant 48 : index
    %swap3A_396 = tpu.vector_load %arg8[%swap3A_393, %swap3A_394, %swap3A_395] {strides = array<i32>} : memref<2x128x144xf32, #tpu.memory_space<vmem>>, vector<1x1x16xf32>,
    %swap3A_397 = vector.shape_cast %swap3A_396 : vector<1x1x16xf32> to vector<16xf32>
    %swap3A_398 = vector.shape_cast %broadcast_in_dim3A_390 : vector<16xf32> to vector<1x1x16xf32>
    tpu.vector_store %arg8[%swap3A_393, %swap3A_394, %swap3A_395], %swap3A_398 {strides = array<i32>} : memref<2x128x144xf32, #tpu.memory_space<vmem>>, vector<1x1x16xf32>,
    %broadcast_in_dim3A_399 = arith.constant 0.000000e+00 : f32
    %broadcast_in_dim3A_400 = vector.broadcast %broadcast_in_dim3A_399 : f32 to vector<16xf32>
    %swap3A_401 = arith.constant 0 : i32
    %swap3A_402 = arith.constant 4 : i32
    %swap3A_403 = arith.index_cast %swap3A_401 : i32 to index
    %swap3A_404 = arith.index_cast %swap3A_402 : i32 to index
    %swap3A_405 = arith.constant 64 : index
    %swap3A_406 = tpu.vector_load %arg8[%swap3A_403, %swap3A_404, %swap3A_405] {strides = array<i32>} : memref<2x128x144xf32, #tpu.memory_space<vmem>>, vector<1x1x16xf32>,
    %swap3A_407 = vector.shape_cast %swap3A_406 : vector<1x1x16xf32> to vector<16xf32>
    %swap3A_408 = vector.shape_cast %broadcast_in_dim3A_400 : vector<16xf32> to vector<1x1x16xf32>
    tpu.vector_store %arg8[%swap3A_403, %swap3A_404, %swap3A_405], %swap3A_408 {strides = array<i32>} : memref<2x128x144xf32, #tpu.memory_space<vmem>>, vector<1x1x16xf32>,
    %broadcast_in_dim3A_409 = arith.constant 0.000000e+00 : f32
    %broadcast_in_dim3A_410 = vector.broadcast %broadcast_in_dim3A_409 : f32 to vector<16xf32>
    %swap3A_411 = arith.constant 0 : i32
    %swap3A_412 = arith.constant 4 : i32
    %swap3A_413 = arith.index_cast %swap3A_411 : i32 to index
    %swap3A_414 = arith.index_cast %swap3A_412 : i32 to index
    %swap3A_415 = arith.constant 80 : index
    %swap3A_416 = tpu.vector_load %arg8[%swap3A_413, %swap3A_414, %swap3A_415] {strides = array<i32>} : memref<2x128x144xf32, #tpu.memory_space<vmem>>, vector<1x1x16xf32>,
    %swap3A_417 = vector.shape_cast %swap3A_416 : vector<1x1x16xf32> to vector<16xf32>
    %swap3A_418 = vector.shape_cast %broadcast_in_dim3A_410 : vector<16xf32> to vector<1x1x16xf32>
    tpu.vector_store %arg8[%swap3A_413, %swap3A_414, %swap3A_415], %swap3A_418 {strides = array<i32>} : memref<2x128x144xf32, #tpu.memory_space<vmem>>, vector<1x1x16xf32>,
    %broadcast_in_dim3A_419 = arith.constant 0.000000e+00 : f32
    %broadcast_in_dim3A_420 = vector.broadcast %broadcast_in_dim3A_419 : f32 to vector<16xf32>
    %swap3A_421 = arith.constant 0 : i32
    %swap3A_422 = arith.constant 4 : i32
    %swap3A_423 = arith.index_cast %swap3A_421 : i32 to index
    %swap3A_424 = arith.index_cast %swap3A_422 : i32 to index
    %swap3A_425 = arith.constant 96 : index
    %swap3A_426 = tpu.vector_load %arg8[%swap3A_423, %swap3A_424, %swap3A_425] {strides = array<i32>} : memref<2x128x144xf32, #tpu.memory_space<vmem>>, vector<1x1x16xf32>,
    %swap3A_427 = vector.shape_cast %swap3A_426 : vector<1x1x16xf32> to vector<16xf32>
    %swap3A_428 = vector.shape_cast %broadcast_in_dim3A_420 : vector<16xf32> to vector<1x1x16xf32>
    tpu.vector_store %arg8[%swap3A_423, %swap3A_424, %swap3A_425], %swap3A_428 {strides = array<i32>} : memref<2x128x144xf32, #tpu.memory_space<vmem>>, vector<1x1x16xf32>,
    %broadcast_in_dim3A_429 = arith.constant 0.000000e+00 : f32
    %broadcast_in_dim3A_430 = vector.broadcast %broadcast_in_dim3A_429 : f32 to vector<16xf32>
    %swap3A_431 = arith.constant 0 : i32
    %swap3A_432 = arith.constant 4 : i32
    %swap3A_433 = arith.index_cast %swap3A_431 : i32 to index
    %swap3A_434 = arith.index_cast %swap3A_432 : i32 to index
    %swap3A_435 = arith.constant 112 : index
    %swap3A_436 = tpu.vector_load %arg8[%swap3A_433, %swap3A_434, %swap3A_435] {strides = array<i32>} : memref<2x128x144xf32, #tpu.memory_space<vmem>>, vector<1x1x16xf32>,
    %swap3A_437 = vector.shape_cast %swap3A_436 : vector<1x1x16xf32> to vector<16xf32>
    %swap3A_438 = vector.shape_cast %broadcast_in_dim3A_430 : vector<16xf32> to vector<1x1x16xf32>
    tpu.vector_store %arg8[%swap3A_433, %swap3A_434, %swap3A_435], %swap3A_438 {strides = array<i32>} : memref<2x128x144xf32, #tpu.memory_space<vmem>>, vector<1x1x16xf32>,
    %broadcast_in_dim3A_439 = arith.constant 0.000000e+00 : f32
    %broadcast_in_dim3A_440 = vector.broadcast %broadcast_in_dim3A_439 : f32 to vector<16xf32>
    %swap3A_441 = arith.constant 0 : i32
    %swap3A_442 = arith.constant 4 : i32
    %swap3A_443 = arith.index_cast %swap3A_441 : i32 to index
    %swap3A_444 = arith.index_cast %swap3A_442 : i32 to index
    %swap3A_445 = arith.constant 128 : index
    %swap3A_446 = tpu.vector_load %arg8[%swap3A_443, %swap3A_444, %swap3A_445] {strides = array<i32>} : memref<2x128x144xf32, #tpu.memory_space<vmem>>, vector<1x1x16xf32>,
    %swap3A_447 = vector.shape_cast %swap3A_446 : vector<1x1x16xf32> to vector<16xf32>
    %swap3A_448 = vector.shape_cast %broadcast_in_dim3A_440 : vector<16xf32> to vector<1x1x16xf32>
    tpu.vector_store %arg8[%swap3A_443, %swap3A_444, %swap3A_445], %swap3A_448 {strides = array<i32>} : memref<2x128x144xf32, #tpu.memory_space<vmem>>, vector<1x1x16xf32>,
    %broadcast_in_dim3A_449 = arith.constant 0.000000e+00 : f32
    %broadcast_in_dim3A_450 = vector.broadcast %broadcast_in_dim3A_449 : f32 to vector<16xf32>
    %swap3A_451 = arith.constant 0 : i32
    %swap3A_452 = arith.constant 5 : i32
    %swap3A_453 = arith.index_cast %swap3A_451 : i32 to index
    %swap3A_454 = arith.index_cast %swap3A_452 : i32 to index
    %swap3A_455 = arith.constant 0 : index
    %swap3A_456 = tpu.vector_load %arg8[%swap3A_453, %swap3A_454, %swap3A_455] {strides = array<i32>} : memref<2x128x144xf32, #tpu.memory_space<vmem>>, vector<1x1x16xf32>,
    %swap3A_457 = vector.shape_cast %swap3A_456 : vector<1x1x16xf32> to vector<16xf32>
    %swap3A_458 = vector.shape_cast %broadcast_in_dim3A_450 : vector<16xf32> to vector<1x1x16xf32>
    tpu.vector_store %arg8[%swap3A_453, %swap3A_454, %swap3A_455], %swap3A_458 {strides = array<i32>} : memref<2x128x144xf32, #tpu.memory_space<vmem>>, vector<1x1x16xf32>,
    %broadcast_in_dim3A_459 = arith.constant 0.000000e+00 : f32
    %broadcast_in_dim3A_460 = vector.broadcast %broadcast_in_dim3A_459 : f32 to vector<16xf32>
    %swap3A_461 = arith.constant 0 : i32
    %swap3A_462 = arith.constant 5 : i32
    %swap3A_463 = arith.index_cast %swap3A_461 : i32 to index
    %swap3A_464 = arith.index_cast %swap3A_462 : i32 to index
    %swap3A_465 = arith.constant 16 : index
    %swap3A_466 = tpu.vector_load %arg8[%swap3A_463, %swap3A_464, %swap3A_465] {strides = array<i32>} : memref<2x128x144xf32, #tpu.memory_space<vmem>>, vector<1x1x16xf32>,
    %swap3A_467 = vector.shape_cast %swap3A_466 : vector<1x1x16xf32> to vector<16xf32>
    %swap3A_468 = vector.shape_cast %broadcast_in_dim3A_460 : vector<16xf32> to vector<1x1x16xf32>
    tpu.vector_store %arg8[%swap3A_463, %swap3A_464, %swap3A_465], %swap3A_468 {strides = array<i32>} : memref<2x128x144xf32, #tpu.memory_space<vmem>>, vector<1x1x16xf32>,
    %broadcast_in_dim3A_469 = arith.constant 0.000000e+00 : f32
    %broadcast_in_dim3A_470 = vector.broadcast %broadcast_in_dim3A_469 : f32 to vector<16xf32>
    %swap3A_471 = arith.constant 0 : i32
    %swap3A_472 = arith.constant 5 : i32
    %swap3A_473 = arith.index_cast %swap3A_471 : i32 to index
    %swap3A_474 = arith.index_cast %swap3A_472 : i32 to index
    %swap3A_475 = arith.constant 32 : index
    %swap3A_476 = tpu.vector_load %arg8[%swap3A_473, %swap3A_474, %swap3A_475] {strides = array<i32>} : memref<2x128x144xf32, #tpu.memory_space<vmem>>, vector<1x1x16xf32>,
    %swap3A_477 = vector.shape_cast %swap3A_476 : vector<1x1x16xf32> to vector<16xf32>
    %swap3A_478 = vector.shape_cast %broadcast_in_dim3A_470 : vector<16xf32> to vector<1x1x16xf32>
    tpu.vector_store %arg8[%swap3A_473, %swap3A_474, %swap3A_475], %swap3A_478 {strides = array<i32>} : memref<2x128x144xf32, #tpu.memory_space<vmem>>, vector<1x1x16xf32>,
    %broadcast_in_dim3A_479 = arith.constant 0.000000e+00 : f32
    %broadcast_in_dim3A_480 = vector.broadcast %broadcast_in_dim3A_479 : f32 to vector<16xf32>
    %swap3A_481 = arith.constant 0 : i32
    %swap3A_482 = arith.constant 5 : i32
    %swap3A_483 = arith.index_cast %swap3A_481 : i32 to index
    %swap3A_484 = arith.index_cast %swap3A_482 : i32 to index
    %swap3A_485 = arith.constant 48 : index
    %swap3A_486 = tpu.vector_load %arg8[%swap3A_483, %swap3A_484, %swap3A_485] {strides = array<i32>} : memref<2x128x144xf32, #tpu.memory_space<vmem>>, vector<1x1x16xf32>,
    %swap3A_487 = vector.shape_cast %swap3A_486 : vector<1x1x16xf32> to vector<16xf32>
    %swap3A_488 = vector.shape_cast %broadcast_in_dim3A_480 : vector<16xf32> to vector<1x1x16xf32>
    tpu.vector_store %arg8[%swap3A_483, %swap3A_484, %swap3A_485], %swap3A_488 {strides = array<i32>} : memref<2x128x144xf32, #tpu.memory_space<vmem>>, vector<1x1x16xf32>,
    %broadcast_in_dim3A_489 = arith.constant 0.000000e+00 : f32
    %broadcast_in_dim3A_490 = vector.broadcast %broadcast_in_dim3A_489 : f32 to vector<16xf32>
    %swap3A_491 = arith.constant 0 : i32
    %swap3A_492 = arith.constant 5 : i32
    %swap3A_493 = arith.index_cast %swap3A_491 : i32 to index
    %swap3A_494 = arith.index_cast %swap3A_492 : i32 to index
    %swap3A_495 = arith.constant 64 : index
    %swap3A_496 = tpu.vector_load %arg8[%swap3A_493, %swap3A_494, %swap3A_495] {strides = array<i32>} : memref<2x128x144xf32, #tpu.memory_space<vmem>>, vector<1x1x16xf32>,
    %swap3A_497 = vector.shape_cast %swap3A_496 : vector<1x1x16xf32> to vector<16xf32>
    %swap3A_498 = vector.shape_cast %broadcast_in_dim3A_490 : vector<16xf32> to vector<1x1x16xf32>
    tpu.vector_store %arg8[%swap3A_493, %swap3A_494, %swap3A_495], %swap3A_498 {strides = array<i32>} : memref<2x128x144xf32, #tpu.memory_space<vmem>>, vector<1x1x16xf32>,
    %broadcast_in_dim3A_499 = arith.constant 0.000000e+00 : f32
    %broadcast_in_dim3A_500 = vector.broadcast %broadcast_in_dim3A_499 : f32 to vector<16xf32>
    %swap3A_501 = arith.constant 0 : i32
    %swap3A_502 = arith.constant 5 : i32
    %swap3A_503 = arith.index_cast %swap3A_501 : i32 to index
    %swap3A_504 = arith.index_cast %swap3A_502 : i32 to index
    %swap3A_505 = arith.constant 80 : index
    %swap3A_506 = tpu.vector_load %arg8[%swap3A_503, %swap3A_504, %swap3A_505] {strides = array<i32>} : memref<2x128x144xf32, #tpu.memory_space<vmem>>, vector<1x1x16xf32>,
    %swap3A_507 = vector.shape_cast %swap3A_506 : vector<1x1x16xf32> to vector<16xf32>
    %swap3A_508 = vector.shape_cast %broadcast_in_dim3A_500 : vector<16xf32> to vector<1x1x16xf32>
    tpu.vector_store %arg8[%swap3A_503, %swap3A_504, %swap3A_505], %swap3A_508 {strides = array<i32>} : memref<2x128x144xf32, #tpu.memory_space<vmem>>, vector<1x1x16xf32>,
    %broadcast_in_dim3A_509 = arith.constant 0.000000e+00 : f32
    %broadcast_in_dim3A_510 = vector.broadcast %broadcast_in_dim3A_509 : f32 to vector<16xf32>
    %swap3A_511 = arith.constant 0 : i32
    %swap3A_512 = arith.constant 5 : i32
    %swap3A_513 = arith.index_cast %swap3A_511 : i32 to index
    %swap3A_514 = arith.index_cast %swap3A_512 : i32 to index
    %swap3A_515 = arith.constant 96 : index
    %swap3A_516 = tpu.vector_load %arg8[%swap3A_513, %swap3A_514, %swap3A_515] {strides = array<i32>} : memref<2x128x144xf32, #tpu.memory_space<vmem>>, vector<1x1x16xf32>,
    %swap3A_517 = vector.shape_cast %swap3A_516 : vector<1x1x16xf32> to vector<16xf32>
    %swap3A_518 = vector.shape_cast %broadcast_in_dim3A_510 : vector<16xf32> to vector<1x1x16xf32>
    tpu.vector_store %arg8[%swap3A_513, %swap3A_514, %swap3A_515], %swap3A_518 {strides = array<i32>} : memref<2x128x144xf32, #tpu.memory_space<vmem>>, vector<1x1x16xf32>,
    %broadcast_in_dim3A_519 = arith.constant 0.000000e+00 : f32
    %broadcast_in_dim3A_520 = vector.broadcast %broadcast_in_dim3A_519 : f32 to vector<16xf32>
    %swap3A_521 = arith.constant 0 : i32
    %swap3A_522 = arith.constant 5 : i32
    %swap3A_523 = arith.index_cast %swap3A_521 : i32 to index
    %swap3A_524 = arith.index_cast %swap3A_522 : i32 to index
    %swap3A_525 = arith.constant 112 : index
    %swap3A_526 = tpu.vector_load %arg8[%swap3A_523, %swap3A_524, %swap3A_525] {strides = array<i32>} : memref<2x128x144xf32, #tpu.memory_space<vmem>>, vector<1x1x16xf32>,
    %swap3A_527 = vector.shape_cast %swap3A_526 : vector<1x1x16xf32> to vector<16xf32>
    %swap3A_528 = vector.shape_cast %broadcast_in_dim3A_520 : vector<16xf32> to vector<1x1x16xf32>
    tpu.vector_store %arg8[%swap3A_523, %swap3A_524, %swap3A_525], %swap3A_528 {strides = array<i32>} : memref<2x128x144xf32, #tpu.memory_space<vmem>>, vector<1x1x16xf32>,
    %broadcast_in_dim3A_529 = arith.constant 0.000000e+00 : f32
    %broadcast_in_dim3A_530 = vector.broadcast %broadcast_in_dim3A_529 : f32 to vector<16xf32>
    %swap3A_531 = arith.constant 0 : i32
    %swap3A_532 = arith.constant 5 : i32
    %swap3A_533 = arith.index_cast %swap3A_531 : i32 to index
    %swap3A_534 = arith.index_cast %swap3A_532 : i32 to index
    %swap3A_535 = arith.constant 128 : index
    %swap3A_536 = tpu.vector_load %arg8[%swap3A_533, %swap3A_534, %swap3A_535] {strides = array<i32>} : memref<2x128x144xf32, #tpu.memory_space<vmem>>, vector<1x1x16xf32>,
    %swap3A_537 = vector.shape_cast %swap3A_536 : vector<1x1x16xf32> to vector<16xf32>
    %swap3A_538 = vector.shape_cast %broadcast_in_dim3A_530 : vector<16xf32> to vector<1x1x16xf32>
    tpu.vector_store %arg8[%swap3A_533, %swap3A_534, %swap3A_535], %swap3A_538 {strides = array<i32>} : memref<2x128x144xf32, #tpu.memory_space<vmem>>, vector<1x1x16xf32>,
    %broadcast_in_dim3A_539 = arith.constant 0.000000e+00 : f32
    %broadcast_in_dim3A_540 = vector.broadcast %broadcast_in_dim3A_539 : f32 to vector<16xf32>
    %swap3A_541 = arith.constant 0 : i32
    %swap3A_542 = arith.constant 6 : i32
    %swap3A_543 = arith.index_cast %swap3A_541 : i32 to index
    %swap3A_544 = arith.index_cast %swap3A_542 : i32 to index
    %swap3A_545 = arith.constant 0 : index
    %swap3A_546 = tpu.vector_load %arg8[%swap3A_543, %swap3A_544, %swap3A_545] {strides = array<i32>} : memref<2x128x144xf32, #tpu.memory_space<vmem>>, vector<1x1x16xf32>,
    %swap3A_547 = vector.shape_cast %swap3A_546 : vector<1x1x16xf32> to vector<16xf32>
    %swap3A_548 = vector.shape_cast %broadcast_in_dim3A_540 : vector<16xf32> to vector<1x1x16xf32>
    tpu.vector_store %arg8[%swap3A_543, %swap3A_544, %swap3A_545], %swap3A_548 {strides = array<i32>} : memref<2x128x144xf32, #tpu.memory_space<vmem>>, vector<1x1x16xf32>,
    %broadcast_in_dim3A_549 = arith.constant 0.000000e+00 : f32
    %broadcast_in_dim3A_550 = vector.broadcast %broadcast_in_dim3A_549 : f32 to vector<16xf32>
    %swap3A_551 = arith.constant 0 : i32
    %swap3A_552 = arith.constant 6 : i32
    %swap3A_553 = arith.index_cast %swap3A_551 : i32 to index
    %swap3A_554 = arith.index_cast %swap3A_552 : i32 to index
    %swap3A_555 = arith.constant 16 : index
    %swap3A_556 = tpu.vector_load %arg8[%swap3A_553, %swap3A_554, %swap3A_555] {strides = array<i32>} : memref<2x128x144xf32, #tpu.memory_space<vmem>>, vector<1x1x16xf32>,
    %swap3A_557 = vector.shape_cast %swap3A_556 : vector<1x1x16xf32> to vector<16xf32>
    %swap3A_558 = vector.shape_cast %broadcast_in_dim3A_550 : vector<16xf32> to vector<1x1x16xf32>
    tpu.vector_store %arg8[%swap3A_553, %swap3A_554, %swap3A_555], %swap3A_558 {strides = array<i32>} : memref<2x128x144xf32, #tpu.memory_space<vmem>>, vector<1x1x16xf32>,
    %broadcast_in_dim3A_559 = arith.constant 0.000000e+00 : f32
    %broadcast_in_dim3A_560 = vector.broadcast %broadcast_in_dim3A_559 : f32 to vector<16xf32>
    %swap3A_561 = arith.constant 0 : i32
    %swap3A_562 = arith.constant 6 : i32
    %swap3A_563 = arith.index_cast %swap3A_561 : i32 to index
    %swap3A_564 = arith.index_cast %swap3A_562 : i32 to index
    %swap3A_565 = arith.constant 32 : index
    %swap3A_566 = tpu.vector_load %arg8[%swap3A_563, %swap3A_564, %swap3A_565] {strides = array<i32>} : memref<2x128x144xf32, #tpu.memory_space<vmem>>, vector<1x1x16xf32>,
    %swap3A_567 = vector.shape_cast %swap3A_566 : vector<1x1x16xf32> to vector<16xf32>
    %swap3A_568 = vector.shape_cast %broadcast_in_dim3A_560 : vector<16xf32> to vector<1x1x16xf32>
    tpu.vector_store %arg8[%swap3A_563, %swap3A_564, %swap3A_565], %swap3A_568 {strides = array<i32>} : memref<2x128x144xf32, #tpu.memory_space<vmem>>, vector<1x1x16xf32>,
    %broadcast_in_dim3A_569 = arith.constant 0.000000e+00 : f32
    %broadcast_in_dim3A_570 = vector.broadcast %broadcast_in_dim3A_569 : f32 to vector<16xf32>
    %swap3A_571 = arith.constant 0 : i32
    %swap3A_572 = arith.constant 6 : i32
    %swap3A_573 = arith.index_cast %swap3A_571 : i32 to index
    %swap3A_574 = arith.index_cast %swap3A_572 : i32 to index
    %swap3A_575 = arith.constant 48 : index
    %swap3A_576 = tpu.vector_load %arg8[%swap3A_573, %swap3A_574, %swap3A_575] {strides = array<i32>} : memref<2x128x144xf32, #tpu.memory_space<vmem>>, vector<1x1x16xf32>,
    %swap3A_577 = vector.shape_cast %swap3A_576 : vector<1x1x16xf32> to vector<16xf32>
    %swap3A_578 = vector.shape_cast %broadcast_in_dim3A_570 : vector<16xf32> to vector<1x1x16xf32>
    tpu.vector_store %arg8[%swap3A_573, %swap3A_574, %swap3A_575], %swap3A_578 {strides = array<i32>} : memref<2x128x144xf32, #tpu.memory_space<vmem>>, vector<1x1x16xf32>,
    %broadcast_in_dim3A_579 = arith.constant 0.000000e+00 : f32
    %broadcast_in_dim3A_580 = vector.broadcast %broadcast_in_dim3A_579 : f32 to vector<16xf32>
    %swap3A_581 = arith.constant 0 : i32
    %swap3A_582 = arith.constant 6 : i32
    %swap3A_583 = arith.index_cast %swap3A_581 : i32 to index
    %swap3A_584 = arith.index_cast %swap3A_582 : i32 to index
    %swap3A_585 = arith.constant 64 : index
    %swap3A_586 = tpu.vector_load %arg8[%swap3A_583, %swap3A_584, %swap3A_585] {strides = array<i32>} : memref<2x128x144xf32, #tpu.memory_space<vmem>>, vector<1x1x16xf32>,
    %swap3A_587 = vector.shape_cast %swap3A_586 : vector<1x1x16xf32> to vector<16xf32>
    %swap3A_588 = vector.shape_cast %broadcast_in_dim3A_580 : vector<16xf32> to vector<1x1x16xf32>
    tpu.vector_store %arg8[%swap3A_583, %swap3A_584, %swap3A_585], %swap3A_588 {strides = array<i32>} : memref<2x128x144xf32, #tpu.memory_space<vmem>>, vector<1x1x16xf32>,
    %broadcast_in_dim3A_589 = arith.constant 0.000000e+00 : f32
    %broadcast_in_dim3A_590 = vector.broadcast %broadcast_in_dim3A_589 : f32 to vector<16xf32>
    %swap3A_591 = arith.constant 0 : i32
    %swap3A_592 = arith.constant 6 : i32
    %swap3A_593 = arith.index_cast %swap3A_591 : i32 to index
    %swap3A_594 = arith.index_cast %swap3A_592 : i32 to index
    %swap3A_595 = arith.constant 80 : index
    %swap3A_596 = tpu.vector_load %arg8[%swap3A_593, %swap3A_594, %swap3A_595] {strides = array<i32>} : memref<2x128x144xf32, #tpu.memory_space<vmem>>, vector<1x1x16xf32>,
    %swap3A_597 = vector.shape_cast %swap3A_596 : vector<1x1x16xf32> to vector<16xf32>
    %swap3A_598 = vector.shape_cast %broadcast_in_dim3A_590 : vector<16xf32> to vector<1x1x16xf32>
    tpu.vector_store %arg8[%swap3A_593, %swap3A_594, %swap3A_595], %swap3A_598 {strides = array<i32>} : memref<2x128x144xf32, #tpu.memory_space<vmem>>, vector<1x1x16xf32>,
    %broadcast_in_dim3A_599 = arith.constant 0.000000e+00 : f32
    %broadcast_in_dim3A_600 = vector.broadcast %broadcast_in_dim3A_599 : f32 to vector<16xf32>
    %swap3A_601 = arith.constant 0 : i32
    %swap3A_602 = arith.constant 6 : i32
    %swap3A_603 = arith.index_cast %swap3A_601 : i32 to index
    %swap3A_604 = arith.index_cast %swap3A_602 : i32 to index
    %swap3A_605 = arith.constant 96 : index
    %swap3A_606 = tpu.vector_load %arg8[%swap3A_603, %swap3A_604, %swap3A_605] {strides = array<i32>} : memref<2x128x144xf32, #tpu.memory_space<vmem>>, vector<1x1x16xf32>,
    %swap3A_607 = vector.shape_cast %swap3A_606 : vector<1x1x16xf32> to vector<16xf32>
    %swap3A_608 = vector.shape_cast %broadcast_in_dim3A_600 : vector<16xf32> to vector<1x1x16xf32>
    tpu.vector_store %arg8[%swap3A_603, %swap3A_604, %swap3A_605], %swap3A_608 {strides = array<i32>} : memref<2x128x144xf32, #tpu.memory_space<vmem>>, vector<1x1x16xf32>,
    %broadcast_in_dim3A_609 = arith.constant 0.000000e+00 : f32
    %broadcast_in_dim3A_610 = vector.broadcast %broadcast_in_dim3A_609 : f32 to vector<16xf32>
    %swap3A_611 = arith.constant 0 : i32
    %swap3A_612 = arith.constant 6 : i32
    %swap3A_613 = arith.index_cast %swap3A_611 : i32 to index
    %swap3A_614 = arith.index_cast %swap3A_612 : i32 to index
    %swap3A_615 = arith.constant 112 : index
    %swap3A_616 = tpu.vector_load %arg8[%swap3A_613, %swap3A_614, %swap3A_615] {strides = array<i32>} : memref<2x128x144xf32, #tpu.memory_space<vmem>>, vector<1x1x16xf32>,
    %swap3A_617 = vector.shape_cast %swap3A_616 : vector<1x1x16xf32> to vector<16xf32>
    %swap3A_618 = vector.shape_cast %broadcast_in_dim3A_610 : vector<16xf32> to vector<1x1x16xf32>
    tpu.vector_store %arg8[%swap3A_613, %swap3A_614, %swap3A_615], %swap3A_618 {strides = array<i32>} : memref<2x128x144xf32, #tpu.memory_space<vmem>>, vector<1x1x16xf32>,
    %broadcast_in_dim3A_619 = arith.constant 0.000000e+00 : f32
    %broadcast_in_dim3A_620 = vector.broadcast %broadcast_in_dim3A_619 : f32 to vector<16xf32>
    %swap3A_621 = arith.constant 0 : i32
    %swap3A_622 = arith.constant 6 : i32
    %swap3A_623 = arith.index_cast %swap3A_621 : i32 to index
    %swap3A_624 = arith.index_cast %swap3A_622 : i32 to index
    %swap3A_625 = arith.constant 128 : index
    %swap3A_626 = tpu.vector_load %arg8[%swap3A_623, %swap3A_624, %swap3A_625] {strides = array<i32>} : memref<2x128x144xf32, #tpu.memory_space<vmem>>, vector<1x1x16xf32>,
    %swap3A_627 = vector.shape_cast %swap3A_626 : vector<1x1x16xf32> to vector<16xf32>
    %swap3A_628 = vector.shape_cast %broadcast_in_dim3A_620 : vector<16xf32> to vector<1x1x16xf32>
    tpu.vector_store %arg8[%swap3A_623, %swap3A_624, %swap3A_625], %swap3A_628 {strides = array<i32>} : memref<2x128x144xf32, #tpu.memory_space<vmem>>, vector<1x1x16xf32>,
    %broadcast_in_dim3A_629 = arith.constant 0.000000e+00 : f32
    %broadcast_in_dim3A_630 = vector.broadcast %broadcast_in_dim3A_629 : f32 to vector<16xf32>
    %swap3A_631 = arith.constant 0 : i32
    %swap3A_632 = arith.constant 7 : i32
    %swap3A_633 = arith.index_cast %swap3A_631 : i32 to index
    %swap3A_634 = arith.index_cast %swap3A_632 : i32 to index
    %swap3A_635 = arith.constant 0 : index
    %swap3A_636 = tpu.vector_load %arg8[%swap3A_633, %swap3A_634, %swap3A_635] {strides = array<i32>} : memref<2x128x144xf32, #tpu.memory_space<vmem>>, vector<1x1x16xf32>,
    %swap3A_637 = vector.shape_cast %swap3A_636 : vector<1x1x16xf32> to vector<16xf32>
    %swap3A_638 = vector.shape_cast %broadcast_in_dim3A_630 : vector<16xf32> to vector<1x1x16xf32>
    tpu.vector_store %arg8[%swap3A_633, %swap3A_634, %swap3A_635], %swap3A_638 {strides = array<i32>} : memref<2x128x144xf32, #tpu.memory_space<vmem>>, vector<1x1x16xf32>,
    %broadcast_in_dim3A_639 = arith.constant 0.000000e+00 : f32
    %broadcast_in_dim3A_640 = vector.broadcast %broadcast_in_dim3A_639 : f32 to vector<16xf32>
    %swap3A_641 = arith.constant 0 : i32
    %swap3A_642 = arith.constant 7 : i32
    %swap3A_643 = arith.index_cast %swap3A_641 : i32 to index
    %swap3A_644 = arith.index_cast %swap3A_642 : i32 to index
    %swap3A_645 = arith.constant 16 : index
    %swap3A_646 = tpu.vector_load %arg8[%swap3A_643, %swap3A_644, %swap3A_645] {strides = array<i32>} : memref<2x128x144xf32, #tpu.memory_space<vmem>>, vector<1x1x16xf32>,
    %swap3A_647 = vector.shape_cast %swap3A_646 : vector<1x1x16xf32> to vector<16xf32>
    %swap3A_648 = vector.shape_cast %broadcast_in_dim3A_640 : vector<16xf32> to vector<1x1x16xf32>
    tpu.vector_store %arg8[%swap3A_643, %swap3A_644, %swap3A_645], %swap3A_648 {strides = array<i32>} : memref<2x128x144xf32, #tpu.memory_space<vmem>>, vector<1x1x16xf32>,
    %broadcast_in_dim3A_649 = arith.constant 0.000000e+00 : f32
    %broadcast_in_dim3A_650 = vector.broadcast %broadcast_in_dim3A_649 : f32 to vector<16xf32>
    %swap3A_651 = arith.constant 0 : i32
    %swap3A_652 = arith.constant 7 : i32
    %swap3A_653 = arith.index_cast %swap3A_651 : i32 to index
    %swap3A_654 = arith.index_cast %swap3A_652 : i32 to index
    %swap3A_655 = arith.constant 32 : index
    %swap3A_656 = tpu.vector_load %arg8[%swap3A_653, %swap3A_654, %swap3A_655] {strides = array<i32>} : memref<2x128x144xf32, #tpu.memory_space<vmem>>, vector<1x1x16xf32>,
    %swap3A_657 = vector.shape_cast %swap3A_656 : vector<1x1x16xf32> to vector<16xf32>
    %swap3A_658 = vector.shape_cast %broadcast_in_dim3A_650 : vector<16xf32> to vector<1x1x16xf32>
    tpu.vector_store %arg8[%swap3A_653, %swap3A_654, %swap3A_655], %swap3A_658 {strides = array<i32>} : memref<2x128x144xf32, #tpu.memory_space<vmem>>, vector<1x1x16xf32>,
    %broadcast_in_dim3A_659 = arith.constant 0.000000e+00 : f32
    %broadcast_in_dim3A_660 = vector.broadcast %broadcast_in_dim3A_659 : f32 to vector<16xf32>
    %swap3A_661 = arith.constant 0 : i32
    %swap3A_662 = arith.constant 7 : i32
    %swap3A_663 = arith.index_cast %swap3A_661 : i32 to index
    %swap3A_664 = arith.index_cast %swap3A_662 : i32 to index
    %swap3A_665 = arith.constant 48 : index
    %swap3A_666 = tpu.vector_load %arg8[%swap3A_663, %swap3A_664, %swap3A_665] {strides = array<i32>} : memref<2x128x144xf32, #tpu.memory_space<vmem>>, vector<1x1x16xf32>,
    %swap3A_667 = vector.shape_cast %swap3A_666 : vector<1x1x16xf32> to vector<16xf32>
    %swap3A_668 = vector.shape_cast %broadcast_in_dim3A_660 : vector<16xf32> to vector<1x1x16xf32>
    tpu.vector_store %arg8[%swap3A_663, %swap3A_664, %swap3A_665], %swap3A_668 {strides = array<i32>} : memref<2x128x144xf32, #tpu.memory_space<vmem>>, vector<1x1x16xf32>,
    %broadcast_in_dim3A_669 = arith.constant 0.000000e+00 : f32
    %broadcast_in_dim3A_670 = vector.broadcast %broadcast_in_dim3A_669 : f32 to vector<16xf32>
    %swap3A_671 = arith.constant 0 : i32
    %swap3A_672 = arith.constant 7 : i32
    %swap3A_673 = arith.index_cast %swap3A_671 : i32 to index
    %swap3A_674 = arith.index_cast %swap3A_672 : i32 to index
    %swap3A_675 = arith.constant 64 : index
    %swap3A_676 = tpu.vector_load %arg8[%swap3A_673, %swap3A_674, %swap3A_675] {strides = array<i32>} : memref<2x128x144xf32, #tpu.memory_space<vmem>>, vector<1x1x16xf32>,
    %swap3A_677 = vector.shape_cast %swap3A_676 : vector<1x1x16xf32> to vector<16xf32>
    %swap3A_678 = vector.shape_cast %broadcast_in_dim3A_670 : vector<16xf32> to vector<1x1x16xf32>
    tpu.vector_store %arg8[%swap3A_673, %swap3A_674, %swap3A_675], %swap3A_678 {strides = array<i32>} : memref<2x128x144xf32, #tpu.memory_space<vmem>>, vector<1x1x16xf32>,
    %broadcast_in_dim3A_679 = arith.constant 0.000000e+00 : f32
    %broadcast_in_dim3A_680 = vector.broadcast %broadcast_in_dim3A_679 : f32 to vector<16xf32>
    %swap3A_681 = arith.constant 0 : i32
    %swap3A_682 = arith.constant 7 : i32
    %swap3A_683 = arith.index_cast %swap3A_681 : i32 to index
    %swap3A_684 = arith.index_cast %swap3A_682 : i32 to index
    %swap3A_685 = arith.constant 80 : index
    %swap3A_686 = tpu.vector_load %arg8[%swap3A_683, %swap3A_684, %swap3A_685] {strides = array<i32>} : memref<2x128x144xf32, #tpu.memory_space<vmem>>, vector<1x1x16xf32>,
    %swap3A_687 = vector.shape_cast %swap3A_686 : vector<1x1x16xf32> to vector<16xf32>
    %swap3A_688 = vector.shape_cast %broadcast_in_dim3A_680 : vector<16xf32> to vector<1x1x16xf32>
    tpu.vector_store %arg8[%swap3A_683, %swap3A_684, %swap3A_685], %swap3A_688 {strides = array<i32>} : memref<2x128x144xf32, #tpu.memory_space<vmem>>, vector<1x1x16xf32>,
    %broadcast_in_dim3A_689 = arith.constant 0.000000e+00 : f32
    %broadcast_in_dim3A_690 = vector.broadcast %broadcast_in_dim3A_689 : f32 to vector<16xf32>
    %swap3A_691 = arith.constant 0 : i32
    %swap3A_692 = arith.constant 7 : i32
    %swap3A_693 = arith.index_cast %swap3A_691 : i32 to index
    %swap3A_694 = arith.index_cast %swap3A_692 : i32 to index
    %swap3A_695 = arith.constant 96 : index
    %swap3A_696 = tpu.vector_load %arg8[%swap3A_693, %swap3A_694, %swap3A_695] {strides = array<i32>} : memref<2x128x144xf32, #tpu.memory_space<vmem>>, vector<1x1x16xf32>,
    %swap3A_697 = vector.shape_cast %swap3A_696 : vector<1x1x16xf32> to vector<16xf32>
    %swap3A_698 = vector.shape_cast %broadcast_in_dim3A_690 : vector<16xf32> to vector<1x1x16xf32>
    tpu.vector_store %arg8[%swap3A_693, %swap3A_694, %swap3A_695], %swap3A_698 {strides = array<i32>} : memref<2x128x144xf32, #tpu.memory_space<vmem>>, vector<1x1x16xf32>,
    %broadcast_in_dim3A_699 = arith.constant 0.000000e+00 : f32
    %broadcast_in_dim3A_700 = vector.broadcast %broadcast_in_dim3A_699 : f32 to vector<16xf32>
    %swap3A_701 = arith.constant 0 : i32
    %swap3A_702 = arith.constant 7 : i32
    %swap3A_703 = arith.index_cast %swap3A_701 : i32 to index
    %swap3A_704 = arith.index_cast %swap3A_702 : i32 to index
    %swap3A_705 = arith.constant 112 : index
    %swap3A_706 = tpu.vector_load %arg8[%swap3A_703, %swap3A_704, %swap3A_705] {strides = array<i32>} : memref<2x128x144xf32, #tpu.memory_space<vmem>>, vector<1x1x16xf32>,
    %swap3A_707 = vector.shape_cast %swap3A_706 : vector<1x1x16xf32> to vector<16xf32>
    %swap3A_708 = vector.shape_cast %broadcast_in_dim3A_700 : vector<16xf32> to vector<1x1x16xf32>
    tpu.vector_store %arg8[%swap3A_703, %swap3A_704, %swap3A_705], %swap3A_708 {strides = array<i32>} : memref<2x128x144xf32, #tpu.memory_space<vmem>>, vector<1x1x16xf32>,
    %broadcast_in_dim3A_709 = arith.constant 0.000000e+00 : f32
    %broadcast_in_dim3A_710 = vector.broadcast %broadcast_in_dim3A_709 : f32 to vector<16xf32>
    %swap3A_711 = arith.constant 0 : i32
    %swap3A_712 = arith.constant 7 : i32
    %swap3A_713 = arith.index_cast %swap3A_711 : i32 to index
    %swap3A_714 = arith.index_cast %swap3A_712 : i32 to index
    %swap3A_715 = arith.constant 128 : index
    %swap3A_716 = tpu.vector_load %arg8[%swap3A_713, %swap3A_714, %swap3A_715] {strides = array<i32>} : memref<2x128x144xf32, #tpu.memory_space<vmem>>, vector<1x1x16xf32>,
    %swap3A_717 = vector.shape_cast %swap3A_716 : vector<1x1x16xf32> to vector<16xf32>
    %swap3A_718 = vector.shape_cast %broadcast_in_dim3A_710 : vector<16xf32> to vector<1x1x16xf32>
    tpu.vector_store %arg8[%swap3A_713, %swap3A_714, %swap3A_715], %swap3A_718 {strides = array<i32>} : memref<2x128x144xf32, #tpu.memory_space<vmem>>, vector<1x1x16xf32>,
    %broadcast_in_dim3A_719 = arith.constant 0.000000e+00 : f32
    %broadcast_in_dim3A_720 = vector.broadcast %broadcast_in_dim3A_719 : f32 to vector<16xf32>
    %swap3A_721 = arith.constant 0 : i32
    %swap3A_722 = arith.constant 8 : i32
    %swap3A_723 = arith.index_cast %swap3A_721 : i32 to index
    %swap3A_724 = arith.index_cast %swap3A_722 : i32 to index
    %swap3A_725 = arith.constant 0 : index
    %swap3A_726 = tpu.vector_load %arg8[%swap3A_723, %swap3A_724, %swap3A_725] {strides = array<i32>} : memref<2x128x144xf32, #tpu.memory_space<vmem>>, vector<1x1x16xf32>,
    %swap3A_727 = vector.shape_cast %swap3A_726 : vector<1x1x16xf32> to vector<16xf32>
    %swap3A_728 = vector.shape_cast %broadcast_in_dim3A_720 : vector<16xf32> to vector<1x1x16xf32>
    tpu.vector_store %arg8[%swap3A_723, %swap3A_724, %swap3A_725], %swap3A_728 {strides = array<i32>} : memref<2x128x144xf32, #tpu.memory_space<vmem>>, vector<1x1x16xf32>,
    %broadcast_in_dim3A_729 = arith.constant 0.000000e+00 : f32
    %broadcast_in_dim3A_730 = vector.broadcast %broadcast_in_dim3A_729 : f32 to vector<16xf32>
    %swap3A_731 = arith.constant 0 : i32
    %swap3A_732 = arith.constant 8 : i32
    %swap3A_733 = arith.index_cast %swap3A_731 : i32 to index
    %swap3A_734 = arith.index_cast %swap3A_732 : i32 to index
    %swap3A_735 = arith.constant 16 : index
    %swap3A_736 = tpu.vector_load %arg8[%swap3A_733, %swap3A_734, %swap3A_735] {strides = array<i32>} : memref<2x128x144xf32, #tpu.memory_space<vmem>>, vector<1x1x16xf32>,
    %swap3A_737 = vector.shape_cast %swap3A_736 : vector<1x1x16xf32> to vector<16xf32>
    %swap3A_738 = vector.shape_cast %broadcast_in_dim3A_730 : vector<16xf32> to vector<1x1x16xf32>
    tpu.vector_store %arg8[%swap3A_733, %swap3A_734, %swap3A_735], %swap3A_738 {strides = array<i32>} : memref<2x128x144xf32, #tpu.memory_space<vmem>>, vector<1x1x16xf32>,
    %broadcast_in_dim3A_739 = arith.constant 0.000000e+00 : f32
    %broadcast_in_dim3A_740 = vector.broadcast %broadcast_in_dim3A_739 : f32 to vector<16xf32>
    %swap3A_741 = arith.constant 0 : i32
    %swap3A_742 = arith.constant 8 : i32
    %swap3A_743 = arith.index_cast %swap3A_741 : i32 to index
    %swap3A_744 = arith.index_cast %swap3A_742 : i32 to index
    %swap3A_745 = arith.constant 32 : index
    %swap3A_746 = tpu.vector_load %arg8[%swap3A_743, %swap3A_744, %swap3A_745] {strides = array<i32>} : memref<2x128x144xf32, #tpu.memory_space<vmem>>, vector<1x1x16xf32>,
    %swap3A_747 = vector.shape_cast %swap3A_746 : vector<1x1x16xf32> to vector<16xf32>
    %swap3A_748 = vector.shape_cast %broadcast_in_dim3A_740 : vector<16xf32> to vector<1x1x16xf32>
    tpu.vector_store %arg8[%swap3A_743, %swap3A_744, %swap3A_745], %swap3A_748 {strides = array<i32>} : memref<2x128x144xf32, #tpu.memory_space<vmem>>, vector<1x1x16xf32>,
    %broadcast_in_dim3A_749 = arith.constant 0.000000e+00 : f32
    %broadcast_in_dim3A_750 = vector.broadcast %broadcast_in_dim3A_749 : f32 to vector<16xf32>
    %swap3A_751 = arith.constant 0 : i32
    %swap3A_752 = arith.constant 8 : i32
    %swap3A_753 = arith.index_cast %swap3A_751 : i32 to index
    %swap3A_754 = arith.index_cast %swap3A_752 : i32 to index
    %swap3A_755 = arith.constant 48 : index
    %swap3A_756 = tpu.vector_load %arg8[%swap3A_753, %swap3A_754, %swap3A_755] {strides = array<i32>} : memref<2x128x144xf32, #tpu.memory_space<vmem>>, vector<1x1x16xf32>,
    %swap3A_757 = vector.shape_cast %swap3A_756 : vector<1x1x16xf32> to vector<16xf32>
    %swap3A_758 = vector.shape_cast %broadcast_in_dim3A_750 : vector<16xf32> to vector<1x1x16xf32>
    tpu.vector_store %arg8[%swap3A_753, %swap3A_754, %swap3A_755], %swap3A_758 {strides = array<i32>} : memref<2x128x144xf32, #tpu.memory_space<vmem>>, vector<1x1x16xf32>,
    %broadcast_in_dim3A_759 = arith.constant 0.000000e+00 : f32
    %broadcast_in_dim3A_760 = vector.broadcast %broadcast_in_dim3A_759 : f32 to vector<16xf32>
    %swap3A_761 = arith.constant 0 : i32
    %swap3A_762 = arith.constant 8 : i32
    %swap3A_763 = arith.index_cast %swap3A_761 : i32 to index
    %swap3A_764 = arith.index_cast %swap3A_762 : i32 to index
    %swap3A_765 = arith.constant 64 : index
    %swap3A_766 = tpu.vector_load %arg8[%swap3A_763, %swap3A_764, %swap3A_765] {strides = array<i32>} : memref<2x128x144xf32, #tpu.memory_space<vmem>>, vector<1x1x16xf32>,
    %swap3A_767 = vector.shape_cast %swap3A_766 : vector<1x1x16xf32> to vector<16xf32>
    %swap3A_768 = vector.shape_cast %broadcast_in_dim3A_760 : vector<16xf32> to vector<1x1x16xf32>
    tpu.vector_store %arg8[%swap3A_763, %swap3A_764, %swap3A_765], %swap3A_768 {strides = array<i32>} : memref<2x128x144xf32, #tpu.memory_space<vmem>>, vector<1x1x16xf32>,
    %broadcast_in_dim3A_769 = arith.constant 0.000000e+00 : f32
    %broadcast_in_dim3A_770 = vector.broadcast %broadcast_in_dim3A_769 : f32 to vector<16xf32>
    %swap3A_771 = arith.constant 0 : i32
    %swap3A_772 = arith.constant 8 : i32
    %swap3A_773 = arith.index_cast %swap3A_771 : i32 to index
    %swap3A_774 = arith.index_cast %swap3A_772 : i32 to index
    %swap3A_775 = arith.constant 80 : index
    %swap3A_776 = tpu.vector_load %arg8[%swap3A_773, %swap3A_774, %swap3A_775] {strides = array<i32>} : memref<2x128x144xf32, #tpu.memory_space<vmem>>, vector<1x1x16xf32>,
    %swap3A_777 = vector.shape_cast %swap3A_776 : vector<1x1x16xf32> to vector<16xf32>
    %swap3A_778 = vector.shape_cast %broadcast_in_dim3A_770 : vector<16xf32> to vector<1x1x16xf32>
    tpu.vector_store %arg8[%swap3A_773, %swap3A_774, %swap3A_775], %swap3A_778 {strides = array<i32>} : memref<2x128x144xf32, #tpu.memory_space<vmem>>, vector<1x1x16xf32>,
    %broadcast_in_dim3A_779 = arith.constant 0.000000e+00 : f32
    %broadcast_in_dim3A_780 = vector.broadcast %broadcast_in_dim3A_779 : f32 to vector<16xf32>
    %swap3A_781 = arith.constant 0 : i32
    %swap3A_782 = arith.constant 8 : i32
    %swap3A_783 = arith.index_cast %swap3A_781 : i32 to index
    %swap3A_784 = arith.index_cast %swap3A_782 : i32 to index
    %swap3A_785 = arith.constant 96 : index
    %swap3A_786 = tpu.vector_load %arg8[%swap3A_783, %swap3A_784, %swap3A_785] {strides = array<i32>} : memref<2x128x144xf32, #tpu.memory_space<vmem>>, vector<1x1x16xf32>,
    %swap3A_787 = vector.shape_cast %swap3A_786 : vector<1x1x16xf32> to vector<16xf32>
    %swap3A_788 = vector.shape_cast %broadcast_in_dim3A_780 : vector<16xf32> to vector<1x1x16xf32>
    tpu.vector_store %arg8[%swap3A_783, %swap3A_784, %swap3A_785], %swap3A_788 {strides = array<i32>} : memref<2x128x144xf32, #tpu.memory_space<vmem>>, vector<1x1x16xf32>,
    %broadcast_in_dim3A_789 = arith.constant 0.000000e+00 : f32
    %broadcast_in_dim3A_790 = vector.broadcast %broadcast_in_dim3A_789 : f32 to vector<16xf32>
    %swap3A_791 = arith.constant 0 : i32
    %swap3A_792 = arith.constant 8 : i32
    %swap3A_793 = arith.index_cast %swap3A_791 : i32 to index
    %swap3A_794 = arith.index_cast %swap3A_792 : i32 to index
    %swap3A_795 = arith.constant 112 : index
    %swap3A_796 = tpu.vector_load %arg8[%swap3A_793, %swap3A_794, %swap3A_795] {strides = array<i32>} : memref<2x128x144xf32, #tpu.memory_space<vmem>>, vector<1x1x16xf32>,
    %swap3A_797 = vector.shape_cast %swap3A_796 : vector<1x1x16xf32> to vector<16xf32>
    %swap3A_798 = vector.shape_cast %broadcast_in_dim3A_790 : vector<16xf32> to vector<1x1x16xf32>
    tpu.vector_store %arg8[%swap3A_793, %swap3A_794, %swap3A_795], %swap3A_798 {strides = array<i32>} : memref<2x128x144xf32, #tpu.memory_space<vmem>>, vector<1x1x16xf32>,
    %broadcast_in_dim3A_799 = arith.constant 0.000000e+00 : f32
    %broadcast_in_dim3A_800 = vector.broadcast %broadcast_in_dim3A_799 : f32 to vector<16xf32>
    %swap3A_801 = arith.constant 0 : i32
    %swap3A_802 = arith.constant 8 : i32
    %swap3A_803 = arith.index_cast %swap3A_801 : i32 to index
    %swap3A_804 = arith.index_cast %swap3A_802 : i32 to index
    %swap3A_805 = arith.constant 128 : index
    %swap3A_806 = tpu.vector_load %arg8[%swap3A_803, %swap3A_804, %swap3A_805] {strides = array<i32>} : memref<2x128x144xf32, #tpu.memory_space<vmem>>, vector<1x1x16xf32>,
    %swap3A_807 = vector.shape_cast %swap3A_806 : vector<1x1x16xf32> to vector<16xf32>
    %swap3A_808 = vector.shape_cast %broadcast_in_dim3A_800 : vector<16xf32> to vector<1x1x16xf32>
    tpu.vector_store %arg8[%swap3A_803, %swap3A_804, %swap3A_805], %swap3A_808 {strides = array<i32>} : memref<2x128x144xf32, #tpu.memory_space<vmem>>, vector<1x1x16xf32>,
    %broadcast_in_dim3A_809 = arith.constant 0.000000e+00 : f32
    %broadcast_in_dim3A_810 = vector.broadcast %broadcast_in_dim3A_809 : f32 to vector<16xf32>
    %swap3A_811 = arith.constant 0 : i32
    %swap3A_812 = arith.constant 9 : i32
    %swap3A_813 = arith.index_cast %swap3A_811 : i32 to index
    %swap3A_814 = arith.index_cast %swap3A_812 : i32 to index
    %swap3A_815 = arith.constant 0 : index
    %swap3A_816 = tpu.vector_load %arg8[%swap3A_813, %swap3A_814, %swap3A_815] {strides = array<i32>} : memref<2x128x144xf32, #tpu.memory_space<vmem>>, vector<1x1x16xf32>,
    %swap3A_817 = vector.shape_cast %swap3A_816 : vector<1x1x16xf32> to vector<16xf32>
    %swap3A_818 = vector.shape_cast %broadcast_in_dim3A_810 : vector<16xf32> to vector<1x1x16xf32>
    tpu.vector_store %arg8[%swap3A_813, %swap3A_814, %swap3A_815], %swap3A_818 {strides = array<i32>} : memref<2x128x144xf32, #tpu.memory_space<vmem>>, vector<1x1x16xf32>,
    %broadcast_in_dim3A_819 = arith.constant 0.000000e+00 : f32
    %broadcast_in_dim3A_820 = vector.broadcast %broadcast_in_dim3A_819 : f32 to vector<16xf32>
    %swap3A_821 = arith.constant 0 : i32
    %swap3A_822 = arith.constant 9 : i32
    %swap3A_823 = arith.index_cast %swap3A_821 : i32 to index
    %swap3A_824 = arith.index_cast %swap3A_822 : i32 to index
    %swap3A_825 = arith.constant 16 : index
    %swap3A_826 = tpu.vector_load %arg8[%swap3A_823, %swap3A_824, %swap3A_825] {strides = array<i32>} : memref<2x128x144xf32, #tpu.memory_space<vmem>>, vector<1x1x16xf32>,
    %swap3A_827 = vector.shape_cast %swap3A_826 : vector<1x1x16xf32> to vector<16xf32>
    %swap3A_828 = vector.shape_cast %broadcast_in_dim3A_820 : vector<16xf32> to vector<1x1x16xf32>
    tpu.vector_store %arg8[%swap3A_823, %swap3A_824, %swap3A_825], %swap3A_828 {strides = array<i32>} : memref<2x128x144xf32, #tpu.memory_space<vmem>>, vector<1x1x16xf32>,
    %broadcast_in_dim3A_829 = arith.constant 0.000000e+00 : f32
    %broadcast_in_dim3A_830 = vector.broadcast %broadcast_in_dim3A_829 : f32 to vector<16xf32>
    %swap3A_831 = arith.constant 0 : i32
    %swap3A_832 = arith.constant 9 : i32
    %swap3A_833 = arith.index_cast %swap3A_831 : i32 to index
    %swap3A_834 = arith.index_cast %swap3A_832 : i32 to index
    %swap3A_835 = arith.constant 32 : index
    %swap3A_836 = tpu.vector_load %arg8[%swap3A_833, %swap3A_834, %swap3A_835] {strides = array<i32>} : memref<2x128x144xf32, #tpu.memory_space<vmem>>, vector<1x1x16xf32>,
    %swap3A_837 = vector.shape_cast %swap3A_836 : vector<1x1x16xf32> to vector<16xf32>
    %swap3A_838 = vector.shape_cast %broadcast_in_dim3A_830 : vector<16xf32> to vector<1x1x16xf32>
    tpu.vector_store %arg8[%swap3A_833, %swap3A_834, %swap3A_835], %swap3A_838 {strides = array<i32>} : memref<2x128x144xf32, #tpu.memory_space<vmem>>, vector<1x1x16xf32>,
    %broadcast_in_dim3A_839 = arith.constant 0.000000e+00 : f32
    %broadcast_in_dim3A_840 = vector.broadcast %broadcast_in_dim3A_839 : f32 to vector<16xf32>
    %swap3A_841 = arith.constant 0 : i32
    %swap3A_842 = arith.constant 9 : i32
    %swap3A_843 = arith.index_cast %swap3A_841 : i32 to index
    %swap3A_844 = arith.index_cast %swap3A_842 : i32 to index
    %swap3A_845 = arith.constant 48 : index
    %swap3A_846 = tpu.vector_load %arg8[%swap3A_843, %swap3A_844, %swap3A_845] {strides = array<i32>} : memref<2x128x144xf32, #tpu.memory_space<vmem>>, vector<1x1x16xf32>,
    %swap3A_847 = vector.shape_cast %swap3A_846 : vector<1x1x16xf32> to vector<16xf32>
    %swap3A_848 = vector.shape_cast %broadcast_in_dim3A_840 : vector<16xf32> to vector<1x1x16xf32>
    tpu.vector_store %arg8[%swap3A_843, %swap3A_844, %swap3A_845], %swap3A_848 {strides = array<i32>} : memref<2x128x144xf32, #tpu.memory_space<vmem>>, vector<1x1x16xf32>,
    %broadcast_in_dim3A_849 = arith.constant 0.000000e+00 : f32
    %broadcast_in_dim3A_850 = vector.broadcast %broadcast_in_dim3A_849 : f32 to vector<16xf32>
    %swap3A_851 = arith.constant 0 : i32
    %swap3A_852 = arith.constant 9 : i32
    %swap3A_853 = arith.index_cast %swap3A_851 : i32 to index
    %swap3A_854 = arith.index_cast %swap3A_852 : i32 to index
    %swap3A_855 = arith.constant 64 : index
    %swap3A_856 = tpu.vector_load %arg8[%swap3A_853, %swap3A_854, %swap3A_855] {strides = array<i32>} : memref<2x128x144xf32, #tpu.memory_space<vmem>>, vector<1x1x16xf32>,
    %swap3A_857 = vector.shape_cast %swap3A_856 : vector<1x1x16xf32> to vector<16xf32>
    %swap3A_858 = vector.shape_cast %broadcast_in_dim3A_850 : vector<16xf32> to vector<1x1x16xf32>
    tpu.vector_store %arg8[%swap3A_853, %swap3A_854, %swap3A_855], %swap3A_858 {strides = array<i32>} : memref<2x128x144xf32, #tpu.memory_space<vmem>>, vector<1x1x16xf32>,
    %broadcast_in_dim3A_859 = arith.constant 0.000000e+00 : f32
    %broadcast_in_dim3A_860 = vector.broadcast %broadcast_in_dim3A_859 : f32 to vector<16xf32>
    %swap3A_861 = arith.constant 0 : i32
    %swap3A_862 = arith.constant 9 : i32
    %swap3A_863 = arith.index_cast %swap3A_861 : i32 to index
    %swap3A_864 = arith.index_cast %swap3A_862 : i32 to index
    %swap3A_865 = arith.constant 80 : index
    %swap3A_866 = tpu.vector_load %arg8[%swap3A_863, %swap3A_864, %swap3A_865] {strides = array<i32>} : memref<2x128x144xf32, #tpu.memory_space<vmem>>, vector<1x1x16xf32>,
    %swap3A_867 = vector.shape_cast %swap3A_866 : vector<1x1x16xf32> to vector<16xf32>
    %swap3A_868 = vector.shape_cast %broadcast_in_dim3A_860 : vector<16xf32> to vector<1x1x16xf32>
    tpu.vector_store %arg8[%swap3A_863, %swap3A_864, %swap3A_865], %swap3A_868 {strides = array<i32>} : memref<2x128x144xf32, #tpu.memory_space<vmem>>, vector<1x1x16xf32>,
    %broadcast_in_dim3A_869 = arith.constant 0.000000e+00 : f32
    %broadcast_in_dim3A_870 = vector.broadcast %broadcast_in_dim3A_869 : f32 to vector<16xf32>
    %swap3A_871 = arith.constant 0 : i32
    %swap3A_872 = arith.constant 9 : i32
    %swap3A_873 = arith.index_cast %swap3A_871 : i32 to index
    %swap3A_874 = arith.index_cast %swap3A_872 : i32 to index
    %swap3A_875 = arith.constant 96 : index
    %swap3A_876 = tpu.vector_load %arg8[%swap3A_873, %swap3A_874, %swap3A_875] {strides = array<i32>} : memref<2x128x144xf32, #tpu.memory_space<vmem>>, vector<1x1x16xf32>,
    %swap3A_877 = vector.shape_cast %swap3A_876 : vector<1x1x16xf32> to vector<16xf32>
    %swap3A_878 = vector.shape_cast %broadcast_in_dim3A_870 : vector<16xf32> to vector<1x1x16xf32>
    tpu.vector_store %arg8[%swap3A_873, %swap3A_874, %swap3A_875], %swap3A_878 {strides = array<i32>} : memref<2x128x144xf32, #tpu.memory_space<vmem>>, vector<1x1x16xf32>,
    %broadcast_in_dim3A_879 = arith.constant 0.000000e+00 : f32
    %broadcast_in_dim3A_880 = vector.broadcast %broadcast_in_dim3A_879 : f32 to vector<16xf32>
    %swap3A_881 = arith.constant 0 : i32
    %swap3A_882 = arith.constant 9 : i32
    %swap3A_883 = arith.index_cast %swap3A_881 : i32 to index
    %swap3A_884 = arith.index_cast %swap3A_882 : i32 to index
    %swap3A_885 = arith.constant 112 : index
    %swap3A_886 = tpu.vector_load %arg8[%swap3A_883, %swap3A_884, %swap3A_885] {strides = array<i32>} : memref<2x128x144xf32, #tpu.memory_space<vmem>>, vector<1x1x16xf32>,
    %swap3A_887 = vector.shape_cast %swap3A_886 : vector<1x1x16xf32> to vector<16xf32>
    %swap3A_888 = vector.shape_cast %broadcast_in_dim3A_880 : vector<16xf32> to vector<1x1x16xf32>
    tpu.vector_store %arg8[%swap3A_883, %swap3A_884, %swap3A_885], %swap3A_888 {strides = array<i32>} : memref<2x128x144xf32, #tpu.memory_space<vmem>>, vector<1x1x16xf32>,
    %broadcast_in_dim3A_889 = arith.constant 0.000000e+00 : f32
    %broadcast_in_dim3A_890 = vector.broadcast %broadcast_in_dim3A_889 : f32 to vector<16xf32>
    %swap3A_891 = arith.constant 0 : i32
    %swap3A_892 = arith.constant 9 : i32
    %swap3A_893 = arith.index_cast %swap3A_891 : i32 to index
    %swap3A_894 = arith.index_cast %swap3A_892 : i32 to index
    %swap3A_895 = arith.constant 128 : index
    %swap3A_896 = tpu.vector_load %arg8[%swap3A_893, %swap3A_894, %swap3A_895] {strides = array<i32>} : memref<2x128x144xf32, #tpu.memory_space<vmem>>, vector<1x1x16xf32>,
    %swap3A_897 = vector.shape_cast %swap3A_896 : vector<1x1x16xf32> to vector<16xf32>
    %swap3A_898 = vector.shape_cast %broadcast_in_dim3A_890 : vector<16xf32> to vector<1x1x16xf32>
    tpu.vector_store %arg8[%swap3A_893, %swap3A_894, %swap3A_895], %swap3A_898 {strides = array<i32>} : memref<2x128x144xf32, #tpu.memory_space<vmem>>, vector<1x1x16xf32>,
    %broadcast_in_dim3A_899 = arith.constant 0.000000e+00 : f32
    %broadcast_in_dim3A_900 = vector.broadcast %broadcast_in_dim3A_899 : f32 to vector<16xf32>
    %swap3A_901 = arith.constant 0 : i32
    %swap3A_902 = arith.constant 10 : i32
    %swap3A_903 = arith.index_cast %swap3A_901 : i32 to index
    %swap3A_904 = arith.index_cast %swap3A_902 : i32 to index
    %swap3A_905 = arith.constant 0 : index
    %swap3A_906 = tpu.vector_load %arg8[%swap3A_903, %swap3A_904, %swap3A_905] {strides = array<i32>} : memref<2x128x144xf32, #tpu.memory_space<vmem>>, vector<1x1x16xf32>,
    %swap3A_907 = vector.shape_cast %swap3A_906 : vector<1x1x16xf32> to vector<16xf32>
    %swap3A_908 = vector.shape_cast %broadcast_in_dim3A_900 : vector<16xf32> to vector<1x1x16xf32>
    tpu.vector_store %arg8[%swap3A_903, %swap3A_904, %swap3A_905], %swap3A_908 {strides = array<i32>} : memref<2x128x144xf32, #tpu.memory_space<vmem>>, vector<1x1x16xf32>,
    %broadcast_in_dim3A_909 = arith.constant 0.000000e+00 : f32
    %broadcast_in_dim3A_910 = vector.broadcast %broadcast_in_dim3A_909 : f32 to vector<16xf32>
    %swap3A_911 = arith.constant 0 : i32
    %swap3A_912 = arith.constant 10 : i32
    %swap3A_913 = arith.index_cast %swap3A_911 : i32 to index
    %swap3A_914 = arith.index_cast %swap3A_912 : i32 to index
    %swap3A_915 = arith.constant 16 : index
    %swap3A_916 = tpu.vector_load %arg8[%swap3A_913, %swap3A_914, %swap3A_915] {strides = array<i32>} : memref<2x128x144xf32, #tpu.memory_space<vmem>>, vector<1x1x16xf32>,
    %swap3A_917 = vector.shape_cast %swap3A_916 : vector<1x1x16xf32> to vector<16xf32>
    %swap3A_918 = vector.shape_cast %broadcast_in_dim3A_910 : vector<16xf32> to vector<1x1x16xf32>
    tpu.vector_store %arg8[%swap3A_913, %swap3A_914, %swap3A_915], %swap3A_918 {strides = array<i32>} : memref<2x128x144xf32, #tpu.memory_space<vmem>>, vector<1x1x16xf32>,
    %broadcast_in_dim3A_919 = arith.constant 0.000000e+00 : f32
    %broadcast_in_dim3A_920 = vector.broadcast %broadcast_in_dim3A_919 : f32 to vector<16xf32>
    %swap3A_921 = arith.constant 0 : i32
    %swap3A_922 = arith.constant 10 : i32
    %swap3A_923 = arith.index_cast %swap3A_921 : i32 to index
    %swap3A_924 = arith.index_cast %swap3A_922 : i32 to index
    %swap3A_925 = arith.constant 32 : index
    %swap3A_926 = tpu.vector_load %arg8[%swap3A_923, %swap3A_924, %swap3A_925] {strides = array<i32>} : memref<2x128x144xf32, #tpu.memory_space<vmem>>, vector<1x1x16xf32>,
    %swap3A_927 = vector.shape_cast %swap3A_926 : vector<1x1x16xf32> to vector<16xf32>
    %swap3A_928 = vector.shape_cast %broadcast_in_dim3A_920 : vector<16xf32> to vector<1x1x16xf32>
    tpu.vector_store %arg8[%swap3A_923, %swap3A_924, %swap3A_925], %swap3A_928 {strides = array<i32>} : memref<2x128x144xf32, #tpu.memory_space<vmem>>, vector<1x1x16xf32>,
    %broadcast_in_dim3A_929 = arith.constant 0.000000e+00 : f32
    %broadcast_in_dim3A_930 = vector.broadcast %broadcast_in_dim3A_929 : f32 to vector<16xf32>
    %swap3A_931 = arith.constant 0 : i32
    %swap3A_932 = arith.constant 10 : i32
    %swap3A_933 = arith.index_cast %swap3A_931 : i32 to index
    %swap3A_934 = arith.index_cast %swap3A_932 : i32 to index
    %swap3A_935 = arith.constant 48 : index
    %swap3A_936 = tpu.vector_load %arg8[%swap3A_933, %swap3A_934, %swap3A_935] {strides = array<i32>} : memref<2x128x144xf32, #tpu.memory_space<vmem>>, vector<1x1x16xf32>,
    %swap3A_937 = vector.shape_cast %swap3A_936 : vector<1x1x16xf32> to vector<16xf32>
    %swap3A_938 = vector.shape_cast %broadcast_in_dim3A_930 : vector<16xf32> to vector<1x1x16xf32>
    tpu.vector_store %arg8[%swap3A_933, %swap3A_934, %swap3A_935], %swap3A_938 {strides = array<i32>} : memref<2x128x144xf32, #tpu.memory_space<vmem>>, vector<1x1x16xf32>,
    %broadcast_in_dim3A_939 = arith.constant 0.000000e+00 : f32
    %broadcast_in_dim3A_940 = vector.broadcast %broadcast_in_dim3A_939 : f32 to vector<16xf32>
    %swap3A_941 = arith.constant 0 : i32
    %swap3A_942 = arith.constant 10 : i32
    %swap3A_943 = arith.index_cast %swap3A_941 : i32 to index
    %swap3A_944 = arith.index_cast %swap3A_942 : i32 to index
    %swap3A_945 = arith.constant 64 : index
    %swap3A_946 = tpu.vector_load %arg8[%swap3A_943, %swap3A_944, %swap3A_945] {strides = array<i32>} : memref<2x128x144xf32, #tpu.memory_space<vmem>>, vector<1x1x16xf32>,
    %swap3A_947 = vector.shape_cast %swap3A_946 : vector<1x1x16xf32> to vector<16xf32>
    %swap3A_948 = vector.shape_cast %broadcast_in_dim3A_940 : vector<16xf32> to vector<1x1x16xf32>
    tpu.vector_store %arg8[%swap3A_943, %swap3A_944, %swap3A_945], %swap3A_948 {strides = array<i32>} : memref<2x128x144xf32, #tpu.memory_space<vmem>>, vector<1x1x16xf32>,
    %broadcast_in_dim3A_949 = arith.constant 0.000000e+00 : f32
    %broadcast_in_dim3A_950 = vector.broadcast %broadcast_in_dim3A_949 : f32 to vector<16xf32>
    %swap3A_951 = arith.constant 0 : i32
    %swap3A_952 = arith.constant 10 : i32
    %swap3A_953 = arith.index_cast %swap3A_951 : i32 to index
    %swap3A_954 = arith.index_cast %swap3A_952 : i32 to index
    %swap3A_955 = arith.constant 80 : index
    %swap3A_956 = tpu.vector_load %arg8[%swap3A_953, %swap3A_954, %swap3A_955] {strides = array<i32>} : memref<2x128x144xf32, #tpu.memory_space<vmem>>, vector<1x1x16xf32>,
    %swap3A_957 = vector.shape_cast %swap3A_956 : vector<1x1x16xf32> to vector<16xf32>
    %swap3A_958 = vector.shape_cast %broadcast_in_dim3A_950 : vector<16xf32> to vector<1x1x16xf32>
    tpu.vector_store %arg8[%swap3A_953, %swap3A_954, %swap3A_955], %swap3A_958 {strides = array<i32>} : memref<2x128x144xf32, #tpu.memory_space<vmem>>, vector<1x1x16xf32>,
    %broadcast_in_dim3A_959 = arith.constant 0.000000e+00 : f32
    %broadcast_in_dim3A_960 = vector.broadcast %broadcast_in_dim3A_959 : f32 to vector<16xf32>
    %swap3A_961 = arith.constant 0 : i32
    %swap3A_962 = arith.constant 10 : i32
    %swap3A_963 = arith.index_cast %swap3A_961 : i32 to index
    %swap3A_964 = arith.index_cast %swap3A_962 : i32 to index
    %swap3A_965 = arith.constant 96 : index
    %swap3A_966 = tpu.vector_load %arg8[%swap3A_963, %swap3A_964, %swap3A_965] {strides = array<i32>} : memref<2x128x144xf32, #tpu.memory_space<vmem>>, vector<1x1x16xf32>,
    %swap3A_967 = vector.shape_cast %swap3A_966 : vector<1x1x16xf32> to vector<16xf32>
    %swap3A_968 = vector.shape_cast %broadcast_in_dim3A_960 : vector<16xf32> to vector<1x1x16xf32>
    tpu.vector_store %arg8[%swap3A_963, %swap3A_964, %swap3A_965], %swap3A_968 {strides = array<i32>} : memref<2x128x144xf32, #tpu.memory_space<vmem>>, vector<1x1x16xf32>,
    %broadcast_in_dim3A_969 = arith.constant 0.000000e+00 : f32
    %broadcast_in_dim3A_970 = vector.broadcast %broadcast_in_dim3A_969 : f32 to vector<16xf32>
    %swap3A_971 = arith.constant 0 : i32
    %swap3A_972 = arith.constant 10 : i32
    %swap3A_973 = arith.index_cast %swap3A_971 : i32 to index
    %swap3A_974 = arith.index_cast %swap3A_972 : i32 to index
    %swap3A_975 = arith.constant 112 : index
    %swap3A_976 = tpu.vector_load %arg8[%swap3A_973, %swap3A_974, %swap3A_975] {strides = array<i32>} : memref<2x128x144xf32, #tpu.memory_space<vmem>>, vector<1x1x16xf32>,
    %swap3A_977 = vector.shape_cast %swap3A_976 : vector<1x1x16xf32> to vector<16xf32>
    %swap3A_978 = vector.shape_cast %broadcast_in_dim3A_970 : vector<16xf32> to vector<1x1x16xf32>
    tpu.vector_store %arg8[%swap3A_973, %swap3A_974, %swap3A_975], %swap3A_978 {strides = array<i32>} : memref<2x128x144xf32, #tpu.memory_space<vmem>>, vector<1x1x16xf32>,
    %broadcast_in_dim3A_979 = arith.constant 0.000000e+00 : f32
    %broadcast_in_dim3A_980 = vector.broadcast %broadcast_in_dim3A_979 : f32 to vector<16xf32>
    %swap3A_981 = arith.constant 0 : i32
    %swap3A_982 = arith.constant 10 : i32
    %swap3A_983 = arith.index_cast %swap3A_981 : i32 to index
    %swap3A_984 = arith.index_cast %swap3A_982 : i32 to index
    %swap3A_985 = arith.constant 128 : index
    %swap3A_986 = tpu.vector_load %arg8[%swap3A_983, %swap3A_984, %swap3A_985] {strides = array<i32>} : memref<2x128x144xf32, #tpu.memory_space<vmem>>, vector<1x1x16xf32>,
    %swap3A_987 = vector.shape_cast %swap3A_986 : vector<1x1x16xf32> to vector<16xf32>
    %swap3A_988 = vector.shape_cast %broadcast_in_dim3A_980 : vector<16xf32> to vector<1x1x16xf32>
    tpu.vector_store %arg8[%swap3A_983, %swap3A_984, %swap3A_985], %swap3A_988 {strides = array<i32>} : memref<2x128x144xf32, #tpu.memory_space<vmem>>, vector<1x1x16xf32>,
    %broadcast_in_dim3A_989 = arith.constant 0.000000e+00 : f32
    %broadcast_in_dim3A_990 = vector.broadcast %broadcast_in_dim3A_989 : f32 to vector<16xf32>
    %swap3A_991 = arith.constant 0 : i32
    %swap3A_992 = arith.constant 11 : i32
    %swap3A_993 = arith.index_cast %swap3A_991 : i32 to index
    %swap3A_994 = arith.index_cast %swap3A_992 : i32 to index
    %swap3A_995 = arith.constant 0 : index
    %swap3A_996 = tpu.vector_load %arg8[%swap3A_993, %swap3A_994, %swap3A_995] {strides = array<i32>} : memref<2x128x144xf32, #tpu.memory_space<vmem>>, vector<1x1x16xf32>,
    %swap3A_997 = vector.shape_cast %swap3A_996 : vector<1x1x16xf32> to vector<16xf32>
    %swap3A_998 = vector.shape_cast %broadcast_in_dim3A_990 : vector<16xf32> to vector<1x1x16xf32>
    tpu.vector_store %arg8[%swap3A_993, %swap3A_994, %swap3A_995], %swap3A_998 {strides = array<i32>} : memref<2x128x144xf32, #tpu.memory_space<vmem>>, vector<1x1x16xf32>,
    %broadcast_in_dim3A_999 = arith.constant 0.000000e+00 : f32
    %broadcast_in_dim3A_1000 = vector.broadcast %broadcast_in_dim3A_999 : f32 to vector<16xf32>
    %swap3A_1001 = arith.constant 0 : i32
    %swap3A_1002 = arith.constant 11 : i32
    %swap3A_1003 = arith.index_cast %swap3A_1001 : i32 to index
    %swap3A_1004 = arith.index_cast %swap3A_1002 : i32 to index
    %swap3A_1005 = arith.constant 16 : index
    %swap3A_1006 = tpu.vector_load %arg8[%swap3A_1003, %swap3A_1004, %swap3A_1005] {strides = array<i32>} : memref<2x128x144xf32, #tpu.memory_space<vmem>>, vector<1x1x16xf32>,
    %swap3A_1007 = vector.shape_cast %swap3A_1006 : vector<1x1x16xf32> to vector<16xf32>
    %swap3A_1008 = vector.shape_cast %broadcast_in_dim3A_1000 : vector<16xf32> to vector<1x1x16xf32>
    tpu.vector_store %arg8[%swap3A_1003, %swap3A_1004, %swap3A_1005], %swap3A_1008 {strides = array<i32>} : memref<2x128x144xf32, #tpu.memory_space<vmem>>, vector<1x1x16xf32>,
    %broadcast_in_dim3A_1009 = arith.constant 0.000000e+00 : f32
    %broadcast_in_dim3A_1010 = vector.broadcast %broadcast_in_dim3A_1009 : f32 to vector<16xf32>
    %swap3A_1011 = arith.constant 0 : i32
    %swap3A_1012 = arith.constant 11 : i32
    %swap3A_1013 = arith.index_cast %swap3A_1011 : i32 to index
    %swap3A_1014 = arith.index_cast %swap3A_1012 : i32 to index
    %swap3A_1015 = arith.constant 32 : index
    %swap3A_1016 = tpu.vector_load %arg8[%swap3A_1013, %swap3A_1014, %swap3A_1015] {strides = array<i32>} : memref<2x128x144xf32, #tpu.memory_space<vmem>>, vector<1x1x16xf32>,
    %swap3A_1017 = vector.shape_cast %swap3A_1016 : vector<1x1x16xf32> to vector<16xf32>
    %swap3A_1018 = vector.shape_cast %broadcast_in_dim3A_1010 : vector<16xf32> to vector<1x1x16xf32>
    tpu.vector_store %arg8[%swap3A_1013, %swap3A_1014, %swap3A_1015], %swap3A_1018 {strides = array<i32>} : memref<2x128x144xf32, #tpu.memory_space<vmem>>, vector<1x1x16xf32>,
    %broadcast_in_dim3A_1019 = arith.constant 0.000000e+00 : f32
    %broadcast_in_dim3A_1020 = vector.broadcast %broadcast_in_dim3A_1019 : f32 to vector<16xf32>
    %swap3A_1021 = arith.constant 0 : i32
    %swap3A_1022 = arith.constant 11 : i32
    %swap3A_1023 = arith.index_cast %swap3A_1021 : i32 to index
    %swap3A_1024 = arith.index_cast %swap3A_1022 : i32 to index
    %swap3A_1025 = arith.constant 48 : index
    %swap3A_1026 = tpu.vector_load %arg8[%swap3A_1023, %swap3A_1024, %swap3A_1025] {strides = array<i32>} : memref<2x128x144xf32, #tpu.memory_space<vmem>>, vector<1x1x16xf32>,
    %swap3A_1027 = vector.shape_cast %swap3A_1026 : vector<1x1x16xf32> to vector<16xf32>
    %swap3A_1028 = vector.shape_cast %broadcast_in_dim3A_1020 : vector<16xf32> to vector<1x1x16xf32>
    tpu.vector_store %arg8[%swap3A_1023, %swap3A_1024, %swap3A_1025], %swap3A_1028 {strides = array<i32>} : memref<2x128x144xf32, #tpu.memory_space<vmem>>, vector<1x1x16xf32>,
    %broadcast_in_dim3A_1029 = arith.constant 0.000000e+00 : f32
    %broadcast_in_dim3A_1030 = vector.broadcast %broadcast_in_dim3A_1029 : f32 to vector<16xf32>
    %swap3A_1031 = arith.constant 0 : i32
    %swap3A_1032 = arith.constant 11 : i32
    %swap3A_1033 = arith.index_cast %swap3A_1031 : i32 to index
    %swap3A_1034 = arith.index_cast %swap3A_1032 : i32 to index
    %swap3A_1035 = arith.constant 64 : index
    %swap3A_1036 = tpu.vector_load %arg8[%swap3A_1033, %swap3A_1034, %swap3A_1035] {strides = array<i32>} : memref<2x128x144xf32, #tpu.memory_space<vmem>>, vector<1x1x16xf32>,
    %swap3A_1037 = vector.shape_cast %swap3A_1036 : vector<1x1x16xf32> to vector<16xf32>
    %swap3A_1038 = vector.shape_cast %broadcast_in_dim3A_1030 : vector<16xf32> to vector<1x1x16xf32>
    tpu.vector_store %arg8[%swap3A_1033, %swap3A_1034, %swap3A_1035], %swap3A_1038 {strides = array<i32>} : memref<2x128x144xf32, #tpu.memory_space<vmem>>, vector<1x1x16xf32>,
    %broadcast_in_dim3A_1039 = arith.constant 0.000000e+00 : f32
    %broadcast_in_dim3A_1040 = vector.broadcast %broadcast_in_dim3A_1039 : f32 to vector<16xf32>
    %swap3A_1041 = arith.constant 0 : i32
    %swap3A_1042 = arith.constant 11 : i32
    %swap3A_1043 = arith.index_cast %swap3A_1041 : i32 to index
    %swap3A_1044 = arith.index_cast %swap3A_1042 : i32 to index
    %swap3A_1045 = arith.constant 80 : index
    %swap3A_1046 = tpu.vector_load %arg8[%swap3A_1043, %swap3A_1044, %swap3A_1045] {strides = array<i32>} : memref<2x128x144xf32, #tpu.memory_space<vmem>>, vector<1x1x16xf32>,
    %swap3A_1047 = vector.shape_cast %swap3A_1046 : vector<1x1x16xf32> to vector<16xf32>
    %swap3A_1048 = vector.shape_cast %broadcast_in_dim3A_1040 : vector<16xf32> to vector<1x1x16xf32>
    tpu.vector_store %arg8[%swap3A_1043, %swap3A_1044, %swap3A_1045], %swap3A_1048 {strides = array<i32>} : memref<2x128x144xf32, #tpu.memory_space<vmem>>, vector<1x1x16xf32>,
    %broadcast_in_dim3A_1049 = arith.constant 0.000000e+00 : f32
    %broadcast_in_dim3A_1050 = vector.broadcast %broadcast_in_dim3A_1049 : f32 to vector<16xf32>
    %swap3A_1051 = arith.constant 0 : i32
    %swap3A_1052 = arith.constant 11 : i32
    %swap3A_1053 = arith.index_cast %swap3A_1051 : i32 to index
    %swap3A_1054 = arith.index_cast %swap3A_1052 : i32 to index
    %swap3A_1055 = arith.constant 96 : index
    %swap3A_1056 = tpu.vector_load %arg8[%swap3A_1053, %swap3A_1054, %swap3A_1055] {strides = array<i32>} : memref<2x128x144xf32, #tpu.memory_space<vmem>>, vector<1x1x16xf32>,
    %swap3A_1057 = vector.shape_cast %swap3A_1056 : vector<1x1x16xf32> to vector<16xf32>
    %swap3A_1058 = vector.shape_cast %broadcast_in_dim3A_1050 : vector<16xf32> to vector<1x1x16xf32>
    tpu.vector_store %arg8[%swap3A_1053, %swap3A_1054, %swap3A_1055], %swap3A_1058 {strides = array<i32>} : memref<2x128x144xf32, #tpu.memory_space<vmem>>, vector<1x1x16xf32>,
    %broadcast_in_dim3A_1059 = arith.constant 0.000000e+00 : f32
    %broadcast_in_dim3A_1060 = vector.broadcast %broadcast_in_dim3A_1059 : f32 to vector<16xf32>
    %swap3A_1061 = arith.constant 0 : i32
    %swap3A_1062 = arith.constant 11 : i32
    %swap3A_1063 = arith.index_cast %swap3A_1061 : i32 to index
    %swap3A_1064 = arith.index_cast %swap3A_1062 : i32 to index
    %swap3A_1065 = arith.constant 112 : index
    %swap3A_1066 = tpu.vector_load %arg8[%swap3A_1063, %swap3A_1064, %swap3A_1065] {strides = array<i32>} : memref<2x128x144xf32, #tpu.memory_space<vmem>>, vector<1x1x16xf32>,
    %swap3A_1067 = vector.shape_cast %swap3A_1066 : vector<1x1x16xf32> to vector<16xf32>
    %swap3A_1068 = vector.shape_cast %broadcast_in_dim3A_1060 : vector<16xf32> to vector<1x1x16xf32>
    tpu.vector_store %arg8[%swap3A_1063, %swap3A_1064, %swap3A_1065], %swap3A_1068 {strides = array<i32>} : memref<2x128x144xf32, #tpu.memory_space<vmem>>, vector<1x1x16xf32>,
    %broadcast_in_dim3A_1069 = arith.constant 0.000000e+00 : f32
    %broadcast_in_dim3A_1070 = vector.broadcast %broadcast_in_dim3A_1069 : f32 to vector<16xf32>
    %swap3A_1071 = arith.constant 0 : i32
    %swap3A_1072 = arith.constant 11 : i32
    %swap3A_1073 = arith.index_cast %swap3A_1071 : i32 to index
    %swap3A_1074 = arith.index_cast %swap3A_1072 : i32 to index
    %swap3A_1075 = arith.constant 128 : index
    %swap3A_1076 = tpu.vector_load %arg8[%swap3A_1073, %swap3A_1074, %swap3A_1075] {strides = array<i32>} : memref<2x128x144xf32, #tpu.memory_space<vmem>>, vector<1x1x16xf32>,
    %swap3A_1077 = vector.shape_cast %swap3A_1076 : vector<1x1x16xf32> to vector<16xf32>
    %swap3A_1078 = vector.shape_cast %broadcast_in_dim3A_1070 : vector<16xf32> to vector<1x1x16xf32>
    tpu.vector_store %arg8[%swap3A_1073, %swap3A_1074, %swap3A_1075], %swap3A_1078 {strides = array<i32>} : memref<2x128x144xf32, #tpu.memory_space<vmem>>, vector<1x1x16xf32>,
    %broadcast_in_dim3A_1079 = arith.constant 0.000000e+00 : f32
    %broadcast_in_dim3A_1080 = vector.broadcast %broadcast_in_dim3A_1079 : f32 to vector<16xf32>
    %swap3A_1081 = arith.constant 0 : i32
    %swap3A_1082 = arith.constant 12 : i32
    %swap3A_1083 = arith.index_cast %swap3A_1081 : i32 to index
    %swap3A_1084 = arith.index_cast %swap3A_1082 : i32 to index
    %swap3A_1085 = arith.constant 0 : index
    %swap3A_1086 = tpu.vector_load %arg8[%swap3A_1083, %swap3A_1084, %swap3A_1085] {strides = array<i32>} : memref<2x128x144xf32, #tpu.memory_space<vmem>>, vector<1x1x16xf32>,
    %swap3A_1087 = vector.shape_cast %swap3A_1086 : vector<1x1x16xf32> to vector<16xf32>
    %swap3A_1088 = vector.shape_cast %broadcast_in_dim3A_1080 : vector<16xf32> to vector<1x1x16xf32>
    tpu.vector_store %arg8[%swap3A_1083, %swap3A_1084, %swap3A_1085], %swap3A_1088 {strides = array<i32>} : memref<2x128x144xf32, #tpu.memory_space<vmem>>, vector<1x1x16xf32>,
    %broadcast_in_dim3A_1089 = arith.constant 0.000000e+00 : f32
    %broadcast_in_dim3A_1090 = vector.broadcast %broadcast_in_dim3A_1089 : f32 to vector<16xf32>
    %swap3A_1091 = arith.constant 0 : i32
    %swap3A_1092 = arith.constant 12 : i32
    %swap3A_1093 = arith.index_cast %swap3A_1091 : i32 to index
    %swap3A_1094 = arith.index_cast %swap3A_1092 : i32 to index
    %swap3A_1095 = arith.constant 16 : index
    %swap3A_1096 = tpu.vector_load %arg8[%swap3A_1093, %swap3A_1094, %swap3A_1095] {strides = array<i32>} : memref<2x128x144xf32, #tpu.memory_space<vmem>>, vector<1x1x16xf32>,
    %swap3A_1097 = vector.shape_cast %swap3A_1096 : vector<1x1x16xf32> to vector<16xf32>
    %swap3A_1098 = vector.shape_cast %broadcast_in_dim3A_1090 : vector<16xf32> to vector<1x1x16xf32>
    tpu.vector_store %arg8[%swap3A_1093, %swap3A_1094, %swap3A_1095], %swap3A_1098 {strides = array<i32>} : memref<2x128x144xf32, #tpu.memory_space<vmem>>, vector<1x1x16xf32>,
    %broadcast_in_dim3A_1099 = arith.constant 0.000000e+00 : f32
    %broadcast_in_dim3A_1100 = vector.broadcast %broadcast_in_dim3A_1099 : f32 to vector<16xf32>
    %swap3A_1101 = arith.constant 0 : i32
    %swap3A_1102 = arith.constant 12 : i32
    %swap3A_1103 = arith.index_cast %swap3A_1101 : i32 to index
    %swap3A_1104 = arith.index_cast %swap3A_1102 : i32 to index
    %swap3A_1105 = arith.constant 32 : index
    %swap3A_1106 = tpu.vector_load %arg8[%swap3A_1103, %swap3A_1104, %swap3A_1105] {strides = array<i32>} : memref<2x128x144xf32, #tpu.memory_space<vmem>>, vector<1x1x16xf32>,
    %swap3A_1107 = vector.shape_cast %swap3A_1106 : vector<1x1x16xf32> to vector<16xf32>
    %swap3A_1108 = vector.shape_cast %broadcast_in_dim3A_1100 : vector<16xf32> to vector<1x1x16xf32>
    tpu.vector_store %arg8[%swap3A_1103, %swap3A_1104, %swap3A_1105], %swap3A_1108 {strides = array<i32>} : memref<2x128x144xf32, #tpu.memory_space<vmem>>, vector<1x1x16xf32>,
    %broadcast_in_dim3A_1109 = arith.constant 0.000000e+00 : f32
    %broadcast_in_dim3A_1110 = vector.broadcast %broadcast_in_dim3A_1109 : f32 to vector<16xf32>
    %swap3A_1111 = arith.constant 0 : i32
    %swap3A_1112 = arith.constant 12 : i32
    %swap3A_1113 = arith.index_cast %swap3A_1111 : i32 to index
    %swap3A_1114 = arith.index_cast %swap3A_1112 : i32 to index
    %swap3A_1115 = arith.constant 48 : index
    %swap3A_1116 = tpu.vector_load %arg8[%swap3A_1113, %swap3A_1114, %swap3A_1115] {strides = array<i32>} : memref<2x128x144xf32, #tpu.memory_space<vmem>>, vector<1x1x16xf32>,
    %swap3A_1117 = vector.shape_cast %swap3A_1116 : vector<1x1x16xf32> to vector<16xf32>
    %swap3A_1118 = vector.shape_cast %broadcast_in_dim3A_1110 : vector<16xf32> to vector<1x1x16xf32>
    tpu.vector_store %arg8[%swap3A_1113, %swap3A_1114, %swap3A_1115], %swap3A_1118 {strides = array<i32>} : memref<2x128x144xf32, #tpu.memory_space<vmem>>, vector<1x1x16xf32>,
    %broadcast_in_dim3A_1119 = arith.constant 0.000000e+00 : f32
    %broadcast_in_dim3A_1120 = vector.broadcast %broadcast_in_dim3A_1119 : f32 to vector<16xf32>
    %swap3A_1121 = arith.constant 0 : i32
    %swap3A_1122 = arith.constant 12 : i32
    %swap3A_1123 = arith.index_cast %swap3A_1121 : i32 to index
    %swap3A_1124 = arith.index_cast %swap3A_1122 : i32 to index
    %swap3A_1125 = arith.constant 64 : index
    %swap3A_1126 = tpu.vector_load %arg8[%swap3A_1123, %swap3A_1124, %swap3A_1125] {strides = array<i32>} : memref<2x128x144xf32, #tpu.memory_space<vmem>>, vector<1x1x16xf32>,
    %swap3A_1127 = vector.shape_cast %swap3A_1126 : vector<1x1x16xf32> to vector<16xf32>
    %swap3A_1128 = vector.shape_cast %broadcast_in_dim3A_1120 : vector<16xf32> to vector<1x1x16xf32>
    tpu.vector_store %arg8[%swap3A_1123, %swap3A_1124, %swap3A_1125], %swap3A_1128 {strides = array<i32>} : memref<2x128x144xf32, #tpu.memory_space<vmem>>, vector<1x1x16xf32>,
    %broadcast_in_dim3A_1129 = arith.constant 0.000000e+00 : f32
    %broadcast_in_dim3A_1130 = vector.broadcast %broadcast_in_dim3A_1129 : f32 to vector<16xf32>
    %swap3A_1131 = arith.constant 0 : i32
    %swap3A_1132 = arith.constant 12 : i32
    %swap3A_1133 = arith.index_cast %swap3A_1131 : i32 to index
    %swap3A_1134 = arith.index_cast %swap3A_1132 : i32 to index
    %swap3A_1135 = arith.constant 80 : index
    %swap3A_1136 = tpu.vector_load %arg8[%swap3A_1133, %swap3A_1134, %swap3A_1135] {strides = array<i32>} : memref<2x128x144xf32, #tpu.memory_space<vmem>>, vector<1x1x16xf32>,
    %swap3A_1137 = vector.shape_cast %swap3A_1136 : vector<1x1x16xf32> to vector<16xf32>
    %swap3A_1138 = vector.shape_cast %broadcast_in_dim3A_1130 : vector<16xf32> to vector<1x1x16xf32>
    tpu.vector_store %arg8[%swap3A_1133, %swap3A_1134, %swap3A_1135], %swap3A_1138 {strides = array<i32>} : memref<2x128x144xf32, #tpu.memory_space<vmem>>, vector<1x1x16xf32>,
    %broadcast_in_dim3A_1139 = arith.constant 0.000000e+00 : f32
    %broadcast_in_dim3A_1140 = vector.broadcast %broadcast_in_dim3A_1139 : f32 to vector<16xf32>
    %swap3A_1141 = arith.constant 0 : i32
    %swap3A_1142 = arith.constant 12 : i32
    %swap3A_1143 = arith.index_cast %swap3A_1141 : i32 to index
    %swap3A_1144 = arith.index_cast %swap3A_1142 : i32 to index
    %swap3A_1145 = arith.constant 96 : index
    %swap3A_1146 = tpu.vector_load %arg8[%swap3A_1143, %swap3A_1144, %swap3A_1145] {strides = array<i32>} : memref<2x128x144xf32, #tpu.memory_space<vmem>>, vector<1x1x16xf32>,
    %swap3A_1147 = vector.shape_cast %swap3A_1146 : vector<1x1x16xf32> to vector<16xf32>
    %swap3A_1148 = vector.shape_cast %broadcast_in_dim3A_1140 : vector<16xf32> to vector<1x1x16xf32>
    tpu.vector_store %arg8[%swap3A_1143, %swap3A_1144, %swap3A_1145], %swap3A_1148 {strides = array<i32>} : memref<2x128x144xf32, #tpu.memory_space<vmem>>, vector<1x1x16xf32>,
    %broadcast_in_dim3A_1149 = arith.constant 0.000000e+00 : f32
    %broadcast_in_dim3A_1150 = vector.broadcast %broadcast_in_dim3A_1149 : f32 to vector<16xf32>
    %swap3A_1151 = arith.constant 0 : i32
    %swap3A_1152 = arith.constant 12 : i32
    %swap3A_1153 = arith.index_cast %swap3A_1151 : i32 to index
    %swap3A_1154 = arith.index_cast %swap3A_1152 : i32 to index
    %swap3A_1155 = arith.constant 112 : index
    %swap3A_1156 = tpu.vector_load %arg8[%swap3A_1153, %swap3A_1154, %swap3A_1155] {strides = array<i32>} : memref<2x128x144xf32, #tpu.memory_space<vmem>>, vector<1x1x16xf32>,
    %swap3A_1157 = vector.shape_cast %swap3A_1156 : vector<1x1x16xf32> to vector<16xf32>
    %swap3A_1158 = vector.shape_cast %broadcast_in_dim3A_1150 : vector<16xf32> to vector<1x1x16xf32>
    tpu.vector_store %arg8[%swap3A_1153, %swap3A_1154, %swap3A_1155], %swap3A_1158 {strides = array<i32>} : memref<2x128x144xf32, #tpu.memory_space<vmem>>, vector<1x1x16xf32>,
    %broadcast_in_dim3A_1159 = arith.constant 0.000000e+00 : f32
    %broadcast_in_dim3A_1160 = vector.broadcast %broadcast_in_dim3A_1159 : f32 to vector<16xf32>
    %swap3A_1161 = arith.constant 0 : i32
    %swap3A_1162 = arith.constant 12 : i32
    %swap3A_1163 = arith.index_cast %swap3A_1161 : i32 to index
    %swap3A_1164 = arith.index_cast %swap3A_1162 : i32 to index
    %swap3A_1165 = arith.constant 128 : index
    %swap3A_1166 = tpu.vector_load %arg8[%swap3A_1163, %swap3A_1164, %swap3A_1165] {strides = array<i32>} : memref<2x128x144xf32, #tpu.memory_space<vmem>>, vector<1x1x16xf32>,
    %swap3A_1167 = vector.shape_cast %swap3A_1166 : vector<1x1x16xf32> to vector<16xf32>
    %swap3A_1168 = vector.shape_cast %broadcast_in_dim3A_1160 : vector<16xf32> to vector<1x1x16xf32>
    tpu.vector_store %arg8[%swap3A_1163, %swap3A_1164, %swap3A_1165], %swap3A_1168 {strides = array<i32>} : memref<2x128x144xf32, #tpu.memory_space<vmem>>, vector<1x1x16xf32>,
    %broadcast_in_dim3A_1169 = arith.constant 0.000000e+00 : f32
    %broadcast_in_dim3A_1170 = vector.broadcast %broadcast_in_dim3A_1169 : f32 to vector<16xf32>
    %swap3A_1171 = arith.constant 0 : i32
    %swap3A_1172 = arith.constant 13 : i32
    %swap3A_1173 = arith.index_cast %swap3A_1171 : i32 to index
    %swap3A_1174 = arith.index_cast %swap3A_1172 : i32 to index
    %swap3A_1175 = arith.constant 0 : index
    %swap3A_1176 = tpu.vector_load %arg8[%swap3A_1173, %swap3A_1174, %swap3A_1175] {strides = array<i32>} : memref<2x128x144xf32, #tpu.memory_space<vmem>>, vector<1x1x16xf32>,
    %swap3A_1177 = vector.shape_cast %swap3A_1176 : vector<1x1x16xf32> to vector<16xf32>
    %swap3A_1178 = vector.shape_cast %broadcast_in_dim3A_1170 : vector<16xf32> to vector<1x1x16xf32>
    tpu.vector_store %arg8[%swap3A_1173, %swap3A_1174, %swap3A_1175], %swap3A_1178 {strides = array<i32>} : memref<2x128x144xf32, #tpu.memory_space<vmem>>, vector<1x1x16xf32>,
    %broadcast_in_dim3A_1179 = arith.constant 0.000000e+00 : f32
    %broadcast_in_dim3A_1180 = vector.broadcast %broadcast_in_dim3A_1179 : f32 to vector<16xf32>
    %swap3A_1181 = arith.constant 0 : i32
    %swap3A_1182 = arith.constant 13 : i32
    %swap3A_1183 = arith.index_cast %swap3A_1181 : i32 to index
    %swap3A_1184 = arith.index_cast %swap3A_1182 : i32 to index
    %swap3A_1185 = arith.constant 16 : index
    %swap3A_1186 = tpu.vector_load %arg8[%swap3A_1183, %swap3A_1184, %swap3A_1185] {strides = array<i32>} : memref<2x128x144xf32, #tpu.memory_space<vmem>>, vector<1x1x16xf32>,
    %swap3A_1187 = vector.shape_cast %swap3A_1186 : vector<1x1x16xf32> to vector<16xf32>
    %swap3A_1188 = vector.shape_cast %broadcast_in_dim3A_1180 : vector<16xf32> to vector<1x1x16xf32>
    tpu.vector_store %arg8[%swap3A_1183, %swap3A_1184, %swap3A_1185], %swap3A_1188 {strides = array<i32>} : memref<2x128x144xf32, #tpu.memory_space<vmem>>, vector<1x1x16xf32>,
    %broadcast_in_dim3A_1189 = arith.constant 0.000000e+00 : f32
    %broadcast_in_dim3A_1190 = vector.broadcast %broadcast_in_dim3A_1189 : f32 to vector<16xf32>
    %swap3A_1191 = arith.constant 0 : i32
    %swap3A_1192 = arith.constant 13 : i32
    %swap3A_1193 = arith.index_cast %swap3A_1191 : i32 to index
    %swap3A_1194 = arith.index_cast %swap3A_1192 : i32 to index
    %swap3A_1195 = arith.constant 32 : index
    %swap3A_1196 = tpu.vector_load %arg8[%swap3A_1193, %swap3A_1194, %swap3A_1195] {strides = array<i32>} : memref<2x128x144xf32, #tpu.memory_space<vmem>>, vector<1x1x16xf32>,
    %swap3A_1197 = vector.shape_cast %swap3A_1196 : vector<1x1x16xf32> to vector<16xf32>
    %swap3A_1198 = vector.shape_cast %broadcast_in_dim3A_1190 : vector<16xf32> to vector<1x1x16xf32>
    tpu.vector_store %arg8[%swap3A_1193, %swap3A_1194, %swap3A_1195], %swap3A_1198 {strides = array<i32>} : memref<2x128x144xf32, #tpu.memory_space<vmem>>, vector<1x1x16xf32>,
    %broadcast_in_dim3A_1199 = arith.constant 0.000000e+00 : f32
    %broadcast_in_dim3A_1200 = vector.broadcast %broadcast_in_dim3A_1199 : f32 to vector<16xf32>
    %swap3A_1201 = arith.constant 0 : i32
    %swap3A_1202 = arith.constant 13 : i32
    %swap3A_1203 = arith.index_cast %swap3A_1201 : i32 to index
    %swap3A_1204 = arith.index_cast %swap3A_1202 : i32 to index
    %swap3A_1205 = arith.constant 48 : index
    %swap3A_1206 = tpu.vector_load %arg8[%swap3A_1203, %swap3A_1204, %swap3A_1205] {strides = array<i32>} : memref<2x128x144xf32, #tpu.memory_space<vmem>>, vector<1x1x16xf32>,
    %swap3A_1207 = vector.shape_cast %swap3A_1206 : vector<1x1x16xf32> to vector<16xf32>
    %swap3A_1208 = vector.shape_cast %broadcast_in_dim3A_1200 : vector<16xf32> to vector<1x1x16xf32>
    tpu.vector_store %arg8[%swap3A_1203, %swap3A_1204, %swap3A_1205], %swap3A_1208 {strides = array<i32>} : memref<2x128x144xf32, #tpu.memory_space<vmem>>, vector<1x1x16xf32>,
    %broadcast_in_dim3A_1209 = arith.constant 0.000000e+00 : f32
    %broadcast_in_dim3A_1210 = vector.broadcast %broadcast_in_dim3A_1209 : f32 to vector<16xf32>
    %swap3A_1211 = arith.constant 0 : i32
    %swap3A_1212 = arith.constant 13 : i32
    %swap3A_1213 = arith.index_cast %swap3A_1211 : i32 to index
    %swap3A_1214 = arith.index_cast %swap3A_1212 : i32 to index
    %swap3A_1215 = arith.constant 64 : index
    %swap3A_1216 = tpu.vector_load %arg8[%swap3A_1213, %swap3A_1214, %swap3A_1215] {strides = array<i32>} : memref<2x128x144xf32, #tpu.memory_space<vmem>>, vector<1x1x16xf32>,
    %swap3A_1217 = vector.shape_cast %swap3A_1216 : vector<1x1x16xf32> to vector<16xf32>
    %swap3A_1218 = vector.shape_cast %broadcast_in_dim3A_1210 : vector<16xf32> to vector<1x1x16xf32>
    tpu.vector_store %arg8[%swap3A_1213, %swap3A_1214, %swap3A_1215], %swap3A_1218 {strides = array<i32>} : memref<2x128x144xf32, #tpu.memory_space<vmem>>, vector<1x1x16xf32>,
    %broadcast_in_dim3A_1219 = arith.constant 0.000000e+00 : f32
    %broadcast_in_dim3A_1220 = vector.broadcast %broadcast_in_dim3A_1219 : f32 to vector<16xf32>
    %swap3A_1221 = arith.constant 0 : i32
    %swap3A_1222 = arith.constant 13 : i32
    %swap3A_1223 = arith.index_cast %swap3A_1221 : i32 to index
    %swap3A_1224 = arith.index_cast %swap3A_1222 : i32 to index
    %swap3A_1225 = arith.constant 80 : index
    %swap3A_1226 = tpu.vector_load %arg8[%swap3A_1223, %swap3A_1224, %swap3A_1225] {strides = array<i32>} : memref<2x128x144xf32, #tpu.memory_space<vmem>>, vector<1x1x16xf32>,
    %swap3A_1227 = vector.shape_cast %swap3A_1226 : vector<1x1x16xf32> to vector<16xf32>
    %swap3A_1228 = vector.shape_cast %broadcast_in_dim3A_1220 : vector<16xf32> to vector<1x1x16xf32>
    tpu.vector_store %arg8[%swap3A_1223, %swap3A_1224, %swap3A_1225], %swap3A_1228 {strides = array<i32>} : memref<2x128x144xf32, #tpu.memory_space<vmem>>, vector<1x1x16xf32>,
    %broadcast_in_dim3A_1229 = arith.constant 0.000000e+00 : f32
    %broadcast_in_dim3A_1230 = vector.broadcast %broadcast_in_dim3A_1229 : f32 to vector<16xf32>
    %swap3A_1231 = arith.constant 0 : i32
    %swap3A_1232 = arith.constant 13 : i32
    %swap3A_1233 = arith.index_cast %swap3A_1231 : i32 to index
    %swap3A_1234 = arith.index_cast %swap3A_1232 : i32 to index
    %swap3A_1235 = arith.constant 96 : index
    %swap3A_1236 = tpu.vector_load %arg8[%swap3A_1233, %swap3A_1234, %swap3A_1235] {strides = array<i32>} : memref<2x128x144xf32, #tpu.memory_space<vmem>>, vector<1x1x16xf32>,
    %swap3A_1237 = vector.shape_cast %swap3A_1236 : vector<1x1x16xf32> to vector<16xf32>
    %swap3A_1238 = vector.shape_cast %broadcast_in_dim3A_1230 : vector<16xf32> to vector<1x1x16xf32>
    tpu.vector_store %arg8[%swap3A_1233, %swap3A_1234, %swap3A_1235], %swap3A_1238 {strides = array<i32>} : memref<2x128x144xf32, #tpu.memory_space<vmem>>, vector<1x1x16xf32>,
    %broadcast_in_dim3A_1239 = arith.constant 0.000000e+00 : f32
    %broadcast_in_dim3A_1240 = vector.broadcast %broadcast_in_dim3A_1239 : f32 to vector<16xf32>
    %swap3A_1241 = arith.constant 0 : i32
    %swap3A_1242 = arith.constant 13 : i32
    %swap3A_1243 = arith.index_cast %swap3A_1241 : i32 to index
    %swap3A_1244 = arith.index_cast %swap3A_1242 : i32 to index
    %swap3A_1245 = arith.constant 112 : index
    %swap3A_1246 = tpu.vector_load %arg8[%swap3A_1243, %swap3A_1244, %swap3A_1245] {strides = array<i32>} : memref<2x128x144xf32, #tpu.memory_space<vmem>>, vector<1x1x16xf32>,
    %swap3A_1247 = vector.shape_cast %swap3A_1246 : vector<1x1x16xf32> to vector<16xf32>
    %swap3A_1248 = vector.shape_cast %broadcast_in_dim3A_1240 : vector<16xf32> to vector<1x1x16xf32>
    tpu.vector_store %arg8[%swap3A_1243, %swap3A_1244, %swap3A_1245], %swap3A_1248 {strides = array<i32>} : memref<2x128x144xf32, #tpu.memory_space<vmem>>, vector<1x1x16xf32>,
    %broadcast_in_dim3A_1249 = arith.constant 0.000000e+00 : f32
    %broadcast_in_dim3A_1250 = vector.broadcast %broadcast_in_dim3A_1249 : f32 to vector<16xf32>
    %swap3A_1251 = arith.constant 0 : i32
    %swap3A_1252 = arith.constant 13 : i32
    %swap3A_1253 = arith.index_cast %swap3A_1251 : i32 to index
    %swap3A_1254 = arith.index_cast %swap3A_1252 : i32 to index
    %swap3A_1255 = arith.constant 128 : index
    %swap3A_1256 = tpu.vector_load %arg8[%swap3A_1253, %swap3A_1254, %swap3A_1255] {strides = array<i32>} : memref<2x128x144xf32, #tpu.memory_space<vmem>>, vector<1x1x16xf32>,
    %swap3A_1257 = vector.shape_cast %swap3A_1256 : vector<1x1x16xf32> to vector<16xf32>
    %swap3A_1258 = vector.shape_cast %broadcast_in_dim3A_1250 : vector<16xf32> to vector<1x1x16xf32>
    tpu.vector_store %arg8[%swap3A_1253, %swap3A_1254, %swap3A_1255], %swap3A_1258 {strides = array<i32>} : memref<2x128x144xf32, #tpu.memory_space<vmem>>, vector<1x1x16xf32>,
    %broadcast_in_dim3A_1259 = arith.constant 0.000000e+00 : f32
    %broadcast_in_dim3A_1260 = vector.broadcast %broadcast_in_dim3A_1259 : f32 to vector<16xf32>
    %swap3A_1261 = arith.constant 0 : i32
    %swap3A_1262 = arith.constant 14 : i32
    %swap3A_1263 = arith.index_cast %swap3A_1261 : i32 to index
    %swap3A_1264 = arith.index_cast %swap3A_1262 : i32 to index
    %swap3A_1265 = arith.constant 0 : index
    %swap3A_1266 = tpu.vector_load %arg8[%swap3A_1263, %swap3A_1264, %swap3A_1265] {strides = array<i32>} : memref<2x128x144xf32, #tpu.memory_space<vmem>>, vector<1x1x16xf32>,
    %swap3A_1267 = vector.shape_cast %swap3A_1266 : vector<1x1x16xf32> to vector<16xf32>
    %swap3A_1268 = vector.shape_cast %broadcast_in_dim3A_1260 : vector<16xf32> to vector<1x1x16xf32>
    tpu.vector_store %arg8[%swap3A_1263, %swap3A_1264, %swap3A_1265], %swap3A_1268 {strides = array<i32>} : memref<2x128x144xf32, #tpu.memory_space<vmem>>, vector<1x1x16xf32>,
    %broadcast_in_dim3A_1269 = arith.constant 0.000000e+00 : f32
    %broadcast_in_dim3A_1270 = vector.broadcast %broadcast_in_dim3A_1269 : f32 to vector<16xf32>
    %swap3A_1271 = arith.constant 0 : i32
    %swap3A_1272 = arith.constant 14 : i32
    %swap3A_1273 = arith.index_cast %swap3A_1271 : i32 to index
    %swap3A_1274 = arith.index_cast %swap3A_1272 : i32 to index
    %swap3A_1275 = arith.constant 16 : index
    %swap3A_1276 = tpu.vector_load %arg8[%swap3A_1273, %swap3A_1274, %swap3A_1275] {strides = array<i32>} : memref<2x128x144xf32, #tpu.memory_space<vmem>>, vector<1x1x16xf32>,
    %swap3A_1277 = vector.shape_cast %swap3A_1276 : vector<1x1x16xf32> to vector<16xf32>
    %swap3A_1278 = vector.shape_cast %broadcast_in_dim3A_1270 : vector<16xf32> to vector<1x1x16xf32>
    tpu.vector_store %arg8[%swap3A_1273, %swap3A_1274, %swap3A_1275], %swap3A_1278 {strides = array<i32>} : memref<2x128x144xf32, #tpu.memory_space<vmem>>, vector<1x1x16xf32>,
    %broadcast_in_dim3A_1279 = arith.constant 0.000000e+00 : f32
    %broadcast_in_dim3A_1280 = vector.broadcast %broadcast_in_dim3A_1279 : f32 to vector<16xf32>
    %swap3A_1281 = arith.constant 0 : i32
    %swap3A_1282 = arith.constant 14 : i32
    %swap3A_1283 = arith.index_cast %swap3A_1281 : i32 to index
    %swap3A_1284 = arith.index_cast %swap3A_1282 : i32 to index
    %swap3A_1285 = arith.constant 32 : index
    %swap3A_1286 = tpu.vector_load %arg8[%swap3A_1283, %swap3A_1284, %swap3A_1285] {strides = array<i32>} : memref<2x128x144xf32, #tpu.memory_space<vmem>>, vector<1x1x16xf32>,
    %swap3A_1287 = vector.shape_cast %swap3A_1286 : vector<1x1x16xf32> to vector<16xf32>
    %swap3A_1288 = vector.shape_cast %broadcast_in_dim3A_1280 : vector<16xf32> to vector<1x1x16xf32>
    tpu.vector_store %arg8[%swap3A_1283, %swap3A_1284, %swap3A_1285], %swap3A_1288 {strides = array<i32>} : memref<2x128x144xf32, #tpu.memory_space<vmem>>, vector<1x1x16xf32>,
    %broadcast_in_dim3A_1289 = arith.constant 0.000000e+00 : f32
    %broadcast_in_dim3A_1290 = vector.broadcast %broadcast_in_dim3A_1289 : f32 to vector<16xf32>
    %swap3A_1291 = arith.constant 0 : i32
    %swap3A_1292 = arith.constant 14 : i32
    %swap3A_1293 = arith.index_cast %swap3A_1291 : i32 to index
    %swap3A_1294 = arith.index_cast %swap3A_1292 : i32 to index
    %swap3A_1295 = arith.constant 48 : index
    %swap3A_1296 = tpu.vector_load %arg8[%swap3A_1293, %swap3A_1294, %swap3A_1295] {strides = array<i32>} : memref<2x128x144xf32, #tpu.memory_space<vmem>>, vector<1x1x16xf32>,
    %swap3A_1297 = vector.shape_cast %swap3A_1296 : vector<1x1x16xf32> to vector<16xf32>
    %swap3A_1298 = vector.shape_cast %broadcast_in_dim3A_1290 : vector<16xf32> to vector<1x1x16xf32>
    tpu.vector_store %arg8[%swap3A_1293, %swap3A_1294, %swap3A_1295], %swap3A_1298 {strides = array<i32>} : memref<2x128x144xf32, #tpu.memory_space<vmem>>, vector<1x1x16xf32>,
    %broadcast_in_dim3A_1299 = arith.constant 0.000000e+00 : f32
    %broadcast_in_dim3A_1300 = vector.broadcast %broadcast_in_dim3A_1299 : f32 to vector<16xf32>
    %swap3A_1301 = arith.constant 0 : i32
    %swap3A_1302 = arith.constant 14 : i32
    %swap3A_1303 = arith.index_cast %swap3A_1301 : i32 to index
    %swap3A_1304 = arith.index_cast %swap3A_1302 : i32 to index
    %swap3A_1305 = arith.constant 64 : index
    %swap3A_1306 = tpu.vector_load %arg8[%swap3A_1303, %swap3A_1304, %swap3A_1305] {strides = array<i32>} : memref<2x128x144xf32, #tpu.memory_space<vmem>>, vector<1x1x16xf32>,
    %swap3A_1307 = vector.shape_cast %swap3A_1306 : vector<1x1x16xf32> to vector<16xf32>
    %swap3A_1308 = vector.shape_cast %broadcast_in_dim3A_1300 : vector<16xf32> to vector<1x1x16xf32>
    tpu.vector_store %arg8[%swap3A_1303, %swap3A_1304, %swap3A_1305], %swap3A_1308 {strides = array<i32>} : memref<2x128x144xf32, #tpu.memory_space<vmem>>, vector<1x1x16xf32>,
    %broadcast_in_dim3A_1309 = arith.constant 0.000000e+00 : f32
    %broadcast_in_dim3A_1310 = vector.broadcast %broadcast_in_dim3A_1309 : f32 to vector<16xf32>
    %swap3A_1311 = arith.constant 0 : i32
    %swap3A_1312 = arith.constant 14 : i32
    %swap3A_1313 = arith.index_cast %swap3A_1311 : i32 to index
    %swap3A_1314 = arith.index_cast %swap3A_1312 : i32 to index
    %swap3A_1315 = arith.constant 80 : index
    %swap3A_1316 = tpu.vector_load %arg8[%swap3A_1313, %swap3A_1314, %swap3A_1315] {strides = array<i32>} : memref<2x128x144xf32, #tpu.memory_space<vmem>>, vector<1x1x16xf32>,
    %swap3A_1317 = vector.shape_cast %swap3A_1316 : vector<1x1x16xf32> to vector<16xf32>
    %swap3A_1318 = vector.shape_cast %broadcast_in_dim3A_1310 : vector<16xf32> to vector<1x1x16xf32>
    tpu.vector_store %arg8[%swap3A_1313, %swap3A_1314, %swap3A_1315], %swap3A_1318 {strides = array<i32>} : memref<2x128x144xf32, #tpu.memory_space<vmem>>, vector<1x1x16xf32>,
    %broadcast_in_dim3A_1319 = arith.constant 0.000000e+00 : f32
    %broadcast_in_dim3A_1320 = vector.broadcast %broadcast_in_dim3A_1319 : f32 to vector<16xf32>
    %swap3A_1321 = arith.constant 0 : i32
    %swap3A_1322 = arith.constant 14 : i32
    %swap3A_1323 = arith.index_cast %swap3A_1321 : i32 to index
    %swap3A_1324 = arith.index_cast %swap3A_1322 : i32 to index
    %swap3A_1325 = arith.constant 96 : index
    %swap3A_1326 = tpu.vector_load %arg8[%swap3A_1323, %swap3A_1324, %swap3A_1325] {strides = array<i32>} : memref<2x128x144xf32, #tpu.memory_space<vmem>>, vector<1x1x16xf32>,
    %swap3A_1327 = vector.shape_cast %swap3A_1326 : vector<1x1x16xf32> to vector<16xf32>
    %swap3A_1328 = vector.shape_cast %broadcast_in_dim3A_1320 : vector<16xf32> to vector<1x1x16xf32>
    tpu.vector_store %arg8[%swap3A_1323, %swap3A_1324, %swap3A_1325], %swap3A_1328 {strides = array<i32>} : memref<2x128x144xf32, #tpu.memory_space<vmem>>, vector<1x1x16xf32>,
    %broadcast_in_dim3A_1329 = arith.constant 0.000000e+00 : f32
    %broadcast_in_dim3A_1330 = vector.broadcast %broadcast_in_dim3A_1329 : f32 to vector<16xf32>
    %swap3A_1331 = arith.constant 0 : i32
    %swap3A_1332 = arith.constant 14 : i32
    %swap3A_1333 = arith.index_cast %swap3A_1331 : i32 to index
    %swap3A_1334 = arith.index_cast %swap3A_1332 : i32 to index
    %swap3A_1335 = arith.constant 112 : index
    %swap3A_1336 = tpu.vector_load %arg8[%swap3A_1333, %swap3A_1334, %swap3A_1335] {strides = array<i32>} : memref<2x128x144xf32, #tpu.memory_space<vmem>>, vector<1x1x16xf32>,
    %swap3A_1337 = vector.shape_cast %swap3A_1336 : vector<1x1x16xf32> to vector<16xf32>
    %swap3A_1338 = vector.shape_cast %broadcast_in_dim3A_1330 : vector<16xf32> to vector<1x1x16xf32>
    tpu.vector_store %arg8[%swap3A_1333, %swap3A_1334, %swap3A_1335], %swap3A_1338 {strides = array<i32>} : memref<2x128x144xf32, #tpu.memory_space<vmem>>, vector<1x1x16xf32>,
    %broadcast_in_dim3A_1339 = arith.constant 0.000000e+00 : f32
    %broadcast_in_dim3A_1340 = vector.broadcast %broadcast_in_dim3A_1339 : f32 to vector<16xf32>
    %swap3A_1341 = arith.constant 0 : i32
    %swap3A_1342 = arith.constant 14 : i32
    %swap3A_1343 = arith.index_cast %swap3A_1341 : i32 to index
    %swap3A_1344 = arith.index_cast %swap3A_1342 : i32 to index
    %swap3A_1345 = arith.constant 128 : index
    %swap3A_1346 = tpu.vector_load %arg8[%swap3A_1343, %swap3A_1344, %swap3A_1345] {strides = array<i32>} : memref<2x128x144xf32, #tpu.memory_space<vmem>>, vector<1x1x16xf32>,
    %swap3A_1347 = vector.shape_cast %swap3A_1346 : vector<1x1x16xf32> to vector<16xf32>
    %swap3A_1348 = vector.shape_cast %broadcast_in_dim3A_1340 : vector<16xf32> to vector<1x1x16xf32>
    tpu.vector_store %arg8[%swap3A_1343, %swap3A_1344, %swap3A_1345], %swap3A_1348 {strides = array<i32>} : memref<2x128x144xf32, #tpu.memory_space<vmem>>, vector<1x1x16xf32>,
    %broadcast_in_dim3A_1349 = arith.constant 0.000000e+00 : f32
    %broadcast_in_dim3A_1350 = vector.broadcast %broadcast_in_dim3A_1349 : f32 to vector<16xf32>
    %swap3A_1351 = arith.constant 0 : i32
    %swap3A_1352 = arith.constant 15 : i32
    %swap3A_1353 = arith.index_cast %swap3A_1351 : i32 to index
    %swap3A_1354 = arith.index_cast %swap3A_1352 : i32 to index
    %swap3A_1355 = arith.constant 0 : index
    %swap3A_1356 = tpu.vector_load %arg8[%swap3A_1353, %swap3A_1354, %swap3A_1355] {strides = array<i32>} : memref<2x128x144xf32, #tpu.memory_space<vmem>>, vector<1x1x16xf32>,
    %swap3A_1357 = vector.shape_cast %swap3A_1356 : vector<1x1x16xf32> to vector<16xf32>
    %swap3A_1358 = vector.shape_cast %broadcast_in_dim3A_1350 : vector<16xf32> to vector<1x1x16xf32>
    tpu.vector_store %arg8[%swap3A_1353, %swap3A_1354, %swap3A_1355], %swap3A_1358 {strides = array<i32>} : memref<2x128x144xf32, #tpu.memory_space<vmem>>, vector<1x1x16xf32>,
    %broadcast_in_dim3A_1359 = arith.constant 0.000000e+00 : f32
    %broadcast_in_dim3A_1360 = vector.broadcast %broadcast_in_dim3A_1359 : f32 to vector<16xf32>
    %swap3A_1361 = arith.constant 0 : i32
    %swap3A_1362 = arith.constant 15 : i32
    %swap3A_1363 = arith.index_cast %swap3A_1361 : i32 to index
    %swap3A_1364 = arith.index_cast %swap3A_1362 : i32 to index
    %swap3A_1365 = arith.constant 16 : index
    %swap3A_1366 = tpu.vector_load %arg8[%swap3A_1363, %swap3A_1364, %swap3A_1365] {strides = array<i32>} : memref<2x128x144xf32, #tpu.memory_space<vmem>>, vector<1x1x16xf32>,
    %swap3A_1367 = vector.shape_cast %swap3A_1366 : vector<1x1x16xf32> to vector<16xf32>
    %swap3A_1368 = vector.shape_cast %broadcast_in_dim3A_1360 : vector<16xf32> to vector<1x1x16xf32>
    tpu.vector_store %arg8[%swap3A_1363, %swap3A_1364, %swap3A_1365], %swap3A_1368 {strides = array<i32>} : memref<2x128x144xf32, #tpu.memory_space<vmem>>, vector<1x1x16xf32>,
    %broadcast_in_dim3A_1369 = arith.constant 0.000000e+00 : f32
    %broadcast_in_dim3A_1370 = vector.broadcast %broadcast_in_dim3A_1369 : f32 to vector<16xf32>
    %swap3A_1371 = arith.constant 0 : i32
    %swap3A_1372 = arith.constant 15 : i32
    %swap3A_1373 = arith.index_cast %swap3A_1371 : i32 to index
    %swap3A_1374 = arith.index_cast %swap3A_1372 : i32 to index
    %swap3A_1375 = arith.constant 32 : index
    %swap3A_1376 = tpu.vector_load %arg8[%swap3A_1373, %swap3A_1374, %swap3A_1375] {strides = array<i32>} : memref<2x128x144xf32, #tpu.memory_space<vmem>>, vector<1x1x16xf32>,
    %swap3A_1377 = vector.shape_cast %swap3A_1376 : vector<1x1x16xf32> to vector<16xf32>
    %swap3A_1378 = vector.shape_cast %broadcast_in_dim3A_1370 : vector<16xf32> to vector<1x1x16xf32>
    tpu.vector_store %arg8[%swap3A_1373, %swap3A_1374, %swap3A_1375], %swap3A_1378 {strides = array<i32>} : memref<2x128x144xf32, #tpu.memory_space<vmem>>, vector<1x1x16xf32>,
    %broadcast_in_dim3A_1379 = arith.constant 0.000000e+00 : f32
    %broadcast_in_dim3A_1380 = vector.broadcast %broadcast_in_dim3A_1379 : f32 to vector<16xf32>
    %swap3A_1381 = arith.constant 0 : i32
    %swap3A_1382 = arith.constant 15 : i32
    %swap3A_1383 = arith.index_cast %swap3A_1381 : i32 to index
    %swap3A_1384 = arith.index_cast %swap3A_1382 : i32 to index
    %swap3A_1385 = arith.constant 48 : index
    %swap3A_1386 = tpu.vector_load %arg8[%swap3A_1383, %swap3A_1384, %swap3A_1385] {strides = array<i32>} : memref<2x128x144xf32, #tpu.memory_space<vmem>>, vector<1x1x16xf32>,
    %swap3A_1387 = vector.shape_cast %swap3A_1386 : vector<1x1x16xf32> to vector<16xf32>
    %swap3A_1388 = vector.shape_cast %broadcast_in_dim3A_1380 : vector<16xf32> to vector<1x1x16xf32>
    tpu.vector_store %arg8[%swap3A_1383, %swap3A_1384, %swap3A_1385], %swap3A_1388 {strides = array<i32>} : memref<2x128x144xf32, #tpu.memory_space<vmem>>, vector<1x1x16xf32>,
    %broadcast_in_dim3A_1389 = arith.constant 0.000000e+00 : f32
    %broadcast_in_dim3A_1390 = vector.broadcast %broadcast_in_dim3A_1389 : f32 to vector<16xf32>
    %swap3A_1391 = arith.constant 0 : i32
    %swap3A_1392 = arith.constant 15 : i32
    %swap3A_1393 = arith.index_cast %swap3A_1391 : i32 to index
    %swap3A_1394 = arith.index_cast %swap3A_1392 : i32 to index
    %swap3A_1395 = arith.constant 64 : index
    %swap3A_1396 = tpu.vector_load %arg8[%swap3A_1393, %swap3A_1394, %swap3A_1395] {strides = array<i32>} : memref<2x128x144xf32, #tpu.memory_space<vmem>>, vector<1x1x16xf32>,
    %swap3A_1397 = vector.shape_cast %swap3A_1396 : vector<1x1x16xf32> to vector<16xf32>
    %swap3A_1398 = vector.shape_cast %broadcast_in_dim3A_1390 : vector<16xf32> to vector<1x1x16xf32>
    tpu.vector_store %arg8[%swap3A_1393, %swap3A_1394, %swap3A_1395], %swap3A_1398 {strides = array<i32>} : memref<2x128x144xf32, #tpu.memory_space<vmem>>, vector<1x1x16xf32>,
    %broadcast_in_dim3A_1399 = arith.constant 0.000000e+00 : f32
    %broadcast_in_dim3A_1400 = vector.broadcast %broadcast_in_dim3A_1399 : f32 to vector<16xf32>
    %swap3A_1401 = arith.constant 0 : i32
    %swap3A_1402 = arith.constant 15 : i32
    %swap3A_1403 = arith.index_cast %swap3A_1401 : i32 to index
    %swap3A_1404 = arith.index_cast %swap3A_1402 : i32 to index
    %swap3A_1405 = arith.constant 80 : index
    %swap3A_1406 = tpu.vector_load %arg8[%swap3A_1403, %swap3A_1404, %swap3A_1405] {strides = array<i32>} : memref<2x128x144xf32, #tpu.memory_space<vmem>>, vector<1x1x16xf32>,
    %swap3A_1407 = vector.shape_cast %swap3A_1406 : vector<1x1x16xf32> to vector<16xf32>
    %swap3A_1408 = vector.shape_cast %broadcast_in_dim3A_1400 : vector<16xf32> to vector<1x1x16xf32>
    tpu.vector_store %arg8[%swap3A_1403, %swap3A_1404, %swap3A_1405], %swap3A_1408 {strides = array<i32>} : memref<2x128x144xf32, #tpu.memory_space<vmem>>, vector<1x1x16xf32>,
    %broadcast_in_dim3A_1409 = arith.constant 0.000000e+00 : f32
    %broadcast_in_dim3A_1410 = vector.broadcast %broadcast_in_dim3A_1409 : f32 to vector<16xf32>
    %swap3A_1411 = arith.constant 0 : i32
    %swap3A_1412 = arith.constant 15 : i32
    %swap3A_1413 = arith.index_cast %swap3A_1411 : i32 to index
    %swap3A_1414 = arith.index_cast %swap3A_1412 : i32 to index
    %swap3A_1415 = arith.constant 96 : index
    %swap3A_1416 = tpu.vector_load %arg8[%swap3A_1413, %swap3A_1414, %swap3A_1415] {strides = array<i32>} : memref<2x128x144xf32, #tpu.memory_space<vmem>>, vector<1x1x16xf32>,
    %swap3A_1417 = vector.shape_cast %swap3A_1416 : vector<1x1x16xf32> to vector<16xf32>
    %swap3A_1418 = vector.shape_cast %broadcast_in_dim3A_1410 : vector<16xf32> to vector<1x1x16xf32>
    tpu.vector_store %arg8[%swap3A_1413, %swap3A_1414, %swap3A_1415], %swap3A_1418 {strides = array<i32>} : memref<2x128x144xf32, #tpu.memory_space<vmem>>, vector<1x1x16xf32>,
    %broadcast_in_dim3A_1419 = arith.constant 0.000000e+00 : f32
    %broadcast_in_dim3A_1420 = vector.broadcast %broadcast_in_dim3A_1419 : f32 to vector<16xf32>
    %swap3A_1421 = arith.constant 0 : i32
    %swap3A_1422 = arith.constant 15 : i32
    %swap3A_1423 = arith.index_cast %swap3A_1421 : i32 to index
    %swap3A_1424 = arith.index_cast %swap3A_1422 : i32 to index
    %swap3A_1425 = arith.constant 112 : index
    %swap3A_1426 = tpu.vector_load %arg8[%swap3A_1423, %swap3A_1424, %swap3A_1425] {strides = array<i32>} : memref<2x128x144xf32, #tpu.memory_space<vmem>>, vector<1x1x16xf32>,
    %swap3A_1427 = vector.shape_cast %swap3A_1426 : vector<1x1x16xf32> to vector<16xf32>
    %swap3A_1428 = vector.shape_cast %broadcast_in_dim3A_1420 : vector<16xf32> to vector<1x1x16xf32>
    tpu.vector_store %arg8[%swap3A_1423, %swap3A_1424, %swap3A_1425], %swap3A_1428 {strides = array<i32>} : memref<2x128x144xf32, #tpu.memory_space<vmem>>, vector<1x1x16xf32>,
    %broadcast_in_dim3A_1429 = arith.constant 0.000000e+00 : f32
    %broadcast_in_dim3A_1430 = vector.broadcast %broadcast_in_dim3A_1429 : f32 to vector<16xf32>
    %swap3A_1431 = arith.constant 0 : i32
    %swap3A_1432 = arith.constant 15 : i32
    %swap3A_1433 = arith.index_cast %swap3A_1431 : i32 to index
    %swap3A_1434 = arith.index_cast %swap3A_1432 : i32 to index
    %swap3A_1435 = arith.constant 128 : index
    %swap3A_1436 = tpu.vector_load %arg8[%swap3A_1433, %swap3A_1434, %swap3A_1435] {strides = array<i32>} : memref<2x128x144xf32, #tpu.memory_space<vmem>>, vector<1x1x16xf32>,
    %swap3A_1437 = vector.shape_cast %swap3A_1436 : vector<1x1x16xf32> to vector<16xf32>
    %swap3A_1438 = vector.shape_cast %broadcast_in_dim3A_1430 : vector<16xf32> to vector<1x1x16xf32>
    tpu.vector_store %arg8[%swap3A_1433, %swap3A_1434, %swap3A_1435], %swap3A_1438 {strides = array<i32>} : memref<2x128x144xf32, #tpu.memory_space<vmem>>, vector<1x1x16xf32>,
    %broadcast_in_dim3A_1439 = arith.constant 0.000000e+00 : f32
    %broadcast_in_dim3A_1440 = vector.broadcast %broadcast_in_dim3A_1439 : f32 to vector<16xf32>
    %swap3A_1441 = arith.constant 0 : i32
    %swap3A_1442 = arith.constant 16 : i32
    %swap3A_1443 = arith.index_cast %swap3A_1441 : i32 to index
    %swap3A_1444 = arith.index_cast %swap3A_1442 : i32 to index
    %swap3A_1445 = arith.constant 0 : index
    %swap3A_1446 = tpu.vector_load %arg8[%swap3A_1443, %swap3A_1444, %swap3A_1445] {strides = array<i32>} : memref<2x128x144xf32, #tpu.memory_space<vmem>>, vector<1x1x16xf32>,
    %swap3A_1447 = vector.shape_cast %swap3A_1446 : vector<1x1x16xf32> to vector<16xf32>
    %swap3A_1448 = vector.shape_cast %broadcast_in_dim3A_1440 : vector<16xf32> to vector<1x1x16xf32>
    tpu.vector_store %arg8[%swap3A_1443, %swap3A_1444, %swap3A_1445], %swap3A_1448 {strides = array<i32>} : memref<2x128x144xf32, #tpu.memory_space<vmem>>, vector<1x1x16xf32>,
    %broadcast_in_dim3A_1449 = arith.constant 0.000000e+00 : f32
    %broadcast_in_dim3A_1450 = vector.broadcast %broadcast_in_dim3A_1449 : f32 to vector<16xf32>
    %swap3A_1451 = arith.constant 0 : i32
    %swap3A_1452 = arith.constant 16 : i32
    %swap3A_1453 = arith.index_cast %swap3A_1451 : i32 to index
    %swap3A_1454 = arith.index_cast %swap3A_1452 : i32 to index
    %swap3A_1455 = arith.constant 16 : index
    %swap3A_1456 = tpu.vector_load %arg8[%swap3A_1453, %swap3A_1454, %swap3A_1455] {strides = array<i32>} : memref<2x128x144xf32, #tpu.memory_space<vmem>>, vector<1x1x16xf32>,
    %swap3A_1457 = vector.shape_cast %swap3A_1456 : vector<1x1x16xf32> to vector<16xf32>
    %swap3A_1458 = vector.shape_cast %broadcast_in_dim3A_1450 : vector<16xf32> to vector<1x1x16xf32>
    tpu.vector_store %arg8[%swap3A_1453, %swap3A_1454, %swap3A_1455], %swap3A_1458 {strides = array<i32>} : memref<2x128x144xf32, #tpu.memory_space<vmem>>, vector<1x1x16xf32>,
    %broadcast_in_dim3A_1459 = arith.constant 0.000000e+00 : f32
    %broadcast_in_dim3A_1460 = vector.broadcast %broadcast_in_dim3A_1459 : f32 to vector<16xf32>
    %swap3A_1461 = arith.constant 0 : i32
    %swap3A_1462 = arith.constant 16 : i32
    %swap3A_1463 = arith.index_cast %swap3A_1461 : i32 to index
    %swap3A_1464 = arith.index_cast %swap3A_1462 : i32 to index
    %swap3A_1465 = arith.constant 32 : index
    %swap3A_1466 = tpu.vector_load %arg8[%swap3A_1463, %swap3A_1464, %swap3A_1465] {strides = array<i32>} : memref<2x128x144xf32, #tpu.memory_space<vmem>>, vector<1x1x16xf32>,
    %swap3A_1467 = vector.shape_cast %swap3A_1466 : vector<1x1x16xf32> to vector<16xf32>
    %swap3A_1468 = vector.shape_cast %broadcast_in_dim3A_1460 : vector<16xf32> to vector<1x1x16xf32>
    tpu.vector_store %arg8[%swap3A_1463, %swap3A_1464, %swap3A_1465], %swap3A_1468 {strides = array<i32>} : memref<2x128x144xf32, #tpu.memory_space<vmem>>, vector<1x1x16xf32>,
    %broadcast_in_dim3A_1469 = arith.constant 0.000000e+00 : f32
    %broadcast_in_dim3A_1470 = vector.broadcast %broadcast_in_dim3A_1469 : f32 to vector<16xf32>
    %swap3A_1471 = arith.constant 0 : i32
    %swap3A_1472 = arith.constant 16 : i32
    %swap3A_1473 = arith.index_cast %swap3A_1471 : i32 to index
    %swap3A_1474 = arith.index_cast %swap3A_1472 : i32 to index
    %swap3A_1475 = arith.constant 48 : index
    %swap3A_1476 = tpu.vector_load %arg8[%swap3A_1473, %swap3A_1474, %swap3A_1475] {strides = array<i32>} : memref<2x128x144xf32, #tpu.memory_space<vmem>>, vector<1x1x16xf32>,
    %swap3A_1477 = vector.shape_cast %swap3A_1476 : vector<1x1x16xf32> to vector<16xf32>
    %swap3A_1478 = vector.shape_cast %broadcast_in_dim3A_1470 : vector<16xf32> to vector<1x1x16xf32>
    tpu.vector_store %arg8[%swap3A_1473, %swap3A_1474, %swap3A_1475], %swap3A_1478 {strides = array<i32>} : memref<2x128x144xf32, #tpu.memory_space<vmem>>, vector<1x1x16xf32>,
    %broadcast_in_dim3A_1479 = arith.constant 0.000000e+00 : f32
    %broadcast_in_dim3A_1480 = vector.broadcast %broadcast_in_dim3A_1479 : f32 to vector<16xf32>
    %swap3A_1481 = arith.constant 0 : i32
    %swap3A_1482 = arith.constant 16 : i32
    %swap3A_1483 = arith.index_cast %swap3A_1481 : i32 to index
    %swap3A_1484 = arith.index_cast %swap3A_1482 : i32 to index
    %swap3A_1485 = arith.constant 64 : index
    %swap3A_1486 = tpu.vector_load %arg8[%swap3A_1483, %swap3A_1484, %swap3A_1485] {strides = array<i32>} : memref<2x128x144xf32, #tpu.memory_space<vmem>>, vector<1x1x16xf32>,
    %swap3A_1487 = vector.shape_cast %swap3A_1486 : vector<1x1x16xf32> to vector<16xf32>
    %swap3A_1488 = vector.shape_cast %broadcast_in_dim3A_1480 : vector<16xf32> to vector<1x1x16xf32>
    tpu.vector_store %arg8[%swap3A_1483, %swap3A_1484, %swap3A_1485], %swap3A_1488 {strides = array<i32>} : memref<2x128x144xf32, #tpu.memory_space<vmem>>, vector<1x1x16xf32>,
    %broadcast_in_dim3A_1489 = arith.constant 0.000000e+00 : f32
    %broadcast_in_dim3A_1490 = vector.broadcast %broadcast_in_dim3A_1489 : f32 to vector<16xf32>
    %swap3A_1491 = arith.constant 0 : i32
    %swap3A_1492 = arith.constant 16 : i32
    %swap3A_1493 = arith.index_cast %swap3A_1491 : i32 to index
    %swap3A_1494 = arith.index_cast %swap3A_1492 : i32 to index
    %swap3A_1495 = arith.constant 80 : index
    %swap3A_1496 = tpu.vector_load %arg8[%swap3A_1493, %swap3A_1494, %swap3A_1495] {strides = array<i32>} : memref<2x128x144xf32, #tpu.memory_space<vmem>>, vector<1x1x16xf32>,
    %swap3A_1497 = vector.shape_cast %swap3A_1496 : vector<1x1x16xf32> to vector<16xf32>
    %swap3A_1498 = vector.shape_cast %broadcast_in_dim3A_1490 : vector<16xf32> to vector<1x1x16xf32>
    tpu.vector_store %arg8[%swap3A_1493, %swap3A_1494, %swap3A_1495], %swap3A_1498 {strides = array<i32>} : memref<2x128x144xf32, #tpu.memory_space<vmem>>, vector<1x1x16xf32>,
    %broadcast_in_dim3A_1499 = arith.constant 0.000000e+00 : f32
    %broadcast_in_dim3A_1500 = vector.broadcast %broadcast_in_dim3A_1499 : f32 to vector<16xf32>
    %swap3A_1501 = arith.constant 0 : i32
    %swap3A_1502 = arith.constant 16 : i32
    %swap3A_1503 = arith.index_cast %swap3A_1501 : i32 to index
    %swap3A_1504 = arith.index_cast %swap3A_1502 : i32 to index
    %swap3A_1505 = arith.constant 96 : index
    %swap3A_1506 = tpu.vector_load %arg8[%swap3A_1503, %swap3A_1504, %swap3A_1505] {strides = array<i32>} : memref<2x128x144xf32, #tpu.memory_space<vmem>>, vector<1x1x16xf32>,
    %swap3A_1507 = vector.shape_cast %swap3A_1506 : vector<1x1x16xf32> to vector<16xf32>
    %swap3A_1508 = vector.shape_cast %broadcast_in_dim3A_1500 : vector<16xf32> to vector<1x1x16xf32>
    tpu.vector_store %arg8[%swap3A_1503, %swap3A_1504, %swap3A_1505], %swap3A_1508 {strides = array<i32>} : memref<2x128x144xf32, #tpu.memory_space<vmem>>, vector<1x1x16xf32>,
    %broadcast_in_dim3A_1509 = arith.constant 0.000000e+00 : f32
    %broadcast_in_dim3A_1510 = vector.broadcast %broadcast_in_dim3A_1509 : f32 to vector<16xf32>
    %swap3A_1511 = arith.constant 0 : i32
    %swap3A_1512 = arith.constant 16 : i32
    %swap3A_1513 = arith.index_cast %swap3A_1511 : i32 to index
    %swap3A_1514 = arith.index_cast %swap3A_1512 : i32 to index
    %swap3A_1515 = arith.constant 112 : index
    %swap3A_1516 = tpu.vector_load %arg8[%swap3A_1513, %swap3A_1514, %swap3A_1515] {strides = array<i32>} : memref<2x128x144xf32, #tpu.memory_space<vmem>>, vector<1x1x16xf32>,
    %swap3A_1517 = vector.shape_cast %swap3A_1516 : vector<1x1x16xf32> to vector<16xf32>
    %swap3A_1518 = vector.shape_cast %broadcast_in_dim3A_1510 : vector<16xf32> to vector<1x1x16xf32>
    tpu.vector_store %arg8[%swap3A_1513, %swap3A_1514, %swap3A_1515], %swap3A_1518 {strides = array<i32>} : memref<2x128x144xf32, #tpu.memory_space<vmem>>, vector<1x1x16xf32>,
    %broadcast_in_dim3A_1519 = arith.constant 0.000000e+00 : f32
    %broadcast_in_dim3A_1520 = vector.broadcast %broadcast_in_dim3A_1519 : f32 to vector<16xf32>
    %swap3A_1521 = arith.constant 0 : i32
    %swap3A_1522 = arith.constant 16 : i32
    %swap3A_1523 = arith.index_cast %swap3A_1521 : i32 to index
    %swap3A_1524 = arith.index_cast %swap3A_1522 : i32 to index
    %swap3A_1525 = arith.constant 128 : index
    %swap3A_1526 = tpu.vector_load %arg8[%swap3A_1523, %swap3A_1524, %swap3A_1525] {strides = array<i32>} : memref<2x128x144xf32, #tpu.memory_space<vmem>>, vector<1x1x16xf32>,
    %swap3A_1527 = vector.shape_cast %swap3A_1526 : vector<1x1x16xf32> to vector<16xf32>
    %swap3A_1528 = vector.shape_cast %broadcast_in_dim3A_1520 : vector<16xf32> to vector<1x1x16xf32>
    tpu.vector_store %arg8[%swap3A_1523, %swap3A_1524, %swap3A_1525], %swap3A_1528 {strides = array<i32>} : memref<2x128x144xf32, #tpu.memory_space<vmem>>, vector<1x1x16xf32>,
    %broadcast_in_dim3A_1529 = arith.constant 0.000000e+00 : f32
    %broadcast_in_dim3A_1530 = vector.broadcast %broadcast_in_dim3A_1529 : f32 to vector<16xf32>
    %swap3A_1531 = arith.constant 0 : i32
    %swap3A_1532 = arith.constant 17 : i32
    %swap3A_1533 = arith.index_cast %swap3A_1531 : i32 to index
    %swap3A_1534 = arith.index_cast %swap3A_1532 : i32 to index
    %swap3A_1535 = arith.constant 0 : index
    %swap3A_1536 = tpu.vector_load %arg8[%swap3A_1533, %swap3A_1534, %swap3A_1535] {strides = array<i32>} : memref<2x128x144xf32, #tpu.memory_space<vmem>>, vector<1x1x16xf32>,
    %swap3A_1537 = vector.shape_cast %swap3A_1536 : vector<1x1x16xf32> to vector<16xf32>
    %swap3A_1538 = vector.shape_cast %broadcast_in_dim3A_1530 : vector<16xf32> to vector<1x1x16xf32>
    tpu.vector_store %arg8[%swap3A_1533, %swap3A_1534, %swap3A_1535], %swap3A_1538 {strides = array<i32>} : memref<2x128x144xf32, #tpu.memory_space<vmem>>, vector<1x1x16xf32>,
    %broadcast_in_dim3A_1539 = arith.constant 0.000000e+00 : f32
    %broadcast_in_dim3A_1540 = vector.broadcast %broadcast_in_dim3A_1539 : f32 to vector<16xf32>
    %swap3A_1541 = arith.constant 0 : i32
    %swap3A_1542 = arith.constant 17 : i32
    %swap3A_1543 = arith.index_cast %swap3A_1541 : i32 to index
    %swap3A_1544 = arith.index_cast %swap3A_1542 : i32 to index
    %swap3A_1545 = arith.constant 16 : index
    %swap3A_1546 = tpu.vector_load %arg8[%swap3A_1543, %swap3A_1544, %swap3A_1545] {strides = array<i32>} : memref<2x128x144xf32, #tpu.memory_space<vmem>>, vector<1x1x16xf32>,
    %swap3A_1547 = vector.shape_cast %swap3A_1546 : vector<1x1x16xf32> to vector<16xf32>
    %swap3A_1548 = vector.shape_cast %broadcast_in_dim3A_1540 : vector<16xf32> to vector<1x1x16xf32>
    tpu.vector_store %arg8[%swap3A_1543, %swap3A_1544, %swap3A_1545], %swap3A_1548 {strides = array<i32>} : memref<2x128x144xf32, #tpu.memory_space<vmem>>, vector<1x1x16xf32>,
    %broadcast_in_dim3A_1549 = arith.constant 0.000000e+00 : f32
    %broadcast_in_dim3A_1550 = vector.broadcast %broadcast_in_dim3A_1549 : f32 to vector<16xf32>
    %swap3A_1551 = arith.constant 0 : i32
    %swap3A_1552 = arith.constant 17 : i32
    %swap3A_1553 = arith.index_cast %swap3A_1551 : i32 to index
    %swap3A_1554 = arith.index_cast %swap3A_1552 : i32 to index
    %swap3A_1555 = arith.constant 32 : index
    %swap3A_1556 = tpu.vector_load %arg8[%swap3A_1553, %swap3A_1554, %swap3A_1555] {strides = array<i32>} : memref<2x128x144xf32, #tpu.memory_space<vmem>>, vector<1x1x16xf32>,
    %swap3A_1557 = vector.shape_cast %swap3A_1556 : vector<1x1x16xf32> to vector<16xf32>
    %swap3A_1558 = vector.shape_cast %broadcast_in_dim3A_1550 : vector<16xf32> to vector<1x1x16xf32>
    tpu.vector_store %arg8[%swap3A_1553, %swap3A_1554, %swap3A_1555], %swap3A_1558 {strides = array<i32>} : memref<2x128x144xf32, #tpu.memory_space<vmem>>, vector<1x1x16xf32>,
    %broadcast_in_dim3A_1559 = arith.constant 0.000000e+00 : f32
    %broadcast_in_dim3A_1560 = vector.broadcast %broadcast_in_dim3A_1559 : f32 to vector<16xf32>
    %swap3A_1561 = arith.constant 0 : i32
    %swap3A_1562 = arith.constant 17 : i32
    %swap3A_1563 = arith.index_cast %swap3A_1561 : i32 to index
    %swap3A_1564 = arith.index_cast %swap3A_1562 : i32 to index
    %swap3A_1565 = arith.constant 48 : index
    %swap3A_1566 = tpu.vector_load %arg8[%swap3A_1563, %swap3A_1564, %swap3A_1565] {strides = array<i32>} : memref<2x128x144xf32, #tpu.memory_space<vmem>>, vector<1x1x16xf32>,
    %swap3A_1567 = vector.shape_cast %swap3A_1566 : vector<1x1x16xf32> to vector<16xf32>
    %swap3A_1568 = vector.shape_cast %broadcast_in_dim3A_1560 : vector<16xf32> to vector<1x1x16xf32>
    tpu.vector_store %arg8[%swap3A_1563, %swap3A_1564, %swap3A_1565], %swap3A_1568 {strides = array<i32>} : memref<2x128x144xf32, #tpu.memory_space<vmem>>, vector<1x1x16xf32>,
    %broadcast_in_dim3A_1569 = arith.constant 0.000000e+00 : f32
    %broadcast_in_dim3A_1570 = vector.broadcast %broadcast_in_dim3A_1569 : f32 to vector<16xf32>
    %swap3A_1571 = arith.constant 0 : i32
    %swap3A_1572 = arith.constant 17 : i32
    %swap3A_1573 = arith.index_cast %swap3A_1571 : i32 to index
    %swap3A_1574 = arith.index_cast %swap3A_1572 : i32 to index
    %swap3A_1575 = arith.constant 64 : index
    %swap3A_1576 = tpu.vector_load %arg8[%swap3A_1573, %swap3A_1574, %swap3A_1575] {strides = array<i32>} : memref<2x128x144xf32, #tpu.memory_space<vmem>>, vector<1x1x16xf32>,
    %swap3A_1577 = vector.shape_cast %swap3A_1576 : vector<1x1x16xf32> to vector<16xf32>
    %swap3A_1578 = vector.shape_cast %broadcast_in_dim3A_1570 : vector<16xf32> to vector<1x1x16xf32>
    tpu.vector_store %arg8[%swap3A_1573, %swap3A_1574, %swap3A_1575], %swap3A_1578 {strides = array<i32>} : memref<2x128x144xf32, #tpu.memory_space<vmem>>, vector<1x1x16xf32>,
    %broadcast_in_dim3A_1579 = arith.constant 0.000000e+00 : f32
    %broadcast_in_dim3A_1580 = vector.broadcast %broadcast_in_dim3A_1579 : f32 to vector<16xf32>
    %swap3A_1581 = arith.constant 0 : i32
    %swap3A_1582 = arith.constant 17 : i32
    %swap3A_1583 = arith.index_cast %swap3A_1581 : i32 to index
    %swap3A_1584 = arith.index_cast %swap3A_1582 : i32 to index
    %swap3A_1585 = arith.constant 80 : index
    %swap3A_1586 = tpu.vector_load %arg8[%swap3A_1583, %swap3A_1584, %swap3A_1585] {strides = array<i32>} : memref<2x128x144xf32, #tpu.memory_space<vmem>>, vector<1x1x16xf32>,
    %swap3A_1587 = vector.shape_cast %swap3A_1586 : vector<1x1x16xf32> to vector<16xf32>
    %swap3A_1588 = vector.shape_cast %broadcast_in_dim3A_1580 : vector<16xf32> to vector<1x1x16xf32>
    tpu.vector_store %arg8[%swap3A_1583, %swap3A_1584, %swap3A_1585], %swap3A_1588 {strides = array<i32>} : memref<2x128x144xf32, #tpu.memory_space<vmem>>, vector<1x1x16xf32>,
    %broadcast_in_dim3A_1589 = arith.constant 0.000000e+00 : f32
    %broadcast_in_dim3A_1590 = vector.broadcast %broadcast_in_dim3A_1589 : f32 to vector<16xf32>
    %swap3A_1591 = arith.constant 0 : i32
    %swap3A_1592 = arith.constant 17 : i32
    %swap3A_1593 = arith.index_cast %swap3A_1591 : i32 to index
    %swap3A_1594 = arith.index_cast %swap3A_1592 : i32 to index
    %swap3A_1595 = arith.constant 96 : index
    %swap3A_1596 = tpu.vector_load %arg8[%swap3A_1593, %swap3A_1594, %swap3A_1595] {strides = array<i32>} : memref<2x128x144xf32, #tpu.memory_space<vmem>>, vector<1x1x16xf32>,
    %swap3A_1597 = vector.shape_cast %swap3A_1596 : vector<1x1x16xf32> to vector<16xf32>
    %swap3A_1598 = vector.shape_cast %broadcast_in_dim3A_1590 : vector<16xf32> to vector<1x1x16xf32>
    tpu.vector_store %arg8[%swap3A_1593, %swap3A_1594, %swap3A_1595], %swap3A_1598 {strides = array<i32>} : memref<2x128x144xf32, #tpu.memory_space<vmem>>, vector<1x1x16xf32>,
    %broadcast_in_dim3A_1599 = arith.constant 0.000000e+00 : f32
    %broadcast_in_dim3A_1600 = vector.broadcast %broadcast_in_dim3A_1599 : f32 to vector<16xf32>
    %swap3A_1601 = arith.constant 0 : i32
    %swap3A_1602 = arith.constant 17 : i32
    %swap3A_1603 = arith.index_cast %swap3A_1601 : i32 to index
    %swap3A_1604 = arith.index_cast %swap3A_1602 : i32 to index
    %swap3A_1605 = arith.constant 112 : index
    %swap3A_1606 = tpu.vector_load %arg8[%swap3A_1603, %swap3A_1604, %swap3A_1605] {strides = array<i32>} : memref<2x128x144xf32, #tpu.memory_space<vmem>>, vector<1x1x16xf32>,
    %swap3A_1607 = vector.shape_cast %swap3A_1606 : vector<1x1x16xf32> to vector<16xf32>
    %swap3A_1608 = vector.shape_cast %broadcast_in_dim3A_1600 : vector<16xf32> to vector<1x1x16xf32>
    tpu.vector_store %arg8[%swap3A_1603, %swap3A_1604, %swap3A_1605], %swap3A_1608 {strides = array<i32>} : memref<2x128x144xf32, #tpu.memory_space<vmem>>, vector<1x1x16xf32>,
    %broadcast_in_dim3A_1609 = arith.constant 0.000000e+00 : f32
    %broadcast_in_dim3A_1610 = vector.broadcast %broadcast_in_dim3A_1609 : f32 to vector<16xf32>
    %swap3A_1611 = arith.constant 0 : i32
    %swap3A_1612 = arith.constant 17 : i32
    %swap3A_1613 = arith.index_cast %swap3A_1611 : i32 to index
    %swap3A_1614 = arith.index_cast %swap3A_1612 : i32 to index
    %swap3A_1615 = arith.constant 128 : index
    %swap3A_1616 = tpu.vector_load %arg8[%swap3A_1613, %swap3A_1614, %swap3A_1615] {strides = array<i32>} : memref<2x128x144xf32, #tpu.memory_space<vmem>>, vector<1x1x16xf32>,
    %swap3A_1617 = vector.shape_cast %swap3A_1616 : vector<1x1x16xf32> to vector<16xf32>
    %swap3A_1618 = vector.shape_cast %broadcast_in_dim3A_1610 : vector<16xf32> to vector<1x1x16xf32>
    tpu.vector_store %arg8[%swap3A_1613, %swap3A_1614, %swap3A_1615], %swap3A_1618 {strides = array<i32>} : memref<2x128x144xf32, #tpu.memory_space<vmem>>, vector<1x1x16xf32>,
    %broadcast_in_dim3A_1619 = arith.constant 0.000000e+00 : f32
    %broadcast_in_dim3A_1620 = vector.broadcast %broadcast_in_dim3A_1619 : f32 to vector<16xf32>
    %swap3A_1621 = arith.constant 0 : i32
    %swap3A_1622 = arith.constant 18 : i32
    %swap3A_1623 = arith.index_cast %swap3A_1621 : i32 to index
    %swap3A_1624 = arith.index_cast %swap3A_1622 : i32 to index
    %swap3A_1625 = arith.constant 0 : index
    %swap3A_1626 = tpu.vector_load %arg8[%swap3A_1623, %swap3A_1624, %swap3A_1625] {strides = array<i32>} : memref<2x128x144xf32, #tpu.memory_space<vmem>>, vector<1x1x16xf32>,
    %swap3A_1627 = vector.shape_cast %swap3A_1626 : vector<1x1x16xf32> to vector<16xf32>
    %swap3A_1628 = vector.shape_cast %broadcast_in_dim3A_1620 : vector<16xf32> to vector<1x1x16xf32>
    tpu.vector_store %arg8[%swap3A_1623, %swap3A_1624, %swap3A_1625], %swap3A_1628 {strides = array<i32>} : memref<2x128x144xf32, #tpu.memory_space<vmem>>, vector<1x1x16xf32>,
    %broadcast_in_dim3A_1629 = arith.constant 0.000000e+00 : f32
    %broadcast_in_dim3A_1630 = vector.broadcast %broadcast_in_dim3A_1629 : f32 to vector<16xf32>
    %swap3A_1631 = arith.constant 0 : i32
    %swap3A_1632 = arith.constant 18 : i32
    %swap3A_1633 = arith.index_cast %swap3A_1631 : i32 to index
    %swap3A_1634 = arith.index_cast %swap3A_1632 : i32 to index
    %swap3A_1635 = arith.constant 16 : index
    %swap3A_1636 = tpu.vector_load %arg8[%swap3A_1633, %swap3A_1634, %swap3A_1635] {strides = array<i32>} : memref<2x128x144xf32, #tpu.memory_space<vmem>>, vector<1x1x16xf32>,
    %swap3A_1637 = vector.shape_cast %swap3A_1636 : vector<1x1x16xf32> to vector<16xf32>
    %swap3A_1638 = vector.shape_cast %broadcast_in_dim3A_1630 : vector<16xf32> to vector<1x1x16xf32>
    tpu.vector_store %arg8[%swap3A_1633, %swap3A_1634, %swap3A_1635], %swap3A_1638 {strides = array<i32>} : memref<2x128x144xf32, #tpu.memory_space<vmem>>, vector<1x1x16xf32>,
    %broadcast_in_dim3A_1639 = arith.constant 0.000000e+00 : f32
    %broadcast_in_dim3A_1640 = vector.broadcast %broadcast_in_dim3A_1639 : f32 to vector<16xf32>
    %swap3A_1641 = arith.constant 0 : i32
    %swap3A_1642 = arith.constant 18 : i32
    %swap3A_1643 = arith.index_cast %swap3A_1641 : i32 to index
    %swap3A_1644 = arith.index_cast %swap3A_1642 : i32 to index
    %swap3A_1645 = arith.constant 32 : index
    %swap3A_1646 = tpu.vector_load %arg8[%swap3A_1643, %swap3A_1644, %swap3A_1645] {strides = array<i32>} : memref<2x128x144xf32, #tpu.memory_space<vmem>>, vector<1x1x16xf32>,
    %swap3A_1647 = vector.shape_cast %swap3A_1646 : vector<1x1x16xf32> to vector<16xf32>
    %swap3A_1648 = vector.shape_cast %broadcast_in_dim3A_1640 : vector<16xf32> to vector<1x1x16xf32>
    tpu.vector_store %arg8[%swap3A_1643, %swap3A_1644, %swap3A_1645], %swap3A_1648 {strides = array<i32>} : memref<2x128x144xf32, #tpu.memory_space<vmem>>, vector<1x1x16xf32>,
    %broadcast_in_dim3A_1649 = arith.constant 0.000000e+00 : f32
    %broadcast_in_dim3A_1650 = vector.broadcast %broadcast_in_dim3A_1649 : f32 to vector<16xf32>
    %swap3A_1651 = arith.constant 0 : i32
    %swap3A_1652 = arith.constant 18 : i32
    %swap3A_1653 = arith.index_cast %swap3A_1651 : i32 to index
    %swap3A_1654 = arith.index_cast %swap3A_1652 : i32 to index
    %swap3A_1655 = arith.constant 48 : index
    %swap3A_1656 = tpu.vector_load %arg8[%swap3A_1653, %swap3A_1654, %swap3A_1655] {strides = array<i32>} : memref<2x128x144xf32, #tpu.memory_space<vmem>>, vector<1x1x16xf32>,
    %swap3A_1657 = vector.shape_cast %swap3A_1656 : vector<1x1x16xf32> to vector<16xf32>
    %swap3A_1658 = vector.shape_cast %broadcast_in_dim3A_1650 : vector<16xf32> to vector<1x1x16xf32>
    tpu.vector_store %arg8[%swap3A_1653, %swap3A_1654, %swap3A_1655], %swap3A_1658 {strides = array<i32>} : memref<2x128x144xf32, #tpu.memory_space<vmem>>, vector<1x1x16xf32>,
    %broadcast_in_dim3A_1659 = arith.constant 0.000000e+00 : f32
    %broadcast_in_dim3A_1660 = vector.broadcast %broadcast_in_dim3A_1659 : f32 to vector<16xf32>
    %swap3A_1661 = arith.constant 0 : i32
    %swap3A_1662 = arith.constant 18 : i32
    %swap3A_1663 = arith.index_cast %swap3A_1661 : i32 to index
    %swap3A_1664 = arith.index_cast %swap3A_1662 : i32 to index
    %swap3A_1665 = arith.constant 64 : index
    %swap3A_1666 = tpu.vector_load %arg8[%swap3A_1663, %swap3A_1664, %swap3A_1665] {strides = array<i32>} : memref<2x128x144xf32, #tpu.memory_space<vmem>>, vector<1x1x16xf32>,
    %swap3A_1667 = vector.shape_cast %swap3A_1666 : vector<1x1x16xf32> to vector<16xf32>
    %swap3A_1668 = vector.shape_cast %broadcast_in_dim3A_1660 : vector<16xf32> to vector<1x1x16xf32>
    tpu.vector_store %arg8[%swap3A_1663, %swap3A_1664, %swap3A_1665], %swap3A_1668 {strides = array<i32>} : memref<2x128x144xf32, #tpu.memory_space<vmem>>, vector<1x1x16xf32>,
    %broadcast_in_dim3A_1669 = arith.constant 0.000000e+00 : f32
    %broadcast_in_dim3A_1670 = vector.broadcast %broadcast_in_dim3A_1669 : f32 to vector<16xf32>
    %swap3A_1671 = arith.constant 0 : i32
    %swap3A_1672 = arith.constant 18 : i32
    %swap3A_1673 = arith.index_cast %swap3A_1671 : i32 to index
    %swap3A_1674 = arith.index_cast %swap3A_1672 : i32 to index
    %swap3A_1675 = arith.constant 80 : index
    %swap3A_1676 = tpu.vector_load %arg8[%swap3A_1673, %swap3A_1674, %swap3A_1675] {strides = array<i32>} : memref<2x128x144xf32, #tpu.memory_space<vmem>>, vector<1x1x16xf32>,
    %swap3A_1677 = vector.shape_cast %swap3A_1676 : vector<1x1x16xf32> to vector<16xf32>
    %swap3A_1678 = vector.shape_cast %broadcast_in_dim3A_1670 : vector<16xf32> to vector<1x1x16xf32>
    tpu.vector_store %arg8[%swap3A_1673, %swap3A_1674, %swap3A_1675], %swap3A_1678 {strides = array<i32>} : memref<2x128x144xf32, #tpu.memory_space<vmem>>, vector<1x1x16xf32>,
    %broadcast_in_dim3A_1679 = arith.constant 0.000000e+00 : f32
    %broadcast_in_dim3A_1680 = vector.broadcast %broadcast_in_dim3A_1679 : f32 to vector<16xf32>
    %swap3A_1681 = arith.constant 0 : i32
    %swap3A_1682 = arith.constant 18 : i32
    %swap3A_1683 = arith.index_cast %swap3A_1681 : i32 to index
    %swap3A_1684 = arith.index_cast %swap3A_1682 : i32 to index
    %swap3A_1685 = arith.constant 96 : index
    %swap3A_1686 = tpu.vector_load %arg8[%swap3A_1683, %swap3A_1684, %swap3A_1685] {strides = array<i32>} : memref<2x128x144xf32, #tpu.memory_space<vmem>>, vector<1x1x16xf32>,
    %swap3A_1687 = vector.shape_cast %swap3A_1686 : vector<1x1x16xf32> to vector<16xf32>
    %swap3A_1688 = vector.shape_cast %broadcast_in_dim3A_1680 : vector<16xf32> to vector<1x1x16xf32>
    tpu.vector_store %arg8[%swap3A_1683, %swap3A_1684, %swap3A_1685], %swap3A_1688 {strides = array<i32>} : memref<2x128x144xf32, #tpu.memory_space<vmem>>, vector<1x1x16xf32>,
    %broadcast_in_dim3A_1689 = arith.constant 0.000000e+00 : f32
    %broadcast_in_dim3A_1690 = vector.broadcast %broadcast_in_dim3A_1689 : f32 to vector<16xf32>
    %swap3A_1691 = arith.constant 0 : i32
    %swap3A_1692 = arith.constant 18 : i32
    %swap3A_1693 = arith.index_cast %swap3A_1691 : i32 to index
    %swap3A_1694 = arith.index_cast %swap3A_1692 : i32 to index
    %swap3A_1695 = arith.constant 112 : index
    %swap3A_1696 = tpu.vector_load %arg8[%swap3A_1693, %swap3A_1694, %swap3A_1695] {strides = array<i32>} : memref<2x128x144xf32, #tpu.memory_space<vmem>>, vector<1x1x16xf32>,
    %swap3A_1697 = vector.shape_cast %swap3A_1696 : vector<1x1x16xf32> to vector<16xf32>
    %swap3A_1698 = vector.shape_cast %broadcast_in_dim3A_1690 : vector<16xf32> to vector<1x1x16xf32>
    tpu.vector_store %arg8[%swap3A_1693, %swap3A_1694, %swap3A_1695], %swap3A_1698 {strides = array<i32>} : memref<2x128x144xf32, #tpu.memory_space<vmem>>, vector<1x1x16xf32>,
    %broadcast_in_dim3A_1699 = arith.constant 0.000000e+00 : f32
    %broadcast_in_dim3A_1700 = vector.broadcast %broadcast_in_dim3A_1699 : f32 to vector<16xf32>
    %swap3A_1701 = arith.constant 0 : i32
    %swap3A_1702 = arith.constant 18 : i32
    %swap3A_1703 = arith.index_cast %swap3A_1701 : i32 to index
    %swap3A_1704 = arith.index_cast %swap3A_1702 : i32 to index
    %swap3A_1705 = arith.constant 128 : index
    %swap3A_1706 = tpu.vector_load %arg8[%swap3A_1703, %swap3A_1704, %swap3A_1705] {strides = array<i32>} : memref<2x128x144xf32, #tpu.memory_space<vmem>>, vector<1x1x16xf32>,
    %swap3A_1707 = vector.shape_cast %swap3A_1706 : vector<1x1x16xf32> to vector<16xf32>
    %swap3A_1708 = vector.shape_cast %broadcast_in_dim3A_1700 : vector<16xf32> to vector<1x1x16xf32>
    tpu.vector_store %arg8[%swap3A_1703, %swap3A_1704, %swap3A_1705], %swap3A_1708 {strides = array<i32>} : memref<2x128x144xf32, #tpu.memory_space<vmem>>, vector<1x1x16xf32>,
    %broadcast_in_dim3A_1709 = arith.constant 0.000000e+00 : f32
    %broadcast_in_dim3A_1710 = vector.broadcast %broadcast_in_dim3A_1709 : f32 to vector<16xf32>
    %swap3A_1711 = arith.constant 0 : i32
    %swap3A_1712 = arith.constant 19 : i32
    %swap3A_1713 = arith.index_cast %swap3A_1711 : i32 to index
    %swap3A_1714 = arith.index_cast %swap3A_1712 : i32 to index
    %swap3A_1715 = arith.constant 0 : index
    %swap3A_1716 = tpu.vector_load %arg8[%swap3A_1713, %swap3A_1714, %swap3A_1715] {strides = array<i32>} : memref<2x128x144xf32, #tpu.memory_space<vmem>>, vector<1x1x16xf32>,
    %swap3A_1717 = vector.shape_cast %swap3A_1716 : vector<1x1x16xf32> to vector<16xf32>
    %swap3A_1718 = vector.shape_cast %broadcast_in_dim3A_1710 : vector<16xf32> to vector<1x1x16xf32>
    tpu.vector_store %arg8[%swap3A_1713, %swap3A_1714, %swap3A_1715], %swap3A_1718 {strides = array<i32>} : memref<2x128x144xf32, #tpu.memory_space<vmem>>, vector<1x1x16xf32>,
    %broadcast_in_dim3A_1719 = arith.constant 0.000000e+00 : f32
    %broadcast_in_dim3A_1720 = vector.broadcast %broadcast_in_dim3A_1719 : f32 to vector<16xf32>
    %swap3A_1721 = arith.constant 0 : i32
    %swap3A_1722 = arith.constant 19 : i32
    %swap3A_1723 = arith.index_cast %swap3A_1721 : i32 to index
    %swap3A_1724 = arith.index_cast %swap3A_1722 : i32 to index
    %swap3A_1725 = arith.constant 16 : index
    %swap3A_1726 = tpu.vector_load %arg8[%swap3A_1723, %swap3A_1724, %swap3A_1725] {strides = array<i32>} : memref<2x128x144xf32, #tpu.memory_space<vmem>>, vector<1x1x16xf32>,
    %swap3A_1727 = vector.shape_cast %swap3A_1726 : vector<1x1x16xf32> to vector<16xf32>
    %swap3A_1728 = vector.shape_cast %broadcast_in_dim3A_1720 : vector<16xf32> to vector<1x1x16xf32>
    tpu.vector_store %arg8[%swap3A_1723, %swap3A_1724, %swap3A_1725], %swap3A_1728 {strides = array<i32>} : memref<2x128x144xf32, #tpu.memory_space<vmem>>, vector<1x1x16xf32>,
    %broadcast_in_dim3A_1729 = arith.constant 0.000000e+00 : f32
    %broadcast_in_dim3A_1730 = vector.broadcast %broadcast_in_dim3A_1729 : f32 to vector<16xf32>
    %swap3A_1731 = arith.constant 0 : i32
    %swap3A_1732 = arith.constant 19 : i32
    %swap3A_1733 = arith.index_cast %swap3A_1731 : i32 to index
    %swap3A_1734 = arith.index_cast %swap3A_1732 : i32 to index
    %swap3A_1735 = arith.constant 32 : index
    %swap3A_1736 = tpu.vector_load %arg8[%swap3A_1733, %swap3A_1734, %swap3A_1735] {strides = array<i32>} : memref<2x128x144xf32, #tpu.memory_space<vmem>>, vector<1x1x16xf32>,
    %swap3A_1737 = vector.shape_cast %swap3A_1736 : vector<1x1x16xf32> to vector<16xf32>
    %swap3A_1738 = vector.shape_cast %broadcast_in_dim3A_1730 : vector<16xf32> to vector<1x1x16xf32>
    tpu.vector_store %arg8[%swap3A_1733, %swap3A_1734, %swap3A_1735], %swap3A_1738 {strides = array<i32>} : memref<2x128x144xf32, #tpu.memory_space<vmem>>, vector<1x1x16xf32>,
    %broadcast_in_dim3A_1739 = arith.constant 0.000000e+00 : f32
    %broadcast_in_dim3A_1740 = vector.broadcast %broadcast_in_dim3A_1739 : f32 to vector<16xf32>
    %swap3A_1741 = arith.constant 0 : i32
    %swap3A_1742 = arith.constant 19 : i32
    %swap3A_1743 = arith.index_cast %swap3A_1741 : i32 to index
    %swap3A_1744 = arith.index_cast %swap3A_1742 : i32 to index
    %swap3A_1745 = arith.constant 48 : index
    %swap3A_1746 = tpu.vector_load %arg8[%swap3A_1743, %swap3A_1744, %swap3A_1745] {strides = array<i32>} : memref<2x128x144xf32, #tpu.memory_space<vmem>>, vector<1x1x16xf32>,
    %swap3A_1747 = vector.shape_cast %swap3A_1746 : vector<1x1x16xf32> to vector<16xf32>
    %swap3A_1748 = vector.shape_cast %broadcast_in_dim3A_1740 : vector<16xf32> to vector<1x1x16xf32>
    tpu.vector_store %arg8[%swap3A_1743, %swap3A_1744, %swap3A_1745], %swap3A_1748 {strides = array<i32>} : memref<2x128x144xf32, #tpu.memory_space<vmem>>, vector<1x1x16xf32>,
    %broadcast_in_dim3A_1749 = arith.constant 0.000000e+00 : f32
    %broadcast_in_dim3A_1750 = vector.broadcast %broadcast_in_dim3A_1749 : f32 to vector<16xf32>
    %swap3A_1751 = arith.constant 0 : i32
    %swap3A_1752 = arith.constant 19 : i32
    %swap3A_1753 = arith.index_cast %swap3A_1751 : i32 to index
    %swap3A_1754 = arith.index_cast %swap3A_1752 : i32 to index
    %swap3A_1755 = arith.constant 64 : index
    %swap3A_1756 = tpu.vector_load %arg8[%swap3A_1753, %swap3A_1754, %swap3A_1755] {strides = array<i32>} : memref<2x128x144xf32, #tpu.memory_space<vmem>>, vector<1x1x16xf32>,
    %swap3A_1757 = vector.shape_cast %swap3A_1756 : vector<1x1x16xf32> to vector<16xf32>
    %swap3A_1758 = vector.shape_cast %broadcast_in_dim3A_1750 : vector<16xf32> to vector<1x1x16xf32>
    tpu.vector_store %arg8[%swap3A_1753, %swap3A_1754, %swap3A_1755], %swap3A_1758 {strides = array<i32>} : memref<2x128x144xf32, #tpu.memory_space<vmem>>, vector<1x1x16xf32>,
    %broadcast_in_dim3A_1759 = arith.constant 0.000000e+00 : f32
    %broadcast_in_dim3A_1760 = vector.broadcast %broadcast_in_dim3A_1759 : f32 to vector<16xf32>
    %swap3A_1761 = arith.constant 0 : i32
    %swap3A_1762 = arith.constant 19 : i32
    %swap3A_1763 = arith.index_cast %swap3A_1761 : i32 to index
    %swap3A_1764 = arith.index_cast %swap3A_1762 : i32 to index
    %swap3A_1765 = arith.constant 80 : index
    %swap3A_1766 = tpu.vector_load %arg8[%swap3A_1763, %swap3A_1764, %swap3A_1765] {strides = array<i32>} : memref<2x128x144xf32, #tpu.memory_space<vmem>>, vector<1x1x16xf32>,
    %swap3A_1767 = vector.shape_cast %swap3A_1766 : vector<1x1x16xf32> to vector<16xf32>
    %swap3A_1768 = vector.shape_cast %broadcast_in_dim3A_1760 : vector<16xf32> to vector<1x1x16xf32>
    tpu.vector_store %arg8[%swap3A_1763, %swap3A_1764, %swap3A_1765], %swap3A_1768 {strides = array<i32>} : memref<2x128x144xf32, #tpu.memory_space<vmem>>, vector<1x1x16xf32>,
    %broadcast_in_dim3A_1769 = arith.constant 0.000000e+00 : f32
    %broadcast_in_dim3A_1770 = vector.broadcast %broadcast_in_dim3A_1769 : f32 to vector<16xf32>
    %swap3A_1771 = arith.constant 0 : i32
    %swap3A_1772 = arith.constant 19 : i32
    %swap3A_1773 = arith.index_cast %swap3A_1771 : i32 to index
    %swap3A_1774 = arith.index_cast %swap3A_1772 : i32 to index
    %swap3A_1775 = arith.constant 96 : index
    %swap3A_1776 = tpu.vector_load %arg8[%swap3A_1773, %swap3A_1774, %swap3A_1775] {strides = array<i32>} : memref<2x128x144xf32, #tpu.memory_space<vmem>>, vector<1x1x16xf32>,
    %swap3A_1777 = vector.shape_cast %swap3A_1776 : vector<1x1x16xf32> to vector<16xf32>
    %swap3A_1778 = vector.shape_cast %broadcast_in_dim3A_1770 : vector<16xf32> to vector<1x1x16xf32>
    tpu.vector_store %arg8[%swap3A_1773, %swap3A_1774, %swap3A_1775], %swap3A_1778 {strides = array<i32>} : memref<2x128x144xf32, #tpu.memory_space<vmem>>, vector<1x1x16xf32>,
    %broadcast_in_dim3A_1779 = arith.constant 0.000000e+00 : f32
    %broadcast_in_dim3A_1780 = vector.broadcast %broadcast_in_dim3A_1779 : f32 to vector<16xf32>
    %swap3A_1781 = arith.constant 0 : i32
    %swap3A_1782 = arith.constant 19 : i32
    %swap3A_1783 = arith.index_cast %swap3A_1781 : i32 to index
    %swap3A_1784 = arith.index_cast %swap3A_1782 : i32 to index
    %swap3A_1785 = arith.constant 112 : index
    %swap3A_1786 = tpu.vector_load %arg8[%swap3A_1783, %swap3A_1784, %swap3A_1785] {strides = array<i32>} : memref<2x128x144xf32, #tpu.memory_space<vmem>>, vector<1x1x16xf32>,
    %swap3A_1787 = vector.shape_cast %swap3A_1786 : vector<1x1x16xf32> to vector<16xf32>
    %swap3A_1788 = vector.shape_cast %broadcast_in_dim3A_1780 : vector<16xf32> to vector<1x1x16xf32>
    tpu.vector_store %arg8[%swap3A_1783, %swap3A_1784, %swap3A_1785], %swap3A_1788 {strides = array<i32>} : memref<2x128x144xf32, #tpu.memory_space<vmem>>, vector<1x1x16xf32>,
    %broadcast_in_dim3A_1789 = arith.constant 0.000000e+00 : f32
    %broadcast_in_dim3A_1790 = vector.broadcast %broadcast_in_dim3A_1789 : f32 to vector<16xf32>
    %swap3A_1791 = arith.constant 0 : i32
    %swap3A_1792 = arith.constant 19 : i32
    %swap3A_1793 = arith.index_cast %swap3A_1791 : i32 to index
    %swap3A_1794 = arith.index_cast %swap3A_1792 : i32 to index
    %swap3A_1795 = arith.constant 128 : index
    %swap3A_1796 = tpu.vector_load %arg8[%swap3A_1793, %swap3A_1794, %swap3A_1795] {strides = array<i32>} : memref<2x128x144xf32, #tpu.memory_space<vmem>>, vector<1x1x16xf32>,
    %swap3A_1797 = vector.shape_cast %swap3A_1796 : vector<1x1x16xf32> to vector<16xf32>
    %swap3A_1798 = vector.shape_cast %broadcast_in_dim3A_1790 : vector<16xf32> to vector<1x1x16xf32>
    tpu.vector_store %arg8[%swap3A_1793, %swap3A_1794, %swap3A_1795], %swap3A_1798 {strides = array<i32>} : memref<2x128x144xf32, #tpu.memory_space<vmem>>, vector<1x1x16xf32>,
    %broadcast_in_dim3A_1799 = arith.constant 0.000000e+00 : f32
    %broadcast_in_dim3A_1800 = vector.broadcast %broadcast_in_dim3A_1799 : f32 to vector<16xf32>
    %swap3A_1801 = arith.constant 0 : i32
    %swap3A_1802 = arith.constant 20 : i32
    %swap3A_1803 = arith.index_cast %swap3A_1801 : i32 to index
    %swap3A_1804 = arith.index_cast %swap3A_1802 : i32 to index
    %swap3A_1805 = arith.constant 0 : index
    %swap3A_1806 = tpu.vector_load %arg8[%swap3A_1803, %swap3A_1804, %swap3A_1805] {strides = array<i32>} : memref<2x128x144xf32, #tpu.memory_space<vmem>>, vector<1x1x16xf32>,
    %swap3A_1807 = vector.shape_cast %swap3A_1806 : vector<1x1x16xf32> to vector<16xf32>
    %swap3A_1808 = vector.shape_cast %broadcast_in_dim3A_1800 : vector<16xf32> to vector<1x1x16xf32>
    tpu.vector_store %arg8[%swap3A_1803, %swap3A_1804, %swap3A_1805], %swap3A_1808 {strides = array<i32>} : memref<2x128x144xf32, #tpu.memory_space<vmem>>, vector<1x1x16xf32>,
    %broadcast_in_dim3A_1809 = arith.constant 0.000000e+00 : f32
    %broadcast_in_dim3A_1810 = vector.broadcast %broadcast_in_dim3A_1809 : f32 to vector<16xf32>
    %swap3A_1811 = arith.constant 0 : i32
    %swap3A_1812 = arith.constant 20 : i32
    %swap3A_1813 = arith.index_cast %swap3A_1811 : i32 to index
    %swap3A_1814 = arith.index_cast %swap3A_1812 : i32 to index
    %swap3A_1815 = arith.constant 16 : index
    %swap3A_1816 = tpu.vector_load %arg8[%swap3A_1813, %swap3A_1814, %swap3A_1815] {strides = array<i32>} : memref<2x128x144xf32, #tpu.memory_space<vmem>>, vector<1x1x16xf32>,
    %swap3A_1817 = vector.shape_cast %swap3A_1816 : vector<1x1x16xf32> to vector<16xf32>
    %swap3A_1818 = vector.shape_cast %broadcast_in_dim3A_1810 : vector<16xf32> to vector<1x1x16xf32>
    tpu.vector_store %arg8[%swap3A_1813, %swap3A_1814, %swap3A_1815], %swap3A_1818 {strides = array<i32>} : memref<2x128x144xf32, #tpu.memory_space<vmem>>, vector<1x1x16xf32>,
    %broadcast_in_dim3A_1819 = arith.constant 0.000000e+00 : f32
    %broadcast_in_dim3A_1820 = vector.broadcast %broadcast_in_dim3A_1819 : f32 to vector<16xf32>
    %swap3A_1821 = arith.constant 0 : i32
    %swap3A_1822 = arith.constant 20 : i32
    %swap3A_1823 = arith.index_cast %swap3A_1821 : i32 to index
    %swap3A_1824 = arith.index_cast %swap3A_1822 : i32 to index
    %swap3A_1825 = arith.constant 32 : index
    %swap3A_1826 = tpu.vector_load %arg8[%swap3A_1823, %swap3A_1824, %swap3A_1825] {strides = array<i32>} : memref<2x128x144xf32, #tpu.memory_space<vmem>>, vector<1x1x16xf32>,
    %swap3A_1827 = vector.shape_cast %swap3A_1826 : vector<1x1x16xf32> to vector<16xf32>
    %swap3A_1828 = vector.shape_cast %broadcast_in_dim3A_1820 : vector<16xf32> to vector<1x1x16xf32>
    tpu.vector_store %arg8[%swap3A_1823, %swap3A_1824, %swap3A_1825], %swap3A_1828 {strides = array<i32>} : memref<2x128x144xf32, #tpu.memory_space<vmem>>, vector<1x1x16xf32>,
    %broadcast_in_dim3A_1829 = arith.constant 0.000000e+00 : f32
    %broadcast_in_dim3A_1830 = vector.broadcast %broadcast_in_dim3A_1829 : f32 to vector<16xf32>
    %swap3A_1831 = arith.constant 0 : i32
    %swap3A_1832 = arith.constant 20 : i32
    %swap3A_1833 = arith.index_cast %swap3A_1831 : i32 to index
    %swap3A_1834 = arith.index_cast %swap3A_1832 : i32 to index
    %swap3A_1835 = arith.constant 48 : index
    %swap3A_1836 = tpu.vector_load %arg8[%swap3A_1833, %swap3A_1834, %swap3A_1835] {strides = array<i32>} : memref<2x128x144xf32, #tpu.memory_space<vmem>>, vector<1x1x16xf32>,
    %swap3A_1837 = vector.shape_cast %swap3A_1836 : vector<1x1x16xf32> to vector<16xf32>
    %swap3A_1838 = vector.shape_cast %broadcast_in_dim3A_1830 : vector<16xf32> to vector<1x1x16xf32>
    tpu.vector_store %arg8[%swap3A_1833, %swap3A_1834, %swap3A_1835], %swap3A_1838 {strides = array<i32>} : memref<2x128x144xf32, #tpu.memory_space<vmem>>, vector<1x1x16xf32>,
    %broadcast_in_dim3A_1839 = arith.constant 0.000000e+00 : f32
    %broadcast_in_dim3A_1840 = vector.broadcast %broadcast_in_dim3A_1839 : f32 to vector<16xf32>
    %swap3A_1841 = arith.constant 0 : i32
    %swap3A_1842 = arith.constant 20 : i32
    %swap3A_1843 = arith.index_cast %swap3A_1841 : i32 to index
    %swap3A_1844 = arith.index_cast %swap3A_1842 : i32 to index
    %swap3A_1845 = arith.constant 64 : index
    %swap3A_1846 = tpu.vector_load %arg8[%swap3A_1843, %swap3A_1844, %swap3A_1845] {strides = array<i32>} : memref<2x128x144xf32, #tpu.memory_space<vmem>>, vector<1x1x16xf32>,
    %swap3A_1847 = vector.shape_cast %swap3A_1846 : vector<1x1x16xf32> to vector<16xf32>
    %swap3A_1848 = vector.shape_cast %broadcast_in_dim3A_1840 : vector<16xf32> to vector<1x1x16xf32>
    tpu.vector_store %arg8[%swap3A_1843, %swap3A_1844, %swap3A_1845], %swap3A_1848 {strides = array<i32>} : memref<2x128x144xf32, #tpu.memory_space<vmem>>, vector<1x1x16xf32>,
    %broadcast_in_dim3A_1849 = arith.constant 0.000000e+00 : f32
    %broadcast_in_dim3A_1850 = vector.broadcast %broadcast_in_dim3A_1849 : f32 to vector<16xf32>
    %swap3A_1851 = arith.constant 0 : i32
    %swap3A_1852 = arith.constant 20 : i32
    %swap3A_1853 = arith.index_cast %swap3A_1851 : i32 to index
    %swap3A_1854 = arith.index_cast %swap3A_1852 : i32 to index
    %swap3A_1855 = arith.constant 80 : index
    %swap3A_1856 = tpu.vector_load %arg8[%swap3A_1853, %swap3A_1854, %swap3A_1855] {strides = array<i32>} : memref<2x128x144xf32, #tpu.memory_space<vmem>>, vector<1x1x16xf32>,
    %swap3A_1857 = vector.shape_cast %swap3A_1856 : vector<1x1x16xf32> to vector<16xf32>
    %swap3A_1858 = vector.shape_cast %broadcast_in_dim3A_1850 : vector<16xf32> to vector<1x1x16xf32>
    tpu.vector_store %arg8[%swap3A_1853, %swap3A_1854, %swap3A_1855], %swap3A_1858 {strides = array<i32>} : memref<2x128x144xf32, #tpu.memory_space<vmem>>, vector<1x1x16xf32>,
    %broadcast_in_dim3A_1859 = arith.constant 0.000000e+00 : f32
    %broadcast_in_dim3A_1860 = vector.broadcast %broadcast_in_dim3A_1859 : f32 to vector<16xf32>
    %swap3A_1861 = arith.constant 0 : i32
    %swap3A_1862 = arith.constant 20 : i32
    %swap3A_1863 = arith.index_cast %swap3A_1861 : i32 to index
    %swap3A_1864 = arith.index_cast %swap3A_1862 : i32 to index
    %swap3A_1865 = arith.constant 96 : index
    %swap3A_1866 = tpu.vector_load %arg8[%swap3A_1863, %swap3A_1864, %swap3A_1865] {strides = array<i32>} : memref<2x128x144xf32, #tpu.memory_space<vmem>>, vector<1x1x16xf32>,
    %swap3A_1867 = vector.shape_cast %swap3A_1866 : vector<1x1x16xf32> to vector<16xf32>
    %swap3A_1868 = vector.shape_cast %broadcast_in_dim3A_1860 : vector<16xf32> to vector<1x1x16xf32>
    tpu.vector_store %arg8[%swap3A_1863, %swap3A_1864, %swap3A_1865], %swap3A_1868 {strides = array<i32>} : memref<2x128x144xf32, #tpu.memory_space<vmem>>, vector<1x1x16xf32>,
    %broadcast_in_dim3A_1869 = arith.constant 0.000000e+00 : f32
    %broadcast_in_dim3A_1870 = vector.broadcast %broadcast_in_dim3A_1869 : f32 to vector<16xf32>
    %swap3A_1871 = arith.constant 0 : i32
    %swap3A_1872 = arith.constant 20 : i32
    %swap3A_1873 = arith.index_cast %swap3A_1871 : i32 to index
    %swap3A_1874 = arith.index_cast %swap3A_1872 : i32 to index
    %swap3A_1875 = arith.constant 112 : index
    %swap3A_1876 = tpu.vector_load %arg8[%swap3A_1873, %swap3A_1874, %swap3A_1875] {strides = array<i32>} : memref<2x128x144xf32, #tpu.memory_space<vmem>>, vector<1x1x16xf32>,
    %swap3A_1877 = vector.shape_cast %swap3A_1876 : vector<1x1x16xf32> to vector<16xf32>
    %swap3A_1878 = vector.shape_cast %broadcast_in_dim3A_1870 : vector<16xf32> to vector<1x1x16xf32>
    tpu.vector_store %arg8[%swap3A_1873, %swap3A_1874, %swap3A_1875], %swap3A_1878 {strides = array<i32>} : memref<2x128x144xf32, #tpu.memory_space<vmem>>, vector<1x1x16xf32>,
    %broadcast_in_dim3A_1879 = arith.constant 0.000000e+00 : f32
    %broadcast_in_dim3A_1880 = vector.broadcast %broadcast_in_dim3A_1879 : f32 to vector<16xf32>
    %swap3A_1881 = arith.constant 0 : i32
    %swap3A_1882 = arith.constant 20 : i32
    %swap3A_1883 = arith.index_cast %swap3A_1881 : i32 to index
    %swap3A_1884 = arith.index_cast %swap3A_1882 : i32 to index
    %swap3A_1885 = arith.constant 128 : index
    %swap3A_1886 = tpu.vector_load %arg8[%swap3A_1883, %swap3A_1884, %swap3A_1885] {strides = array<i32>} : memref<2x128x144xf32, #tpu.memory_space<vmem>>, vector<1x1x16xf32>,
    %swap3A_1887 = vector.shape_cast %swap3A_1886 : vector<1x1x16xf32> to vector<16xf32>
    %swap3A_1888 = vector.shape_cast %broadcast_in_dim3A_1880 : vector<16xf32> to vector<1x1x16xf32>
    tpu.vector_store %arg8[%swap3A_1883, %swap3A_1884, %swap3A_1885], %swap3A_1888 {strides = array<i32>} : memref<2x128x144xf32, #tpu.memory_space<vmem>>, vector<1x1x16xf32>,
    %broadcast_in_dim3A_1889 = arith.constant 0.000000e+00 : f32
    %broadcast_in_dim3A_1890 = vector.broadcast %broadcast_in_dim3A_1889 : f32 to vector<16xf32>
    %swap3A_1891 = arith.constant 0 : i32
    %swap3A_1892 = arith.constant 21 : i32
    %swap3A_1893 = arith.index_cast %swap3A_1891 : i32 to index
    %swap3A_1894 = arith.index_cast %swap3A_1892 : i32 to index
    %swap3A_1895 = arith.constant 0 : index
    %swap3A_1896 = tpu.vector_load %arg8[%swap3A_1893, %swap3A_1894, %swap3A_1895] {strides = array<i32>} : memref<2x128x144xf32, #tpu.memory_space<vmem>>, vector<1x1x16xf32>,
    %swap3A_1897 = vector.shape_cast %swap3A_1896 : vector<1x1x16xf32> to vector<16xf32>
    %swap3A_1898 = vector.shape_cast %broadcast_in_dim3A_1890 : vector<16xf32> to vector<1x1x16xf32>
    tpu.vector_store %arg8[%swap3A_1893, %swap3A_1894, %swap3A_1895], %swap3A_1898 {strides = array<i32>} : memref<2x128x144xf32, #tpu.memory_space<vmem>>, vector<1x1x16xf32>,
    %broadcast_in_dim3A_1899 = arith.constant 0.000000e+00 : f32
    %broadcast_in_dim3A_1900 = vector.broadcast %broadcast_in_dim3A_1899 : f32 to vector<16xf32>
    %swap3A_1901 = arith.constant 0 : i32
    %swap3A_1902 = arith.constant 21 : i32
    %swap3A_1903 = arith.index_cast %swap3A_1901 : i32 to index
    %swap3A_1904 = arith.index_cast %swap3A_1902 : i32 to index
    %swap3A_1905 = arith.constant 16 : index
    %swap3A_1906 = tpu.vector_load %arg8[%swap3A_1903, %swap3A_1904, %swap3A_1905] {strides = array<i32>} : memref<2x128x144xf32, #tpu.memory_space<vmem>>, vector<1x1x16xf32>,
    %swap3A_1907 = vector.shape_cast %swap3A_1906 : vector<1x1x16xf32> to vector<16xf32>
    %swap3A_1908 = vector.shape_cast %broadcast_in_dim3A_1900 : vector<16xf32> to vector<1x1x16xf32>
    tpu.vector_store %arg8[%swap3A_1903, %swap3A_1904, %swap3A_1905], %swap3A_1908 {strides = array<i32>} : memref<2x128x144xf32, #tpu.memory_space<vmem>>, vector<1x1x16xf32>,
    %broadcast_in_dim3A_1909 = arith.constant 0.000000e+00 : f32
    %broadcast_in_dim3A_1910 = vector.broadcast %broadcast_in_dim3A_1909 : f32 to vector<16xf32>
    %swap3A_1911 = arith.constant 0 : i32
    %swap3A_1912 = arith.constant 21 : i32
    %swap3A_1913 = arith.index_cast %swap3A_1911 : i32 to index
    %swap3A_1914 = arith.index_cast %swap3A_1912 : i32 to index
    %swap3A_1915 = arith.constant 32 : index
    %swap3A_1916 = tpu.vector_load %arg8[%swap3A_1913, %swap3A_1914, %swap3A_1915] {strides = array<i32>} : memref<2x128x144xf32, #tpu.memory_space<vmem>>, vector<1x1x16xf32>,
    %swap3A_1917 = vector.shape_cast %swap3A_1916 : vector<1x1x16xf32> to vector<16xf32>
    %swap3A_1918 = vector.shape_cast %broadcast_in_dim3A_1910 : vector<16xf32> to vector<1x1x16xf32>
    tpu.vector_store %arg8[%swap3A_1913, %swap3A_1914, %swap3A_1915], %swap3A_1918 {strides = array<i32>} : memref<2x128x144xf32, #tpu.memory_space<vmem>>, vector<1x1x16xf32>,
    %broadcast_in_dim3A_1919 = arith.constant 0.000000e+00 : f32
    %broadcast_in_dim3A_1920 = vector.broadcast %broadcast_in_dim3A_1919 : f32 to vector<16xf32>
    %swap3A_1921 = arith.constant 0 : i32
    %swap3A_1922 = arith.constant 21 : i32
    %swap3A_1923 = arith.index_cast %swap3A_1921 : i32 to index
    %swap3A_1924 = arith.index_cast %swap3A_1922 : i32 to index
    %swap3A_1925 = arith.constant 48 : index
    %swap3A_1926 = tpu.vector_load %arg8[%swap3A_1923, %swap3A_1924, %swap3A_1925] {strides = array<i32>} : memref<2x128x144xf32, #tpu.memory_space<vmem>>, vector<1x1x16xf32>,
    %swap3A_1927 = vector.shape_cast %swap3A_1926 : vector<1x1x16xf32> to vector<16xf32>
    %swap3A_1928 = vector.shape_cast %broadcast_in_dim3A_1920 : vector<16xf32> to vector<1x1x16xf32>
    tpu.vector_store %arg8[%swap3A_1923, %swap3A_1924, %swap3A_1925], %swap3A_1928 {strides = array<i32>} : memref<2x128x144xf32, #tpu.memory_space<vmem>>, vector<1x1x16xf32>,
    %broadcast_in_dim3A_1929 = arith.constant 0.000000e+00 : f32
    %broadcast_in_dim3A_1930 = vector.broadcast %broadcast_in_dim3A_1929 : f32 to vector<16xf32>
    %swap3A_1931 = arith.constant 0 : i32
    %swap3A_1932 = arith.constant 21 : i32
    %swap3A_1933 = arith.index_cast %swap3A_1931 : i32 to index
    %swap3A_1934 = arith.index_cast %swap3A_1932 : i32 to index
    %swap3A_1935 = arith.constant 64 : index
    %swap3A_1936 = tpu.vector_load %arg8[%swap3A_1933, %swap3A_1934, %swap3A_1935] {strides = array<i32>} : memref<2x128x144xf32, #tpu.memory_space<vmem>>, vector<1x1x16xf32>,
    %swap3A_1937 = vector.shape_cast %swap3A_1936 : vector<1x1x16xf32> to vector<16xf32>
    %swap3A_1938 = vector.shape_cast %broadcast_in_dim3A_1930 : vector<16xf32> to vector<1x1x16xf32>
    tpu.vector_store %arg8[%swap3A_1933, %swap3A_1934, %swap3A_1935], %swap3A_1938 {strides = array<i32>} : memref<2x128x144xf32, #tpu.memory_space<vmem>>, vector<1x1x16xf32>,
    %broadcast_in_dim3A_1939 = arith.constant 0.000000e+00 : f32
    %broadcast_in_dim3A_1940 = vector.broadcast %broadcast_in_dim3A_1939 : f32 to vector<16xf32>
    %swap3A_1941 = arith.constant 0 : i32
    %swap3A_1942 = arith.constant 21 : i32
    %swap3A_1943 = arith.index_cast %swap3A_1941 : i32 to index
    %swap3A_1944 = arith.index_cast %swap3A_1942 : i32 to index
    %swap3A_1945 = arith.constant 80 : index
    %swap3A_1946 = tpu.vector_load %arg8[%swap3A_1943, %swap3A_1944, %swap3A_1945] {strides = array<i32>} : memref<2x128x144xf32, #tpu.memory_space<vmem>>, vector<1x1x16xf32>,
    %swap3A_1947 = vector.shape_cast %swap3A_1946 : vector<1x1x16xf32> to vector<16xf32>
    %swap3A_1948 = vector.shape_cast %broadcast_in_dim3A_1940 : vector<16xf32> to vector<1x1x16xf32>
    tpu.vector_store %arg8[%swap3A_1943, %swap3A_1944, %swap3A_1945], %swap3A_1948 {strides = array<i32>} : memref<2x128x144xf32, #tpu.memory_space<vmem>>, vector<1x1x16xf32>,
    %broadcast_in_dim3A_1949 = arith.constant 0.000000e+00 : f32
    %broadcast_in_dim3A_1950 = vector.broadcast %broadcast_in_dim3A_1949 : f32 to vector<16xf32>
    %swap3A_1951 = arith.constant 0 : i32
    %swap3A_1952 = arith.constant 21 : i32
    %swap3A_1953 = arith.index_cast %swap3A_1951 : i32 to index
    %swap3A_1954 = arith.index_cast %swap3A_1952 : i32 to index
    %swap3A_1955 = arith.constant 96 : index
    %swap3A_1956 = tpu.vector_load %arg8[%swap3A_1953, %swap3A_1954, %swap3A_1955] {strides = array<i32>} : memref<2x128x144xf32, #tpu.memory_space<vmem>>, vector<1x1x16xf32>,
    %swap3A_1957 = vector.shape_cast %swap3A_1956 : vector<1x1x16xf32> to vector<16xf32>
    %swap3A_1958 = vector.shape_cast %broadcast_in_dim3A_1950 : vector<16xf32> to vector<1x1x16xf32>
    tpu.vector_store %arg8[%swap3A_1953, %swap3A_1954, %swap3A_1955], %swap3A_1958 {strides = array<i32>} : memref<2x128x144xf32, #tpu.memory_space<vmem>>, vector<1x1x16xf32>,
    %broadcast_in_dim3A_1959 = arith.constant 0.000000e+00 : f32
    %broadcast_in_dim3A_1960 = vector.broadcast %broadcast_in_dim3A_1959 : f32 to vector<16xf32>
    %swap3A_1961 = arith.constant 0 : i32
    %swap3A_1962 = arith.constant 21 : i32
    %swap3A_1963 = arith.index_cast %swap3A_1961 : i32 to index
    %swap3A_1964 = arith.index_cast %swap3A_1962 : i32 to index
    %swap3A_1965 = arith.constant 112 : index
    %swap3A_1966 = tpu.vector_load %arg8[%swap3A_1963, %swap3A_1964, %swap3A_1965] {strides = array<i32>} : memref<2x128x144xf32, #tpu.memory_space<vmem>>, vector<1x1x16xf32>,
    %swap3A_1967 = vector.shape_cast %swap3A_1966 : vector<1x1x16xf32> to vector<16xf32>
    %swap3A_1968 = vector.shape_cast %broadcast_in_dim3A_1960 : vector<16xf32> to vector<1x1x16xf32>
    tpu.vector_store %arg8[%swap3A_1963, %swap3A_1964, %swap3A_1965], %swap3A_1968 {strides = array<i32>} : memref<2x128x144xf32, #tpu.memory_space<vmem>>, vector<1x1x16xf32>,
    %broadcast_in_dim3A_1969 = arith.constant 0.000000e+00 : f32
    %broadcast_in_dim3A_1970 = vector.broadcast %broadcast_in_dim3A_1969 : f32 to vector<16xf32>
    %swap3A_1971 = arith.constant 0 : i32
    %swap3A_1972 = arith.constant 21 : i32
    %swap3A_1973 = arith.index_cast %swap3A_1971 : i32 to index
    %swap3A_1974 = arith.index_cast %swap3A_1972 : i32 to index
    %swap3A_1975 = arith.constant 128 : index
    %swap3A_1976 = tpu.vector_load %arg8[%swap3A_1973, %swap3A_1974, %swap3A_1975] {strides = array<i32>} : memref<2x128x144xf32, #tpu.memory_space<vmem>>, vector<1x1x16xf32>,
    %swap3A_1977 = vector.shape_cast %swap3A_1976 : vector<1x1x16xf32> to vector<16xf32>
    %swap3A_1978 = vector.shape_cast %broadcast_in_dim3A_1970 : vector<16xf32> to vector<1x1x16xf32>
    tpu.vector_store %arg8[%swap3A_1973, %swap3A_1974, %swap3A_1975], %swap3A_1978 {strides = array<i32>} : memref<2x128x144xf32, #tpu.memory_space<vmem>>, vector<1x1x16xf32>,
    %broadcast_in_dim3A_1979 = arith.constant 0.000000e+00 : f32
    %broadcast_in_dim3A_1980 = vector.broadcast %broadcast_in_dim3A_1979 : f32 to vector<16xf32>
    %swap3A_1981 = arith.constant 0 : i32
    %swap3A_1982 = arith.constant 22 : i32
    %swap3A_1983 = arith.index_cast %swap3A_1981 : i32 to index
    %swap3A_1984 = arith.index_cast %swap3A_1982 : i32 to index
    %swap3A_1985 = arith.constant 0 : index
    %swap3A_1986 = tpu.vector_load %arg8[%swap3A_1983, %swap3A_1984, %swap3A_1985] {strides = array<i32>} : memref<2x128x144xf32, #tpu.memory_space<vmem>>, vector<1x1x16xf32>,
    %swap3A_1987 = vector.shape_cast %swap3A_1986 : vector<1x1x16xf32> to vector<16xf32>
    %swap3A_1988 = vector.shape_cast %broadcast_in_dim3A_1980 : vector<16xf32> to vector<1x1x16xf32>
    tpu.vector_store %arg8[%swap3A_1983, %swap3A_1984, %swap3A_1985], %swap3A_1988 {strides = array<i32>} : memref<2x128x144xf32, #tpu.memory_space<vmem>>, vector<1x1x16xf32>,
    %broadcast_in_dim3A_1989 = arith.constant 0.000000e+00 : f32
    %broadcast_in_dim3A_1990 = vector.broadcast %broadcast_in_dim3A_1989 : f32 to vector<16xf32>
    %swap3A_1991 = arith.constant 0 : i32
    %swap3A_1992 = arith.constant 22 : i32
    %swap3A_1993 = arith.index_cast %swap3A_1991 : i32 to index
    %swap3A_1994 = arith.index_cast %swap3A_1992 : i32 to index
    %swap3A_1995 = arith.constant 16 : index
    %swap3A_1996 = tpu.vector_load %arg8[%swap3A_1993, %swap3A_1994, %swap3A_1995] {strides = array<i32>} : memref<2x128x144xf32, #tpu.memory_space<vmem>>, vector<1x1x16xf32>,
    %swap3A_1997 = vector.shape_cast %swap3A_1996 : vector<1x1x16xf32> to vector<16xf32>
    %swap3A_1998 = vector.shape_cast %broadcast_in_dim3A_1990 : vector<16xf32> to vector<1x1x16xf32>
    tpu.vector_store %arg8[%swap3A_1993, %swap3A_1994, %swap3A_1995], %swap3A_1998 {strides = array<i32>} : memref<2x128x144xf32, #tpu.memory_space<vmem>>, vector<1x1x16xf32>,
    %broadcast_in_dim3A_1999 = arith.constant 0.000000e+00 : f32
    %broadcast_in_dim3A_2000 = vector.broadcast %broadcast_in_dim3A_1999 : f32 to vector<16xf32>
    %swap3A_2001 = arith.constant 0 : i32
    %swap3A_2002 = arith.constant 22 : i32
    %swap3A_2003 = arith.index_cast %swap3A_2001 : i32 to index
    %swap3A_2004 = arith.index_cast %swap3A_2002 : i32 to index
    %swap3A_2005 = arith.constant 32 : index
    %swap3A_2006 = tpu.vector_load %arg8[%swap3A_2003, %swap3A_2004, %swap3A_2005] {strides = array<i32>} : memref<2x128x144xf32, #tpu.memory_space<vmem>>, vector<1x1x16xf32>,
    %swap3A_2007 = vector.shape_cast %swap3A_2006 : vector<1x1x16xf32> to vector<16xf32>
    %swap3A_2008 = vector.shape_cast %broadcast_in_dim3A_2000 : vector<16xf32> to vector<1x1x16xf32>
    tpu.vector_store %arg8[%swap3A_2003, %swap3A_2004, %swap3A_2005], %swap3A_2008 {strides = array<i32>} : memref<2x128x144xf32, #tpu.memory_space<vmem>>, vector<1x1x16xf32>,
    %broadcast_in_dim3A_2009 = arith.constant 0.000000e+00 : f32
    %broadcast_in_dim3A_2010 = vector.broadcast %broadcast_in_dim3A_2009 : f32 to vector<16xf32>
    %swap3A_2011 = arith.constant 0 : i32
    %swap3A_2012 = arith.constant 22 : i32
    %swap3A_2013 = arith.index_cast %swap3A_2011 : i32 to index
    %swap3A_2014 = arith.index_cast %swap3A_2012 : i32 to index
    %swap3A_2015 = arith.constant 48 : index
    %swap3A_2016 = tpu.vector_load %arg8[%swap3A_2013, %swap3A_2014, %swap3A_2015] {strides = array<i32>} : memref<2x128x144xf32, #tpu.memory_space<vmem>>, vector<1x1x16xf32>,
    %swap3A_2017 = vector.shape_cast %swap3A_2016 : vector<1x1x16xf32> to vector<16xf32>
    %swap3A_2018 = vector.shape_cast %broadcast_in_dim3A_2010 : vector<16xf32> to vector<1x1x16xf32>
    tpu.vector_store %arg8[%swap3A_2013, %swap3A_2014, %swap3A_2015], %swap3A_2018 {strides = array<i32>} : memref<2x128x144xf32, #tpu.memory_space<vmem>>, vector<1x1x16xf32>,
    %broadcast_in_dim3A_2019 = arith.constant 0.000000e+00 : f32
    %broadcast_in_dim3A_2020 = vector.broadcast %broadcast_in_dim3A_2019 : f32 to vector<16xf32>
    %swap3A_2021 = arith.constant 0 : i32
    %swap3A_2022 = arith.constant 22 : i32
    %swap3A_2023 = arith.index_cast %swap3A_2021 : i32 to index
    %swap3A_2024 = arith.index_cast %swap3A_2022 : i32 to index
    %swap3A_2025 = arith.constant 64 : index
    %swap3A_2026 = tpu.vector_load %arg8[%swap3A_2023, %swap3A_2024, %swap3A_2025] {strides = array<i32>} : memref<2x128x144xf32, #tpu.memory_space<vmem>>, vector<1x1x16xf32>,
    %swap3A_2027 = vector.shape_cast %swap3A_2026 : vector<1x1x16xf32> to vector<16xf32>
    %swap3A_2028 = vector.shape_cast %broadcast_in_dim3A_2020 : vector<16xf32> to vector<1x1x16xf32>
    tpu.vector_store %arg8[%swap3A_2023, %swap3A_2024, %swap3A_2025], %swap3A_2028 {strides = array<i32>} : memref<2x128x144xf32, #tpu.memory_space<vmem>>, vector<1x1x16xf32>,
    %broadcast_in_dim3A_2029 = arith.constant 0.000000e+00 : f32
    %broadcast_in_dim3A_2030 = vector.broadcast %broadcast_in_dim3A_2029 : f32 to vector<16xf32>
    %swap3A_2031 = arith.constant 0 : i32
    %swap3A_2032 = arith.constant 22 : i32
    %swap3A_2033 = arith.index_cast %swap3A_2031 : i32 to index
    %swap3A_2034 = arith.index_cast %swap3A_2032 : i32 to index
    %swap3A_2035 = arith.constant 80 : index
    %swap3A_2036 = tpu.vector_load %arg8[%swap3A_2033, %swap3A_2034, %swap3A_2035] {strides = array<i32>} : memref<2x128x144xf32, #tpu.memory_space<vmem>>, vector<1x1x16xf32>,
    %swap3A_2037 = vector.shape_cast %swap3A_2036 : vector<1x1x16xf32> to vector<16xf32>
    %swap3A_2038 = vector.shape_cast %broadcast_in_dim3A_2030 : vector<16xf32> to vector<1x1x16xf32>
    tpu.vector_store %arg8[%swap3A_2033, %swap3A_2034, %swap3A_2035], %swap3A_2038 {strides = array<i32>} : memref<2x128x144xf32, #tpu.memory_space<vmem>>, vector<1x1x16xf32>,
    %broadcast_in_dim3A_2039 = arith.constant 0.000000e+00 : f32
    %broadcast_in_dim3A_2040 = vector.broadcast %broadcast_in_dim3A_2039 : f32 to vector<16xf32>
    %swap3A_2041 = arith.constant 0 : i32
    %swap3A_2042 = arith.constant 22 : i32
    %swap3A_2043 = arith.index_cast %swap3A_2041 : i32 to index
    %swap3A_2044 = arith.index_cast %swap3A_2042 : i32 to index
    %swap3A_2045 = arith.constant 96 : index
    %swap3A_2046 = tpu.vector_load %arg8[%swap3A_2043, %swap3A_2044, %swap3A_2045] {strides = array<i32>} : memref<2x128x144xf32, #tpu.memory_space<vmem>>, vector<1x1x16xf32>,
    %swap3A_2047 = vector.shape_cast %swap3A_2046 : vector<1x1x16xf32> to vector<16xf32>
    %swap3A_2048 = vector.shape_cast %broadcast_in_dim3A_2040 : vector<16xf32> to vector<1x1x16xf32>
    tpu.vector_store %arg8[%swap3A_2043, %swap3A_2044, %swap3A_2045], %swap3A_2048 {strides = array<i32>} : memref<2x128x144xf32, #tpu.memory_space<vmem>>, vector<1x1x16xf32>,
    %broadcast_in_dim3A_2049 = arith.constant 0.000000e+00 : f32
    %broadcast_in_dim3A_2050 = vector.broadcast %broadcast_in_dim3A_2049 : f32 to vector<16xf32>
    %swap3A_2051 = arith.constant 0 : i32
    %swap3A_2052 = arith.constant 22 : i32
    %swap3A_2053 = arith.index_cast %swap3A_2051 : i32 to index
    %swap3A_2054 = arith.index_cast %swap3A_2052 : i32 to index
    %swap3A_2055 = arith.constant 112 : index
    %swap3A_2056 = tpu.vector_load %arg8[%swap3A_2053, %swap3A_2054, %swap3A_2055] {strides = array<i32>} : memref<2x128x144xf32, #tpu.memory_space<vmem>>, vector<1x1x16xf32>,
    %swap3A_2057 = vector.shape_cast %swap3A_2056 : vector<1x1x16xf32> to vector<16xf32>
    %swap3A_2058 = vector.shape_cast %broadcast_in_dim3A_2050 : vector<16xf32> to vector<1x1x16xf32>
    tpu.vector_store %arg8[%swap3A_2053, %swap3A_2054, %swap3A_2055], %swap3A_2058 {strides = array<i32>} : memref<2x128x144xf32, #tpu.memory_space<vmem>>, vector<1x1x16xf32>,
    %broadcast_in_dim3A_2059 = arith.constant 0.000000e+00 : f32
    %broadcast_in_dim3A_2060 = vector.broadcast %broadcast_in_dim3A_2059 : f32 to vector<16xf32>
    %swap3A_2061 = arith.constant 0 : i32
    %swap3A_2062 = arith.constant 22 : i32
    %swap3A_2063 = arith.index_cast %swap3A_2061 : i32 to index
    %swap3A_2064 = arith.index_cast %swap3A_2062 : i32 to index
    %swap3A_2065 = arith.constant 128 : index
    %swap3A_2066 = tpu.vector_load %arg8[%swap3A_2063, %swap3A_2064, %swap3A_2065] {strides = array<i32>} : memref<2x128x144xf32, #tpu.memory_space<vmem>>, vector<1x1x16xf32>,
    %swap3A_2067 = vector.shape_cast %swap3A_2066 : vector<1x1x16xf32> to vector<16xf32>
    %swap3A_2068 = vector.shape_cast %broadcast_in_dim3A_2060 : vector<16xf32> to vector<1x1x16xf32>
    tpu.vector_store %arg8[%swap3A_2063, %swap3A_2064, %swap3A_2065], %swap3A_2068 {strides = array<i32>} : memref<2x128x144xf32, #tpu.memory_space<vmem>>, vector<1x1x16xf32>,
    %broadcast_in_dim3A_2069 = arith.constant 0.000000e+00 : f32
    %broadcast_in_dim3A_2070 = vector.broadcast %broadcast_in_dim3A_2069 : f32 to vector<16xf32>
    %swap3A_2071 = arith.constant 0 : i32
    %swap3A_2072 = arith.constant 23 : i32
    %swap3A_2073 = arith.index_cast %swap3A_2071 : i32 to index
    %swap3A_2074 = arith.index_cast %swap3A_2072 : i32 to index
    %swap3A_2075 = arith.constant 0 : index
    %swap3A_2076 = tpu.vector_load %arg8[%swap3A_2073, %swap3A_2074, %swap3A_2075] {strides = array<i32>} : memref<2x128x144xf32, #tpu.memory_space<vmem>>, vector<1x1x16xf32>,
    %swap3A_2077 = vector.shape_cast %swap3A_2076 : vector<1x1x16xf32> to vector<16xf32>
    %swap3A_2078 = vector.shape_cast %broadcast_in_dim3A_2070 : vector<16xf32> to vector<1x1x16xf32>
    tpu.vector_store %arg8[%swap3A_2073, %swap3A_2074, %swap3A_2075], %swap3A_2078 {strides = array<i32>} : memref<2x128x144xf32, #tpu.memory_space<vmem>>, vector<1x1x16xf32>,
    %broadcast_in_dim3A_2079 = arith.constant 0.000000e+00 : f32
    %broadcast_in_dim3A_2080 = vector.broadcast %broadcast_in_dim3A_2079 : f32 to vector<16xf32>
    %swap3A_2081 = arith.constant 0 : i32
    %swap3A_2082 = arith.constant 23 : i32
    %swap3A_2083 = arith.index_cast %swap3A_2081 : i32 to index
    %swap3A_2084 = arith.index_cast %swap3A_2082 : i32 to index
    %swap3A_2085 = arith.constant 16 : index
    %swap3A_2086 = tpu.vector_load %arg8[%swap3A_2083, %swap3A_2084, %swap3A_2085] {strides = array<i32>} : memref<2x128x144xf32, #tpu.memory_space<vmem>>, vector<1x1x16xf32>,
    %swap3A_2087 = vector.shape_cast %swap3A_2086 : vector<1x1x16xf32> to vector<16xf32>
    %swap3A_2088 = vector.shape_cast %broadcast_in_dim3A_2080 : vector<16xf32> to vector<1x1x16xf32>
    tpu.vector_store %arg8[%swap3A_2083, %swap3A_2084, %swap3A_2085], %swap3A_2088 {strides = array<i32>} : memref<2x128x144xf32, #tpu.memory_space<vmem>>, vector<1x1x16xf32>,
    %broadcast_in_dim3A_2089 = arith.constant 0.000000e+00 : f32
    %broadcast_in_dim3A_2090 = vector.broadcast %broadcast_in_dim3A_2089 : f32 to vector<16xf32>
    %swap3A_2091 = arith.constant 0 : i32
    %swap3A_2092 = arith.constant 23 : i32
    %swap3A_2093 = arith.index_cast %swap3A_2091 : i32 to index
    %swap3A_2094 = arith.index_cast %swap3A_2092 : i32 to index
    %swap3A_2095 = arith.constant 32 : index
    %swap3A_2096 = tpu.vector_load %arg8[%swap3A_2093, %swap3A_2094, %swap3A_2095] {strides = array<i32>} : memref<2x128x144xf32, #tpu.memory_space<vmem>>, vector<1x1x16xf32>,
    %swap3A_2097 = vector.shape_cast %swap3A_2096 : vector<1x1x16xf32> to vector<16xf32>
    %swap3A_2098 = vector.shape_cast %broadcast_in_dim3A_2090 : vector<16xf32> to vector<1x1x16xf32>
    tpu.vector_store %arg8[%swap3A_2093, %swap3A_2094, %swap3A_2095], %swap3A_2098 {strides = array<i32>} : memref<2x128x144xf32, #tpu.memory_space<vmem>>, vector<1x1x16xf32>,
    %broadcast_in_dim3A_2099 = arith.constant 0.000000e+00 : f32
    %broadcast_in_dim3A_2100 = vector.broadcast %broadcast_in_dim3A_2099 : f32 to vector<16xf32>
    %swap3A_2101 = arith.constant 0 : i32
    %swap3A_2102 = arith.constant 23 : i32
    %swap3A_2103 = arith.index_cast %swap3A_2101 : i32 to index
    %swap3A_2104 = arith.index_cast %swap3A_2102 : i32 to index
    %swap3A_2105 = arith.constant 48 : index
    %swap3A_2106 = tpu.vector_load %arg8[%swap3A_2103, %swap3A_2104, %swap3A_2105] {strides = array<i32>} : memref<2x128x144xf32, #tpu.memory_space<vmem>>, vector<1x1x16xf32>,
    %swap3A_2107 = vector.shape_cast %swap3A_2106 : vector<1x1x16xf32> to vector<16xf32>
    %swap3A_2108 = vector.shape_cast %broadcast_in_dim3A_2100 : vector<16xf32> to vector<1x1x16xf32>
    tpu.vector_store %arg8[%swap3A_2103, %swap3A_2104, %swap3A_2105], %swap3A_2108 {strides = array<i32>} : memref<2x128x144xf32, #tpu.memory_space<vmem>>, vector<1x1x16xf32>,
    %broadcast_in_dim3A_2109 = arith.constant 0.000000e+00 : f32
    %broadcast_in_dim3A_2110 = vector.broadcast %broadcast_in_dim3A_2109 : f32 to vector<16xf32>
    %swap3A_2111 = arith.constant 0 : i32
    %swap3A_2112 = arith.constant 23 : i32
    %swap3A_2113 = arith.index_cast %swap3A_2111 : i32 to index
    %swap3A_2114 = arith.index_cast %swap3A_2112 : i32 to index
    %swap3A_2115 = arith.constant 64 : index
    %swap3A_2116 = tpu.vector_load %arg8[%swap3A_2113, %swap3A_2114, %swap3A_2115] {strides = array<i32>} : memref<2x128x144xf32, #tpu.memory_space<vmem>>, vector<1x1x16xf32>,
    %swap3A_2117 = vector.shape_cast %swap3A_2116 : vector<1x1x16xf32> to vector<16xf32>
    %swap3A_2118 = vector.shape_cast %broadcast_in_dim3A_2110 : vector<16xf32> to vector<1x1x16xf32>
    tpu.vector_store %arg8[%swap3A_2113, %swap3A_2114, %swap3A_2115], %swap3A_2118 {strides = array<i32>} : memref<2x128x144xf32, #tpu.memory_space<vmem>>, vector<1x1x16xf32>,
    %broadcast_in_dim3A_2119 = arith.constant 0.000000e+00 : f32
    %broadcast_in_dim3A_2120 = vector.broadcast %broadcast_in_dim3A_2119 : f32 to vector<16xf32>
    %swap3A_2121 = arith.constant 0 : i32
    %swap3A_2122 = arith.constant 23 : i32
    %swap3A_2123 = arith.index_cast %swap3A_2121 : i32 to index
    %swap3A_2124 = arith.index_cast %swap3A_2122 : i32 to index
    %swap3A_2125 = arith.constant 80 : index
    %swap3A_2126 = tpu.vector_load %arg8[%swap3A_2123, %swap3A_2124, %swap3A_2125] {strides = array<i32>} : memref<2x128x144xf32, #tpu.memory_space<vmem>>, vector<1x1x16xf32>,
    %swap3A_2127 = vector.shape_cast %swap3A_2126 : vector<1x1x16xf32> to vector<16xf32>
    %swap3A_2128 = vector.shape_cast %broadcast_in_dim3A_2120 : vector<16xf32> to vector<1x1x16xf32>
    tpu.vector_store %arg8[%swap3A_2123, %swap3A_2124, %swap3A_2125], %swap3A_2128 {strides = array<i32>} : memref<2x128x144xf32, #tpu.memory_space<vmem>>, vector<1x1x16xf32>,
    %broadcast_in_dim3A_2129 = arith.constant 0.000000e+00 : f32
    %broadcast_in_dim3A_2130 = vector.broadcast %broadcast_in_dim3A_2129 : f32 to vector<16xf32>
    %swap3A_2131 = arith.constant 0 : i32
    %swap3A_2132 = arith.constant 23 : i32
    %swap3A_2133 = arith.index_cast %swap3A_2131 : i32 to index
    %swap3A_2134 = arith.index_cast %swap3A_2132 : i32 to index
    %swap3A_2135 = arith.constant 96 : index
    %swap3A_2136 = tpu.vector_load %arg8[%swap3A_2133, %swap3A_2134, %swap3A_2135] {strides = array<i32>} : memref<2x128x144xf32, #tpu.memory_space<vmem>>, vector<1x1x16xf32>,
    %swap3A_2137 = vector.shape_cast %swap3A_2136 : vector<1x1x16xf32> to vector<16xf32>
    %swap3A_2138 = vector.shape_cast %broadcast_in_dim3A_2130 : vector<16xf32> to vector<1x1x16xf32>
    tpu.vector_store %arg8[%swap3A_2133, %swap3A_2134, %swap3A_2135], %swap3A_2138 {strides = array<i32>} : memref<2x128x144xf32, #tpu.memory_space<vmem>>, vector<1x1x16xf32>,
    %broadcast_in_dim3A_2139 = arith.constant 0.000000e+00 : f32
    %broadcast_in_dim3A_2140 = vector.broadcast %broadcast_in_dim3A_2139 : f32 to vector<16xf32>
    %swap3A_2141 = arith.constant 0 : i32
    %swap3A_2142 = arith.constant 23 : i32
    %swap3A_2143 = arith.index_cast %swap3A_2141 : i32 to index
    %swap3A_2144 = arith.index_cast %swap3A_2142 : i32 to index
    %swap3A_2145 = arith.constant 112 : index
    %swap3A_2146 = tpu.vector_load %arg8[%swap3A_2143, %swap3A_2144, %swap3A_2145] {strides = array<i32>} : memref<2x128x144xf32, #tpu.memory_space<vmem>>, vector<1x1x16xf32>,
    %swap3A_2147 = vector.shape_cast %swap3A_2146 : vector<1x1x16xf32> to vector<16xf32>
    %swap3A_2148 = vector.shape_cast %broadcast_in_dim3A_2140 : vector<16xf32> to vector<1x1x16xf32>
    tpu.vector_store %arg8[%swap3A_2143, %swap3A_2144, %swap3A_2145], %swap3A_2148 {strides = array<i32>} : memref<2x128x144xf32, #tpu.memory_space<vmem>>, vector<1x1x16xf32>,
    %broadcast_in_dim3A_2149 = arith.constant 0.000000e+00 : f32
    %broadcast_in_dim3A_2150 = vector.broadcast %broadcast_in_dim3A_2149 : f32 to vector<16xf32>
    %swap3A_2151 = arith.constant 0 : i32
    %swap3A_2152 = arith.constant 23 : i32
    %swap3A_2153 = arith.index_cast %swap3A_2151 : i32 to index
    %swap3A_2154 = arith.index_cast %swap3A_2152 : i32 to index
    %swap3A_2155 = arith.constant 128 : index
    %swap3A_2156 = tpu.vector_load %arg8[%swap3A_2153, %swap3A_2154, %swap3A_2155] {strides = array<i32>} : memref<2x128x144xf32, #tpu.memory_space<vmem>>, vector<1x1x16xf32>,
    %swap3A_2157 = vector.shape_cast %swap3A_2156 : vector<1x1x16xf32> to vector<16xf32>
    %swap3A_2158 = vector.shape_cast %broadcast_in_dim3A_2150 : vector<16xf32> to vector<1x1x16xf32>
    tpu.vector_store %arg8[%swap3A_2153, %swap3A_2154, %swap3A_2155], %swap3A_2158 {strides = array<i32>} : memref<2x128x144xf32, #tpu.memory_space<vmem>>, vector<1x1x16xf32>,
    %broadcast_in_dim3A_2159 = arith.constant 0.000000e+00 : f32
    %broadcast_in_dim3A_2160 = vector.broadcast %broadcast_in_dim3A_2159 : f32 to vector<16xf32>
    %swap3A_2161 = arith.constant 0 : i32
    %swap3A_2162 = arith.constant 24 : i32
    %swap3A_2163 = arith.index_cast %swap3A_2161 : i32 to index
    %swap3A_2164 = arith.index_cast %swap3A_2162 : i32 to index
    %swap3A_2165 = arith.constant 0 : index
    %swap3A_2166 = tpu.vector_load %arg8[%swap3A_2163, %swap3A_2164, %swap3A_2165] {strides = array<i32>} : memref<2x128x144xf32, #tpu.memory_space<vmem>>, vector<1x1x16xf32>,
    %swap3A_2167 = vector.shape_cast %swap3A_2166 : vector<1x1x16xf32> to vector<16xf32>
    %swap3A_2168 = vector.shape_cast %broadcast_in_dim3A_2160 : vector<16xf32> to vector<1x1x16xf32>
    tpu.vector_store %arg8[%swap3A_2163, %swap3A_2164, %swap3A_2165], %swap3A_2168 {strides = array<i32>} : memref<2x128x144xf32, #tpu.memory_space<vmem>>, vector<1x1x16xf32>,
    %broadcast_in_dim3A_2169 = arith.constant 0.000000e+00 : f32
    %broadcast_in_dim3A_2170 = vector.broadcast %broadcast_in_dim3A_2169 : f32 to vector<16xf32>
    %swap3A_2171 = arith.constant 0 : i32
    %swap3A_2172 = arith.constant 24 : i32
    %swap3A_2173 = arith.index_cast %swap3A_2171 : i32 to index
    %swap3A_2174 = arith.index_cast %swap3A_2172 : i32 to index
    %swap3A_2175 = arith.constant 16 : index
    %swap3A_2176 = tpu.vector_load %arg8[%swap3A_2173, %swap3A_2174, %swap3A_2175] {strides = array<i32>} : memref<2x128x144xf32, #tpu.memory_space<vmem>>, vector<1x1x16xf32>,
    %swap3A_2177 = vector.shape_cast %swap3A_2176 : vector<1x1x16xf32> to vector<16xf32>
    %swap3A_2178 = vector.shape_cast %broadcast_in_dim3A_2170 : vector<16xf32> to vector<1x1x16xf32>
    tpu.vector_store %arg8[%swap3A_2173, %swap3A_2174, %swap3A_2175], %swap3A_2178 {strides = array<i32>} : memref<2x128x144xf32, #tpu.memory_space<vmem>>, vector<1x1x16xf32>,
    %broadcast_in_dim3A_2179 = arith.constant 0.000000e+00 : f32
    %broadcast_in_dim3A_2180 = vector.broadcast %broadcast_in_dim3A_2179 : f32 to vector<16xf32>
    %swap3A_2181 = arith.constant 0 : i32
    %swap3A_2182 = arith.constant 24 : i32
    %swap3A_2183 = arith.index_cast %swap3A_2181 : i32 to index
    %swap3A_2184 = arith.index_cast %swap3A_2182 : i32 to index
    %swap3A_2185 = arith.constant 32 : index
    %swap3A_2186 = tpu.vector_load %arg8[%swap3A_2183, %swap3A_2184, %swap3A_2185] {strides = array<i32>} : memref<2x128x144xf32, #tpu.memory_space<vmem>>, vector<1x1x16xf32>,
    %swap3A_2187 = vector.shape_cast %swap3A_2186 : vector<1x1x16xf32> to vector<16xf32>
    %swap3A_2188 = vector.shape_cast %broadcast_in_dim3A_2180 : vector<16xf32> to vector<1x1x16xf32>
    tpu.vector_store %arg8[%swap3A_2183, %swap3A_2184, %swap3A_2185], %swap3A_2188 {strides = array<i32>} : memref<2x128x144xf32, #tpu.memory_space<vmem>>, vector<1x1x16xf32>,
    %broadcast_in_dim3A_2189 = arith.constant 0.000000e+00 : f32
    %broadcast_in_dim3A_2190 = vector.broadcast %broadcast_in_dim3A_2189 : f32 to vector<16xf32>
    %swap3A_2191 = arith.constant 0 : i32
    %swap3A_2192 = arith.constant 24 : i32
    %swap3A_2193 = arith.index_cast %swap3A_2191 : i32 to index
    %swap3A_2194 = arith.index_cast %swap3A_2192 : i32 to index
    %swap3A_2195 = arith.constant 48 : index
    %swap3A_2196 = tpu.vector_load %arg8[%swap3A_2193, %swap3A_2194, %swap3A_2195] {strides = array<i32>} : memref<2x128x144xf32, #tpu.memory_space<vmem>>, vector<1x1x16xf32>,
    %swap3A_2197 = vector.shape_cast %swap3A_2196 : vector<1x1x16xf32> to vector<16xf32>
    %swap3A_2198 = vector.shape_cast %broadcast_in_dim3A_2190 : vector<16xf32> to vector<1x1x16xf32>
    tpu.vector_store %arg8[%swap3A_2193, %swap3A_2194, %swap3A_2195], %swap3A_2198 {strides = array<i32>} : memref<2x128x144xf32, #tpu.memory_space<vmem>>, vector<1x1x16xf32>,
    %broadcast_in_dim3A_2199 = arith.constant 0.000000e+00 : f32
    %broadcast_in_dim3A_2200 = vector.broadcast %broadcast_in_dim3A_2199 : f32 to vector<16xf32>
    %swap3A_2201 = arith.constant 0 : i32
    %swap3A_2202 = arith.constant 24 : i32
    %swap3A_2203 = arith.index_cast %swap3A_2201 : i32 to index
    %swap3A_2204 = arith.index_cast %swap3A_2202 : i32 to index
    %swap3A_2205 = arith.constant 64 : index
    %swap3A_2206 = tpu.vector_load %arg8[%swap3A_2203, %swap3A_2204, %swap3A_2205] {strides = array<i32>} : memref<2x128x144xf32, #tpu.memory_space<vmem>>, vector<1x1x16xf32>,
    %swap3A_2207 = vector.shape_cast %swap3A_2206 : vector<1x1x16xf32> to vector<16xf32>
    %swap3A_2208 = vector.shape_cast %broadcast_in_dim3A_2200 : vector<16xf32> to vector<1x1x16xf32>
    tpu.vector_store %arg8[%swap3A_2203, %swap3A_2204, %swap3A_2205], %swap3A_2208 {strides = array<i32>} : memref<2x128x144xf32, #tpu.memory_space<vmem>>, vector<1x1x16xf32>,
    %broadcast_in_dim3A_2209 = arith.constant 0.000000e+00 : f32
    %broadcast_in_dim3A_2210 = vector.broadcast %broadcast_in_dim3A_2209 : f32 to vector<16xf32>
    %swap3A_2211 = arith.constant 0 : i32
    %swap3A_2212 = arith.constant 24 : i32
    %swap3A_2213 = arith.index_cast %swap3A_2211 : i32 to index
    %swap3A_2214 = arith.index_cast %swap3A_2212 : i32 to index
    %swap3A_2215 = arith.constant 80 : index
    %swap3A_2216 = tpu.vector_load %arg8[%swap3A_2213, %swap3A_2214, %swap3A_2215] {strides = array<i32>} : memref<2x128x144xf32, #tpu.memory_space<vmem>>, vector<1x1x16xf32>,
    %swap3A_2217 = vector.shape_cast %swap3A_2216 : vector<1x1x16xf32> to vector<16xf32>
    %swap3A_2218 = vector.shape_cast %broadcast_in_dim3A_2210 : vector<16xf32> to vector<1x1x16xf32>
    tpu.vector_store %arg8[%swap3A_2213, %swap3A_2214, %swap3A_2215], %swap3A_2218 {strides = array<i32>} : memref<2x128x144xf32, #tpu.memory_space<vmem>>, vector<1x1x16xf32>,
    %broadcast_in_dim3A_2219 = arith.constant 0.000000e+00 : f32
    %broadcast_in_dim3A_2220 = vector.broadcast %broadcast_in_dim3A_2219 : f32 to vector<16xf32>
    %swap3A_2221 = arith.constant 0 : i32
    %swap3A_2222 = arith.constant 24 : i32
    %swap3A_2223 = arith.index_cast %swap3A_2221 : i32 to index
    %swap3A_2224 = arith.index_cast %swap3A_2222 : i32 to index
    %swap3A_2225 = arith.constant 96 : index
    %swap3A_2226 = tpu.vector_load %arg8[%swap3A_2223, %swap3A_2224, %swap3A_2225] {strides = array<i32>} : memref<2x128x144xf32, #tpu.memory_space<vmem>>, vector<1x1x16xf32>,
    %swap3A_2227 = vector.shape_cast %swap3A_2226 : vector<1x1x16xf32> to vector<16xf32>
    %swap3A_2228 = vector.shape_cast %broadcast_in_dim3A_2220 : vector<16xf32> to vector<1x1x16xf32>
    tpu.vector_store %arg8[%swap3A_2223, %swap3A_2224, %swap3A_2225], %swap3A_2228 {strides = array<i32>} : memref<2x128x144xf32, #tpu.memory_space<vmem>>, vector<1x1x16xf32>,
    %broadcast_in_dim3A_2229 = arith.constant 0.000000e+00 : f32
    %broadcast_in_dim3A_2230 = vector.broadcast %broadcast_in_dim3A_2229 : f32 to vector<16xf32>
    %swap3A_2231 = arith.constant 0 : i32
    %swap3A_2232 = arith.constant 24 : i32
    %swap3A_2233 = arith.index_cast %swap3A_2231 : i32 to index
    %swap3A_2234 = arith.index_cast %swap3A_2232 : i32 to index
    %swap3A_2235 = arith.constant 112 : index
    %swap3A_2236 = tpu.vector_load %arg8[%swap3A_2233, %swap3A_2234, %swap3A_2235] {strides = array<i32>} : memref<2x128x144xf32, #tpu.memory_space<vmem>>, vector<1x1x16xf32>,
    %swap3A_2237 = vector.shape_cast %swap3A_2236 : vector<1x1x16xf32> to vector<16xf32>
    %swap3A_2238 = vector.shape_cast %broadcast_in_dim3A_2230 : vector<16xf32> to vector<1x1x16xf32>
    tpu.vector_store %arg8[%swap3A_2233, %swap3A_2234, %swap3A_2235], %swap3A_2238 {strides = array<i32>} : memref<2x128x144xf32, #tpu.memory_space<vmem>>, vector<1x1x16xf32>,
    %broadcast_in_dim3A_2239 = arith.constant 0.000000e+00 : f32
    %broadcast_in_dim3A_2240 = vector.broadcast %broadcast_in_dim3A_2239 : f32 to vector<16xf32>
    %swap3A_2241 = arith.constant 0 : i32
    %swap3A_2242 = arith.constant 24 : i32
    %swap3A_2243 = arith.index_cast %swap3A_2241 : i32 to index
    %swap3A_2244 = arith.index_cast %swap3A_2242 : i32 to index
    %swap3A_2245 = arith.constant 128 : index
    %swap3A_2246 = tpu.vector_load %arg8[%swap3A_2243, %swap3A_2244, %swap3A_2245] {strides = array<i32>} : memref<2x128x144xf32, #tpu.memory_space<vmem>>, vector<1x1x16xf32>,
    %swap3A_2247 = vector.shape_cast %swap3A_2246 : vector<1x1x16xf32> to vector<16xf32>
    %swap3A_2248 = vector.shape_cast %broadcast_in_dim3A_2240 : vector<16xf32> to vector<1x1x16xf32>
    tpu.vector_store %arg8[%swap3A_2243, %swap3A_2244, %swap3A_2245], %swap3A_2248 {strides = array<i32>} : memref<2x128x144xf32, #tpu.memory_space<vmem>>, vector<1x1x16xf32>,
    %broadcast_in_dim3A_2249 = arith.constant 0.000000e+00 : f32
    %broadcast_in_dim3A_2250 = vector.broadcast %broadcast_in_dim3A_2249 : f32 to vector<16xf32>
    %swap3A_2251 = arith.constant 0 : i32
    %swap3A_2252 = arith.constant 25 : i32
    %swap3A_2253 = arith.index_cast %swap3A_2251 : i32 to index
    %swap3A_2254 = arith.index_cast %swap3A_2252 : i32 to index
    %swap3A_2255 = arith.constant 0 : index
    %swap3A_2256 = tpu.vector_load %arg8[%swap3A_2253, %swap3A_2254, %swap3A_2255] {strides = array<i32>} : memref<2x128x144xf32, #tpu.memory_space<vmem>>, vector<1x1x16xf32>,
    %swap3A_2257 = vector.shape_cast %swap3A_2256 : vector<1x1x16xf32> to vector<16xf32>
    %swap3A_2258 = vector.shape_cast %broadcast_in_dim3A_2250 : vector<16xf32> to vector<1x1x16xf32>
    tpu.vector_store %arg8[%swap3A_2253, %swap3A_2254, %swap3A_2255], %swap3A_2258 {strides = array<i32>} : memref<2x128x144xf32, #tpu.memory_space<vmem>>, vector<1x1x16xf32>,
    %broadcast_in_dim3A_2259 = arith.constant 0.000000e+00 : f32
    %broadcast_in_dim3A_2260 = vector.broadcast %broadcast_in_dim3A_2259 : f32 to vector<16xf32>
    %swap3A_2261 = arith.constant 0 : i32
    %swap3A_2262 = arith.constant 25 : i32
    %swap3A_2263 = arith.index_cast %swap3A_2261 : i32 to index
    %swap3A_2264 = arith.index_cast %swap3A_2262 : i32 to index
    %swap3A_2265 = arith.constant 16 : index
    %swap3A_2266 = tpu.vector_load %arg8[%swap3A_2263, %swap3A_2264, %swap3A_2265] {strides = array<i32>} : memref<2x128x144xf32, #tpu.memory_space<vmem>>, vector<1x1x16xf32>,
    %swap3A_2267 = vector.shape_cast %swap3A_2266 : vector<1x1x16xf32> to vector<16xf32>
    %swap3A_2268 = vector.shape_cast %broadcast_in_dim3A_2260 : vector<16xf32> to vector<1x1x16xf32>
    tpu.vector_store %arg8[%swap3A_2263, %swap3A_2264, %swap3A_2265], %swap3A_2268 {strides = array<i32>} : memref<2x128x144xf32, #tpu.memory_space<vmem>>, vector<1x1x16xf32>,
    %broadcast_in_dim3A_2269 = arith.constant 0.000000e+00 : f32
    %broadcast_in_dim3A_2270 = vector.broadcast %broadcast_in_dim3A_2269 : f32 to vector<16xf32>
    %swap3A_2271 = arith.constant 0 : i32
    %swap3A_2272 = arith.constant 25 : i32
    %swap3A_2273 = arith.index_cast %swap3A_2271 : i32 to index
    %swap3A_2274 = arith.index_cast %swap3A_2272 : i32 to index
    %swap3A_2275 = arith.constant 32 : index
    %swap3A_2276 = tpu.vector_load %arg8[%swap3A_2273, %swap3A_2274, %swap3A_2275] {strides = array<i32>} : memref<2x128x144xf32, #tpu.memory_space<vmem>>, vector<1x1x16xf32>,
    %swap3A_2277 = vector.shape_cast %swap3A_2276 : vector<1x1x16xf32> to vector<16xf32>
    %swap3A_2278 = vector.shape_cast %broadcast_in_dim3A_2270 : vector<16xf32> to vector<1x1x16xf32>
    tpu.vector_store %arg8[%swap3A_2273, %swap3A_2274, %swap3A_2275], %swap3A_2278 {strides = array<i32>} : memref<2x128x144xf32, #tpu.memory_space<vmem>>, vector<1x1x16xf32>,
    %broadcast_in_dim3A_2279 = arith.constant 0.000000e+00 : f32
    %broadcast_in_dim3A_2280 = vector.broadcast %broadcast_in_dim3A_2279 : f32 to vector<16xf32>
    %swap3A_2281 = arith.constant 0 : i32
    %swap3A_2282 = arith.constant 25 : i32
    %swap3A_2283 = arith.index_cast %swap3A_2281 : i32 to index
    %swap3A_2284 = arith.index_cast %swap3A_2282 : i32 to index
    %swap3A_2285 = arith.constant 48 : index
    %swap3A_2286 = tpu.vector_load %arg8[%swap3A_2283, %swap3A_2284, %swap3A_2285] {strides = array<i32>} : memref<2x128x144xf32, #tpu.memory_space<vmem>>, vector<1x1x16xf32>,
    %swap3A_2287 = vector.shape_cast %swap3A_2286 : vector<1x1x16xf32> to vector<16xf32>
    %swap3A_2288 = vector.shape_cast %broadcast_in_dim3A_2280 : vector<16xf32> to vector<1x1x16xf32>
    tpu.vector_store %arg8[%swap3A_2283, %swap3A_2284, %swap3A_2285], %swap3A_2288 {strides = array<i32>} : memref<2x128x144xf32, #tpu.memory_space<vmem>>, vector<1x1x16xf32>,
    %broadcast_in_dim3A_2289 = arith.constant 0.000000e+00 : f32
    %broadcast_in_dim3A_2290 = vector.broadcast %broadcast_in_dim3A_2289 : f32 to vector<16xf32>
    %swap3A_2291 = arith.constant 0 : i32
    %swap3A_2292 = arith.constant 25 : i32
    %swap3A_2293 = arith.index_cast %swap3A_2291 : i32 to index
    %swap3A_2294 = arith.index_cast %swap3A_2292 : i32 to index
    %swap3A_2295 = arith.constant 64 : index
    %swap3A_2296 = tpu.vector_load %arg8[%swap3A_2293, %swap3A_2294, %swap3A_2295] {strides = array<i32>} : memref<2x128x144xf32, #tpu.memory_space<vmem>>, vector<1x1x16xf32>,
    %swap3A_2297 = vector.shape_cast %swap3A_2296 : vector<1x1x16xf32> to vector<16xf32>
    %swap3A_2298 = vector.shape_cast %broadcast_in_dim3A_2290 : vector<16xf32> to vector<1x1x16xf32>
    tpu.vector_store %arg8[%swap3A_2293, %swap3A_2294, %swap3A_2295], %swap3A_2298 {strides = array<i32>} : memref<2x128x144xf32, #tpu.memory_space<vmem>>, vector<1x1x16xf32>,
    %broadcast_in_dim3A_2299 = arith.constant 0.000000e+00 : f32
    %broadcast_in_dim3A_2300 = vector.broadcast %broadcast_in_dim3A_2299 : f32 to vector<16xf32>
    %swap3A_2301 = arith.constant 0 : i32
    %swap3A_2302 = arith.constant 25 : i32
    %swap3A_2303 = arith.index_cast %swap3A_2301 : i32 to index
    %swap3A_2304 = arith.index_cast %swap3A_2302 : i32 to index
    %swap3A_2305 = arith.constant 80 : index
    %swap3A_2306 = tpu.vector_load %arg8[%swap3A_2303, %swap3A_2304, %swap3A_2305] {strides = array<i32>} : memref<2x128x144xf32, #tpu.memory_space<vmem>>, vector<1x1x16xf32>,
    %swap3A_2307 = vector.shape_cast %swap3A_2306 : vector<1x1x16xf32> to vector<16xf32>
    %swap3A_2308 = vector.shape_cast %broadcast_in_dim3A_2300 : vector<16xf32> to vector<1x1x16xf32>
    tpu.vector_store %arg8[%swap3A_2303, %swap3A_2304, %swap3A_2305], %swap3A_2308 {strides = array<i32>} : memref<2x128x144xf32, #tpu.memory_space<vmem>>, vector<1x1x16xf32>,
    %broadcast_in_dim3A_2309 = arith.constant 0.000000e+00 : f32
    %broadcast_in_dim3A_2310 = vector.broadcast %broadcast_in_dim3A_2309 : f32 to vector<16xf32>
    %swap3A_2311 = arith.constant 0 : i32
    %swap3A_2312 = arith.constant 25 : i32
    %swap3A_2313 = arith.index_cast %swap3A_2311 : i32 to index
    %swap3A_2314 = arith.index_cast %swap3A_2312 : i32 to index
    %swap3A_2315 = arith.constant 96 : index
    %swap3A_2316 = tpu.vector_load %arg8[%swap3A_2313, %swap3A_2314, %swap3A_2315] {strides = array<i32>} : memref<2x128x144xf32, #tpu.memory_space<vmem>>, vector<1x1x16xf32>,
    %swap3A_2317 = vector.shape_cast %swap3A_2316 : vector<1x1x16xf32> to vector<16xf32>
    %swap3A_2318 = vector.shape_cast %broadcast_in_dim3A_2310 : vector<16xf32> to vector<1x1x16xf32>
    tpu.vector_store %arg8[%swap3A_2313, %swap3A_2314, %swap3A_2315], %swap3A_2318 {strides = array<i32>} : memref<2x128x144xf32, #tpu.memory_space<vmem>>, vector<1x1x16xf32>,
    %broadcast_in_dim3A_2319 = arith.constant 0.000000e+00 : f32
    %broadcast_in_dim3A_2320 = vector.broadcast %broadcast_in_dim3A_2319 : f32 to vector<16xf32>
    %swap3A_2321 = arith.constant 0 : i32
    %swap3A_2322 = arith.constant 25 : i32
    %swap3A_2323 = arith.index_cast %swap3A_2321 : i32 to index
    %swap3A_2324 = arith.index_cast %swap3A_2322 : i32 to index
    %swap3A_2325 = arith.constant 112 : index
    %swap3A_2326 = tpu.vector_load %arg8[%swap3A_2323, %swap3A_2324, %swap3A_2325] {strides = array<i32>} : memref<2x128x144xf32, #tpu.memory_space<vmem>>, vector<1x1x16xf32>,
    %swap3A_2327 = vector.shape_cast %swap3A_2326 : vector<1x1x16xf32> to vector<16xf32>
    %swap3A_2328 = vector.shape_cast %broadcast_in_dim3A_2320 : vector<16xf32> to vector<1x1x16xf32>
    tpu.vector_store %arg8[%swap3A_2323, %swap3A_2324, %swap3A_2325], %swap3A_2328 {strides = array<i32>} : memref<2x128x144xf32, #tpu.memory_space<vmem>>, vector<1x1x16xf32>,
    %broadcast_in_dim3A_2329 = arith.constant 0.000000e+00 : f32
    %broadcast_in_dim3A_2330 = vector.broadcast %broadcast_in_dim3A_2329 : f32 to vector<16xf32>
    %swap3A_2331 = arith.constant 0 : i32
    %swap3A_2332 = arith.constant 25 : i32
    %swap3A_2333 = arith.index_cast %swap3A_2331 : i32 to index
    %swap3A_2334 = arith.index_cast %swap3A_2332 : i32 to index
    %swap3A_2335 = arith.constant 128 : index
    %swap3A_2336 = tpu.vector_load %arg8[%swap3A_2333, %swap3A_2334, %swap3A_2335] {strides = array<i32>} : memref<2x128x144xf32, #tpu.memory_space<vmem>>, vector<1x1x16xf32>,
    %swap3A_2337 = vector.shape_cast %swap3A_2336 : vector<1x1x16xf32> to vector<16xf32>
    %swap3A_2338 = vector.shape_cast %broadcast_in_dim3A_2330 : vector<16xf32> to vector<1x1x16xf32>
    tpu.vector_store %arg8[%swap3A_2333, %swap3A_2334, %swap3A_2335], %swap3A_2338 {strides = array<i32>} : memref<2x128x144xf32, #tpu.memory_space<vmem>>, vector<1x1x16xf32>,
    %broadcast_in_dim3A_2339 = arith.constant 0.000000e+00 : f32
    %broadcast_in_dim3A_2340 = vector.broadcast %broadcast_in_dim3A_2339 : f32 to vector<16xf32>
    %swap3A_2341 = arith.constant 0 : i32
    %swap3A_2342 = arith.constant 26 : i32
    %swap3A_2343 = arith.index_cast %swap3A_2341 : i32 to index
    %swap3A_2344 = arith.index_cast %swap3A_2342 : i32 to index
    %swap3A_2345 = arith.constant 0 : index
    %swap3A_2346 = tpu.vector_load %arg8[%swap3A_2343, %swap3A_2344, %swap3A_2345] {strides = array<i32>} : memref<2x128x144xf32, #tpu.memory_space<vmem>>, vector<1x1x16xf32>,
    %swap3A_2347 = vector.shape_cast %swap3A_2346 : vector<1x1x16xf32> to vector<16xf32>
    %swap3A_2348 = vector.shape_cast %broadcast_in_dim3A_2340 : vector<16xf32> to vector<1x1x16xf32>
    tpu.vector_store %arg8[%swap3A_2343, %swap3A_2344, %swap3A_2345], %swap3A_2348 {strides = array<i32>} : memref<2x128x144xf32, #tpu.memory_space<vmem>>, vector<1x1x16xf32>,
    %broadcast_in_dim3A_2349 = arith.constant 0.000000e+00 : f32
    %broadcast_in_dim3A_2350 = vector.broadcast %broadcast_in_dim3A_2349 : f32 to vector<16xf32>
    %swap3A_2351 = arith.constant 0 : i32
    %swap3A_2352 = arith.constant 26 : i32
    %swap3A_2353 = arith.index_cast %swap3A_2351 : i32 to index
    %swap3A_2354 = arith.index_cast %swap3A_2352 : i32 to index
    %swap3A_2355 = arith.constant 16 : index
    %swap3A_2356 = tpu.vector_load %arg8[%swap3A_2353, %swap3A_2354, %swap3A_2355] {strides = array<i32>} : memref<2x128x144xf32, #tpu.memory_space<vmem>>, vector<1x1x16xf32>,
    %swap3A_2357 = vector.shape_cast %swap3A_2356 : vector<1x1x16xf32> to vector<16xf32>
    %swap3A_2358 = vector.shape_cast %broadcast_in_dim3A_2350 : vector<16xf32> to vector<1x1x16xf32>
    tpu.vector_store %arg8[%swap3A_2353, %swap3A_2354, %swap3A_2355], %swap3A_2358 {strides = array<i32>} : memref<2x128x144xf32, #tpu.memory_space<vmem>>, vector<1x1x16xf32>,
    %broadcast_in_dim3A_2359 = arith.constant 0.000000e+00 : f32
    %broadcast_in_dim3A_2360 = vector.broadcast %broadcast_in_dim3A_2359 : f32 to vector<16xf32>
    %swap3A_2361 = arith.constant 0 : i32
    %swap3A_2362 = arith.constant 26 : i32
    %swap3A_2363 = arith.index_cast %swap3A_2361 : i32 to index
    %swap3A_2364 = arith.index_cast %swap3A_2362 : i32 to index
    %swap3A_2365 = arith.constant 32 : index
    %swap3A_2366 = tpu.vector_load %arg8[%swap3A_2363, %swap3A_2364, %swap3A_2365] {strides = array<i32>} : memref<2x128x144xf32, #tpu.memory_space<vmem>>, vector<1x1x16xf32>,
    %swap3A_2367 = vector.shape_cast %swap3A_2366 : vector<1x1x16xf32> to vector<16xf32>
    %swap3A_2368 = vector.shape_cast %broadcast_in_dim3A_2360 : vector<16xf32> to vector<1x1x16xf32>
    tpu.vector_store %arg8[%swap3A_2363, %swap3A_2364, %swap3A_2365], %swap3A_2368 {strides = array<i32>} : memref<2x128x144xf32, #tpu.memory_space<vmem>>, vector<1x1x16xf32>,
    %broadcast_in_dim3A_2369 = arith.constant 0.000000e+00 : f32
    %broadcast_in_dim3A_2370 = vector.broadcast %broadcast_in_dim3A_2369 : f32 to vector<16xf32>
    %swap3A_2371 = arith.constant 0 : i32
    %swap3A_2372 = arith.constant 26 : i32
    %swap3A_2373 = arith.index_cast %swap3A_2371 : i32 to index
    %swap3A_2374 = arith.index_cast %swap3A_2372 : i32 to index
    %swap3A_2375 = arith.constant 48 : index
    %swap3A_2376 = tpu.vector_load %arg8[%swap3A_2373, %swap3A_2374, %swap3A_2375] {strides = array<i32>} : memref<2x128x144xf32, #tpu.memory_space<vmem>>, vector<1x1x16xf32>,
    %swap3A_2377 = vector.shape_cast %swap3A_2376 : vector<1x1x16xf32> to vector<16xf32>
    %swap3A_2378 = vector.shape_cast %broadcast_in_dim3A_2370 : vector<16xf32> to vector<1x1x16xf32>
    tpu.vector_store %arg8[%swap3A_2373, %swap3A_2374, %swap3A_2375], %swap3A_2378 {strides = array<i32>} : memref<2x128x144xf32, #tpu.memory_space<vmem>>, vector<1x1x16xf32>,
    %broadcast_in_dim3A_2379 = arith.constant 0.000000e+00 : f32
    %broadcast_in_dim3A_2380 = vector.broadcast %broadcast_in_dim3A_2379 : f32 to vector<16xf32>
    %swap3A_2381 = arith.constant 0 : i32
    %swap3A_2382 = arith.constant 26 : i32
    %swap3A_2383 = arith.index_cast %swap3A_2381 : i32 to index
    %swap3A_2384 = arith.index_cast %swap3A_2382 : i32 to index
    %swap3A_2385 = arith.constant 64 : index
    %swap3A_2386 = tpu.vector_load %arg8[%swap3A_2383, %swap3A_2384, %swap3A_2385] {strides = array<i32>} : memref<2x128x144xf32, #tpu.memory_space<vmem>>, vector<1x1x16xf32>,
    %swap3A_2387 = vector.shape_cast %swap3A_2386 : vector<1x1x16xf32> to vector<16xf32>
    %swap3A_2388 = vector.shape_cast %broadcast_in_dim3A_2380 : vector<16xf32> to vector<1x1x16xf32>
    tpu.vector_store %arg8[%swap3A_2383, %swap3A_2384, %swap3A_2385], %swap3A_2388 {strides = array<i32>} : memref<2x128x144xf32, #tpu.memory_space<vmem>>, vector<1x1x16xf32>,
    %broadcast_in_dim3A_2389 = arith.constant 0.000000e+00 : f32
    %broadcast_in_dim3A_2390 = vector.broadcast %broadcast_in_dim3A_2389 : f32 to vector<16xf32>
    %swap3A_2391 = arith.constant 0 : i32
    %swap3A_2392 = arith.constant 26 : i32
    %swap3A_2393 = arith.index_cast %swap3A_2391 : i32 to index
    %swap3A_2394 = arith.index_cast %swap3A_2392 : i32 to index
    %swap3A_2395 = arith.constant 80 : index
    %swap3A_2396 = tpu.vector_load %arg8[%swap3A_2393, %swap3A_2394, %swap3A_2395] {strides = array<i32>} : memref<2x128x144xf32, #tpu.memory_space<vmem>>, vector<1x1x16xf32>,
    %swap3A_2397 = vector.shape_cast %swap3A_2396 : vector<1x1x16xf32> to vector<16xf32>
    %swap3A_2398 = vector.shape_cast %broadcast_in_dim3A_2390 : vector<16xf32> to vector<1x1x16xf32>
    tpu.vector_store %arg8[%swap3A_2393, %swap3A_2394, %swap3A_2395], %swap3A_2398 {strides = array<i32>} : memref<2x128x144xf32, #tpu.memory_space<vmem>>, vector<1x1x16xf32>,
    %broadcast_in_dim3A_2399 = arith.constant 0.000000e+00 : f32
    %broadcast_in_dim3A_2400 = vector.broadcast %broadcast_in_dim3A_2399 : f32 to vector<16xf32>
    %swap3A_2401 = arith.constant 0 : i32
    %swap3A_2402 = arith.constant 26 : i32
    %swap3A_2403 = arith.index_cast %swap3A_2401 : i32 to index
    %swap3A_2404 = arith.index_cast %swap3A_2402 : i32 to index
    %swap3A_2405 = arith.constant 96 : index
    %swap3A_2406 = tpu.vector_load %arg8[%swap3A_2403, %swap3A_2404, %swap3A_2405] {strides = array<i32>} : memref<2x128x144xf32, #tpu.memory_space<vmem>>, vector<1x1x16xf32>,
    %swap3A_2407 = vector.shape_cast %swap3A_2406 : vector<1x1x16xf32> to vector<16xf32>
    %swap3A_2408 = vector.shape_cast %broadcast_in_dim3A_2400 : vector<16xf32> to vector<1x1x16xf32>
    tpu.vector_store %arg8[%swap3A_2403, %swap3A_2404, %swap3A_2405], %swap3A_2408 {strides = array<i32>} : memref<2x128x144xf32, #tpu.memory_space<vmem>>, vector<1x1x16xf32>,
    %broadcast_in_dim3A_2409 = arith.constant 0.000000e+00 : f32
    %broadcast_in_dim3A_2410 = vector.broadcast %broadcast_in_dim3A_2409 : f32 to vector<16xf32>
    %swap3A_2411 = arith.constant 0 : i32
    %swap3A_2412 = arith.constant 26 : i32
    %swap3A_2413 = arith.index_cast %swap3A_2411 : i32 to index
    %swap3A_2414 = arith.index_cast %swap3A_2412 : i32 to index
    %swap3A_2415 = arith.constant 112 : index
    %swap3A_2416 = tpu.vector_load %arg8[%swap3A_2413, %swap3A_2414, %swap3A_2415] {strides = array<i32>} : memref<2x128x144xf32, #tpu.memory_space<vmem>>, vector<1x1x16xf32>,
    %swap3A_2417 = vector.shape_cast %swap3A_2416 : vector<1x1x16xf32> to vector<16xf32>
    %swap3A_2418 = vector.shape_cast %broadcast_in_dim3A_2410 : vector<16xf32> to vector<1x1x16xf32>
    tpu.vector_store %arg8[%swap3A_2413, %swap3A_2414, %swap3A_2415], %swap3A_2418 {strides = array<i32>} : memref<2x128x144xf32, #tpu.memory_space<vmem>>, vector<1x1x16xf32>,
    %broadcast_in_dim3A_2419 = arith.constant 0.000000e+00 : f32
    %broadcast_in_dim3A_2420 = vector.broadcast %broadcast_in_dim3A_2419 : f32 to vector<16xf32>
    %swap3A_2421 = arith.constant 0 : i32
    %swap3A_2422 = arith.constant 26 : i32
    %swap3A_2423 = arith.index_cast %swap3A_2421 : i32 to index
    %swap3A_2424 = arith.index_cast %swap3A_2422 : i32 to index
    %swap3A_2425 = arith.constant 128 : index
    %swap3A_2426 = tpu.vector_load %arg8[%swap3A_2423, %swap3A_2424, %swap3A_2425] {strides = array<i32>} : memref<2x128x144xf32, #tpu.memory_space<vmem>>, vector<1x1x16xf32>,
    %swap3A_2427 = vector.shape_cast %swap3A_2426 : vector<1x1x16xf32> to vector<16xf32>
    %swap3A_2428 = vector.shape_cast %broadcast_in_dim3A_2420 : vector<16xf32> to vector<1x1x16xf32>
    tpu.vector_store %arg8[%swap3A_2423, %swap3A_2424, %swap3A_2425], %swap3A_2428 {strides = array<i32>} : memref<2x128x144xf32, #tpu.memory_space<vmem>>, vector<1x1x16xf32>,
    %broadcast_in_dim3A_2429 = arith.constant 0.000000e+00 : f32
    %broadcast_in_dim3A_2430 = vector.broadcast %broadcast_in_dim3A_2429 : f32 to vector<16xf32>
    %swap3A_2431 = arith.constant 0 : i32
    %swap3A_2432 = arith.constant 27 : i32
    %swap3A_2433 = arith.index_cast %swap3A_2431 : i32 to index
    %swap3A_2434 = arith.index_cast %swap3A_2432 : i32 to index
    %swap3A_2435 = arith.constant 0 : index
    %swap3A_2436 = tpu.vector_load %arg8[%swap3A_2433, %swap3A_2434, %swap3A_2435] {strides = array<i32>} : memref<2x128x144xf32, #tpu.memory_space<vmem>>, vector<1x1x16xf32>,
    %swap3A_2437 = vector.shape_cast %swap3A_2436 : vector<1x1x16xf32> to vector<16xf32>
    %swap3A_2438 = vector.shape_cast %broadcast_in_dim3A_2430 : vector<16xf32> to vector<1x1x16xf32>
    tpu.vector_store %arg8[%swap3A_2433, %swap3A_2434, %swap3A_2435], %swap3A_2438 {strides = array<i32>} : memref<2x128x144xf32, #tpu.memory_space<vmem>>, vector<1x1x16xf32>,
    %broadcast_in_dim3A_2439 = arith.constant 0.000000e+00 : f32
    %broadcast_in_dim3A_2440 = vector.broadcast %broadcast_in_dim3A_2439 : f32 to vector<16xf32>
    %swap3A_2441 = arith.constant 0 : i32
    %swap3A_2442 = arith.constant 27 : i32
    %swap3A_2443 = arith.index_cast %swap3A_2441 : i32 to index
    %swap3A_2444 = arith.index_cast %swap3A_2442 : i32 to index
    %swap3A_2445 = arith.constant 16 : index
    %swap3A_2446 = tpu.vector_load %arg8[%swap3A_2443, %swap3A_2444, %swap3A_2445] {strides = array<i32>} : memref<2x128x144xf32, #tpu.memory_space<vmem>>, vector<1x1x16xf32>,
    %swap3A_2447 = vector.shape_cast %swap3A_2446 : vector<1x1x16xf32> to vector<16xf32>
    %swap3A_2448 = vector.shape_cast %broadcast_in_dim3A_2440 : vector<16xf32> to vector<1x1x16xf32>
    tpu.vector_store %arg8[%swap3A_2443, %swap3A_2444, %swap3A_2445], %swap3A_2448 {strides = array<i32>} : memref<2x128x144xf32, #tpu.memory_space<vmem>>, vector<1x1x16xf32>,
    %broadcast_in_dim3A_2449 = arith.constant 0.000000e+00 : f32
    %broadcast_in_dim3A_2450 = vector.broadcast %broadcast_in_dim3A_2449 : f32 to vector<16xf32>
    %swap3A_2451 = arith.constant 0 : i32
    %swap3A_2452 = arith.constant 27 : i32
    %swap3A_2453 = arith.index_cast %swap3A_2451 : i32 to index
    %swap3A_2454 = arith.index_cast %swap3A_2452 : i32 to index
    %swap3A_2455 = arith.constant 32 : index
    %swap3A_2456 = tpu.vector_load %arg8[%swap3A_2453, %swap3A_2454, %swap3A_2455] {strides = array<i32>} : memref<2x128x144xf32, #tpu.memory_space<vmem>>, vector<1x1x16xf32>,
    %swap3A_2457 = vector.shape_cast %swap3A_2456 : vector<1x1x16xf32> to vector<16xf32>
    %swap3A_2458 = vector.shape_cast %broadcast_in_dim3A_2450 : vector<16xf32> to vector<1x1x16xf32>
    tpu.vector_store %arg8[%swap3A_2453, %swap3A_2454, %swap3A_2455], %swap3A_2458 {strides = array<i32>} : memref<2x128x144xf32, #tpu.memory_space<vmem>>, vector<1x1x16xf32>,
    %broadcast_in_dim3A_2459 = arith.constant 0.000000e+00 : f32
    %broadcast_in_dim3A_2460 = vector.broadcast %broadcast_in_dim3A_2459 : f32 to vector<16xf32>
    %swap3A_2461 = arith.constant 0 : i32
    %swap3A_2462 = arith.constant 27 : i32
    %swap3A_2463 = arith.index_cast %swap3A_2461 : i32 to index
    %swap3A_2464 = arith.index_cast %swap3A_2462 : i32 to index
    %swap3A_2465 = arith.constant 48 : index
    %swap3A_2466 = tpu.vector_load %arg8[%swap3A_2463, %swap3A_2464, %swap3A_2465] {strides = array<i32>} : memref<2x128x144xf32, #tpu.memory_space<vmem>>, vector<1x1x16xf32>,
    %swap3A_2467 = vector.shape_cast %swap3A_2466 : vector<1x1x16xf32> to vector<16xf32>
    %swap3A_2468 = vector.shape_cast %broadcast_in_dim3A_2460 : vector<16xf32> to vector<1x1x16xf32>
    tpu.vector_store %arg8[%swap3A_2463, %swap3A_2464, %swap3A_2465], %swap3A_2468 {strides = array<i32>} : memref<2x128x144xf32, #tpu.memory_space<vmem>>, vector<1x1x16xf32>,
    %broadcast_in_dim3A_2469 = arith.constant 0.000000e+00 : f32
    %broadcast_in_dim3A_2470 = vector.broadcast %broadcast_in_dim3A_2469 : f32 to vector<16xf32>
    %swap3A_2471 = arith.constant 0 : i32
    %swap3A_2472 = arith.constant 27 : i32
    %swap3A_2473 = arith.index_cast %swap3A_2471 : i32 to index
    %swap3A_2474 = arith.index_cast %swap3A_2472 : i32 to index
    %swap3A_2475 = arith.constant 64 : index
    %swap3A_2476 = tpu.vector_load %arg8[%swap3A_2473, %swap3A_2474, %swap3A_2475] {strides = array<i32>} : memref<2x128x144xf32, #tpu.memory_space<vmem>>, vector<1x1x16xf32>,
    %swap3A_2477 = vector.shape_cast %swap3A_2476 : vector<1x1x16xf32> to vector<16xf32>
    %swap3A_2478 = vector.shape_cast %broadcast_in_dim3A_2470 : vector<16xf32> to vector<1x1x16xf32>
    tpu.vector_store %arg8[%swap3A_2473, %swap3A_2474, %swap3A_2475], %swap3A_2478 {strides = array<i32>} : memref<2x128x144xf32, #tpu.memory_space<vmem>>, vector<1x1x16xf32>,
    %broadcast_in_dim3A_2479 = arith.constant 0.000000e+00 : f32
    %broadcast_in_dim3A_2480 = vector.broadcast %broadcast_in_dim3A_2479 : f32 to vector<16xf32>
    %swap3A_2481 = arith.constant 0 : i32
    %swap3A_2482 = arith.constant 27 : i32
    %swap3A_2483 = arith.index_cast %swap3A_2481 : i32 to index
    %swap3A_2484 = arith.index_cast %swap3A_2482 : i32 to index
    %swap3A_2485 = arith.constant 80 : index
    %swap3A_2486 = tpu.vector_load %arg8[%swap3A_2483, %swap3A_2484, %swap3A_2485] {strides = array<i32>} : memref<2x128x144xf32, #tpu.memory_space<vmem>>, vector<1x1x16xf32>,
    %swap3A_2487 = vector.shape_cast %swap3A_2486 : vector<1x1x16xf32> to vector<16xf32>
    %swap3A_2488 = vector.shape_cast %broadcast_in_dim3A_2480 : vector<16xf32> to vector<1x1x16xf32>
    tpu.vector_store %arg8[%swap3A_2483, %swap3A_2484, %swap3A_2485], %swap3A_2488 {strides = array<i32>} : memref<2x128x144xf32, #tpu.memory_space<vmem>>, vector<1x1x16xf32>,
    %broadcast_in_dim3A_2489 = arith.constant 0.000000e+00 : f32
    %broadcast_in_dim3A_2490 = vector.broadcast %broadcast_in_dim3A_2489 : f32 to vector<16xf32>
    %swap3A_2491 = arith.constant 0 : i32
    %swap3A_2492 = arith.constant 27 : i32
    %swap3A_2493 = arith.index_cast %swap3A_2491 : i32 to index
    %swap3A_2494 = arith.index_cast %swap3A_2492 : i32 to index
    %swap3A_2495 = arith.constant 96 : index
    %swap3A_2496 = tpu.vector_load %arg8[%swap3A_2493, %swap3A_2494, %swap3A_2495] {strides = array<i32>} : memref<2x128x144xf32, #tpu.memory_space<vmem>>, vector<1x1x16xf32>,
    %swap3A_2497 = vector.shape_cast %swap3A_2496 : vector<1x1x16xf32> to vector<16xf32>
    %swap3A_2498 = vector.shape_cast %broadcast_in_dim3A_2490 : vector<16xf32> to vector<1x1x16xf32>
    tpu.vector_store %arg8[%swap3A_2493, %swap3A_2494, %swap3A_2495], %swap3A_2498 {strides = array<i32>} : memref<2x128x144xf32, #tpu.memory_space<vmem>>, vector<1x1x16xf32>,
    %broadcast_in_dim3A_2499 = arith.constant 0.000000e+00 : f32
    %broadcast_in_dim3A_2500 = vector.broadcast %broadcast_in_dim3A_2499 : f32 to vector<16xf32>
    %swap3A_2501 = arith.constant 0 : i32
    %swap3A_2502 = arith.constant 27 : i32
    %swap3A_2503 = arith.index_cast %swap3A_2501 : i32 to index
    %swap3A_2504 = arith.index_cast %swap3A_2502 : i32 to index
    %swap3A_2505 = arith.constant 112 : index
    %swap3A_2506 = tpu.vector_load %arg8[%swap3A_2503, %swap3A_2504, %swap3A_2505] {strides = array<i32>} : memref<2x128x144xf32, #tpu.memory_space<vmem>>, vector<1x1x16xf32>,
    %swap3A_2507 = vector.shape_cast %swap3A_2506 : vector<1x1x16xf32> to vector<16xf32>
    %swap3A_2508 = vector.shape_cast %broadcast_in_dim3A_2500 : vector<16xf32> to vector<1x1x16xf32>
    tpu.vector_store %arg8[%swap3A_2503, %swap3A_2504, %swap3A_2505], %swap3A_2508 {strides = array<i32>} : memref<2x128x144xf32, #tpu.memory_space<vmem>>, vector<1x1x16xf32>,
    %broadcast_in_dim3A_2509 = arith.constant 0.000000e+00 : f32
    %broadcast_in_dim3A_2510 = vector.broadcast %broadcast_in_dim3A_2509 : f32 to vector<16xf32>
    %swap3A_2511 = arith.constant 0 : i32
    %swap3A_2512 = arith.constant 27 : i32
    %swap3A_2513 = arith.index_cast %swap3A_2511 : i32 to index
    %swap3A_2514 = arith.index_cast %swap3A_2512 : i32 to index
    %swap3A_2515 = arith.constant 128 : index
    %swap3A_2516 = tpu.vector_load %arg8[%swap3A_2513, %swap3A_2514, %swap3A_2515] {strides = array<i32>} : memref<2x128x144xf32, #tpu.memory_space<vmem>>, vector<1x1x16xf32>,
    %swap3A_2517 = vector.shape_cast %swap3A_2516 : vector<1x1x16xf32> to vector<16xf32>
    %swap3A_2518 = vector.shape_cast %broadcast_in_dim3A_2510 : vector<16xf32> to vector<1x1x16xf32>
    tpu.vector_store %arg8[%swap3A_2513, %swap3A_2514, %swap3A_2515], %swap3A_2518 {strides = array<i32>} : memref<2x128x144xf32, #tpu.memory_space<vmem>>, vector<1x1x16xf32>,
    %broadcast_in_dim3A_2519 = arith.constant 0.000000e+00 : f32
    %broadcast_in_dim3A_2520 = vector.broadcast %broadcast_in_dim3A_2519 : f32 to vector<16xf32>
    %swap3A_2521 = arith.constant 0 : i32
    %swap3A_2522 = arith.constant 28 : i32
    %swap3A_2523 = arith.index_cast %swap3A_2521 : i32 to index
    %swap3A_2524 = arith.index_cast %swap3A_2522 : i32 to index
    %swap3A_2525 = arith.constant 0 : index
    %swap3A_2526 = tpu.vector_load %arg8[%swap3A_2523, %swap3A_2524, %swap3A_2525] {strides = array<i32>} : memref<2x128x144xf32, #tpu.memory_space<vmem>>, vector<1x1x16xf32>,
    %swap3A_2527 = vector.shape_cast %swap3A_2526 : vector<1x1x16xf32> to vector<16xf32>
    %swap3A_2528 = vector.shape_cast %broadcast_in_dim3A_2520 : vector<16xf32> to vector<1x1x16xf32>
    tpu.vector_store %arg8[%swap3A_2523, %swap3A_2524, %swap3A_2525], %swap3A_2528 {strides = array<i32>} : memref<2x128x144xf32, #tpu.memory_space<vmem>>, vector<1x1x16xf32>,
    %broadcast_in_dim3A_2529 = arith.constant 0.000000e+00 : f32
    %broadcast_in_dim3A_2530 = vector.broadcast %broadcast_in_dim3A_2529 : f32 to vector<16xf32>
    %swap3A_2531 = arith.constant 0 : i32
    %swap3A_2532 = arith.constant 28 : i32
    %swap3A_2533 = arith.index_cast %swap3A_2531 : i32 to index
    %swap3A_2534 = arith.index_cast %swap3A_2532 : i32 to index
    %swap3A_2535 = arith.constant 16 : index
    %swap3A_2536 = tpu.vector_load %arg8[%swap3A_2533, %swap3A_2534, %swap3A_2535] {strides = array<i32>} : memref<2x128x144xf32, #tpu.memory_space<vmem>>, vector<1x1x16xf32>,
    %swap3A_2537 = vector.shape_cast %swap3A_2536 : vector<1x1x16xf32> to vector<16xf32>
    %swap3A_2538 = vector.shape_cast %broadcast_in_dim3A_2530 : vector<16xf32> to vector<1x1x16xf32>
    tpu.vector_store %arg8[%swap3A_2533, %swap3A_2534, %swap3A_2535], %swap3A_2538 {strides = array<i32>} : memref<2x128x144xf32, #tpu.memory_space<vmem>>, vector<1x1x16xf32>,
    %broadcast_in_dim3A_2539 = arith.constant 0.000000e+00 : f32
    %broadcast_in_dim3A_2540 = vector.broadcast %broadcast_in_dim3A_2539 : f32 to vector<16xf32>
    %swap3A_2541 = arith.constant 0 : i32
    %swap3A_2542 = arith.constant 28 : i32
    %swap3A_2543 = arith.index_cast %swap3A_2541 : i32 to index
    %swap3A_2544 = arith.index_cast %swap3A_2542 : i32 to index
    %swap3A_2545 = arith.constant 32 : index
    %swap3A_2546 = tpu.vector_load %arg8[%swap3A_2543, %swap3A_2544, %swap3A_2545] {strides = array<i32>} : memref<2x128x144xf32, #tpu.memory_space<vmem>>, vector<1x1x16xf32>,
    %swap3A_2547 = vector.shape_cast %swap3A_2546 : vector<1x1x16xf32> to vector<16xf32>
    %swap3A_2548 = vector.shape_cast %broadcast_in_dim3A_2540 : vector<16xf32> to vector<1x1x16xf32>
    tpu.vector_store %arg8[%swap3A_2543, %swap3A_2544, %swap3A_2545], %swap3A_2548 {strides = array<i32>} : memref<2x128x144xf32, #tpu.memory_space<vmem>>, vector<1x1x16xf32>,
    %broadcast_in_dim3A_2549 = arith.constant 0.000000e+00 : f32
    %broadcast_in_dim3A_2550 = vector.broadcast %broadcast_in_dim3A_2549 : f32 to vector<16xf32>
    %swap3A_2551 = arith.constant 0 : i32
    %swap3A_2552 = arith.constant 28 : i32
    %swap3A_2553 = arith.index_cast %swap3A_2551 : i32 to index
    %swap3A_2554 = arith.index_cast %swap3A_2552 : i32 to index
    %swap3A_2555 = arith.constant 48 : index
    %swap3A_2556 = tpu.vector_load %arg8[%swap3A_2553, %swap3A_2554, %swap3A_2555] {strides = array<i32>} : memref<2x128x144xf32, #tpu.memory_space<vmem>>, vector<1x1x16xf32>,
    %swap3A_2557 = vector.shape_cast %swap3A_2556 : vector<1x1x16xf32> to vector<16xf32>
    %swap3A_2558 = vector.shape_cast %broadcast_in_dim3A_2550 : vector<16xf32> to vector<1x1x16xf32>
    tpu.vector_store %arg8[%swap3A_2553, %swap3A_2554, %swap3A_2555], %swap3A_2558 {strides = array<i32>} : memref<2x128x144xf32, #tpu.memory_space<vmem>>, vector<1x1x16xf32>,
    %broadcast_in_dim3A_2559 = arith.constant 0.000000e+00 : f32
    %broadcast_in_dim3A_2560 = vector.broadcast %broadcast_in_dim3A_2559 : f32 to vector<16xf32>
    %swap3A_2561 = arith.constant 0 : i32
    %swap3A_2562 = arith.constant 28 : i32
    %swap3A_2563 = arith.index_cast %swap3A_2561 : i32 to index
    %swap3A_2564 = arith.index_cast %swap3A_2562 : i32 to index
    %swap3A_2565 = arith.constant 64 : index
    %swap3A_2566 = tpu.vector_load %arg8[%swap3A_2563, %swap3A_2564, %swap3A_2565] {strides = array<i32>} : memref<2x128x144xf32, #tpu.memory_space<vmem>>, vector<1x1x16xf32>,
    %swap3A_2567 = vector.shape_cast %swap3A_2566 : vector<1x1x16xf32> to vector<16xf32>
    %swap3A_2568 = vector.shape_cast %broadcast_in_dim3A_2560 : vector<16xf32> to vector<1x1x16xf32>
    tpu.vector_store %arg8[%swap3A_2563, %swap3A_2564, %swap3A_2565], %swap3A_2568 {strides = array<i32>} : memref<2x128x144xf32, #tpu.memory_space<vmem>>, vector<1x1x16xf32>,
    %broadcast_in_dim3A_2569 = arith.constant 0.000000e+00 : f32
    %broadcast_in_dim3A_2570 = vector.broadcast %broadcast_in_dim3A_2569 : f32 to vector<16xf32>
    %swap3A_2571 = arith.constant 0 : i32
    %swap3A_2572 = arith.constant 28 : i32
    %swap3A_2573 = arith.index_cast %swap3A_2571 : i32 to index
    %swap3A_2574 = arith.index_cast %swap3A_2572 : i32 to index
    %swap3A_2575 = arith.constant 80 : index
    %swap3A_2576 = tpu.vector_load %arg8[%swap3A_2573, %swap3A_2574, %swap3A_2575] {strides = array<i32>} : memref<2x128x144xf32, #tpu.memory_space<vmem>>, vector<1x1x16xf32>,
    %swap3A_2577 = vector.shape_cast %swap3A_2576 : vector<1x1x16xf32> to vector<16xf32>
    %swap3A_2578 = vector.shape_cast %broadcast_in_dim3A_2570 : vector<16xf32> to vector<1x1x16xf32>
    tpu.vector_store %arg8[%swap3A_2573, %swap3A_2574, %swap3A_2575], %swap3A_2578 {strides = array<i32>} : memref<2x128x144xf32, #tpu.memory_space<vmem>>, vector<1x1x16xf32>,
    %broadcast_in_dim3A_2579 = arith.constant 0.000000e+00 : f32
    %broadcast_in_dim3A_2580 = vector.broadcast %broadcast_in_dim3A_2579 : f32 to vector<16xf32>
    %swap3A_2581 = arith.constant 0 : i32
    %swap3A_2582 = arith.constant 28 : i32
    %swap3A_2583 = arith.index_cast %swap3A_2581 : i32 to index
    %swap3A_2584 = arith.index_cast %swap3A_2582 : i32 to index
    %swap3A_2585 = arith.constant 96 : index
    %swap3A_2586 = tpu.vector_load %arg8[%swap3A_2583, %swap3A_2584, %swap3A_2585] {strides = array<i32>} : memref<2x128x144xf32, #tpu.memory_space<vmem>>, vector<1x1x16xf32>,
    %swap3A_2587 = vector.shape_cast %swap3A_2586 : vector<1x1x16xf32> to vector<16xf32>
    %swap3A_2588 = vector.shape_cast %broadcast_in_dim3A_2580 : vector<16xf32> to vector<1x1x16xf32>
    tpu.vector_store %arg8[%swap3A_2583, %swap3A_2584, %swap3A_2585], %swap3A_2588 {strides = array<i32>} : memref<2x128x144xf32, #tpu.memory_space<vmem>>, vector<1x1x16xf32>,
    %broadcast_in_dim3A_2589 = arith.constant 0.000000e+00 : f32
    %broadcast_in_dim3A_2590 = vector.broadcast %broadcast_in_dim3A_2589 : f32 to vector<16xf32>
    %swap3A_2591 = arith.constant 0 : i32
    %swap3A_2592 = arith.constant 28 : i32
    %swap3A_2593 = arith.index_cast %swap3A_2591 : i32 to index
    %swap3A_2594 = arith.index_cast %swap3A_2592 : i32 to index
    %swap3A_2595 = arith.constant 112 : index
    %swap3A_2596 = tpu.vector_load %arg8[%swap3A_2593, %swap3A_2594, %swap3A_2595] {strides = array<i32>} : memref<2x128x144xf32, #tpu.memory_space<vmem>>, vector<1x1x16xf32>,
    %swap3A_2597 = vector.shape_cast %swap3A_2596 : vector<1x1x16xf32> to vector<16xf32>
    %swap3A_2598 = vector.shape_cast %broadcast_in_dim3A_2590 : vector<16xf32> to vector<1x1x16xf32>
    tpu.vector_store %arg8[%swap3A_2593, %swap3A_2594, %swap3A_2595], %swap3A_2598 {strides = array<i32>} : memref<2x128x144xf32, #tpu.memory_space<vmem>>, vector<1x1x16xf32>,
    %broadcast_in_dim3A_2599 = arith.constant 0.000000e+00 : f32
    %broadcast_in_dim3A_2600 = vector.broadcast %broadcast_in_dim3A_2599 : f32 to vector<16xf32>
    %swap3A_2601 = arith.constant 0 : i32
    %swap3A_2602 = arith.constant 28 : i32
    %swap3A_2603 = arith.index_cast %swap3A_2601 : i32 to index
    %swap3A_2604 = arith.index_cast %swap3A_2602 : i32 to index
    %swap3A_2605 = arith.constant 128 : index
    %swap3A_2606 = tpu.vector_load %arg8[%swap3A_2603, %swap3A_2604, %swap3A_2605] {strides = array<i32>} : memref<2x128x144xf32, #tpu.memory_space<vmem>>, vector<1x1x16xf32>,
    %swap3A_2607 = vector.shape_cast %swap3A_2606 : vector<1x1x16xf32> to vector<16xf32>
    %swap3A_2608 = vector.shape_cast %broadcast_in_dim3A_2600 : vector<16xf32> to vector<1x1x16xf32>
    tpu.vector_store %arg8[%swap3A_2603, %swap3A_2604, %swap3A_2605], %swap3A_2608 {strides = array<i32>} : memref<2x128x144xf32, #tpu.memory_space<vmem>>, vector<1x1x16xf32>,
    %broadcast_in_dim3A_2609 = arith.constant 0.000000e+00 : f32
    %broadcast_in_dim3A_2610 = vector.broadcast %broadcast_in_dim3A_2609 : f32 to vector<16xf32>
    %swap3A_2611 = arith.constant 0 : i32
    %swap3A_2612 = arith.constant 29 : i32
    %swap3A_2613 = arith.index_cast %swap3A_2611 : i32 to index
    %swap3A_2614 = arith.index_cast %swap3A_2612 : i32 to index
    %swap3A_2615 = arith.constant 0 : index
    %swap3A_2616 = tpu.vector_load %arg8[%swap3A_2613, %swap3A_2614, %swap3A_2615] {strides = array<i32>} : memref<2x128x144xf32, #tpu.memory_space<vmem>>, vector<1x1x16xf32>,
    %swap3A_2617 = vector.shape_cast %swap3A_2616 : vector<1x1x16xf32> to vector<16xf32>
    %swap3A_2618 = vector.shape_cast %broadcast_in_dim3A_2610 : vector<16xf32> to vector<1x1x16xf32>
    tpu.vector_store %arg8[%swap3A_2613, %swap3A_2614, %swap3A_2615], %swap3A_2618 {strides = array<i32>} : memref<2x128x144xf32, #tpu.memory_space<vmem>>, vector<1x1x16xf32>,
    %broadcast_in_dim3A_2619 = arith.constant 0.000000e+00 : f32
    %broadcast_in_dim3A_2620 = vector.broadcast %broadcast_in_dim3A_2619 : f32 to vector<16xf32>
    %swap3A_2621 = arith.constant 0 : i32
    %swap3A_2622 = arith.constant 29 : i32
    %swap3A_2623 = arith.index_cast %swap3A_2621 : i32 to index
    %swap3A_2624 = arith.index_cast %swap3A_2622 : i32 to index
    %swap3A_2625 = arith.constant 16 : index
    %swap3A_2626 = tpu.vector_load %arg8[%swap3A_2623, %swap3A_2624, %swap3A_2625] {strides = array<i32>} : memref<2x128x144xf32, #tpu.memory_space<vmem>>, vector<1x1x16xf32>,
    %swap3A_2627 = vector.shape_cast %swap3A_2626 : vector<1x1x16xf32> to vector<16xf32>
    %swap3A_2628 = vector.shape_cast %broadcast_in_dim3A_2620 : vector<16xf32> to vector<1x1x16xf32>
    tpu.vector_store %arg8[%swap3A_2623, %swap3A_2624, %swap3A_2625], %swap3A_2628 {strides = array<i32>} : memref<2x128x144xf32, #tpu.memory_space<vmem>>, vector<1x1x16xf32>,
    %broadcast_in_dim3A_2629 = arith.constant 0.000000e+00 : f32
    %broadcast_in_dim3A_2630 = vector.broadcast %broadcast_in_dim3A_2629 : f32 to vector<16xf32>
    %swap3A_2631 = arith.constant 0 : i32
    %swap3A_2632 = arith.constant 29 : i32
    %swap3A_2633 = arith.index_cast %swap3A_2631 : i32 to index
    %swap3A_2634 = arith.index_cast %swap3A_2632 : i32 to index
    %swap3A_2635 = arith.constant 32 : index
    %swap3A_2636 = tpu.vector_load %arg8[%swap3A_2633, %swap3A_2634, %swap3A_2635] {strides = array<i32>} : memref<2x128x144xf32, #tpu.memory_space<vmem>>, vector<1x1x16xf32>,
    %swap3A_2637 = vector.shape_cast %swap3A_2636 : vector<1x1x16xf32> to vector<16xf32>
    %swap3A_2638 = vector.shape_cast %broadcast_in_dim3A_2630 : vector<16xf32> to vector<1x1x16xf32>
    tpu.vector_store %arg8[%swap3A_2633, %swap3A_2634, %swap3A_2635], %swap3A_2638 {strides = array<i32>} : memref<2x128x144xf32, #tpu.memory_space<vmem>>, vector<1x1x16xf32>,
    %broadcast_in_dim3A_2639 = arith.constant 0.000000e+00 : f32
    %broadcast_in_dim3A_2640 = vector.broadcast %broadcast_in_dim3A_2639 : f32 to vector<16xf32>
    %swap3A_2641 = arith.constant 0 : i32
    %swap3A_2642 = arith.constant 29 : i32
    %swap3A_2643 = arith.index_cast %swap3A_2641 : i32 to index
    %swap3A_2644 = arith.index_cast %swap3A_2642 : i32 to index
    %swap3A_2645 = arith.constant 48 : index
    %swap3A_2646 = tpu.vector_load %arg8[%swap3A_2643, %swap3A_2644, %swap3A_2645] {strides = array<i32>} : memref<2x128x144xf32, #tpu.memory_space<vmem>>, vector<1x1x16xf32>,
    %swap3A_2647 = vector.shape_cast %swap3A_2646 : vector<1x1x16xf32> to vector<16xf32>
    %swap3A_2648 = vector.shape_cast %broadcast_in_dim3A_2640 : vector<16xf32> to vector<1x1x16xf32>
    tpu.vector_store %arg8[%swap3A_2643, %swap3A_2644, %swap3A_2645], %swap3A_2648 {strides = array<i32>} : memref<2x128x144xf32, #tpu.memory_space<vmem>>, vector<1x1x16xf32>,
    %broadcast_in_dim3A_2649 = arith.constant 0.000000e+00 : f32
    %broadcast_in_dim3A_2650 = vector.broadcast %broadcast_in_dim3A_2649 : f32 to vector<16xf32>
    %swap3A_2651 = arith.constant 0 : i32
    %swap3A_2652 = arith.constant 29 : i32
    %swap3A_2653 = arith.index_cast %swap3A_2651 : i32 to index
    %swap3A_2654 = arith.index_cast %swap3A_2652 : i32 to index
    %swap3A_2655 = arith.constant 64 : index
    %swap3A_2656 = tpu.vector_load %arg8[%swap3A_2653, %swap3A_2654, %swap3A_2655] {strides = array<i32>} : memref<2x128x144xf32, #tpu.memory_space<vmem>>, vector<1x1x16xf32>,
    %swap3A_2657 = vector.shape_cast %swap3A_2656 : vector<1x1x16xf32> to vector<16xf32>
    %swap3A_2658 = vector.shape_cast %broadcast_in_dim3A_2650 : vector<16xf32> to vector<1x1x16xf32>
    tpu.vector_store %arg8[%swap3A_2653, %swap3A_2654, %swap3A_2655], %swap3A_2658 {strides = array<i32>} : memref<2x128x144xf32, #tpu.memory_space<vmem>>, vector<1x1x16xf32>,
    %broadcast_in_dim3A_2659 = arith.constant 0.000000e+00 : f32
    %broadcast_in_dim3A_2660 = vector.broadcast %broadcast_in_dim3A_2659 : f32 to vector<16xf32>
    %swap3A_2661 = arith.constant 0 : i32
    %swap3A_2662 = arith.constant 29 : i32
    %swap3A_2663 = arith.index_cast %swap3A_2661 : i32 to index
    %swap3A_2664 = arith.index_cast %swap3A_2662 : i32 to index
    %swap3A_2665 = arith.constant 80 : index
    %swap3A_2666 = tpu.vector_load %arg8[%swap3A_2663, %swap3A_2664, %swap3A_2665] {strides = array<i32>} : memref<2x128x144xf32, #tpu.memory_space<vmem>>, vector<1x1x16xf32>,
    %swap3A_2667 = vector.shape_cast %swap3A_2666 : vector<1x1x16xf32> to vector<16xf32>
    %swap3A_2668 = vector.shape_cast %broadcast_in_dim3A_2660 : vector<16xf32> to vector<1x1x16xf32>
    tpu.vector_store %arg8[%swap3A_2663, %swap3A_2664, %swap3A_2665], %swap3A_2668 {strides = array<i32>} : memref<2x128x144xf32, #tpu.memory_space<vmem>>, vector<1x1x16xf32>,
    %broadcast_in_dim3A_2669 = arith.constant 0.000000e+00 : f32
    %broadcast_in_dim3A_2670 = vector.broadcast %broadcast_in_dim3A_2669 : f32 to vector<16xf32>
    %swap3A_2671 = arith.constant 0 : i32
    %swap3A_2672 = arith.constant 29 : i32
    %swap3A_2673 = arith.index_cast %swap3A_2671 : i32 to index
    %swap3A_2674 = arith.index_cast %swap3A_2672 : i32 to index
    %swap3A_2675 = arith.constant 96 : index
    %swap3A_2676 = tpu.vector_load %arg8[%swap3A_2673, %swap3A_2674, %swap3A_2675] {strides = array<i32>} : memref<2x128x144xf32, #tpu.memory_space<vmem>>, vector<1x1x16xf32>,
    %swap3A_2677 = vector.shape_cast %swap3A_2676 : vector<1x1x16xf32> to vector<16xf32>
    %swap3A_2678 = vector.shape_cast %broadcast_in_dim3A_2670 : vector<16xf32> to vector<1x1x16xf32>
    tpu.vector_store %arg8[%swap3A_2673, %swap3A_2674, %swap3A_2675], %swap3A_2678 {strides = array<i32>} : memref<2x128x144xf32, #tpu.memory_space<vmem>>, vector<1x1x16xf32>,
    %broadcast_in_dim3A_2679 = arith.constant 0.000000e+00 : f32
    %broadcast_in_dim3A_2680 = vector.broadcast %broadcast_in_dim3A_2679 : f32 to vector<16xf32>
    %swap3A_2681 = arith.constant 0 : i32
    %swap3A_2682 = arith.constant 29 : i32
    %swap3A_2683 = arith.index_cast %swap3A_2681 : i32 to index
    %swap3A_2684 = arith.index_cast %swap3A_2682 : i32 to index
    %swap3A_2685 = arith.constant 112 : index
    %swap3A_2686 = tpu.vector_load %arg8[%swap3A_2683, %swap3A_2684, %swap3A_2685] {strides = array<i32>} : memref<2x128x144xf32, #tpu.memory_space<vmem>>, vector<1x1x16xf32>,
    %swap3A_2687 = vector.shape_cast %swap3A_2686 : vector<1x1x16xf32> to vector<16xf32>
    %swap3A_2688 = vector.shape_cast %broadcast_in_dim3A_2680 : vector<16xf32> to vector<1x1x16xf32>
    tpu.vector_store %arg8[%swap3A_2683, %swap3A_2684, %swap3A_2685], %swap3A_2688 {strides = array<i32>} : memref<2x128x144xf32, #tpu.memory_space<vmem>>, vector<1x1x16xf32>,
    %broadcast_in_dim3A_2689 = arith.constant 0.000000e+00 : f32
    %broadcast_in_dim3A_2690 = vector.broadcast %broadcast_in_dim3A_2689 : f32 to vector<16xf32>
    %swap3A_2691 = arith.constant 0 : i32
    %swap3A_2692 = arith.constant 29 : i32
    %swap3A_2693 = arith.index_cast %swap3A_2691 : i32 to index
    %swap3A_2694 = arith.index_cast %swap3A_2692 : i32 to index
    %swap3A_2695 = arith.constant 128 : index
    %swap3A_2696 = tpu.vector_load %arg8[%swap3A_2693, %swap3A_2694, %swap3A_2695] {strides = array<i32>} : memref<2x128x144xf32, #tpu.memory_space<vmem>>, vector<1x1x16xf32>,
    %swap3A_2697 = vector.shape_cast %swap3A_2696 : vector<1x1x16xf32> to vector<16xf32>
    %swap3A_2698 = vector.shape_cast %broadcast_in_dim3A_2690 : vector<16xf32> to vector<1x1x16xf32>
    tpu.vector_store %arg8[%swap3A_2693, %swap3A_2694, %swap3A_2695], %swap3A_2698 {strides = array<i32>} : memref<2x128x144xf32, #tpu.memory_space<vmem>>, vector<1x1x16xf32>,
    %broadcast_in_dim3A_2699 = arith.constant 0.000000e+00 : f32
    %broadcast_in_dim3A_2700 = vector.broadcast %broadcast_in_dim3A_2699 : f32 to vector<16xf32>
    %swap3A_2701 = arith.constant 0 : i32
    %swap3A_2702 = arith.constant 30 : i32
    %swap3A_2703 = arith.index_cast %swap3A_2701 : i32 to index
    %swap3A_2704 = arith.index_cast %swap3A_2702 : i32 to index
    %swap3A_2705 = arith.constant 0 : index
    %swap3A_2706 = tpu.vector_load %arg8[%swap3A_2703, %swap3A_2704, %swap3A_2705] {strides = array<i32>} : memref<2x128x144xf32, #tpu.memory_space<vmem>>, vector<1x1x16xf32>,
    %swap3A_2707 = vector.shape_cast %swap3A_2706 : vector<1x1x16xf32> to vector<16xf32>
    %swap3A_2708 = vector.shape_cast %broadcast_in_dim3A_2700 : vector<16xf32> to vector<1x1x16xf32>
    tpu.vector_store %arg8[%swap3A_2703, %swap3A_2704, %swap3A_2705], %swap3A_2708 {strides = array<i32>} : memref<2x128x144xf32, #tpu.memory_space<vmem>>, vector<1x1x16xf32>,
    %broadcast_in_dim3A_2709 = arith.constant 0.000000e+00 : f32
    %broadcast_in_dim3A_2710 = vector.broadcast %broadcast_in_dim3A_2709 : f32 to vector<16xf32>
    %swap3A_2711 = arith.constant 0 : i32
    %swap3A_2712 = arith.constant 30 : i32
    %swap3A_2713 = arith.index_cast %swap3A_2711 : i32 to index
    %swap3A_2714 = arith.index_cast %swap3A_2712 : i32 to index
    %swap3A_2715 = arith.constant 16 : index
    %swap3A_2716 = tpu.vector_load %arg8[%swap3A_2713, %swap3A_2714, %swap3A_2715] {strides = array<i32>} : memref<2x128x144xf32, #tpu.memory_space<vmem>>, vector<1x1x16xf32>,
    %swap3A_2717 = vector.shape_cast %swap3A_2716 : vector<1x1x16xf32> to vector<16xf32>
    %swap3A_2718 = vector.shape_cast %broadcast_in_dim3A_2710 : vector<16xf32> to vector<1x1x16xf32>
    tpu.vector_store %arg8[%swap3A_2713, %swap3A_2714, %swap3A_2715], %swap3A_2718 {strides = array<i32>} : memref<2x128x144xf32, #tpu.memory_space<vmem>>, vector<1x1x16xf32>,
    %broadcast_in_dim3A_2719 = arith.constant 0.000000e+00 : f32
    %broadcast_in_dim3A_2720 = vector.broadcast %broadcast_in_dim3A_2719 : f32 to vector<16xf32>
    %swap3A_2721 = arith.constant 0 : i32
    %swap3A_2722 = arith.constant 30 : i32
    %swap3A_2723 = arith.index_cast %swap3A_2721 : i32 to index
    %swap3A_2724 = arith.index_cast %swap3A_2722 : i32 to index
    %swap3A_2725 = arith.constant 32 : index
    %swap3A_2726 = tpu.vector_load %arg8[%swap3A_2723, %swap3A_2724, %swap3A_2725] {strides = array<i32>} : memref<2x128x144xf32, #tpu.memory_space<vmem>>, vector<1x1x16xf32>,
    %swap3A_2727 = vector.shape_cast %swap3A_2726 : vector<1x1x16xf32> to vector<16xf32>
    %swap3A_2728 = vector.shape_cast %broadcast_in_dim3A_2720 : vector<16xf32> to vector<1x1x16xf32>
    tpu.vector_store %arg8[%swap3A_2723, %swap3A_2724, %swap3A_2725], %swap3A_2728 {strides = array<i32>} : memref<2x128x144xf32, #tpu.memory_space<vmem>>, vector<1x1x16xf32>,
    %broadcast_in_dim3A_2729 = arith.constant 0.000000e+00 : f32
    %broadcast_in_dim3A_2730 = vector.broadcast %broadcast_in_dim3A_2729 : f32 to vector<16xf32>
    %swap3A_2731 = arith.constant 0 : i32
    %swap3A_2732 = arith.constant 30 : i32
    %swap3A_2733 = arith.index_cast %swap3A_2731 : i32 to index
    %swap3A_2734 = arith.index_cast %swap3A_2732 : i32 to index
    %swap3A_2735 = arith.constant 48 : index
    %swap3A_2736 = tpu.vector_load %arg8[%swap3A_2733, %swap3A_2734, %swap3A_2735] {strides = array<i32>} : memref<2x128x144xf32, #tpu.memory_space<vmem>>, vector<1x1x16xf32>,
    %swap3A_2737 = vector.shape_cast %swap3A_2736 : vector<1x1x16xf32> to vector<16xf32>
    %swap3A_2738 = vector.shape_cast %broadcast_in_dim3A_2730 : vector<16xf32> to vector<1x1x16xf32>
    tpu.vector_store %arg8[%swap3A_2733, %swap3A_2734, %swap3A_2735], %swap3A_2738 {strides = array<i32>} : memref<2x128x144xf32, #tpu.memory_space<vmem>>, vector<1x1x16xf32>,
    %broadcast_in_dim3A_2739 = arith.constant 0.000000e+00 : f32
    %broadcast_in_dim3A_2740 = vector.broadcast %broadcast_in_dim3A_2739 : f32 to vector<16xf32>
    %swap3A_2741 = arith.constant 0 : i32
    %swap3A_2742 = arith.constant 30 : i32
    %swap3A_2743 = arith.index_cast %swap3A_2741 : i32 to index
    %swap3A_2744 = arith.index_cast %swap3A_2742 : i32 to index
    %swap3A_2745 = arith.constant 64 : index
    %swap3A_2746 = tpu.vector_load %arg8[%swap3A_2743, %swap3A_2744, %swap3A_2745] {strides = array<i32>} : memref<2x128x144xf32, #tpu.memory_space<vmem>>, vector<1x1x16xf32>,
    %swap3A_2747 = vector.shape_cast %swap3A_2746 : vector<1x1x16xf32> to vector<16xf32>
    %swap3A_2748 = vector.shape_cast %broadcast_in_dim3A_2740 : vector<16xf32> to vector<1x1x16xf32>
    tpu.vector_store %arg8[%swap3A_2743, %swap3A_2744, %swap3A_2745], %swap3A_2748 {strides = array<i32>} : memref<2x128x144xf32, #tpu.memory_space<vmem>>, vector<1x1x16xf32>,
    %broadcast_in_dim3A_2749 = arith.constant 0.000000e+00 : f32
    %broadcast_in_dim3A_2750 = vector.broadcast %broadcast_in_dim3A_2749 : f32 to vector<16xf32>
    %swap3A_2751 = arith.constant 0 : i32
    %swap3A_2752 = arith.constant 30 : i32
    %swap3A_2753 = arith.index_cast %swap3A_2751 : i32 to index
    %swap3A_2754 = arith.index_cast %swap3A_2752 : i32 to index
    %swap3A_2755 = arith.constant 80 : index
    %swap3A_2756 = tpu.vector_load %arg8[%swap3A_2753, %swap3A_2754, %swap3A_2755] {strides = array<i32>} : memref<2x128x144xf32, #tpu.memory_space<vmem>>, vector<1x1x16xf32>,
    %swap3A_2757 = vector.shape_cast %swap3A_2756 : vector<1x1x16xf32> to vector<16xf32>
    %swap3A_2758 = vector.shape_cast %broadcast_in_dim3A_2750 : vector<16xf32> to vector<1x1x16xf32>
    tpu.vector_store %arg8[%swap3A_2753, %swap3A_2754, %swap3A_2755], %swap3A_2758 {strides = array<i32>} : memref<2x128x144xf32, #tpu.memory_space<vmem>>, vector<1x1x16xf32>,
    %broadcast_in_dim3A_2759 = arith.constant 0.000000e+00 : f32
    %broadcast_in_dim3A_2760 = vector.broadcast %broadcast_in_dim3A_2759 : f32 to vector<16xf32>
    %swap3A_2761 = arith.constant 0 : i32
    %swap3A_2762 = arith.constant 30 : i32
    %swap3A_2763 = arith.index_cast %swap3A_2761 : i32 to index
    %swap3A_2764 = arith.index_cast %swap3A_2762 : i32 to index
    %swap3A_2765 = arith.constant 96 : index
    %swap3A_2766 = tpu.vector_load %arg8[%swap3A_2763, %swap3A_2764, %swap3A_2765] {strides = array<i32>} : memref<2x128x144xf32, #tpu.memory_space<vmem>>, vector<1x1x16xf32>,
    %swap3A_2767 = vector.shape_cast %swap3A_2766 : vector<1x1x16xf32> to vector<16xf32>
    %swap3A_2768 = vector.shape_cast %broadcast_in_dim3A_2760 : vector<16xf32> to vector<1x1x16xf32>
    tpu.vector_store %arg8[%swap3A_2763, %swap3A_2764, %swap3A_2765], %swap3A_2768 {strides = array<i32>} : memref<2x128x144xf32, #tpu.memory_space<vmem>>, vector<1x1x16xf32>,
    %broadcast_in_dim3A_2769 = arith.constant 0.000000e+00 : f32
    %broadcast_in_dim3A_2770 = vector.broadcast %broadcast_in_dim3A_2769 : f32 to vector<16xf32>
    %swap3A_2771 = arith.constant 0 : i32
    %swap3A_2772 = arith.constant 30 : i32
    %swap3A_2773 = arith.index_cast %swap3A_2771 : i32 to index
    %swap3A_2774 = arith.index_cast %swap3A_2772 : i32 to index
    %swap3A_2775 = arith.constant 112 : index
    %swap3A_2776 = tpu.vector_load %arg8[%swap3A_2773, %swap3A_2774, %swap3A_2775] {strides = array<i32>} : memref<2x128x144xf32, #tpu.memory_space<vmem>>, vector<1x1x16xf32>,
    %swap3A_2777 = vector.shape_cast %swap3A_2776 : vector<1x1x16xf32> to vector<16xf32>
    %swap3A_2778 = vector.shape_cast %broadcast_in_dim3A_2770 : vector<16xf32> to vector<1x1x16xf32>
    tpu.vector_store %arg8[%swap3A_2773, %swap3A_2774, %swap3A_2775], %swap3A_2778 {strides = array<i32>} : memref<2x128x144xf32, #tpu.memory_space<vmem>>, vector<1x1x16xf32>,
    %broadcast_in_dim3A_2779 = arith.constant 0.000000e+00 : f32
    %broadcast_in_dim3A_2780 = vector.broadcast %broadcast_in_dim3A_2779 : f32 to vector<16xf32>
    %swap3A_2781 = arith.constant 0 : i32
    %swap3A_2782 = arith.constant 30 : i32
    %swap3A_2783 = arith.index_cast %swap3A_2781 : i32 to index
    %swap3A_2784 = arith.index_cast %swap3A_2782 : i32 to index
    %swap3A_2785 = arith.constant 128 : index
    %swap3A_2786 = tpu.vector_load %arg8[%swap3A_2783, %swap3A_2784, %swap3A_2785] {strides = array<i32>} : memref<2x128x144xf32, #tpu.memory_space<vmem>>, vector<1x1x16xf32>,
    %swap3A_2787 = vector.shape_cast %swap3A_2786 : vector<1x1x16xf32> to vector<16xf32>
    %swap3A_2788 = vector.shape_cast %broadcast_in_dim3A_2780 : vector<16xf32> to vector<1x1x16xf32>
    tpu.vector_store %arg8[%swap3A_2783, %swap3A_2784, %swap3A_2785], %swap3A_2788 {strides = array<i32>} : memref<2x128x144xf32, #tpu.memory_space<vmem>>, vector<1x1x16xf32>,
    %broadcast_in_dim3A_2789 = arith.constant 0.000000e+00 : f32
    %broadcast_in_dim3A_2790 = vector.broadcast %broadcast_in_dim3A_2789 : f32 to vector<16xf32>
    %swap3A_2791 = arith.constant 0 : i32
    %swap3A_2792 = arith.constant 31 : i32
    %swap3A_2793 = arith.index_cast %swap3A_2791 : i32 to index
    %swap3A_2794 = arith.index_cast %swap3A_2792 : i32 to index
    %swap3A_2795 = arith.constant 0 : index
    %swap3A_2796 = tpu.vector_load %arg8[%swap3A_2793, %swap3A_2794, %swap3A_2795] {strides = array<i32>} : memref<2x128x144xf32, #tpu.memory_space<vmem>>, vector<1x1x16xf32>,
    %swap3A_2797 = vector.shape_cast %swap3A_2796 : vector<1x1x16xf32> to vector<16xf32>
    %swap3A_2798 = vector.shape_cast %broadcast_in_dim3A_2790 : vector<16xf32> to vector<1x1x16xf32>
    tpu.vector_store %arg8[%swap3A_2793, %swap3A_2794, %swap3A_2795], %swap3A_2798 {strides = array<i32>} : memref<2x128x144xf32, #tpu.memory_space<vmem>>, vector<1x1x16xf32>,
    %broadcast_in_dim3A_2799 = arith.constant 0.000000e+00 : f32
    %broadcast_in_dim3A_2800 = vector.broadcast %broadcast_in_dim3A_2799 : f32 to vector<16xf32>
    %swap3A_2801 = arith.constant 0 : i32
    %swap3A_2802 = arith.constant 31 : i32
    %swap3A_2803 = arith.index_cast %swap3A_2801 : i32 to index
    %swap3A_2804 = arith.index_cast %swap3A_2802 : i32 to index
    %swap3A_2805 = arith.constant 16 : index
    %swap3A_2806 = tpu.vector_load %arg8[%swap3A_2803, %swap3A_2804, %swap3A_2805] {strides = array<i32>} : memref<2x128x144xf32, #tpu.memory_space<vmem>>, vector<1x1x16xf32>,
    %swap3A_2807 = vector.shape_cast %swap3A_2806 : vector<1x1x16xf32> to vector<16xf32>
    %swap3A_2808 = vector.shape_cast %broadcast_in_dim3A_2800 : vector<16xf32> to vector<1x1x16xf32>
    tpu.vector_store %arg8[%swap3A_2803, %swap3A_2804, %swap3A_2805], %swap3A_2808 {strides = array<i32>} : memref<2x128x144xf32, #tpu.memory_space<vmem>>, vector<1x1x16xf32>,
    %broadcast_in_dim3A_2809 = arith.constant 0.000000e+00 : f32
    %broadcast_in_dim3A_2810 = vector.broadcast %broadcast_in_dim3A_2809 : f32 to vector<16xf32>
    %swap3A_2811 = arith.constant 0 : i32
    %swap3A_2812 = arith.constant 31 : i32
    %swap3A_2813 = arith.index_cast %swap3A_2811 : i32 to index
    %swap3A_2814 = arith.index_cast %swap3A_2812 : i32 to index
    %swap3A_2815 = arith.constant 32 : index
    %swap3A_2816 = tpu.vector_load %arg8[%swap3A_2813, %swap3A_2814, %swap3A_2815] {strides = array<i32>} : memref<2x128x144xf32, #tpu.memory_space<vmem>>, vector<1x1x16xf32>,
    %swap3A_2817 = vector.shape_cast %swap3A_2816 : vector<1x1x16xf32> to vector<16xf32>
    %swap3A_2818 = vector.shape_cast %broadcast_in_dim3A_2810 : vector<16xf32> to vector<1x1x16xf32>
    tpu.vector_store %arg8[%swap3A_2813, %swap3A_2814, %swap3A_2815], %swap3A_2818 {strides = array<i32>} : memref<2x128x144xf32, #tpu.memory_space<vmem>>, vector<1x1x16xf32>,
    %broadcast_in_dim3A_2819 = arith.constant 0.000000e+00 : f32
    %broadcast_in_dim3A_2820 = vector.broadcast %broadcast_in_dim3A_2819 : f32 to vector<16xf32>
    %swap3A_2821 = arith.constant 0 : i32
    %swap3A_2822 = arith.constant 31 : i32
    %swap3A_2823 = arith.index_cast %swap3A_2821 : i32 to index
    %swap3A_2824 = arith.index_cast %swap3A_2822 : i32 to index
    %swap3A_2825 = arith.constant 48 : index
    %swap3A_2826 = tpu.vector_load %arg8[%swap3A_2823, %swap3A_2824, %swap3A_2825] {strides = array<i32>} : memref<2x128x144xf32, #tpu.memory_space<vmem>>, vector<1x1x16xf32>,
    %swap3A_2827 = vector.shape_cast %swap3A_2826 : vector<1x1x16xf32> to vector<16xf32>
    %swap3A_2828 = vector.shape_cast %broadcast_in_dim3A_2820 : vector<16xf32> to vector<1x1x16xf32>
    tpu.vector_store %arg8[%swap3A_2823, %swap3A_2824, %swap3A_2825], %swap3A_2828 {strides = array<i32>} : memref<2x128x144xf32, #tpu.memory_space<vmem>>, vector<1x1x16xf32>,
    %broadcast_in_dim3A_2829 = arith.constant 0.000000e+00 : f32
    %broadcast_in_dim3A_2830 = vector.broadcast %broadcast_in_dim3A_2829 : f32 to vector<16xf32>
    %swap3A_2831 = arith.constant 0 : i32
    %swap3A_2832 = arith.constant 31 : i32
    %swap3A_2833 = arith.index_cast %swap3A_2831 : i32 to index
    %swap3A_2834 = arith.index_cast %swap3A_2832 : i32 to index
    %swap3A_2835 = arith.constant 64 : index
    %swap3A_2836 = tpu.vector_load %arg8[%swap3A_2833, %swap3A_2834, %swap3A_2835] {strides = array<i32>} : memref<2x128x144xf32, #tpu.memory_space<vmem>>, vector<1x1x16xf32>,
    %swap3A_2837 = vector.shape_cast %swap3A_2836 : vector<1x1x16xf32> to vector<16xf32>
    %swap3A_2838 = vector.shape_cast %broadcast_in_dim3A_2830 : vector<16xf32> to vector<1x1x16xf32>
    tpu.vector_store %arg8[%swap3A_2833, %swap3A_2834, %swap3A_2835], %swap3A_2838 {strides = array<i32>} : memref<2x128x144xf32, #tpu.memory_space<vmem>>, vector<1x1x16xf32>,
    %broadcast_in_dim3A_2839 = arith.constant 0.000000e+00 : f32
    %broadcast_in_dim3A_2840 = vector.broadcast %broadcast_in_dim3A_2839 : f32 to vector<16xf32>
    %swap3A_2841 = arith.constant 0 : i32
    %swap3A_2842 = arith.constant 31 : i32
    %swap3A_2843 = arith.index_cast %swap3A_2841 : i32 to index
    %swap3A_2844 = arith.index_cast %swap3A_2842 : i32 to index
    %swap3A_2845 = arith.constant 80 : index
    %swap3A_2846 = tpu.vector_load %arg8[%swap3A_2843, %swap3A_2844, %swap3A_2845] {strides = array<i32>} : memref<2x128x144xf32, #tpu.memory_space<vmem>>, vector<1x1x16xf32>,
    %swap3A_2847 = vector.shape_cast %swap3A_2846 : vector<1x1x16xf32> to vector<16xf32>
    %swap3A_2848 = vector.shape_cast %broadcast_in_dim3A_2840 : vector<16xf32> to vector<1x1x16xf32>
    tpu.vector_store %arg8[%swap3A_2843, %swap3A_2844, %swap3A_2845], %swap3A_2848 {strides = array<i32>} : memref<2x128x144xf32, #tpu.memory_space<vmem>>, vector<1x1x16xf32>,
    %broadcast_in_dim3A_2849 = arith.constant 0.000000e+00 : f32
    %broadcast_in_dim3A_2850 = vector.broadcast %broadcast_in_dim3A_2849 : f32 to vector<16xf32>
    %swap3A_2851 = arith.constant 0 : i32
    %swap3A_2852 = arith.constant 31 : i32
    %swap3A_2853 = arith.index_cast %swap3A_2851 : i32 to index
    %swap3A_2854 = arith.index_cast %swap3A_2852 : i32 to index
    %swap3A_2855 = arith.constant 96 : index
    %swap3A_2856 = tpu.vector_load %arg8[%swap3A_2853, %swap3A_2854, %swap3A_2855] {strides = array<i32>} : memref<2x128x144xf32, #tpu.memory_space<vmem>>, vector<1x1x16xf32>,
    %swap3A_2857 = vector.shape_cast %swap3A_2856 : vector<1x1x16xf32> to vector<16xf32>
    %swap3A_2858 = vector.shape_cast %broadcast_in_dim3A_2850 : vector<16xf32> to vector<1x1x16xf32>
    tpu.vector_store %arg8[%swap3A_2853, %swap3A_2854, %swap3A_2855], %swap3A_2858 {strides = array<i32>} : memref<2x128x144xf32, #tpu.memory_space<vmem>>, vector<1x1x16xf32>,
    %broadcast_in_dim3A_2859 = arith.constant 0.000000e+00 : f32
    %broadcast_in_dim3A_2860 = vector.broadcast %broadcast_in_dim3A_2859 : f32 to vector<16xf32>
    %swap3A_2861 = arith.constant 0 : i32
    %swap3A_2862 = arith.constant 31 : i32
    %swap3A_2863 = arith.index_cast %swap3A_2861 : i32 to index
    %swap3A_2864 = arith.index_cast %swap3A_2862 : i32 to index
    %swap3A_2865 = arith.constant 112 : index
    %swap3A_2866 = tpu.vector_load %arg8[%swap3A_2863, %swap3A_2864, %swap3A_2865] {strides = array<i32>} : memref<2x128x144xf32, #tpu.memory_space<vmem>>, vector<1x1x16xf32>,
    %swap3A_2867 = vector.shape_cast %swap3A_2866 : vector<1x1x16xf32> to vector<16xf32>
    %swap3A_2868 = vector.shape_cast %broadcast_in_dim3A_2860 : vector<16xf32> to vector<1x1x16xf32>
    tpu.vector_store %arg8[%swap3A_2863, %swap3A_2864, %swap3A_2865], %swap3A_2868 {strides = array<i32>} : memref<2x128x144xf32, #tpu.memory_space<vmem>>, vector<1x1x16xf32>,
    %broadcast_in_dim3A_2869 = arith.constant 0.000000e+00 : f32
    %broadcast_in_dim3A_2870 = vector.broadcast %broadcast_in_dim3A_2869 : f32 to vector<16xf32>
    %swap3A_2871 = arith.constant 0 : i32
    %swap3A_2872 = arith.constant 31 : i32
    %swap3A_2873 = arith.index_cast %swap3A_2871 : i32 to index
    %swap3A_2874 = arith.index_cast %swap3A_2872 : i32 to index
    %swap3A_2875 = arith.constant 128 : index
    %swap3A_2876 = tpu.vector_load %arg8[%swap3A_2873, %swap3A_2874, %swap3A_2875] {strides = array<i32>} : memref<2x128x144xf32, #tpu.memory_space<vmem>>, vector<1x1x16xf32>,
    %swap3A_2877 = vector.shape_cast %swap3A_2876 : vector<1x1x16xf32> to vector<16xf32>
    %swap3A_2878 = vector.shape_cast %broadcast_in_dim3A_2870 : vector<16xf32> to vector<1x1x16xf32>
    tpu.vector_store %arg8[%swap3A_2873, %swap3A_2874, %swap3A_2875], %swap3A_2878 {strides = array<i32>} : memref<2x128x144xf32, #tpu.memory_space<vmem>>, vector<1x1x16xf32>,
    %mul3A_2879 = arith.constant 32 : i32
    %mul3A_2880 = arith.muli %arg1, %mul3A_2879 : i32
    %run_scoped3A = arith.constant 0 : i32
    "tpu.region"() ({
      %run_scoped3A_2963 = tpu.sem_alloc : memref<!tpu.dma_semaphore, #tpu.memory_space<semaphore_mem>>
      %dma_start3A_2964 = arith.constant 0 : i32
      %dma_start3A_2965 = arith.constant 0 : i32
      %dma_start3A_2966 = tpu.memref_slice %arg8[%run_scoped3A, %dma_start3A_2964, %dma_start3A_2965] : memref<2x128x144xf32, #tpu.memory_space<vmem>> -> memref<1x32x144xf32, #tpu.memory_space<vmem>>
      %dma_start3A_2967 = tpu.memref_squeeze %dma_start3A_2966 : memref<1x32x144xf32, #tpu.memory_space<vmem>> -> memref<32x144xf32, #tpu.memory_space<vmem>>
      %dma_start3A_2968 = arith.constant 0 : i32
      %dma_start3A_2969 = tpu.memref_slice %arg10[%mul3A_2880, %dma_start3A_2968] : memref<512x144xf32, #tpu.memory_space<vmem_shared>> -> memref<32x144xf32, #tpu.memory_space<vmem_shared>>
      %dma_start3A_2970 = arith.constant 0 : i32
      %dma_start3A_2971 = tpu.memref_slice %arg10[%mul3A_2880, %dma_start3A_2970] : memref<512x144xf32, #tpu.memory_space<vmem_shared>> -> memref<32x144xf32, #tpu.memory_space<vmem_shared>>
      %dma_start3A_2972 = arith.constant 0 : i32
      %dma_start3A_2973 = arith.constant 0 : i32
      %dma_start3A_2974 = tpu.memref_slice %arg8[%run_scoped3A, %dma_start3A_2972, %dma_start3A_2973] : memref<2x128x144xf32, #tpu.memory_space<vmem>> -> memref<1x32x144xf32, #tpu.memory_space<vmem>>
      %dma_start3A_2975 = tpu.memref_squeeze %dma_start3A_2974 : memref<1x32x144xf32, #tpu.memory_space<vmem>> -> memref<32x144xf32, #tpu.memory_space<vmem>>
      tpu.enqueue_dma source(%dma_start3A_2975 : memref<32x144xf32, #tpu.memory_space<vmem>>) target(%dma_start3A_2971 : memref<32x144xf32, #tpu.memory_space<vmem_shared>>) target_semaphore(%run_scoped3A_2963 : memref<!tpu.dma_semaphore, #tpu.memory_space<semaphore_mem>>)
      %dma_wait3A_2976 = arith.constant 0 : i32
      %dma_wait3A_2977 = arith.constant 0 : i32
      %dma_wait3A_2978 = tpu.memref_slice %arg8[%run_scoped3A, %dma_wait3A_2976, %dma_wait3A_2977] : memref<2x128x144xf32, #tpu.memory_space<vmem>> -> memref<1x32x144xf32, #tpu.memory_space<vmem>>
      %dma_wait3A_2979 = tpu.memref_squeeze %dma_wait3A_2978 : memref<1x32x144xf32, #tpu.memory_space<vmem>> -> memref<32x144xf32, #tpu.memory_space<vmem>>
      %dma_wait3A_2980 = arith.constant 0 : i32
      %dma_wait3A_2981 = tpu.memref_slice %arg10[%mul3A_2880, %dma_wait3A_2980] : memref<512x144xf32, #tpu.memory_space<vmem_shared>> -> memref<32x144xf32, #tpu.memory_space<vmem_shared>>
      %dma_wait3A_2982 = arith.constant 0 : i32
      %dma_wait3A_2983 = tpu.memref_slice %arg10[%mul3A_2880, %dma_wait3A_2982] : memref<512x144xf32, #tpu.memory_space<vmem_shared>> -> memref<32x144xf32, #tpu.memory_space<vmem_shared>>
      %dma_wait3A_2984 = arith.constant 0 : i32
      %dma_wait3A_2985 = arith.constant 0 : i32
      %dma_wait3A_2986 = tpu.memref_slice %arg8[%run_scoped3A, %dma_wait3A_2984, %dma_wait3A_2985] : memref<2x128x144xf32, #tpu.memory_space<vmem>> -> memref<1x32x144xf32, #tpu.memory_space<vmem>>
      %dma_wait3A_2987 = tpu.memref_squeeze %dma_wait3A_2986 : memref<1x32x144xf32, #tpu.memory_space<vmem>> -> memref<32x144xf32, #tpu.memory_space<vmem>>
      tpu.wait_dma2 semaphore(%run_scoped3A_2963 : memref<!tpu.dma_semaphore, #tpu.memory_space<semaphore_mem>>) src(%dma_wait3A_2987 : memref<32x144xf32, #tpu.memory_space<vmem>>) dst(%dma_wait3A_2983 : memref<32x144xf32, #tpu.memory_space<vmem_shared>>)
      tpu.yield
    }) : () -> ()
    %barrier3A = arith.constant 0 : index
    tpu.barrier barrier_id(%barrier3A)
    "tpu.region"() ({
      %run_scoped3A_2963 = tpu.sem_alloc : memref<!tpu.dma_semaphore, #tpu.memory_space<semaphore_mem>>
      tpu.enqueue_dma source(%arg4 : memref<144xf32, #tpu.memory_space<hbm>>) target(%arg9 : memref<144xf32, #tpu.memory_space<vmem>>) target_semaphore(%run_scoped3A_2963 : memref<!tpu.dma_semaphore, #tpu.memory_space<semaphore_mem>>)
      tpu.wait_dma2 semaphore(%run_scoped3A_2963 : memref<!tpu.dma_semaphore, #tpu.memory_space<semaphore_mem>>) src(%arg4 : memref<144xf32, #tpu.memory_space<hbm>>) dst(%arg9 : memref<144xf32, #tpu.memory_space<vmem>>)
      tpu.yield
    }) : () -> ()
    %get3A = arith.constant 0 : index
    %get3A_2881 = tpu.vector_load %arg9[%get3A] {strides = array<i32>} : memref<144xf32, #tpu.memory_space<vmem>>, vector<16xf32>,
    %get3A_2882 = vector.shape_cast %get3A_2881 : vector<16xf32> to vector<16xf32>
    %get3A_2883 = arith.constant 16 : index
    %get3A_2884 = tpu.vector_load %arg9[%get3A_2883] {strides = array<i32>} : memref<144xf32, #tpu.memory_space<vmem>>, vector<16xf32>,
    %get3A_2885 = vector.shape_cast %get3A_2884 : vector<16xf32> to vector<16xf32>
    %get3A_2886 = arith.constant 32 : index
    %get3A_2887 = tpu.vector_load %arg9[%get3A_2886] {strides = array<i32>} : memref<144xf32, #tpu.memory_space<vmem>>, vector<16xf32>,
    %get3A_2888 = vector.shape_cast %get3A_2887 : vector<16xf32> to vector<16xf32>
    %get3A_2889 = arith.constant 48 : index
    %get3A_2890 = tpu.vector_load %arg9[%get3A_2889] {strides = array<i32>} : memref<144xf32, #tpu.memory_space<vmem>>, vector<16xf32>,
    %get3A_2891 = vector.shape_cast %get3A_2890 : vector<16xf32> to vector<16xf32>
    %get3A_2892 = arith.constant 64 : index
    %get3A_2893 = tpu.vector_load %arg9[%get3A_2892] {strides = array<i32>} : memref<144xf32, #tpu.memory_space<vmem>>, vector<16xf32>,
    %get3A_2894 = vector.shape_cast %get3A_2893 : vector<16xf32> to vector<16xf32>
    %get3A_2895 = arith.constant 80 : index
    %get3A_2896 = tpu.vector_load %arg9[%get3A_2895] {strides = array<i32>} : memref<144xf32, #tpu.memory_space<vmem>>, vector<16xf32>,
    %get3A_2897 = vector.shape_cast %get3A_2896 : vector<16xf32> to vector<16xf32>
    %get3A_2898 = arith.constant 96 : index
    %get3A_2899 = tpu.vector_load %arg9[%get3A_2898] {strides = array<i32>} : memref<144xf32, #tpu.memory_space<vmem>>, vector<16xf32>,
    %get3A_2900 = vector.shape_cast %get3A_2899 : vector<16xf32> to vector<16xf32>
    %get3A_2901 = arith.constant 112 : index
    %get3A_2902 = tpu.vector_load %arg9[%get3A_2901] {strides = array<i32>} : memref<144xf32, #tpu.memory_space<vmem>>, vector<16xf32>,
    %get3A_2903 = vector.shape_cast %get3A_2902 : vector<16xf32> to vector<16xf32>
    %get3A_2904 = arith.constant 128 : index
    %get3A_2905 = tpu.vector_load %arg9[%get3A_2904] {strides = array<i32>} : memref<144xf32, #tpu.memory_space<vmem>>, vector<16xf32>,
    %get3A_2906 = vector.shape_cast %get3A_2905 : vector<16xf32> to vector<16xf32>
    %iota3A = tpu.iota {dimensions = array<i32: 0>} : vector<16xi32>
    %eq3A = arith.constant 0 : i32
    %eq3A_2907 = vector.broadcast %eq3A : i32 to vector<16xi32>
    %eq3A_2908 = arith.cmpi eq, %iota3A, %eq3A_2907 : vector<16xi32>
    %add3A_2909 = arith.constant 0 : i32
    %add3A_2910 = arith.addi %add3A, %add3A_2909 : i32
    %mul3A_2911 = arith.constant 128 : i32
    %mul3A_2912 = arith.muli %add3A_2910, %mul3A_2911 : i32
    %dma_start3A = arith.constant 0 : i32
    %dma_start3A_2913 = arith.constant 0 : i32
    %dma_start3A_2914 = arith.constant 0 : i32
    %dma_start3A_2915 = arith.constant 0 : i32
    %dma_start3A_2916 = tpu.memref_slice %arg6[%dma_start3A, %dma_start3A_2914, %dma_start3A_2915] : memref<2x128x128xf32, #tpu.memory_space<vmem>> -> memref<1x128x128xf32, #tpu.memory_space<vmem>>
    %dma_start3A_2917 = tpu.memref_squeeze %dma_start3A_2916 : memref<1x128x128xf32, #tpu.memory_space<vmem>> -> memref<128x128xf32, #tpu.memory_space<vmem>>
    %dma_start3A_2918 = arith.constant 0 : i32
    %dma_start3A_2919 = tpu.memref_slice %arg2[%mul3A_2912, %dma_start3A_2918] : memref<100000x128xf32, #tpu.memory_space<hbm>> -> memref<128x128xf32, #tpu.memory_space<hbm>>
    %dma_start3A_2920 = tpu.memref_slice %arg11[%dma_start3A_2913] : memref<2x!tpu.dma_semaphore, #tpu.memory_space<semaphore_mem>> -> memref<1x!tpu.dma_semaphore, #tpu.memory_space<semaphore_mem>>
    %dma_start3A_2921 = tpu.memref_squeeze %dma_start3A_2920 : memref<1x!tpu.dma_semaphore, #tpu.memory_space<semaphore_mem>> -> memref<!tpu.dma_semaphore, #tpu.memory_space<semaphore_mem>>
    %dma_start3A_2922 = arith.constant 0 : i32
    %dma_start3A_2923 = arith.constant 0 : i32
    %dma_start3A_2924 = tpu.memref_slice %arg6[%dma_start3A, %dma_start3A_2922, %dma_start3A_2923] : memref<2x128x128xf32, #tpu.memory_space<vmem>> -> memref<1x128x128xf32, #tpu.memory_space<vmem>>
    %dma_start3A_2925 = tpu.memref_squeeze %dma_start3A_2924 : memref<1x128x128xf32, #tpu.memory_space<vmem>> -> memref<128x128xf32, #tpu.memory_space<vmem>>
    %dma_start3A_2926 = arith.constant 0 : i32
    %dma_start3A_2927 = tpu.memref_slice %arg2[%mul3A_2912, %dma_start3A_2926] : memref<100000x128xf32, #tpu.memory_space<hbm>> -> memref<128x128xf32, #tpu.memory_space<hbm>>
    tpu.enqueue_dma source(%dma_start3A_2927 : memref<128x128xf32, #tpu.memory_space<hbm>>) target(%dma_start3A_2925 : memref<128x128xf32, #tpu.memory_space<vmem>>) target_semaphore(%dma_start3A_2921 : memref<!tpu.dma_semaphore, #tpu.memory_space<semaphore_mem>>)
    %dma_start3A_2928 = arith.constant 0 : i32
    %dma_start3A_2929 = arith.constant 0 : i32
    %dma_start3A_2930 = arith.constant 0 : i32
    %dma_start3A_2931 = tpu.memref_slice %arg7[%dma_start3A_2928, %dma_start3A_2930] : memref<2x128xi32, #tpu.memory_space<vmem>> -> memref<1x128xi32, #tpu.memory_space<vmem>>
    %dma_start3A_2932 = tpu.memref_squeeze %dma_start3A_2931 : memref<1x128xi32, #tpu.memory_space<vmem>> -> memref<128xi32, #tpu.memory_space<vmem>>
    %dma_start3A_2933 = tpu.memref_slice %arg3[%mul3A_2912] : memref<100000xi32, #tpu.memory_space<hbm>> -> memref<128xi32, #tpu.memory_space<hbm>>
    %dma_start3A_2934 = tpu.memref_slice %arg12[%dma_start3A_2929] : memref<2x!tpu.dma_semaphore, #tpu.memory_space<semaphore_mem>> -> memref<1x!tpu.dma_semaphore, #tpu.memory_space<semaphore_mem>>
    %dma_start3A_2935 = tpu.memref_squeeze %dma_start3A_2934 : memref<1x!tpu.dma_semaphore, #tpu.memory_space<semaphore_mem>> -> memref<!tpu.dma_semaphore, #tpu.memory_space<semaphore_mem>>
    %dma_start3A_2936 = arith.constant 0 : i32
    %dma_start3A_2937 = tpu.memref_slice %arg7[%dma_start3A_2928, %dma_start3A_2936] : memref<2x128xi32, #tpu.memory_space<vmem>> -> memref<1x128xi32, #tpu.memory_space<vmem>>
    %dma_start3A_2938 = tpu.memref_squeeze %dma_start3A_2937 : memref<1x128xi32, #tpu.memory_space<vmem>> -> memref<128xi32, #tpu.memory_space<vmem>>
    %dma_start3A_2939 = tpu.memref_slice %arg3[%mul3A_2912] : memref<100000xi32, #tpu.memory_space<hbm>> -> memref<128xi32, #tpu.memory_space<hbm>>
    tpu.enqueue_dma source(%dma_start3A_2939 : memref<128xi32, #tpu.memory_space<hbm>>) target(%dma_start3A_2938 : memref<128xi32, #tpu.memory_space<vmem>>) target_semaphore(%dma_start3A_2935 : memref<!tpu.dma_semaphore, #tpu.memory_space<semaphore_mem>>)
    %scan3A = arith.constant 0 : i32
    %scan3A_2940 = arith.constant 0 : i32
    %scan3A_2941 = arith.constant 13 : i32
    %scan3A_2942 = arith.addi %scan3A_2940, %scan3A_2941 : i32
    %scan3A_2943 = arith.constant 1 : i32
    scf.for %scan3A_2963 = %scan3A_2940 to %scan3A_2942 step %scan3A_2943  : i32 {
      %rem3A_2964 = arith.constant 2 : i32
      %rem3A_2965 = arith.remsi %scan3A_2963, %rem3A_2964 : i32
      %sub3A = arith.constant 1 : i32
      %sub3A_2966 = arith.subi %sub3A, %rem3A_2965 : i32
      %ge3A = arith.constant 1 : i32
      %ge3A_2967 = arith.cmpi sge, %scan3A_2963, %ge3A : i32
      %convert_element_type3A = arith.extui %ge3A_2967 : i1 to i32
      %cond3A = arith.constant 0 : i32
      %cond3A_2968 = arith.cmpi ne, %convert_element_type3A, %cond3A : i32
      scf.if %cond3A_2968 {
        %dma_wait3A_3021 = arith.constant 0 : i32
        %dma_wait3A_3022 = arith.constant 0 : i32
        %dma_wait3A_3023 = tpu.memref_slice %arg8[%sub3A_2966, %dma_wait3A_3021, %dma_wait3A_3022] : memref<2x128x144xf32, #tpu.memory_space<vmem>> -> memref<1x128x144xf32, #tpu.memory_space<vmem>>
        %dma_wait3A_3024 = tpu.memref_squeeze %dma_wait3A_3023 : memref<1x128x144xf32, #tpu.memory_space<vmem>> -> memref<128x144xf32, #tpu.memory_space<vmem>>
        %dma_wait3A_3025 = arith.constant 0 : i32
        %dma_wait3A_3026 = tpu.memref_slice %arg7[%sub3A_2966, %dma_wait3A_3025] : memref<2x128xi32, #tpu.memory_space<vmem>> -> memref<1x128xi32, #tpu.memory_space<vmem>>
        %dma_wait3A_3027 = tpu.memref_squeeze %dma_wait3A_3026 : memref<1x128xi32, #tpu.memory_space<vmem>> -> memref<128xi32, #tpu.memory_space<vmem>>
        %dma_wait3A_3028 = arith.constant 0 : i32
        %dma_wait3A_3029 = arith.constant 0 : i32
        %dma_wait3A_3030 = tpu.memref_slice %arg10[%dma_wait3A_3028, %dma_wait3A_3029] : memref<512x144xf32, #tpu.memory_space<vmem_shared>> -> memref<512x144xf32, #tpu.memory_space<vmem_shared>>
        %dma_wait3A_3031 = tpu.memref_slice %arg13[%sub3A_2966] : memref<2x!tpu.dma_semaphore, #tpu.memory_space<semaphore_mem>> -> memref<1x!tpu.dma_semaphore, #tpu.memory_space<semaphore_mem>>
        %dma_wait3A_3032 = tpu.memref_squeeze %dma_wait3A_3031 : memref<1x!tpu.dma_semaphore, #tpu.memory_space<semaphore_mem>> -> memref<!tpu.dma_semaphore, #tpu.memory_space<semaphore_mem>>
        tpu.wait_indirect_dma semaphore(%dma_wait3A_3032 : memref<!tpu.dma_semaphore, #tpu.memory_space<semaphore_mem>>) src(%dma_wait3A_3024 : memref<128x144xf32, #tpu.memory_space<vmem>>) dst(%dma_wait3A_3030 : memref<512x144xf32, #tpu.memory_space<vmem_shared>>)
      } else {
      }
      %add3A_2969 = arith.constant 1 : i32
      %add3A_2970 = arith.addi %scan3A_2963, %add3A_2969 : i32
      %lt3A = arith.constant 13 : i32
      %lt3A_2971 = arith.cmpi slt, %add3A_2970, %lt3A : i32
      %convert_element_type3A_2972 = arith.extui %lt3A_2971 : i1 to i32
      %cond3A_2973 = arith.constant 0 : i32
      %cond3A_2974 = arith.cmpi ne, %convert_element_type3A_2972, %cond3A_2973 : i32
      scf.if %cond3A_2974 {
        %add3A_3021 = arith.constant 1 : i32
        %add3A_3022 = arith.addi %scan3A_2963, %add3A_3021 : i32
        %mul3A_3023 = arith.constant 32 : i32
        %mul3A_3024 = arith.muli %mul3A_3023, %add3A_3022 : i32
        %add3A_3025 = arith.addi %add3A, %mul3A_3024 : i32
        %mul3A_3026 = arith.constant 128 : i32
        %mul3A_3027 = arith.muli %add3A_3025, %mul3A_3026 : i32
        %dma_start3A_3028 = arith.constant 0 : i32
        %dma_start3A_3029 = arith.constant 0 : i32
        %dma_start3A_3030 = tpu.memref_slice %arg6[%sub3A_2966, %dma_start3A_3028, %dma_start3A_3029] : memref<2x128x128xf32, #tpu.memory_space<vmem>> -> memref<1x128x128xf32, #tpu.memory_space<vmem>>
        %dma_start3A_3031 = tpu.memref_squeeze %dma_start3A_3030 : memref<1x128x128xf32, #tpu.memory_space<vmem>> -> memref<128x128xf32, #tpu.memory_space<vmem>>
        %dma_start3A_3032 = arith.constant 0 : i32
        %dma_start3A_3033 = tpu.memref_slice %arg2[%mul3A_3027, %dma_start3A_3032] : memref<100000x128xf32, #tpu.memory_space<hbm>> -> memref<128x128xf32, #tpu.memory_space<hbm>>
        %dma_start3A_3034 = tpu.memref_slice %arg11[%sub3A_2966] : memref<2x!tpu.dma_semaphore, #tpu.memory_space<semaphore_mem>> -> memref<1x!tpu.dma_semaphore, #tpu.memory_space<semaphore_mem>>
        %dma_start3A_3035 = tpu.memref_squeeze %dma_start3A_3034 : memref<1x!tpu.dma_semaphore, #tpu.memory_space<semaphore_mem>> -> memref<!tpu.dma_semaphore, #tpu.memory_space<semaphore_mem>>
        %dma_start3A_3036 = arith.constant 0 : i32
        %dma_start3A_3037 = arith.constant 0 : i32
        %dma_start3A_3038 = tpu.memref_slice %arg6[%sub3A_2966, %dma_start3A_3036, %dma_start3A_3037] : memref<2x128x128xf32, #tpu.memory_space<vmem>> -> memref<1x128x128xf32, #tpu.memory_space<vmem>>
        %dma_start3A_3039 = tpu.memref_squeeze %dma_start3A_3038 : memref<1x128x128xf32, #tpu.memory_space<vmem>> -> memref<128x128xf32, #tpu.memory_space<vmem>>
        %dma_start3A_3040 = arith.constant 0 : i32
        %dma_start3A_3041 = tpu.memref_slice %arg2[%mul3A_3027, %dma_start3A_3040] : memref<100000x128xf32, #tpu.memory_space<hbm>> -> memref<128x128xf32, #tpu.memory_space<hbm>>
        tpu.enqueue_dma source(%dma_start3A_3041 : memref<128x128xf32, #tpu.memory_space<hbm>>) target(%dma_start3A_3039 : memref<128x128xf32, #tpu.memory_space<vmem>>) target_semaphore(%dma_start3A_3035 : memref<!tpu.dma_semaphore, #tpu.memory_space<semaphore_mem>>)
        %dma_start3A_3042 = arith.constant 0 : i32
        %dma_start3A_3043 = tpu.memref_slice %arg7[%sub3A_2966, %dma_start3A_3042] : memref<2x128xi32, #tpu.memory_space<vmem>> -> memref<1x128xi32, #tpu.memory_space<vmem>>
        %dma_start3A_3044 = tpu.memref_squeeze %dma_start3A_3043 : memref<1x128xi32, #tpu.memory_space<vmem>> -> memref<128xi32, #tpu.memory_space<vmem>>
        %dma_start3A_3045 = tpu.memref_slice %arg3[%mul3A_3027] : memref<100000xi32, #tpu.memory_space<hbm>> -> memref<128xi32, #tpu.memory_space<hbm>>
        %dma_start3A_3046 = tpu.memref_slice %arg12[%sub3A_2966] : memref<2x!tpu.dma_semaphore, #tpu.memory_space<semaphore_mem>> -> memref<1x!tpu.dma_semaphore, #tpu.memory_space<semaphore_mem>>
        %dma_start3A_3047 = tpu.memref_squeeze %dma_start3A_3046 : memref<1x!tpu.dma_semaphore, #tpu.memory_space<semaphore_mem>> -> memref<!tpu.dma_semaphore, #tpu.memory_space<semaphore_mem>>
        %dma_start3A_3048 = arith.constant 0 : i32
        %dma_start3A_3049 = tpu.memref_slice %arg7[%sub3A_2966, %dma_start3A_3048] : memref<2x128xi32, #tpu.memory_space<vmem>> -> memref<1x128xi32, #tpu.memory_space<vmem>>
        %dma_start3A_3050 = tpu.memref_squeeze %dma_start3A_3049 : memref<1x128xi32, #tpu.memory_space<vmem>> -> memref<128xi32, #tpu.memory_space<vmem>>
        %dma_start3A_3051 = tpu.memref_slice %arg3[%mul3A_3027] : memref<100000xi32, #tpu.memory_space<hbm>> -> memref<128xi32, #tpu.memory_space<hbm>>
        tpu.enqueue_dma source(%dma_start3A_3051 : memref<128xi32, #tpu.memory_space<hbm>>) target(%dma_start3A_3050 : memref<128xi32, #tpu.memory_space<vmem>>) target_semaphore(%dma_start3A_3047 : memref<!tpu.dma_semaphore, #tpu.memory_space<semaphore_mem>>)
      } else {
      }
      %dma_wait3A_2975 = arith.constant 0 : i32
      %dma_wait3A_2976 = arith.constant 0 : i32
      %dma_wait3A_2977 = tpu.memref_slice %arg6[%rem3A_2965, %dma_wait3A_2975, %dma_wait3A_2976] : memref<2x128x128xf32, #tpu.memory_space<vmem>> -> memref<1x128x128xf32, #tpu.memory_space<vmem>>
      %dma_wait3A_2978 = tpu.memref_squeeze %dma_wait3A_2977 : memref<1x128x128xf32, #tpu.memory_space<vmem>> -> memref<128x128xf32, #tpu.memory_space<vmem>>
      %dma_wait3A_2979 = arith.constant 0 : i32
      %dma_wait3A_2980 = arith.constant 0 : i32
      %dma_wait3A_2981 = tpu.memref_slice %arg2[%dma_wait3A_2979, %dma_wait3A_2980] : memref<100000x128xf32, #tpu.memory_space<hbm>> -> memref<128x128xf32, #tpu.memory_space<hbm>>
      %dma_wait3A_2982 = tpu.memref_slice %arg11[%rem3A_2965] : memref<2x!tpu.dma_semaphore, #tpu.memory_space<semaphore_mem>> -> memref<1x!tpu.dma_semaphore, #tpu.memory_space<semaphore_mem>>
      %dma_wait3A_2983 = tpu.memref_squeeze %dma_wait3A_2982 : memref<1x!tpu.dma_semaphore, #tpu.memory_space<semaphore_mem>> -> memref<!tpu.dma_semaphore, #tpu.memory_space<semaphore_mem>>
      %dma_wait3A_2984 = arith.constant 0 : i32
      %dma_wait3A_2985 = arith.constant 0 : i32
      %dma_wait3A_2986 = tpu.memref_slice %arg6[%rem3A_2965, %dma_wait3A_2984, %dma_wait3A_2985] : memref<2x128x128xf32, #tpu.memory_space<vmem>> -> memref<1x128x128xf32, #tpu.memory_space<vmem>>
      %dma_wait3A_2987 = tpu.memref_squeeze %dma_wait3A_2986 : memref<1x128x128xf32, #tpu.memory_space<vmem>> -> memref<128x128xf32, #tpu.memory_space<vmem>>
      %dma_wait3A_2988 = arith.constant 0 : i32
      %dma_wait3A_2989 = arith.constant 0 : i32
      %dma_wait3A_2990 = tpu.memref_slice %arg2[%dma_wait3A_2988, %dma_wait3A_2989] : memref<100000x128xf32, #tpu.memory_space<hbm>> -> memref<128x128xf32, #tpu.memory_space<hbm>>
      tpu.wait_dma2 semaphore(%dma_wait3A_2983 : memref<!tpu.dma_semaphore, #tpu.memory_space<semaphore_mem>>) src(%dma_wait3A_2990 : memref<128x128xf32, #tpu.memory_space<hbm>>) dst(%dma_wait3A_2987 : memref<128x128xf32, #tpu.memory_space<vmem>>)
      %dma_wait3A_2991 = arith.constant 0 : i32
      %dma_wait3A_2992 = tpu.memref_slice %arg7[%rem3A_2965, %dma_wait3A_2991] : memref<2x128xi32, #tpu.memory_space<vmem>> -> memref<1x128xi32, #tpu.memory_space<vmem>>
      %dma_wait3A_2993 = tpu.memref_squeeze %dma_wait3A_2992 : memref<1x128xi32, #tpu.memory_space<vmem>> -> memref<128xi32, #tpu.memory_space<vmem>>
      %dma_wait3A_2994 = arith.constant 0 : i32
      %dma_wait3A_2995 = tpu.memref_slice %arg3[%dma_wait3A_2994] : memref<100000xi32, #tpu.memory_space<hbm>> -> memref<128xi32, #tpu.memory_space<hbm>>
      %dma_wait3A_2996 = tpu.memref_slice %arg12[%rem3A_2965] : memref<2x!tpu.dma_semaphore, #tpu.memory_space<semaphore_mem>> -> memref<1x!tpu.dma_semaphore, #tpu.memory_space<semaphore_mem>>
      %dma_wait3A_2997 = tpu.memref_squeeze %dma_wait3A_2996 : memref<1x!tpu.dma_semaphore, #tpu.memory_space<semaphore_mem>> -> memref<!tpu.dma_semaphore, #tpu.memory_space<semaphore_mem>>
      %dma_wait3A_2998 = arith.constant 0 : i32
      %dma_wait3A_2999 = tpu.memref_slice %arg7[%rem3A_2965, %dma_wait3A_2998] : memref<2x128xi32, #tpu.memory_space<vmem>> -> memref<1x128xi32, #tpu.memory_space<vmem>>
      %dma_wait3A_3000 = tpu.memref_squeeze %dma_wait3A_2999 : memref<1x128xi32, #tpu.memory_space<vmem>> -> memref<128xi32, #tpu.memory_space<vmem>>
      %dma_wait3A_3001 = arith.constant 0 : i32
      %dma_wait3A_3002 = tpu.memref_slice %arg3[%dma_wait3A_3001] : memref<100000xi32, #tpu.memory_space<hbm>> -> memref<128xi32, #tpu.memory_space<hbm>>
      tpu.wait_dma2 semaphore(%dma_wait3A_2997 : memref<!tpu.dma_semaphore, #tpu.memory_space<semaphore_mem>>) src(%dma_wait3A_3002 : memref<128xi32, #tpu.memory_space<hbm>>) dst(%dma_wait3A_3000 : memref<128xi32, #tpu.memory_space<vmem>>)
      %scan3A_3003 = arith.constant 0 : i32
      %scan3A_3004 = arith.constant 0 : i32
      %scan3A_3005 = arith.constant 16 : i32
      %scan3A_3006 = arith.addi %scan3A_3004, %scan3A_3005 : i32
      %scan3A_3007 = arith.constant 1 : i32
      scf.for %scan3A_3021 = %scan3A_3004 to %scan3A_3006 step %scan3A_3007  : i32 {
        %mul3A_3022 = arith.constant 8 : i32
        %mul3A_3023 = arith.muli %scan3A_3021, %mul3A_3022 : i32
        %add3A_3024 = arith.constant 0 : i32
        %add3A_3025 = arith.addi %mul3A_3023, %add3A_3024 : i32
        %get3A_3026 = arith.index_cast %rem3A_2965 : i32 to index
        %get3A_3027 = arith.index_cast %add3A_3025 : i32 to index
        %get3A_3028 = arith.constant 0 : index
        %get3A_3029 = tpu.vector_load %arg6[%get3A_3026, %get3A_3027, %get3A_3028] {strides = array<i32>} : memref<2x128x128xf32, #tpu.memory_space<vmem>>, vector<1x1x16xf32>,
        %get3A_3030 = vector.shape_cast %get3A_3029 : vector<1x1x16xf32> to vector<16xf32>
        %get3A_3031 = arith.index_cast %rem3A_2965 : i32 to index
        %get3A_3032 = arith.index_cast %add3A_3025 : i32 to index
        %get3A_3033 = arith.constant 16 : index
        %get3A_3034 = tpu.vector_load %arg6[%get3A_3031, %get3A_3032, %get3A_3033] {strides = array<i32>} : memref<2x128x128xf32, #tpu.memory_space<vmem>>, vector<1x1x16xf32>,
        %get3A_3035 = vector.shape_cast %get3A_3034 : vector<1x1x16xf32> to vector<16xf32>
        %get3A_3036 = arith.index_cast %rem3A_2965 : i32 to index
        %get3A_3037 = arith.index_cast %add3A_3025 : i32 to index
        %get3A_3038 = arith.constant 32 : index
        %get3A_3039 = tpu.vector_load %arg6[%get3A_3036, %get3A_3037, %get3A_3038] {strides = array<i32>} : memref<2x128x128xf32, #tpu.memory_space<vmem>>, vector<1x1x16xf32>,
        %get3A_3040 = vector.shape_cast %get3A_3039 : vector<1x1x16xf32> to vector<16xf32>
        %get3A_3041 = arith.index_cast %rem3A_2965 : i32 to index
        %get3A_3042 = arith.index_cast %add3A_3025 : i32 to index
        %get3A_3043 = arith.constant 48 : index
        %get3A_3044 = tpu.vector_load %arg6[%get3A_3041, %get3A_3042, %get3A_3043] {strides = array<i32>} : memref<2x128x128xf32, #tpu.memory_space<vmem>>, vector<1x1x16xf32>,
        %get3A_3045 = vector.shape_cast %get3A_3044 : vector<1x1x16xf32> to vector<16xf32>
        %get3A_3046 = arith.index_cast %rem3A_2965 : i32 to index
        %get3A_3047 = arith.index_cast %add3A_3025 : i32 to index
        %get3A_3048 = arith.constant 64 : index
        %get3A_3049 = tpu.vector_load %arg6[%get3A_3046, %get3A_3047, %get3A_3048] {strides = array<i32>} : memref<2x128x128xf32, #tpu.memory_space<vmem>>, vector<1x1x16xf32>,
        %get3A_3050 = vector.shape_cast %get3A_3049 : vector<1x1x16xf32> to vector<16xf32>
        %get3A_3051 = arith.index_cast %rem3A_2965 : i32 to index
        %get3A_3052 = arith.index_cast %add3A_3025 : i32 to index
        %get3A_3053 = arith.constant 80 : index
        %get3A_3054 = tpu.vector_load %arg6[%get3A_3051, %get3A_3052, %get3A_3053] {strides = array<i32>} : memref<2x128x128xf32, #tpu.memory_space<vmem>>, vector<1x1x16xf32>,
        %get3A_3055 = vector.shape_cast %get3A_3054 : vector<1x1x16xf32> to vector<16xf32>
        %get3A_3056 = arith.index_cast %rem3A_2965 : i32 to index
        %get3A_3057 = arith.index_cast %add3A_3025 : i32 to index
        %get3A_3058 = arith.constant 96 : index
        %get3A_3059 = tpu.vector_load %arg6[%get3A_3056, %get3A_3057, %get3A_3058] {strides = array<i32>} : memref<2x128x128xf32, #tpu.memory_space<vmem>>, vector<1x1x16xf32>,
        %get3A_3060 = vector.shape_cast %get3A_3059 : vector<1x1x16xf32> to vector<16xf32>
        %get3A_3061 = arith.index_cast %rem3A_2965 : i32 to index
        %get3A_3062 = arith.index_cast %add3A_3025 : i32 to index
        %get3A_3063 = arith.constant 112 : index
        %get3A_3064 = tpu.vector_load %arg6[%get3A_3061, %get3A_3062, %get3A_3063] {strides = array<i32>} : memref<2x128x128xf32, #tpu.memory_space<vmem>>, vector<1x1x16xf32>,
        %get3A_3065 = vector.shape_cast %get3A_3064 : vector<1x1x16xf32> to vector<16xf32>
        %mul3A_3066 = arith.mulf %get3A_3030, %get3A_2882 : vector<16xf32>
        %mul3A_3067 = arith.mulf %get3A_3035, %get3A_2885 : vector<16xf32>
        %mul3A_3068 = arith.mulf %get3A_3040, %get3A_2888 : vector<16xf32>
        %add3A_3069 = arith.addf %mul3A_3066, %mul3A_3068 : vector<16xf32>
        %mul3A_3070 = arith.mulf %get3A_3045, %get3A_2891 : vector<16xf32>
        %add3A_3071 = arith.addf %mul3A_3067, %mul3A_3070 : vector<16xf32>
        %mul3A_3072 = arith.mulf %get3A_3050, %get3A_2894 : vector<16xf32>
        %add3A_3073 = arith.addf %add3A_3069, %mul3A_3072 : vector<16xf32>
        %mul3A_3074 = arith.mulf %get3A_3055, %get3A_2897 : vector<16xf32>
        %add3A_3075 = arith.addf %add3A_3071, %mul3A_3074 : vector<16xf32>
        %mul3A_3076 = arith.mulf %get3A_3060, %get3A_2900 : vector<16xf32>
        %add3A_3077 = arith.addf %add3A_3073, %mul3A_3076 : vector<16xf32>
        %mul3A_3078 = arith.mulf %get3A_3065, %get3A_2903 : vector<16xf32>
        %add3A_3079 = arith.addf %add3A_3075, %mul3A_3078 : vector<16xf32>
        %add3A_3080 = arith.addf %add3A_3077, %add3A_3079 : vector<16xf32>
        %mul3A_3081 = arith.constant 8 : i32
        %mul3A_3082 = arith.muli %scan3A_3021, %mul3A_3081 : i32
        %add3A_3083 = arith.constant 1 : i32
        %add3A_3084 = arith.addi %mul3A_3082, %add3A_3083 : i32
        %get3A_3085 = arith.index_cast %rem3A_2965 : i32 to index
        %get3A_3086 = arith.index_cast %add3A_3084 : i32 to index
        %get3A_3087 = arith.constant 0 : index
        %get3A_3088 = tpu.vector_load %arg6[%get3A_3085, %get3A_3086, %get3A_3087] {strides = array<i32>} : memref<2x128x128xf32, #tpu.memory_space<vmem>>, vector<1x1x16xf32>,
        %get3A_3089 = vector.shape_cast %get3A_3088 : vector<1x1x16xf32> to vector<16xf32>
        %get3A_3090 = arith.index_cast %rem3A_2965 : i32 to index
        %get3A_3091 = arith.index_cast %add3A_3084 : i32 to index
        %get3A_3092 = arith.constant 16 : index
        %get3A_3093 = tpu.vector_load %arg6[%get3A_3090, %get3A_3091, %get3A_3092] {strides = array<i32>} : memref<2x128x128xf32, #tpu.memory_space<vmem>>, vector<1x1x16xf32>,
        %get3A_3094 = vector.shape_cast %get3A_3093 : vector<1x1x16xf32> to vector<16xf32>
        %get3A_3095 = arith.index_cast %rem3A_2965 : i32 to index
        %get3A_3096 = arith.index_cast %add3A_3084 : i32 to index
        %get3A_3097 = arith.constant 32 : index
        %get3A_3098 = tpu.vector_load %arg6[%get3A_3095, %get3A_3096, %get3A_3097] {strides = array<i32>} : memref<2x128x128xf32, #tpu.memory_space<vmem>>, vector<1x1x16xf32>,
        %get3A_3099 = vector.shape_cast %get3A_3098 : vector<1x1x16xf32> to vector<16xf32>
        %get3A_3100 = arith.index_cast %rem3A_2965 : i32 to index
        %get3A_3101 = arith.index_cast %add3A_3084 : i32 to index
        %get3A_3102 = arith.constant 48 : index
        %get3A_3103 = tpu.vector_load %arg6[%get3A_3100, %get3A_3101, %get3A_3102] {strides = array<i32>} : memref<2x128x128xf32, #tpu.memory_space<vmem>>, vector<1x1x16xf32>,
        %get3A_3104 = vector.shape_cast %get3A_3103 : vector<1x1x16xf32> to vector<16xf32>
        %get3A_3105 = arith.index_cast %rem3A_2965 : i32 to index
        %get3A_3106 = arith.index_cast %add3A_3084 : i32 to index
        %get3A_3107 = arith.constant 64 : index
        %get3A_3108 = tpu.vector_load %arg6[%get3A_3105, %get3A_3106, %get3A_3107] {strides = array<i32>} : memref<2x128x128xf32, #tpu.memory_space<vmem>>, vector<1x1x16xf32>,
        %get3A_3109 = vector.shape_cast %get3A_3108 : vector<1x1x16xf32> to vector<16xf32>
        %get3A_3110 = arith.index_cast %rem3A_2965 : i32 to index
        %get3A_3111 = arith.index_cast %add3A_3084 : i32 to index
        %get3A_3112 = arith.constant 80 : index
        %get3A_3113 = tpu.vector_load %arg6[%get3A_3110, %get3A_3111, %get3A_3112] {strides = array<i32>} : memref<2x128x128xf32, #tpu.memory_space<vmem>>, vector<1x1x16xf32>,
        %get3A_3114 = vector.shape_cast %get3A_3113 : vector<1x1x16xf32> to vector<16xf32>
        %get3A_3115 = arith.index_cast %rem3A_2965 : i32 to index
        %get3A_3116 = arith.index_cast %add3A_3084 : i32 to index
        %get3A_3117 = arith.constant 96 : index
        %get3A_3118 = tpu.vector_load %arg6[%get3A_3115, %get3A_3116, %get3A_3117] {strides = array<i32>} : memref<2x128x128xf32, #tpu.memory_space<vmem>>, vector<1x1x16xf32>,
        %get3A_3119 = vector.shape_cast %get3A_3118 : vector<1x1x16xf32> to vector<16xf32>
        %get3A_3120 = arith.index_cast %rem3A_2965 : i32 to index
        %get3A_3121 = arith.index_cast %add3A_3084 : i32 to index
        %get3A_3122 = arith.constant 112 : index
        %get3A_3123 = tpu.vector_load %arg6[%get3A_3120, %get3A_3121, %get3A_3122] {strides = array<i32>} : memref<2x128x128xf32, #tpu.memory_space<vmem>>, vector<1x1x16xf32>,
        %get3A_3124 = vector.shape_cast %get3A_3123 : vector<1x1x16xf32> to vector<16xf32>
        %mul3A_3125 = arith.mulf %get3A_3089, %get3A_2882 : vector<16xf32>
        %mul3A_3126 = arith.mulf %get3A_3094, %get3A_2885 : vector<16xf32>
        %mul3A_3127 = arith.mulf %get3A_3099, %get3A_2888 : vector<16xf32>
        %add3A_3128 = arith.addf %mul3A_3125, %mul3A_3127 : vector<16xf32>
        %mul3A_3129 = arith.mulf %get3A_3104, %get3A_2891 : vector<16xf32>
        %add3A_3130 = arith.addf %mul3A_3126, %mul3A_3129 : vector<16xf32>
        %mul3A_3131 = arith.mulf %get3A_3109, %get3A_2894 : vector<16xf32>
        %add3A_3132 = arith.addf %add3A_3128, %mul3A_3131 : vector<16xf32>
        %mul3A_3133 = arith.mulf %get3A_3114, %get3A_2897 : vector<16xf32>
        %add3A_3134 = arith.addf %add3A_3130, %mul3A_3133 : vector<16xf32>
        %mul3A_3135 = arith.mulf %get3A_3119, %get3A_2900 : vector<16xf32>
        %add3A_3136 = arith.addf %add3A_3132, %mul3A_3135 : vector<16xf32>
        %mul3A_3137 = arith.mulf %get3A_3124, %get3A_2903 : vector<16xf32>
        %add3A_3138 = arith.addf %add3A_3134, %mul3A_3137 : vector<16xf32>
        %add3A_3139 = arith.addf %add3A_3136, %add3A_3138 : vector<16xf32>
        %mul3A_3140 = arith.constant 8 : i32
        %mul3A_3141 = arith.muli %scan3A_3021, %mul3A_3140 : i32
        %add3A_3142 = arith.constant 2 : i32
        %add3A_3143 = arith.addi %mul3A_3141, %add3A_3142 : i32
        %get3A_3144 = arith.index_cast %rem3A_2965 : i32 to index
        %get3A_3145 = arith.index_cast %add3A_3143 : i32 to index
        %get3A_3146 = arith.constant 0 : index
        %get3A_3147 = tpu.vector_load %arg6[%get3A_3144, %get3A_3145, %get3A_3146] {strides = array<i32>} : memref<2x128x128xf32, #tpu.memory_space<vmem>>, vector<1x1x16xf32>,
        %get3A_3148 = vector.shape_cast %get3A_3147 : vector<1x1x16xf32> to vector<16xf32>
        %get3A_3149 = arith.index_cast %rem3A_2965 : i32 to index
        %get3A_3150 = arith.index_cast %add3A_3143 : i32 to index
        %get3A_3151 = arith.constant 16 : index
        %get3A_3152 = tpu.vector_load %arg6[%get3A_3149, %get3A_3150, %get3A_3151] {strides = array<i32>} : memref<2x128x128xf32, #tpu.memory_space<vmem>>, vector<1x1x16xf32>,
        %get3A_3153 = vector.shape_cast %get3A_3152 : vector<1x1x16xf32> to vector<16xf32>
        %get3A_3154 = arith.index_cast %rem3A_2965 : i32 to index
        %get3A_3155 = arith.index_cast %add3A_3143 : i32 to index
        %get3A_3156 = arith.constant 32 : index
        %get3A_3157 = tpu.vector_load %arg6[%get3A_3154, %get3A_3155, %get3A_3156] {strides = array<i32>} : memref<2x128x128xf32, #tpu.memory_space<vmem>>, vector<1x1x16xf32>,
        %get3A_3158 = vector.shape_cast %get3A_3157 : vector<1x1x16xf32> to vector<16xf32>
        %get3A_3159 = arith.index_cast %rem3A_2965 : i32 to index
        %get3A_3160 = arith.index_cast %add3A_3143 : i32 to index
        %get3A_3161 = arith.constant 48 : index
        %get3A_3162 = tpu.vector_load %arg6[%get3A_3159, %get3A_3160, %get3A_3161] {strides = array<i32>} : memref<2x128x128xf32, #tpu.memory_space<vmem>>, vector<1x1x16xf32>,
        %get3A_3163 = vector.shape_cast %get3A_3162 : vector<1x1x16xf32> to vector<16xf32>
        %get3A_3164 = arith.index_cast %rem3A_2965 : i32 to index
        %get3A_3165 = arith.index_cast %add3A_3143 : i32 to index
        %get3A_3166 = arith.constant 64 : index
        %get3A_3167 = tpu.vector_load %arg6[%get3A_3164, %get3A_3165, %get3A_3166] {strides = array<i32>} : memref<2x128x128xf32, #tpu.memory_space<vmem>>, vector<1x1x16xf32>,
        %get3A_3168 = vector.shape_cast %get3A_3167 : vector<1x1x16xf32> to vector<16xf32>
        %get3A_3169 = arith.index_cast %rem3A_2965 : i32 to index
        %get3A_3170 = arith.index_cast %add3A_3143 : i32 to index
        %get3A_3171 = arith.constant 80 : index
        %get3A_3172 = tpu.vector_load %arg6[%get3A_3169, %get3A_3170, %get3A_3171] {strides = array<i32>} : memref<2x128x128xf32, #tpu.memory_space<vmem>>, vector<1x1x16xf32>,
        %get3A_3173 = vector.shape_cast %get3A_3172 : vector<1x1x16xf32> to vector<16xf32>
        %get3A_3174 = arith.index_cast %rem3A_2965 : i32 to index
        %get3A_3175 = arith.index_cast %add3A_3143 : i32 to index
        %get3A_3176 = arith.constant 96 : index
        %get3A_3177 = tpu.vector_load %arg6[%get3A_3174, %get3A_3175, %get3A_3176] {strides = array<i32>} : memref<2x128x128xf32, #tpu.memory_space<vmem>>, vector<1x1x16xf32>,
        %get3A_3178 = vector.shape_cast %get3A_3177 : vector<1x1x16xf32> to vector<16xf32>
        %get3A_3179 = arith.index_cast %rem3A_2965 : i32 to index
        %get3A_3180 = arith.index_cast %add3A_3143 : i32 to index
        %get3A_3181 = arith.constant 112 : index
        %get3A_3182 = tpu.vector_load %arg6[%get3A_3179, %get3A_3180, %get3A_3181] {strides = array<i32>} : memref<2x128x128xf32, #tpu.memory_space<vmem>>, vector<1x1x16xf32>,
        %get3A_3183 = vector.shape_cast %get3A_3182 : vector<1x1x16xf32> to vector<16xf32>
        %mul3A_3184 = arith.mulf %get3A_3148, %get3A_2882 : vector<16xf32>
        %mul3A_3185 = arith.mulf %get3A_3153, %get3A_2885 : vector<16xf32>
        %mul3A_3186 = arith.mulf %get3A_3158, %get3A_2888 : vector<16xf32>
        %add3A_3187 = arith.addf %mul3A_3184, %mul3A_3186 : vector<16xf32>
        %mul3A_3188 = arith.mulf %get3A_3163, %get3A_2891 : vector<16xf32>
        %add3A_3189 = arith.addf %mul3A_3185, %mul3A_3188 : vector<16xf32>
        %mul3A_3190 = arith.mulf %get3A_3168, %get3A_2894 : vector<16xf32>
        %add3A_3191 = arith.addf %add3A_3187, %mul3A_3190 : vector<16xf32>
        %mul3A_3192 = arith.mulf %get3A_3173, %get3A_2897 : vector<16xf32>
        %add3A_3193 = arith.addf %add3A_3189, %mul3A_3192 : vector<16xf32>
        %mul3A_3194 = arith.mulf %get3A_3178, %get3A_2900 : vector<16xf32>
        %add3A_3195 = arith.addf %add3A_3191, %mul3A_3194 : vector<16xf32>
        %mul3A_3196 = arith.mulf %get3A_3183, %get3A_2903 : vector<16xf32>
        %add3A_3197 = arith.addf %add3A_3193, %mul3A_3196 : vector<16xf32>
        %add3A_3198 = arith.addf %add3A_3195, %add3A_3197 : vector<16xf32>
        %mul3A_3199 = arith.constant 8 : i32
        %mul3A_3200 = arith.muli %scan3A_3021, %mul3A_3199 : i32
        %add3A_3201 = arith.constant 3 : i32
        %add3A_3202 = arith.addi %mul3A_3200, %add3A_3201 : i32
        %get3A_3203 = arith.index_cast %rem3A_2965 : i32 to index
        %get3A_3204 = arith.index_cast %add3A_3202 : i32 to index
        %get3A_3205 = arith.constant 0 : index
        %get3A_3206 = tpu.vector_load %arg6[%get3A_3203, %get3A_3204, %get3A_3205] {strides = array<i32>} : memref<2x128x128xf32, #tpu.memory_space<vmem>>, vector<1x1x16xf32>,
        %get3A_3207 = vector.shape_cast %get3A_3206 : vector<1x1x16xf32> to vector<16xf32>
        %get3A_3208 = arith.index_cast %rem3A_2965 : i32 to index
        %get3A_3209 = arith.index_cast %add3A_3202 : i32 to index
        %get3A_3210 = arith.constant 16 : index
        %get3A_3211 = tpu.vector_load %arg6[%get3A_3208, %get3A_3209, %get3A_3210] {strides = array<i32>} : memref<2x128x128xf32, #tpu.memory_space<vmem>>, vector<1x1x16xf32>,
        %get3A_3212 = vector.shape_cast %get3A_3211 : vector<1x1x16xf32> to vector<16xf32>
        %get3A_3213 = arith.index_cast %rem3A_2965 : i32 to index
        %get3A_3214 = arith.index_cast %add3A_3202 : i32 to index
        %get3A_3215 = arith.constant 32 : index
        %get3A_3216 = tpu.vector_load %arg6[%get3A_3213, %get3A_3214, %get3A_3215] {strides = array<i32>} : memref<2x128x128xf32, #tpu.memory_space<vmem>>, vector<1x1x16xf32>,
        %get3A_3217 = vector.shape_cast %get3A_3216 : vector<1x1x16xf32> to vector<16xf32>
        %get3A_3218 = arith.index_cast %rem3A_2965 : i32 to index
        %get3A_3219 = arith.index_cast %add3A_3202 : i32 to index
        %get3A_3220 = arith.constant 48 : index
        %get3A_3221 = tpu.vector_load %arg6[%get3A_3218, %get3A_3219, %get3A_3220] {strides = array<i32>} : memref<2x128x128xf32, #tpu.memory_space<vmem>>, vector<1x1x16xf32>,
        %get3A_3222 = vector.shape_cast %get3A_3221 : vector<1x1x16xf32> to vector<16xf32>
        %get3A_3223 = arith.index_cast %rem3A_2965 : i32 to index
        %get3A_3224 = arith.index_cast %add3A_3202 : i32 to index
        %get3A_3225 = arith.constant 64 : index
        %get3A_3226 = tpu.vector_load %arg6[%get3A_3223, %get3A_3224, %get3A_3225] {strides = array<i32>} : memref<2x128x128xf32, #tpu.memory_space<vmem>>, vector<1x1x16xf32>,
        %get3A_3227 = vector.shape_cast %get3A_3226 : vector<1x1x16xf32> to vector<16xf32>
        %get3A_3228 = arith.index_cast %rem3A_2965 : i32 to index
        %get3A_3229 = arith.index_cast %add3A_3202 : i32 to index
        %get3A_3230 = arith.constant 80 : index
        %get3A_3231 = tpu.vector_load %arg6[%get3A_3228, %get3A_3229, %get3A_3230] {strides = array<i32>} : memref<2x128x128xf32, #tpu.memory_space<vmem>>, vector<1x1x16xf32>,
        %get3A_3232 = vector.shape_cast %get3A_3231 : vector<1x1x16xf32> to vector<16xf32>
        %get3A_3233 = arith.index_cast %rem3A_2965 : i32 to index
        %get3A_3234 = arith.index_cast %add3A_3202 : i32 to index
        %get3A_3235 = arith.constant 96 : index
        %get3A_3236 = tpu.vector_load %arg6[%get3A_3233, %get3A_3234, %get3A_3235] {strides = array<i32>} : memref<2x128x128xf32, #tpu.memory_space<vmem>>, vector<1x1x16xf32>,
        %get3A_3237 = vector.shape_cast %get3A_3236 : vector<1x1x16xf32> to vector<16xf32>
        %get3A_3238 = arith.index_cast %rem3A_2965 : i32 to index
        %get3A_3239 = arith.index_cast %add3A_3202 : i32 to index
        %get3A_3240 = arith.constant 112 : index
        %get3A_3241 = tpu.vector_load %arg6[%get3A_3238, %get3A_3239, %get3A_3240] {strides = array<i32>} : memref<2x128x128xf32, #tpu.memory_space<vmem>>, vector<1x1x16xf32>,
        %get3A_3242 = vector.shape_cast %get3A_3241 : vector<1x1x16xf32> to vector<16xf32>
        %mul3A_3243 = arith.mulf %get3A_3207, %get3A_2882 : vector<16xf32>
        %mul3A_3244 = arith.mulf %get3A_3212, %get3A_2885 : vector<16xf32>
        %mul3A_3245 = arith.mulf %get3A_3217, %get3A_2888 : vector<16xf32>
        %add3A_3246 = arith.addf %mul3A_3243, %mul3A_3245 : vector<16xf32>
        %mul3A_3247 = arith.mulf %get3A_3222, %get3A_2891 : vector<16xf32>
        %add3A_3248 = arith.addf %mul3A_3244, %mul3A_3247 : vector<16xf32>
        %mul3A_3249 = arith.mulf %get3A_3227, %get3A_2894 : vector<16xf32>
        %add3A_3250 = arith.addf %add3A_3246, %mul3A_3249 : vector<16xf32>
        %mul3A_3251 = arith.mulf %get3A_3232, %get3A_2897 : vector<16xf32>
        %add3A_3252 = arith.addf %add3A_3248, %mul3A_3251 : vector<16xf32>
        %mul3A_3253 = arith.mulf %get3A_3237, %get3A_2900 : vector<16xf32>
        %add3A_3254 = arith.addf %add3A_3250, %mul3A_3253 : vector<16xf32>
        %mul3A_3255 = arith.mulf %get3A_3242, %get3A_2903 : vector<16xf32>
        %add3A_3256 = arith.addf %add3A_3252, %mul3A_3255 : vector<16xf32>
        %add3A_3257 = arith.addf %add3A_3254, %add3A_3256 : vector<16xf32>
        %mul3A_3258 = arith.constant 8 : i32
        %mul3A_3259 = arith.muli %scan3A_3021, %mul3A_3258 : i32
        %add3A_3260 = arith.constant 4 : i32
        %add3A_3261 = arith.addi %mul3A_3259, %add3A_3260 : i32
        %get3A_3262 = arith.index_cast %rem3A_2965 : i32 to index
        %get3A_3263 = arith.index_cast %add3A_3261 : i32 to index
        %get3A_3264 = arith.constant 0 : index
        %get3A_3265 = tpu.vector_load %arg6[%get3A_3262, %get3A_3263, %get3A_3264] {strides = array<i32>} : memref<2x128x128xf32, #tpu.memory_space<vmem>>, vector<1x1x16xf32>,
        %get3A_3266 = vector.shape_cast %get3A_3265 : vector<1x1x16xf32> to vector<16xf32>
        %get3A_3267 = arith.index_cast %rem3A_2965 : i32 to index
        %get3A_3268 = arith.index_cast %add3A_3261 : i32 to index
        %get3A_3269 = arith.constant 16 : index
        %get3A_3270 = tpu.vector_load %arg6[%get3A_3267, %get3A_3268, %get3A_3269] {strides = array<i32>} : memref<2x128x128xf32, #tpu.memory_space<vmem>>, vector<1x1x16xf32>,
        %get3A_3271 = vector.shape_cast %get3A_3270 : vector<1x1x16xf32> to vector<16xf32>
        %get3A_3272 = arith.index_cast %rem3A_2965 : i32 to index
        %get3A_3273 = arith.index_cast %add3A_3261 : i32 to index
        %get3A_3274 = arith.constant 32 : index
        %get3A_3275 = tpu.vector_load %arg6[%get3A_3272, %get3A_3273, %get3A_3274] {strides = array<i32>} : memref<2x128x128xf32, #tpu.memory_space<vmem>>, vector<1x1x16xf32>,
        %get3A_3276 = vector.shape_cast %get3A_3275 : vector<1x1x16xf32> to vector<16xf32>
        %get3A_3277 = arith.index_cast %rem3A_2965 : i32 to index
        %get3A_3278 = arith.index_cast %add3A_3261 : i32 to index
        %get3A_3279 = arith.constant 48 : index
        %get3A_3280 = tpu.vector_load %arg6[%get3A_3277, %get3A_3278, %get3A_3279] {strides = array<i32>} : memref<2x128x128xf32, #tpu.memory_space<vmem>>, vector<1x1x16xf32>,
        %get3A_3281 = vector.shape_cast %get3A_3280 : vector<1x1x16xf32> to vector<16xf32>
        %get3A_3282 = arith.index_cast %rem3A_2965 : i32 to index
        %get3A_3283 = arith.index_cast %add3A_3261 : i32 to index
        %get3A_3284 = arith.constant 64 : index
        %get3A_3285 = tpu.vector_load %arg6[%get3A_3282, %get3A_3283, %get3A_3284] {strides = array<i32>} : memref<2x128x128xf32, #tpu.memory_space<vmem>>, vector<1x1x16xf32>,
        %get3A_3286 = vector.shape_cast %get3A_3285 : vector<1x1x16xf32> to vector<16xf32>
        %get3A_3287 = arith.index_cast %rem3A_2965 : i32 to index
        %get3A_3288 = arith.index_cast %add3A_3261 : i32 to index
        %get3A_3289 = arith.constant 80 : index
        %get3A_3290 = tpu.vector_load %arg6[%get3A_3287, %get3A_3288, %get3A_3289] {strides = array<i32>} : memref<2x128x128xf32, #tpu.memory_space<vmem>>, vector<1x1x16xf32>,
        %get3A_3291 = vector.shape_cast %get3A_3290 : vector<1x1x16xf32> to vector<16xf32>
        %get3A_3292 = arith.index_cast %rem3A_2965 : i32 to index
        %get3A_3293 = arith.index_cast %add3A_3261 : i32 to index
        %get3A_3294 = arith.constant 96 : index
        %get3A_3295 = tpu.vector_load %arg6[%get3A_3292, %get3A_3293, %get3A_3294] {strides = array<i32>} : memref<2x128x128xf32, #tpu.memory_space<vmem>>, vector<1x1x16xf32>,
        %get3A_3296 = vector.shape_cast %get3A_3295 : vector<1x1x16xf32> to vector<16xf32>
        %get3A_3297 = arith.index_cast %rem3A_2965 : i32 to index
        %get3A_3298 = arith.index_cast %add3A_3261 : i32 to index
        %get3A_3299 = arith.constant 112 : index
        %get3A_3300 = tpu.vector_load %arg6[%get3A_3297, %get3A_3298, %get3A_3299] {strides = array<i32>} : memref<2x128x128xf32, #tpu.memory_space<vmem>>, vector<1x1x16xf32>,
        %get3A_3301 = vector.shape_cast %get3A_3300 : vector<1x1x16xf32> to vector<16xf32>
        %mul3A_3302 = arith.mulf %get3A_3266, %get3A_2882 : vector<16xf32>
        %mul3A_3303 = arith.mulf %get3A_3271, %get3A_2885 : vector<16xf32>
        %mul3A_3304 = arith.mulf %get3A_3276, %get3A_2888 : vector<16xf32>
        %add3A_3305 = arith.addf %mul3A_3302, %mul3A_3304 : vector<16xf32>
        %mul3A_3306 = arith.mulf %get3A_3281, %get3A_2891 : vector<16xf32>
        %add3A_3307 = arith.addf %mul3A_3303, %mul3A_3306 : vector<16xf32>
        %mul3A_3308 = arith.mulf %get3A_3286, %get3A_2894 : vector<16xf32>
        %add3A_3309 = arith.addf %add3A_3305, %mul3A_3308 : vector<16xf32>
        %mul3A_3310 = arith.mulf %get3A_3291, %get3A_2897 : vector<16xf32>
        %add3A_3311 = arith.addf %add3A_3307, %mul3A_3310 : vector<16xf32>
        %mul3A_3312 = arith.mulf %get3A_3296, %get3A_2900 : vector<16xf32>
        %add3A_3313 = arith.addf %add3A_3309, %mul3A_3312 : vector<16xf32>
        %mul3A_3314 = arith.mulf %get3A_3301, %get3A_2903 : vector<16xf32>
        %add3A_3315 = arith.addf %add3A_3311, %mul3A_3314 : vector<16xf32>
        %add3A_3316 = arith.addf %add3A_3313, %add3A_3315 : vector<16xf32>
        %mul3A_3317 = arith.constant 8 : i32
        %mul3A_3318 = arith.muli %scan3A_3021, %mul3A_3317 : i32
        %add3A_3319 = arith.constant 5 : i32
        %add3A_3320 = arith.addi %mul3A_3318, %add3A_3319 : i32
        %get3A_3321 = arith.index_cast %rem3A_2965 : i32 to index
        %get3A_3322 = arith.index_cast %add3A_3320 : i32 to index
        %get3A_3323 = arith.constant 0 : index
        %get3A_3324 = tpu.vector_load %arg6[%get3A_3321, %get3A_3322, %get3A_3323] {strides = array<i32>} : memref<2x128x128xf32, #tpu.memory_space<vmem>>, vector<1x1x16xf32>,
        %get3A_3325 = vector.shape_cast %get3A_3324 : vector<1x1x16xf32> to vector<16xf32>
        %get3A_3326 = arith.index_cast %rem3A_2965 : i32 to index
        %get3A_3327 = arith.index_cast %add3A_3320 : i32 to index
        %get3A_3328 = arith.constant 16 : index
        %get3A_3329 = tpu.vector_load %arg6[%get3A_3326, %get3A_3327, %get3A_3328] {strides = array<i32>} : memref<2x128x128xf32, #tpu.memory_space<vmem>>, vector<1x1x16xf32>,
        %get3A_3330 = vector.shape_cast %get3A_3329 : vector<1x1x16xf32> to vector<16xf32>
        %get3A_3331 = arith.index_cast %rem3A_2965 : i32 to index
        %get3A_3332 = arith.index_cast %add3A_3320 : i32 to index
        %get3A_3333 = arith.constant 32 : index
        %get3A_3334 = tpu.vector_load %arg6[%get3A_3331, %get3A_3332, %get3A_3333] {strides = array<i32>} : memref<2x128x128xf32, #tpu.memory_space<vmem>>, vector<1x1x16xf32>,
        %get3A_3335 = vector.shape_cast %get3A_3334 : vector<1x1x16xf32> to vector<16xf32>
        %get3A_3336 = arith.index_cast %rem3A_2965 : i32 to index
        %get3A_3337 = arith.index_cast %add3A_3320 : i32 to index
        %get3A_3338 = arith.constant 48 : index
        %get3A_3339 = tpu.vector_load %arg6[%get3A_3336, %get3A_3337, %get3A_3338] {strides = array<i32>} : memref<2x128x128xf32, #tpu.memory_space<vmem>>, vector<1x1x16xf32>,
        %get3A_3340 = vector.shape_cast %get3A_3339 : vector<1x1x16xf32> to vector<16xf32>
        %get3A_3341 = arith.index_cast %rem3A_2965 : i32 to index
        %get3A_3342 = arith.index_cast %add3A_3320 : i32 to index
        %get3A_3343 = arith.constant 64 : index
        %get3A_3344 = tpu.vector_load %arg6[%get3A_3341, %get3A_3342, %get3A_3343] {strides = array<i32>} : memref<2x128x128xf32, #tpu.memory_space<vmem>>, vector<1x1x16xf32>,
        %get3A_3345 = vector.shape_cast %get3A_3344 : vector<1x1x16xf32> to vector<16xf32>
        %get3A_3346 = arith.index_cast %rem3A_2965 : i32 to index
        %get3A_3347 = arith.index_cast %add3A_3320 : i32 to index
        %get3A_3348 = arith.constant 80 : index
        %get3A_3349 = tpu.vector_load %arg6[%get3A_3346, %get3A_3347, %get3A_3348] {strides = array<i32>} : memref<2x128x128xf32, #tpu.memory_space<vmem>>, vector<1x1x16xf32>,
        %get3A_3350 = vector.shape_cast %get3A_3349 : vector<1x1x16xf32> to vector<16xf32>
        %get3A_3351 = arith.index_cast %rem3A_2965 : i32 to index
        %get3A_3352 = arith.index_cast %add3A_3320 : i32 to index
        %get3A_3353 = arith.constant 96 : index
        %get3A_3354 = tpu.vector_load %arg6[%get3A_3351, %get3A_3352, %get3A_3353] {strides = array<i32>} : memref<2x128x128xf32, #tpu.memory_space<vmem>>, vector<1x1x16xf32>,
        %get3A_3355 = vector.shape_cast %get3A_3354 : vector<1x1x16xf32> to vector<16xf32>
        %get3A_3356 = arith.index_cast %rem3A_2965 : i32 to index
        %get3A_3357 = arith.index_cast %add3A_3320 : i32 to index
        %get3A_3358 = arith.constant 112 : index
        %get3A_3359 = tpu.vector_load %arg6[%get3A_3356, %get3A_3357, %get3A_3358] {strides = array<i32>} : memref<2x128x128xf32, #tpu.memory_space<vmem>>, vector<1x1x16xf32>,
        %get3A_3360 = vector.shape_cast %get3A_3359 : vector<1x1x16xf32> to vector<16xf32>
        %mul3A_3361 = arith.mulf %get3A_3325, %get3A_2882 : vector<16xf32>
        %mul3A_3362 = arith.mulf %get3A_3330, %get3A_2885 : vector<16xf32>
        %mul3A_3363 = arith.mulf %get3A_3335, %get3A_2888 : vector<16xf32>
        %add3A_3364 = arith.addf %mul3A_3361, %mul3A_3363 : vector<16xf32>
        %mul3A_3365 = arith.mulf %get3A_3340, %get3A_2891 : vector<16xf32>
        %add3A_3366 = arith.addf %mul3A_3362, %mul3A_3365 : vector<16xf32>
        %mul3A_3367 = arith.mulf %get3A_3345, %get3A_2894 : vector<16xf32>
        %add3A_3368 = arith.addf %add3A_3364, %mul3A_3367 : vector<16xf32>
        %mul3A_3369 = arith.mulf %get3A_3350, %get3A_2897 : vector<16xf32>
        %add3A_3370 = arith.addf %add3A_3366, %mul3A_3369 : vector<16xf32>
        %mul3A_3371 = arith.mulf %get3A_3355, %get3A_2900 : vector<16xf32>
        %add3A_3372 = arith.addf %add3A_3368, %mul3A_3371 : vector<16xf32>
        %mul3A_3373 = arith.mulf %get3A_3360, %get3A_2903 : vector<16xf32>
        %add3A_3374 = arith.addf %add3A_3370, %mul3A_3373 : vector<16xf32>
        %add3A_3375 = arith.addf %add3A_3372, %add3A_3374 : vector<16xf32>
        %mul3A_3376 = arith.constant 8 : i32
        %mul3A_3377 = arith.muli %scan3A_3021, %mul3A_3376 : i32
        %add3A_3378 = arith.constant 6 : i32
        %add3A_3379 = arith.addi %mul3A_3377, %add3A_3378 : i32
        %get3A_3380 = arith.index_cast %rem3A_2965 : i32 to index
        %get3A_3381 = arith.index_cast %add3A_3379 : i32 to index
        %get3A_3382 = arith.constant 0 : index
        %get3A_3383 = tpu.vector_load %arg6[%get3A_3380, %get3A_3381, %get3A_3382] {strides = array<i32>} : memref<2x128x128xf32, #tpu.memory_space<vmem>>, vector<1x1x16xf32>,
        %get3A_3384 = vector.shape_cast %get3A_3383 : vector<1x1x16xf32> to vector<16xf32>
        %get3A_3385 = arith.index_cast %rem3A_2965 : i32 to index
        %get3A_3386 = arith.index_cast %add3A_3379 : i32 to index
        %get3A_3387 = arith.constant 16 : index
        %get3A_3388 = tpu.vector_load %arg6[%get3A_3385, %get3A_3386, %get3A_3387] {strides = array<i32>} : memref<2x128x128xf32, #tpu.memory_space<vmem>>, vector<1x1x16xf32>,
        %get3A_3389 = vector.shape_cast %get3A_3388 : vector<1x1x16xf32> to vector<16xf32>
        %get3A_3390 = arith.index_cast %rem3A_2965 : i32 to index
        %get3A_3391 = arith.index_cast %add3A_3379 : i32 to index
        %get3A_3392 = arith.constant 32 : index
        %get3A_3393 = tpu.vector_load %arg6[%get3A_3390, %get3A_3391, %get3A_3392] {strides = array<i32>} : memref<2x128x128xf32, #tpu.memory_space<vmem>>, vector<1x1x16xf32>,
        %get3A_3394 = vector.shape_cast %get3A_3393 : vector<1x1x16xf32> to vector<16xf32>
        %get3A_3395 = arith.index_cast %rem3A_2965 : i32 to index
        %get3A_3396 = arith.index_cast %add3A_3379 : i32 to index
        %get3A_3397 = arith.constant 48 : index
        %get3A_3398 = tpu.vector_load %arg6[%get3A_3395, %get3A_3396, %get3A_3397] {strides = array<i32>} : memref<2x128x128xf32, #tpu.memory_space<vmem>>, vector<1x1x16xf32>,
        %get3A_3399 = vector.shape_cast %get3A_3398 : vector<1x1x16xf32> to vector<16xf32>
        %get3A_3400 = arith.index_cast %rem3A_2965 : i32 to index
        %get3A_3401 = arith.index_cast %add3A_3379 : i32 to index
        %get3A_3402 = arith.constant 64 : index
        %get3A_3403 = tpu.vector_load %arg6[%get3A_3400, %get3A_3401, %get3A_3402] {strides = array<i32>} : memref<2x128x128xf32, #tpu.memory_space<vmem>>, vector<1x1x16xf32>,
        %get3A_3404 = vector.shape_cast %get3A_3403 : vector<1x1x16xf32> to vector<16xf32>
        %get3A_3405 = arith.index_cast %rem3A_2965 : i32 to index
        %get3A_3406 = arith.index_cast %add3A_3379 : i32 to index
        %get3A_3407 = arith.constant 80 : index
        %get3A_3408 = tpu.vector_load %arg6[%get3A_3405, %get3A_3406, %get3A_3407] {strides = array<i32>} : memref<2x128x128xf32, #tpu.memory_space<vmem>>, vector<1x1x16xf32>,
        %get3A_3409 = vector.shape_cast %get3A_3408 : vector<1x1x16xf32> to vector<16xf32>
        %get3A_3410 = arith.index_cast %rem3A_2965 : i32 to index
        %get3A_3411 = arith.index_cast %add3A_3379 : i32 to index
        %get3A_3412 = arith.constant 96 : index
        %get3A_3413 = tpu.vector_load %arg6[%get3A_3410, %get3A_3411, %get3A_3412] {strides = array<i32>} : memref<2x128x128xf32, #tpu.memory_space<vmem>>, vector<1x1x16xf32>,
        %get3A_3414 = vector.shape_cast %get3A_3413 : vector<1x1x16xf32> to vector<16xf32>
        %get3A_3415 = arith.index_cast %rem3A_2965 : i32 to index
        %get3A_3416 = arith.index_cast %add3A_3379 : i32 to index
        %get3A_3417 = arith.constant 112 : index
        %get3A_3418 = tpu.vector_load %arg6[%get3A_3415, %get3A_3416, %get3A_3417] {strides = array<i32>} : memref<2x128x128xf32, #tpu.memory_space<vmem>>, vector<1x1x16xf32>,
        %get3A_3419 = vector.shape_cast %get3A_3418 : vector<1x1x16xf32> to vector<16xf32>
        %mul3A_3420 = arith.mulf %get3A_3384, %get3A_2882 : vector<16xf32>
        %mul3A_3421 = arith.mulf %get3A_3389, %get3A_2885 : vector<16xf32>
        %mul3A_3422 = arith.mulf %get3A_3394, %get3A_2888 : vector<16xf32>
        %add3A_3423 = arith.addf %mul3A_3420, %mul3A_3422 : vector<16xf32>
        %mul3A_3424 = arith.mulf %get3A_3399, %get3A_2891 : vector<16xf32>
        %add3A_3425 = arith.addf %mul3A_3421, %mul3A_3424 : vector<16xf32>
        %mul3A_3426 = arith.mulf %get3A_3404, %get3A_2894 : vector<16xf32>
        %add3A_3427 = arith.addf %add3A_3423, %mul3A_3426 : vector<16xf32>
        %mul3A_3428 = arith.mulf %get3A_3409, %get3A_2897 : vector<16xf32>
        %add3A_3429 = arith.addf %add3A_3425, %mul3A_3428 : vector<16xf32>
        %mul3A_3430 = arith.mulf %get3A_3414, %get3A_2900 : vector<16xf32>
        %add3A_3431 = arith.addf %add3A_3427, %mul3A_3430 : vector<16xf32>
        %mul3A_3432 = arith.mulf %get3A_3419, %get3A_2903 : vector<16xf32>
        %add3A_3433 = arith.addf %add3A_3429, %mul3A_3432 : vector<16xf32>
        %add3A_3434 = arith.addf %add3A_3431, %add3A_3433 : vector<16xf32>
        %mul3A_3435 = arith.constant 8 : i32
        %mul3A_3436 = arith.muli %scan3A_3021, %mul3A_3435 : i32
        %add3A_3437 = arith.constant 7 : i32
        %add3A_3438 = arith.addi %mul3A_3436, %add3A_3437 : i32
        %get3A_3439 = arith.index_cast %rem3A_2965 : i32 to index
        %get3A_3440 = arith.index_cast %add3A_3438 : i32 to index
        %get3A_3441 = arith.constant 0 : index
        %get3A_3442 = tpu.vector_load %arg6[%get3A_3439, %get3A_3440, %get3A_3441] {strides = array<i32>} : memref<2x128x128xf32, #tpu.memory_space<vmem>>, vector<1x1x16xf32>,
        %get3A_3443 = vector.shape_cast %get3A_3442 : vector<1x1x16xf32> to vector<16xf32>
        %get3A_3444 = arith.index_cast %rem3A_2965 : i32 to index
        %get3A_3445 = arith.index_cast %add3A_3438 : i32 to index
        %get3A_3446 = arith.constant 16 : index
        %get3A_3447 = tpu.vector_load %arg6[%get3A_3444, %get3A_3445, %get3A_3446] {strides = array<i32>} : memref<2x128x128xf32, #tpu.memory_space<vmem>>, vector<1x1x16xf32>,
        %get3A_3448 = vector.shape_cast %get3A_3447 : vector<1x1x16xf32> to vector<16xf32>
        %get3A_3449 = arith.index_cast %rem3A_2965 : i32 to index
        %get3A_3450 = arith.index_cast %add3A_3438 : i32 to index
        %get3A_3451 = arith.constant 32 : index
        %get3A_3452 = tpu.vector_load %arg6[%get3A_3449, %get3A_3450, %get3A_3451] {strides = array<i32>} : memref<2x128x128xf32, #tpu.memory_space<vmem>>, vector<1x1x16xf32>,
        %get3A_3453 = vector.shape_cast %get3A_3452 : vector<1x1x16xf32> to vector<16xf32>
        %get3A_3454 = arith.index_cast %rem3A_2965 : i32 to index
        %get3A_3455 = arith.index_cast %add3A_3438 : i32 to index
        %get3A_3456 = arith.constant 48 : index
        %get3A_3457 = tpu.vector_load %arg6[%get3A_3454, %get3A_3455, %get3A_3456] {strides = array<i32>} : memref<2x128x128xf32, #tpu.memory_space<vmem>>, vector<1x1x16xf32>,
        %get3A_3458 = vector.shape_cast %get3A_3457 : vector<1x1x16xf32> to vector<16xf32>
        %get3A_3459 = arith.index_cast %rem3A_2965 : i32 to index
        %get3A_3460 = arith.index_cast %add3A_3438 : i32 to index
        %get3A_3461 = arith.constant 64 : index
        %get3A_3462 = tpu.vector_load %arg6[%get3A_3459, %get3A_3460, %get3A_3461] {strides = array<i32>} : memref<2x128x128xf32, #tpu.memory_space<vmem>>, vector<1x1x16xf32>,
        %get3A_3463 = vector.shape_cast %get3A_3462 : vector<1x1x16xf32> to vector<16xf32>
        %get3A_3464 = arith.index_cast %rem3A_2965 : i32 to index
        %get3A_3465 = arith.index_cast %add3A_3438 : i32 to index
        %get3A_3466 = arith.constant 80 : index
        %get3A_3467 = tpu.vector_load %arg6[%get3A_3464, %get3A_3465, %get3A_3466] {strides = array<i32>} : memref<2x128x128xf32, #tpu.memory_space<vmem>>, vector<1x1x16xf32>,
        %get3A_3468 = vector.shape_cast %get3A_3467 : vector<1x1x16xf32> to vector<16xf32>
        %get3A_3469 = arith.index_cast %rem3A_2965 : i32 to index
        %get3A_3470 = arith.index_cast %add3A_3438 : i32 to index
        %get3A_3471 = arith.constant 96 : index
        %get3A_3472 = tpu.vector_load %arg6[%get3A_3469, %get3A_3470, %get3A_3471] {strides = array<i32>} : memref<2x128x128xf32, #tpu.memory_space<vmem>>, vector<1x1x16xf32>,
        %get3A_3473 = vector.shape_cast %get3A_3472 : vector<1x1x16xf32> to vector<16xf32>
        %get3A_3474 = arith.index_cast %rem3A_2965 : i32 to index
        %get3A_3475 = arith.index_cast %add3A_3438 : i32 to index
        %get3A_3476 = arith.constant 112 : index
        %get3A_3477 = tpu.vector_load %arg6[%get3A_3474, %get3A_3475, %get3A_3476] {strides = array<i32>} : memref<2x128x128xf32, #tpu.memory_space<vmem>>, vector<1x1x16xf32>,
        %get3A_3478 = vector.shape_cast %get3A_3477 : vector<1x1x16xf32> to vector<16xf32>
        %mul3A_3479 = arith.mulf %get3A_3443, %get3A_2882 : vector<16xf32>
        %mul3A_3480 = arith.mulf %get3A_3448, %get3A_2885 : vector<16xf32>
        %mul3A_3481 = arith.mulf %get3A_3453, %get3A_2888 : vector<16xf32>
        %add3A_3482 = arith.addf %mul3A_3479, %mul3A_3481 : vector<16xf32>
        %mul3A_3483 = arith.mulf %get3A_3458, %get3A_2891 : vector<16xf32>
        %add3A_3484 = arith.addf %mul3A_3480, %mul3A_3483 : vector<16xf32>
        %mul3A_3485 = arith.mulf %get3A_3463, %get3A_2894 : vector<16xf32>
        %add3A_3486 = arith.addf %add3A_3482, %mul3A_3485 : vector<16xf32>
        %mul3A_3487 = arith.mulf %get3A_3468, %get3A_2897 : vector<16xf32>
        %add3A_3488 = arith.addf %add3A_3484, %mul3A_3487 : vector<16xf32>
        %mul3A_3489 = arith.mulf %get3A_3473, %get3A_2900 : vector<16xf32>
        %add3A_3490 = arith.addf %add3A_3486, %mul3A_3489 : vector<16xf32>
        %mul3A_3491 = arith.mulf %get3A_3478, %get3A_2903 : vector<16xf32>
        %add3A_3492 = arith.addf %add3A_3488, %mul3A_3491 : vector<16xf32>
        %add3A_3493 = arith.addf %add3A_3490, %add3A_3492 : vector<16xf32>
        %sc_lane_xor_perm3A = arith.constant 1 : i32
        %sc_lane_xor_perm3A_3494 = vector.broadcast %sc_lane_xor_perm3A : i32 to vector<16xi32>
        %sc_lane_xor_perm3A_3495 = tpu.iota {dimensions = array<i32: 0>} : vector<16xi32>
        %sc_lane_xor_perm3A_3496 = arith.xori %sc_lane_xor_perm3A_3494, %sc_lane_xor_perm3A_3495 : vector<16xi32>
        %sc_lane_xor_perm3A_3497 = tpu.dynamic_gather %add3A_3080[%sc_lane_xor_perm3A_3496] in [0] : vector<16xf32>, vector<16xi32> -> vector<16xf32>
        %add3A_3498 = arith.addf %add3A_3080, %sc_lane_xor_perm3A_3497 : vector<16xf32>
        %sc_lane_xor_perm3A_3499 = arith.constant 2 : i32
        %sc_lane_xor_perm3A_3500 = vector.broadcast %sc_lane_xor_perm3A_3499 : i32 to vector<16xi32>
        %sc_lane_xor_perm3A_3501 = tpu.iota {dimensions = array<i32: 0>} : vector<16xi32>
        %sc_lane_xor_perm3A_3502 = arith.xori %sc_lane_xor_perm3A_3500, %sc_lane_xor_perm3A_3501 : vector<16xi32>
        %sc_lane_xor_perm3A_3503 = tpu.dynamic_gather %add3A_3498[%sc_lane_xor_perm3A_3502] in [0] : vector<16xf32>, vector<16xi32> -> vector<16xf32>
        %add3A_3504 = arith.addf %add3A_3498, %sc_lane_xor_perm3A_3503 : vector<16xf32>
        %sc_lane_xor_perm3A_3505 = arith.constant 4 : i32
        %sc_lane_xor_perm3A_3506 = vector.broadcast %sc_lane_xor_perm3A_3505 : i32 to vector<16xi32>
        %sc_lane_xor_perm3A_3507 = tpu.iota {dimensions = array<i32: 0>} : vector<16xi32>
        %sc_lane_xor_perm3A_3508 = arith.xori %sc_lane_xor_perm3A_3506, %sc_lane_xor_perm3A_3507 : vector<16xi32>
        %sc_lane_xor_perm3A_3509 = tpu.dynamic_gather %add3A_3504[%sc_lane_xor_perm3A_3508] in [0] : vector<16xf32>, vector<16xi32> -> vector<16xf32>
        %add3A_3510 = arith.addf %add3A_3504, %sc_lane_xor_perm3A_3509 : vector<16xf32>
        %sc_lane_xor_perm3A_3511 = arith.constant 8 : i32
        %sc_lane_xor_perm3A_3512 = vector.broadcast %sc_lane_xor_perm3A_3511 : i32 to vector<16xi32>
        %sc_lane_xor_perm3A_3513 = tpu.iota {dimensions = array<i32: 0>} : vector<16xi32>
        %sc_lane_xor_perm3A_3514 = arith.xori %sc_lane_xor_perm3A_3512, %sc_lane_xor_perm3A_3513 : vector<16xi32>
        %sc_lane_xor_perm3A_3515 = tpu.dynamic_gather %add3A_3510[%sc_lane_xor_perm3A_3514] in [0] : vector<16xf32>, vector<16xi32> -> vector<16xf32>
        %add3A_3516 = arith.addf %add3A_3510, %sc_lane_xor_perm3A_3515 : vector<16xf32>
        %add3A_3517 = arith.addf %add3A_3516, %get3A_2906 : vector<16xf32>
        %neg3A = arith.constant 0.000000e+00 : f32
        %neg3A_3518 = vector.broadcast %neg3A : f32 to vector<16xf32>
        %neg3A_3519 = arith.subf %neg3A_3518, %add3A_3517 : vector<16xf32>
        %exp3A = math.exp %neg3A_3519 : vector<16xf32>
        %add3A_3520 = arith.constant 1.000000e+00 : f32
        %add3A_3521 = vector.broadcast %add3A_3520 : f32 to vector<16xf32>
        %add3A_3522 = arith.addf %add3A_3521, %exp3A : vector<16xf32>
        %div3A = arith.constant 1.000000e+00 : f32
        %div3A_3523 = vector.broadcast %div3A : f32 to vector<16xf32>
        %div3A_3524 = arith.divf %div3A_3523, %add3A_3522 : vector<16xf32>
        %mul3A_3525 = arith.mulf %get3A_3030, %div3A_3524 : vector<16xf32>
        %swap3A_3526 = arith.index_cast %rem3A_2965 : i32 to index
        %swap3A_3527 = arith.index_cast %add3A_3025 : i32 to index
        %swap3A_3528 = arith.constant 0 : index
        %swap3A_3529 = tpu.vector_load %arg8[%swap3A_3526, %swap3A_3527, %swap3A_3528] {strides = array<i32>} : memref<2x128x144xf32, #tpu.memory_space<vmem>>, vector<1x1x16xf32>,
        %swap3A_3530 = vector.shape_cast %swap3A_3529 : vector<1x1x16xf32> to vector<16xf32>
        %swap3A_3531 = vector.shape_cast %mul3A_3525 : vector<16xf32> to vector<1x1x16xf32>
        tpu.vector_store %arg8[%swap3A_3526, %swap3A_3527, %swap3A_3528], %swap3A_3531 {strides = array<i32>} : memref<2x128x144xf32, #tpu.memory_space<vmem>>, vector<1x1x16xf32>,
        %mul3A_3532 = arith.mulf %get3A_3035, %div3A_3524 : vector<16xf32>
        %swap3A_3533 = arith.index_cast %rem3A_2965 : i32 to index
        %swap3A_3534 = arith.index_cast %add3A_3025 : i32 to index
        %swap3A_3535 = arith.constant 16 : index
        %swap3A_3536 = tpu.vector_load %arg8[%swap3A_3533, %swap3A_3534, %swap3A_3535] {strides = array<i32>} : memref<2x128x144xf32, #tpu.memory_space<vmem>>, vector<1x1x16xf32>,
        %swap3A_3537 = vector.shape_cast %swap3A_3536 : vector<1x1x16xf32> to vector<16xf32>
        %swap3A_3538 = vector.shape_cast %mul3A_3532 : vector<16xf32> to vector<1x1x16xf32>
        tpu.vector_store %arg8[%swap3A_3533, %swap3A_3534, %swap3A_3535], %swap3A_3538 {strides = array<i32>} : memref<2x128x144xf32, #tpu.memory_space<vmem>>, vector<1x1x16xf32>,
        %mul3A_3539 = arith.mulf %get3A_3040, %div3A_3524 : vector<16xf32>
        %swap3A_3540 = arith.index_cast %rem3A_2965 : i32 to index
        %swap3A_3541 = arith.index_cast %add3A_3025 : i32 to index
        %swap3A_3542 = arith.constant 32 : index
        %swap3A_3543 = tpu.vector_load %arg8[%swap3A_3540, %swap3A_3541, %swap3A_3542] {strides = array<i32>} : memref<2x128x144xf32, #tpu.memory_space<vmem>>, vector<1x1x16xf32>,
        %swap3A_3544 = vector.shape_cast %swap3A_3543 : vector<1x1x16xf32> to vector<16xf32>
        %swap3A_3545 = vector.shape_cast %mul3A_3539 : vector<16xf32> to vector<1x1x16xf32>
        tpu.vector_store %arg8[%swap3A_3540, %swap3A_3541, %swap3A_3542], %swap3A_3545 {strides = array<i32>} : memref<2x128x144xf32, #tpu.memory_space<vmem>>, vector<1x1x16xf32>,
        %mul3A_3546 = arith.mulf %get3A_3045, %div3A_3524 : vector<16xf32>
        %swap3A_3547 = arith.index_cast %rem3A_2965 : i32 to index
        %swap3A_3548 = arith.index_cast %add3A_3025 : i32 to index
        %swap3A_3549 = arith.constant 48 : index
        %swap3A_3550 = tpu.vector_load %arg8[%swap3A_3547, %swap3A_3548, %swap3A_3549] {strides = array<i32>} : memref<2x128x144xf32, #tpu.memory_space<vmem>>, vector<1x1x16xf32>,
        %swap3A_3551 = vector.shape_cast %swap3A_3550 : vector<1x1x16xf32> to vector<16xf32>
        %swap3A_3552 = vector.shape_cast %mul3A_3546 : vector<16xf32> to vector<1x1x16xf32>
        tpu.vector_store %arg8[%swap3A_3547, %swap3A_3548, %swap3A_3549], %swap3A_3552 {strides = array<i32>} : memref<2x128x144xf32, #tpu.memory_space<vmem>>, vector<1x1x16xf32>,
        %mul3A_3553 = arith.mulf %get3A_3050, %div3A_3524 : vector<16xf32>
        %swap3A_3554 = arith.index_cast %rem3A_2965 : i32 to index
        %swap3A_3555 = arith.index_cast %add3A_3025 : i32 to index
        %swap3A_3556 = arith.constant 64 : index
        %swap3A_3557 = tpu.vector_load %arg8[%swap3A_3554, %swap3A_3555, %swap3A_3556] {strides = array<i32>} : memref<2x128x144xf32, #tpu.memory_space<vmem>>, vector<1x1x16xf32>,
        %swap3A_3558 = vector.shape_cast %swap3A_3557 : vector<1x1x16xf32> to vector<16xf32>
        %swap3A_3559 = vector.shape_cast %mul3A_3553 : vector<16xf32> to vector<1x1x16xf32>
        tpu.vector_store %arg8[%swap3A_3554, %swap3A_3555, %swap3A_3556], %swap3A_3559 {strides = array<i32>} : memref<2x128x144xf32, #tpu.memory_space<vmem>>, vector<1x1x16xf32>,
        %mul3A_3560 = arith.mulf %get3A_3055, %div3A_3524 : vector<16xf32>
        %swap3A_3561 = arith.index_cast %rem3A_2965 : i32 to index
        %swap3A_3562 = arith.index_cast %add3A_3025 : i32 to index
        %swap3A_3563 = arith.constant 80 : index
        %swap3A_3564 = tpu.vector_load %arg8[%swap3A_3561, %swap3A_3562, %swap3A_3563] {strides = array<i32>} : memref<2x128x144xf32, #tpu.memory_space<vmem>>, vector<1x1x16xf32>,
        %swap3A_3565 = vector.shape_cast %swap3A_3564 : vector<1x1x16xf32> to vector<16xf32>
        %swap3A_3566 = vector.shape_cast %mul3A_3560 : vector<16xf32> to vector<1x1x16xf32>
        tpu.vector_store %arg8[%swap3A_3561, %swap3A_3562, %swap3A_3563], %swap3A_3566 {strides = array<i32>} : memref<2x128x144xf32, #tpu.memory_space<vmem>>, vector<1x1x16xf32>,
        %mul3A_3567 = arith.mulf %get3A_3060, %div3A_3524 : vector<16xf32>
        %swap3A_3568 = arith.index_cast %rem3A_2965 : i32 to index
        %swap3A_3569 = arith.index_cast %add3A_3025 : i32 to index
        %swap3A_3570 = arith.constant 96 : index
        %swap3A_3571 = tpu.vector_load %arg8[%swap3A_3568, %swap3A_3569, %swap3A_3570] {strides = array<i32>} : memref<2x128x144xf32, #tpu.memory_space<vmem>>, vector<1x1x16xf32>,
        %swap3A_3572 = vector.shape_cast %swap3A_3571 : vector<1x1x16xf32> to vector<16xf32>
        %swap3A_3573 = vector.shape_cast %mul3A_3567 : vector<16xf32> to vector<1x1x16xf32>
        tpu.vector_store %arg8[%swap3A_3568, %swap3A_3569, %swap3A_3570], %swap3A_3573 {strides = array<i32>} : memref<2x128x144xf32, #tpu.memory_space<vmem>>, vector<1x1x16xf32>,
        %mul3A_3574 = arith.mulf %get3A_3065, %div3A_3524 : vector<16xf32>
        %swap3A_3575 = arith.index_cast %rem3A_2965 : i32 to index
        %swap3A_3576 = arith.index_cast %add3A_3025 : i32 to index
        %swap3A_3577 = arith.constant 112 : index
        %swap3A_3578 = tpu.vector_load %arg8[%swap3A_3575, %swap3A_3576, %swap3A_3577] {strides = array<i32>} : memref<2x128x144xf32, #tpu.memory_space<vmem>>, vector<1x1x16xf32>,
        %swap3A_3579 = vector.shape_cast %swap3A_3578 : vector<1x1x16xf32> to vector<16xf32>
        %swap3A_3580 = vector.shape_cast %mul3A_3574 : vector<16xf32> to vector<1x1x16xf32>
        tpu.vector_store %arg8[%swap3A_3575, %swap3A_3576, %swap3A_3577], %swap3A_3580 {strides = array<i32>} : memref<2x128x144xf32, #tpu.memory_space<vmem>>, vector<1x1x16xf32>,
        %jit3A = arith.constant 0.000000e+00 : f32
        %broadcast_in_dim3A_3581 = vector.broadcast %jit3A : f32 to vector<16xf32>
        %select_n3A = arith.select %eq3A_2908, %div3A_3524, %broadcast_in_dim3A_3581 : vector<16xi1>, vector<16xf32>
        %swap3A_3582 = arith.index_cast %rem3A_2965 : i32 to index
        %swap3A_3583 = arith.index_cast %add3A_3025 : i32 to index
        %swap3A_3584 = arith.constant 128 : index
        %swap3A_3585 = tpu.vector_load %arg8[%swap3A_3582, %swap3A_3583, %swap3A_3584] {strides = array<i32>} : memref<2x128x144xf32, #tpu.memory_space<vmem>>, vector<1x1x16xf32>,
        %swap3A_3586 = vector.shape_cast %swap3A_3585 : vector<1x1x16xf32> to vector<16xf32>
        %swap3A_3587 = vector.shape_cast %select_n3A : vector<16xf32> to vector<1x1x16xf32>
        tpu.vector_store %arg8[%swap3A_3582, %swap3A_3583, %swap3A_3584], %swap3A_3587 {strides = array<i32>} : memref<2x128x144xf32, #tpu.memory_space<vmem>>, vector<1x1x16xf32>,
        %sc_lane_xor_perm3A_3588 = arith.constant 1 : i32
        %sc_lane_xor_perm3A_3589 = vector.broadcast %sc_lane_xor_perm3A_3588 : i32 to vector<16xi32>
        %sc_lane_xor_perm3A_3590 = tpu.iota {dimensions = array<i32: 0>} : vector<16xi32>
        %sc_lane_xor_perm3A_3591 = arith.xori %sc_lane_xor_perm3A_3589, %sc_lane_xor_perm3A_3590 : vector<16xi32>
        %sc_lane_xor_perm3A_3592 = tpu.dynamic_gather %add3A_3139[%sc_lane_xor_perm3A_3591] in [0] : vector<16xf32>, vector<16xi32> -> vector<16xf32>
        %add3A_3593 = arith.addf %add3A_3139, %sc_lane_xor_perm3A_3592 : vector<16xf32>
        %sc_lane_xor_perm3A_3594 = arith.constant 2 : i32
        %sc_lane_xor_perm3A_3595 = vector.broadcast %sc_lane_xor_perm3A_3594 : i32 to vector<16xi32>
        %sc_lane_xor_perm3A_3596 = tpu.iota {dimensions = array<i32: 0>} : vector<16xi32>
        %sc_lane_xor_perm3A_3597 = arith.xori %sc_lane_xor_perm3A_3595, %sc_lane_xor_perm3A_3596 : vector<16xi32>
        %sc_lane_xor_perm3A_3598 = tpu.dynamic_gather %add3A_3593[%sc_lane_xor_perm3A_3597] in [0] : vector<16xf32>, vector<16xi32> -> vector<16xf32>
        %add3A_3599 = arith.addf %add3A_3593, %sc_lane_xor_perm3A_3598 : vector<16xf32>
        %sc_lane_xor_perm3A_3600 = arith.constant 4 : i32
        %sc_lane_xor_perm3A_3601 = vector.broadcast %sc_lane_xor_perm3A_3600 : i32 to vector<16xi32>
        %sc_lane_xor_perm3A_3602 = tpu.iota {dimensions = array<i32: 0>} : vector<16xi32>
        %sc_lane_xor_perm3A_3603 = arith.xori %sc_lane_xor_perm3A_3601, %sc_lane_xor_perm3A_3602 : vector<16xi32>
        %sc_lane_xor_perm3A_3604 = tpu.dynamic_gather %add3A_3599[%sc_lane_xor_perm3A_3603] in [0] : vector<16xf32>, vector<16xi32> -> vector<16xf32>
        %add3A_3605 = arith.addf %add3A_3599, %sc_lane_xor_perm3A_3604 : vector<16xf32>
        %sc_lane_xor_perm3A_3606 = arith.constant 8 : i32
        %sc_lane_xor_perm3A_3607 = vector.broadcast %sc_lane_xor_perm3A_3606 : i32 to vector<16xi32>
        %sc_lane_xor_perm3A_3608 = tpu.iota {dimensions = array<i32: 0>} : vector<16xi32>
        %sc_lane_xor_perm3A_3609 = arith.xori %sc_lane_xor_perm3A_3607, %sc_lane_xor_perm3A_3608 : vector<16xi32>
        %sc_lane_xor_perm3A_3610 = tpu.dynamic_gather %add3A_3605[%sc_lane_xor_perm3A_3609] in [0] : vector<16xf32>, vector<16xi32> -> vector<16xf32>
        %add3A_3611 = arith.addf %add3A_3605, %sc_lane_xor_perm3A_3610 : vector<16xf32>
        %add3A_3612 = arith.addf %add3A_3611, %get3A_2906 : vector<16xf32>
        %neg3A_3613 = arith.constant 0.000000e+00 : f32
        %neg3A_3614 = vector.broadcast %neg3A_3613 : f32 to vector<16xf32>
        %neg3A_3615 = arith.subf %neg3A_3614, %add3A_3612 : vector<16xf32>
        %exp3A_3616 = math.exp %neg3A_3615 : vector<16xf32>
        %add3A_3617 = arith.constant 1.000000e+00 : f32
        %add3A_3618 = vector.broadcast %add3A_3617 : f32 to vector<16xf32>
        %add3A_3619 = arith.addf %add3A_3618, %exp3A_3616 : vector<16xf32>
        %div3A_3620 = arith.constant 1.000000e+00 : f32
        %div3A_3621 = vector.broadcast %div3A_3620 : f32 to vector<16xf32>
        %div3A_3622 = arith.divf %div3A_3621, %add3A_3619 : vector<16xf32>
        %mul3A_3623 = arith.mulf %get3A_3089, %div3A_3622 : vector<16xf32>
        %swap3A_3624 = arith.index_cast %rem3A_2965 : i32 to index
        %swap3A_3625 = arith.index_cast %add3A_3084 : i32 to index
        %swap3A_3626 = arith.constant 0 : index
        %swap3A_3627 = tpu.vector_load %arg8[%swap3A_3624, %swap3A_3625, %swap3A_3626] {strides = array<i32>} : memref<2x128x144xf32, #tpu.memory_space<vmem>>, vector<1x1x16xf32>,
        %swap3A_3628 = vector.shape_cast %swap3A_3627 : vector<1x1x16xf32> to vector<16xf32>
        %swap3A_3629 = vector.shape_cast %mul3A_3623 : vector<16xf32> to vector<1x1x16xf32>
        tpu.vector_store %arg8[%swap3A_3624, %swap3A_3625, %swap3A_3626], %swap3A_3629 {strides = array<i32>} : memref<2x128x144xf32, #tpu.memory_space<vmem>>, vector<1x1x16xf32>,
        %mul3A_3630 = arith.mulf %get3A_3094, %div3A_3622 : vector<16xf32>
        %swap3A_3631 = arith.index_cast %rem3A_2965 : i32 to index
        %swap3A_3632 = arith.index_cast %add3A_3084 : i32 to index
        %swap3A_3633 = arith.constant 16 : index
        %swap3A_3634 = tpu.vector_load %arg8[%swap3A_3631, %swap3A_3632, %swap3A_3633] {strides = array<i32>} : memref<2x128x144xf32, #tpu.memory_space<vmem>>, vector<1x1x16xf32>,
        %swap3A_3635 = vector.shape_cast %swap3A_3634 : vector<1x1x16xf32> to vector<16xf32>
        %swap3A_3636 = vector.shape_cast %mul3A_3630 : vector<16xf32> to vector<1x1x16xf32>
        tpu.vector_store %arg8[%swap3A_3631, %swap3A_3632, %swap3A_3633], %swap3A_3636 {strides = array<i32>} : memref<2x128x144xf32, #tpu.memory_space<vmem>>, vector<1x1x16xf32>,
        %mul3A_3637 = arith.mulf %get3A_3099, %div3A_3622 : vector<16xf32>
        %swap3A_3638 = arith.index_cast %rem3A_2965 : i32 to index
        %swap3A_3639 = arith.index_cast %add3A_3084 : i32 to index
        %swap3A_3640 = arith.constant 32 : index
        %swap3A_3641 = tpu.vector_load %arg8[%swap3A_3638, %swap3A_3639, %swap3A_3640] {strides = array<i32>} : memref<2x128x144xf32, #tpu.memory_space<vmem>>, vector<1x1x16xf32>,
        %swap3A_3642 = vector.shape_cast %swap3A_3641 : vector<1x1x16xf32> to vector<16xf32>
        %swap3A_3643 = vector.shape_cast %mul3A_3637 : vector<16xf32> to vector<1x1x16xf32>
        tpu.vector_store %arg8[%swap3A_3638, %swap3A_3639, %swap3A_3640], %swap3A_3643 {strides = array<i32>} : memref<2x128x144xf32, #tpu.memory_space<vmem>>, vector<1x1x16xf32>,
        %mul3A_3644 = arith.mulf %get3A_3104, %div3A_3622 : vector<16xf32>
        %swap3A_3645 = arith.index_cast %rem3A_2965 : i32 to index
        %swap3A_3646 = arith.index_cast %add3A_3084 : i32 to index
        %swap3A_3647 = arith.constant 48 : index
        %swap3A_3648 = tpu.vector_load %arg8[%swap3A_3645, %swap3A_3646, %swap3A_3647] {strides = array<i32>} : memref<2x128x144xf32, #tpu.memory_space<vmem>>, vector<1x1x16xf32>,
        %swap3A_3649 = vector.shape_cast %swap3A_3648 : vector<1x1x16xf32> to vector<16xf32>
        %swap3A_3650 = vector.shape_cast %mul3A_3644 : vector<16xf32> to vector<1x1x16xf32>
        tpu.vector_store %arg8[%swap3A_3645, %swap3A_3646, %swap3A_3647], %swap3A_3650 {strides = array<i32>} : memref<2x128x144xf32, #tpu.memory_space<vmem>>, vector<1x1x16xf32>,
        %mul3A_3651 = arith.mulf %get3A_3109, %div3A_3622 : vector<16xf32>
        %swap3A_3652 = arith.index_cast %rem3A_2965 : i32 to index
        %swap3A_3653 = arith.index_cast %add3A_3084 : i32 to index
        %swap3A_3654 = arith.constant 64 : index
        %swap3A_3655 = tpu.vector_load %arg8[%swap3A_3652, %swap3A_3653, %swap3A_3654] {strides = array<i32>} : memref<2x128x144xf32, #tpu.memory_space<vmem>>, vector<1x1x16xf32>,
        %swap3A_3656 = vector.shape_cast %swap3A_3655 : vector<1x1x16xf32> to vector<16xf32>
        %swap3A_3657 = vector.shape_cast %mul3A_3651 : vector<16xf32> to vector<1x1x16xf32>
        tpu.vector_store %arg8[%swap3A_3652, %swap3A_3653, %swap3A_3654], %swap3A_3657 {strides = array<i32>} : memref<2x128x144xf32, #tpu.memory_space<vmem>>, vector<1x1x16xf32>,
        %mul3A_3658 = arith.mulf %get3A_3114, %div3A_3622 : vector<16xf32>
        %swap3A_3659 = arith.index_cast %rem3A_2965 : i32 to index
        %swap3A_3660 = arith.index_cast %add3A_3084 : i32 to index
        %swap3A_3661 = arith.constant 80 : index
        %swap3A_3662 = tpu.vector_load %arg8[%swap3A_3659, %swap3A_3660, %swap3A_3661] {strides = array<i32>} : memref<2x128x144xf32, #tpu.memory_space<vmem>>, vector<1x1x16xf32>,
        %swap3A_3663 = vector.shape_cast %swap3A_3662 : vector<1x1x16xf32> to vector<16xf32>
        %swap3A_3664 = vector.shape_cast %mul3A_3658 : vector<16xf32> to vector<1x1x16xf32>
        tpu.vector_store %arg8[%swap3A_3659, %swap3A_3660, %swap3A_3661], %swap3A_3664 {strides = array<i32>} : memref<2x128x144xf32, #tpu.memory_space<vmem>>, vector<1x1x16xf32>,
        %mul3A_3665 = arith.mulf %get3A_3119, %div3A_3622 : vector<16xf32>
        %swap3A_3666 = arith.index_cast %rem3A_2965 : i32 to index
        %swap3A_3667 = arith.index_cast %add3A_3084 : i32 to index
        %swap3A_3668 = arith.constant 96 : index
        %swap3A_3669 = tpu.vector_load %arg8[%swap3A_3666, %swap3A_3667, %swap3A_3668] {strides = array<i32>} : memref<2x128x144xf32, #tpu.memory_space<vmem>>, vector<1x1x16xf32>,
        %swap3A_3670 = vector.shape_cast %swap3A_3669 : vector<1x1x16xf32> to vector<16xf32>
        %swap3A_3671 = vector.shape_cast %mul3A_3665 : vector<16xf32> to vector<1x1x16xf32>
        tpu.vector_store %arg8[%swap3A_3666, %swap3A_3667, %swap3A_3668], %swap3A_3671 {strides = array<i32>} : memref<2x128x144xf32, #tpu.memory_space<vmem>>, vector<1x1x16xf32>,
        %mul3A_3672 = arith.mulf %get3A_3124, %div3A_3622 : vector<16xf32>
        %swap3A_3673 = arith.index_cast %rem3A_2965 : i32 to index
        %swap3A_3674 = arith.index_cast %add3A_3084 : i32 to index
        %swap3A_3675 = arith.constant 112 : index
        %swap3A_3676 = tpu.vector_load %arg8[%swap3A_3673, %swap3A_3674, %swap3A_3675] {strides = array<i32>} : memref<2x128x144xf32, #tpu.memory_space<vmem>>, vector<1x1x16xf32>,
        %swap3A_3677 = vector.shape_cast %swap3A_3676 : vector<1x1x16xf32> to vector<16xf32>
        %swap3A_3678 = vector.shape_cast %mul3A_3672 : vector<16xf32> to vector<1x1x16xf32>
        tpu.vector_store %arg8[%swap3A_3673, %swap3A_3674, %swap3A_3675], %swap3A_3678 {strides = array<i32>} : memref<2x128x144xf32, #tpu.memory_space<vmem>>, vector<1x1x16xf32>,
        %jit3A_3679 = arith.constant 0.000000e+00 : f32
        %broadcast_in_dim3A_3680 = vector.broadcast %jit3A_3679 : f32 to vector<16xf32>
        %select_n3A_3681 = arith.select %eq3A_2908, %div3A_3622, %broadcast_in_dim3A_3680 : vector<16xi1>, vector<16xf32>
        %swap3A_3682 = arith.index_cast %rem3A_2965 : i32 to index
        %swap3A_3683 = arith.index_cast %add3A_3084 : i32 to index
        %swap3A_3684 = arith.constant 128 : index
        %swap3A_3685 = tpu.vector_load %arg8[%swap3A_3682, %swap3A_3683, %swap3A_3684] {strides = array<i32>} : memref<2x128x144xf32, #tpu.memory_space<vmem>>, vector<1x1x16xf32>,
        %swap3A_3686 = vector.shape_cast %swap3A_3685 : vector<1x1x16xf32> to vector<16xf32>
        %swap3A_3687 = vector.shape_cast %select_n3A_3681 : vector<16xf32> to vector<1x1x16xf32>
        tpu.vector_store %arg8[%swap3A_3682, %swap3A_3683, %swap3A_3684], %swap3A_3687 {strides = array<i32>} : memref<2x128x144xf32, #tpu.memory_space<vmem>>, vector<1x1x16xf32>,
        %sc_lane_xor_perm3A_3688 = arith.constant 1 : i32
        %sc_lane_xor_perm3A_3689 = vector.broadcast %sc_lane_xor_perm3A_3688 : i32 to vector<16xi32>
        %sc_lane_xor_perm3A_3690 = tpu.iota {dimensions = array<i32: 0>} : vector<16xi32>
        %sc_lane_xor_perm3A_3691 = arith.xori %sc_lane_xor_perm3A_3689, %sc_lane_xor_perm3A_3690 : vector<16xi32>
        %sc_lane_xor_perm3A_3692 = tpu.dynamic_gather %add3A_3198[%sc_lane_xor_perm3A_3691] in [0] : vector<16xf32>, vector<16xi32> -> vector<16xf32>
        %add3A_3693 = arith.addf %add3A_3198, %sc_lane_xor_perm3A_3692 : vector<16xf32>
        %sc_lane_xor_perm3A_3694 = arith.constant 2 : i32
        %sc_lane_xor_perm3A_3695 = vector.broadcast %sc_lane_xor_perm3A_3694 : i32 to vector<16xi32>
        %sc_lane_xor_perm3A_3696 = tpu.iota {dimensions = array<i32: 0>} : vector<16xi32>
        %sc_lane_xor_perm3A_3697 = arith.xori %sc_lane_xor_perm3A_3695, %sc_lane_xor_perm3A_3696 : vector<16xi32>
        %sc_lane_xor_perm3A_3698 = tpu.dynamic_gather %add3A_3693[%sc_lane_xor_perm3A_3697] in [0] : vector<16xf32>, vector<16xi32> -> vector<16xf32>
        %add3A_3699 = arith.addf %add3A_3693, %sc_lane_xor_perm3A_3698 : vector<16xf32>
        %sc_lane_xor_perm3A_3700 = arith.constant 4 : i32
        %sc_lane_xor_perm3A_3701 = vector.broadcast %sc_lane_xor_perm3A_3700 : i32 to vector<16xi32>
        %sc_lane_xor_perm3A_3702 = tpu.iota {dimensions = array<i32: 0>} : vector<16xi32>
        %sc_lane_xor_perm3A_3703 = arith.xori %sc_lane_xor_perm3A_3701, %sc_lane_xor_perm3A_3702 : vector<16xi32>
        %sc_lane_xor_perm3A_3704 = tpu.dynamic_gather %add3A_3699[%sc_lane_xor_perm3A_3703] in [0] : vector<16xf32>, vector<16xi32> -> vector<16xf32>
        %add3A_3705 = arith.addf %add3A_3699, %sc_lane_xor_perm3A_3704 : vector<16xf32>
        %sc_lane_xor_perm3A_3706 = arith.constant 8 : i32
        %sc_lane_xor_perm3A_3707 = vector.broadcast %sc_lane_xor_perm3A_3706 : i32 to vector<16xi32>
        %sc_lane_xor_perm3A_3708 = tpu.iota {dimensions = array<i32: 0>} : vector<16xi32>
        %sc_lane_xor_perm3A_3709 = arith.xori %sc_lane_xor_perm3A_3707, %sc_lane_xor_perm3A_3708 : vector<16xi32>
        %sc_lane_xor_perm3A_3710 = tpu.dynamic_gather %add3A_3705[%sc_lane_xor_perm3A_3709] in [0] : vector<16xf32>, vector<16xi32> -> vector<16xf32>
        %add3A_3711 = arith.addf %add3A_3705, %sc_lane_xor_perm3A_3710 : vector<16xf32>
        %add3A_3712 = arith.addf %add3A_3711, %get3A_2906 : vector<16xf32>
        %neg3A_3713 = arith.constant 0.000000e+00 : f32
        %neg3A_3714 = vector.broadcast %neg3A_3713 : f32 to vector<16xf32>
        %neg3A_3715 = arith.subf %neg3A_3714, %add3A_3712 : vector<16xf32>
        %exp3A_3716 = math.exp %neg3A_3715 : vector<16xf32>
        %add3A_3717 = arith.constant 1.000000e+00 : f32
        %add3A_3718 = vector.broadcast %add3A_3717 : f32 to vector<16xf32>
        %add3A_3719 = arith.addf %add3A_3718, %exp3A_3716 : vector<16xf32>
        %div3A_3720 = arith.constant 1.000000e+00 : f32
        %div3A_3721 = vector.broadcast %div3A_3720 : f32 to vector<16xf32>
        %div3A_3722 = arith.divf %div3A_3721, %add3A_3719 : vector<16xf32>
        %mul3A_3723 = arith.mulf %get3A_3148, %div3A_3722 : vector<16xf32>
        %swap3A_3724 = arith.index_cast %rem3A_2965 : i32 to index
        %swap3A_3725 = arith.index_cast %add3A_3143 : i32 to index
        %swap3A_3726 = arith.constant 0 : index
        %swap3A_3727 = tpu.vector_load %arg8[%swap3A_3724, %swap3A_3725, %swap3A_3726] {strides = array<i32>} : memref<2x128x144xf32, #tpu.memory_space<vmem>>, vector<1x1x16xf32>,
        %swap3A_3728 = vector.shape_cast %swap3A_3727 : vector<1x1x16xf32> to vector<16xf32>
        %swap3A_3729 = vector.shape_cast %mul3A_3723 : vector<16xf32> to vector<1x1x16xf32>
        tpu.vector_store %arg8[%swap3A_3724, %swap3A_3725, %swap3A_3726], %swap3A_3729 {strides = array<i32>} : memref<2x128x144xf32, #tpu.memory_space<vmem>>, vector<1x1x16xf32>,
        %mul3A_3730 = arith.mulf %get3A_3153, %div3A_3722 : vector<16xf32>
        %swap3A_3731 = arith.index_cast %rem3A_2965 : i32 to index
        %swap3A_3732 = arith.index_cast %add3A_3143 : i32 to index
        %swap3A_3733 = arith.constant 16 : index
        %swap3A_3734 = tpu.vector_load %arg8[%swap3A_3731, %swap3A_3732, %swap3A_3733] {strides = array<i32>} : memref<2x128x144xf32, #tpu.memory_space<vmem>>, vector<1x1x16xf32>,
        %swap3A_3735 = vector.shape_cast %swap3A_3734 : vector<1x1x16xf32> to vector<16xf32>
        %swap3A_3736 = vector.shape_cast %mul3A_3730 : vector<16xf32> to vector<1x1x16xf32>
        tpu.vector_store %arg8[%swap3A_3731, %swap3A_3732, %swap3A_3733], %swap3A_3736 {strides = array<i32>} : memref<2x128x144xf32, #tpu.memory_space<vmem>>, vector<1x1x16xf32>,
        %mul3A_3737 = arith.mulf %get3A_3158, %div3A_3722 : vector<16xf32>
        %swap3A_3738 = arith.index_cast %rem3A_2965 : i32 to index
        %swap3A_3739 = arith.index_cast %add3A_3143 : i32 to index
        %swap3A_3740 = arith.constant 32 : index
        %swap3A_3741 = tpu.vector_load %arg8[%swap3A_3738, %swap3A_3739, %swap3A_3740] {strides = array<i32>} : memref<2x128x144xf32, #tpu.memory_space<vmem>>, vector<1x1x16xf32>,
        %swap3A_3742 = vector.shape_cast %swap3A_3741 : vector<1x1x16xf32> to vector<16xf32>
        %swap3A_3743 = vector.shape_cast %mul3A_3737 : vector<16xf32> to vector<1x1x16xf32>
        tpu.vector_store %arg8[%swap3A_3738, %swap3A_3739, %swap3A_3740], %swap3A_3743 {strides = array<i32>} : memref<2x128x144xf32, #tpu.memory_space<vmem>>, vector<1x1x16xf32>,
        %mul3A_3744 = arith.mulf %get3A_3163, %div3A_3722 : vector<16xf32>
        %swap3A_3745 = arith.index_cast %rem3A_2965 : i32 to index
        %swap3A_3746 = arith.index_cast %add3A_3143 : i32 to index
        %swap3A_3747 = arith.constant 48 : index
        %swap3A_3748 = tpu.vector_load %arg8[%swap3A_3745, %swap3A_3746, %swap3A_3747] {strides = array<i32>} : memref<2x128x144xf32, #tpu.memory_space<vmem>>, vector<1x1x16xf32>,
        %swap3A_3749 = vector.shape_cast %swap3A_3748 : vector<1x1x16xf32> to vector<16xf32>
        %swap3A_3750 = vector.shape_cast %mul3A_3744 : vector<16xf32> to vector<1x1x16xf32>
        tpu.vector_store %arg8[%swap3A_3745, %swap3A_3746, %swap3A_3747], %swap3A_3750 {strides = array<i32>} : memref<2x128x144xf32, #tpu.memory_space<vmem>>, vector<1x1x16xf32>,
        %mul3A_3751 = arith.mulf %get3A_3168, %div3A_3722 : vector<16xf32>
        %swap3A_3752 = arith.index_cast %rem3A_2965 : i32 to index
        %swap3A_3753 = arith.index_cast %add3A_3143 : i32 to index
        %swap3A_3754 = arith.constant 64 : index
        %swap3A_3755 = tpu.vector_load %arg8[%swap3A_3752, %swap3A_3753, %swap3A_3754] {strides = array<i32>} : memref<2x128x144xf32, #tpu.memory_space<vmem>>, vector<1x1x16xf32>,
        %swap3A_3756 = vector.shape_cast %swap3A_3755 : vector<1x1x16xf32> to vector<16xf32>
        %swap3A_3757 = vector.shape_cast %mul3A_3751 : vector<16xf32> to vector<1x1x16xf32>
        tpu.vector_store %arg8[%swap3A_3752, %swap3A_3753, %swap3A_3754], %swap3A_3757 {strides = array<i32>} : memref<2x128x144xf32, #tpu.memory_space<vmem>>, vector<1x1x16xf32>,
        %mul3A_3758 = arith.mulf %get3A_3173, %div3A_3722 : vector<16xf32>
        %swap3A_3759 = arith.index_cast %rem3A_2965 : i32 to index
        %swap3A_3760 = arith.index_cast %add3A_3143 : i32 to index
        %swap3A_3761 = arith.constant 80 : index
        %swap3A_3762 = tpu.vector_load %arg8[%swap3A_3759, %swap3A_3760, %swap3A_3761] {strides = array<i32>} : memref<2x128x144xf32, #tpu.memory_space<vmem>>, vector<1x1x16xf32>,
        %swap3A_3763 = vector.shape_cast %swap3A_3762 : vector<1x1x16xf32> to vector<16xf32>
        %swap3A_3764 = vector.shape_cast %mul3A_3758 : vector<16xf32> to vector<1x1x16xf32>
        tpu.vector_store %arg8[%swap3A_3759, %swap3A_3760, %swap3A_3761], %swap3A_3764 {strides = array<i32>} : memref<2x128x144xf32, #tpu.memory_space<vmem>>, vector<1x1x16xf32>,
        %mul3A_3765 = arith.mulf %get3A_3178, %div3A_3722 : vector<16xf32>
        %swap3A_3766 = arith.index_cast %rem3A_2965 : i32 to index
        %swap3A_3767 = arith.index_cast %add3A_3143 : i32 to index
        %swap3A_3768 = arith.constant 96 : index
        %swap3A_3769 = tpu.vector_load %arg8[%swap3A_3766, %swap3A_3767, %swap3A_3768] {strides = array<i32>} : memref<2x128x144xf32, #tpu.memory_space<vmem>>, vector<1x1x16xf32>,
        %swap3A_3770 = vector.shape_cast %swap3A_3769 : vector<1x1x16xf32> to vector<16xf32>
        %swap3A_3771 = vector.shape_cast %mul3A_3765 : vector<16xf32> to vector<1x1x16xf32>
        tpu.vector_store %arg8[%swap3A_3766, %swap3A_3767, %swap3A_3768], %swap3A_3771 {strides = array<i32>} : memref<2x128x144xf32, #tpu.memory_space<vmem>>, vector<1x1x16xf32>,
        %mul3A_3772 = arith.mulf %get3A_3183, %div3A_3722 : vector<16xf32>
        %swap3A_3773 = arith.index_cast %rem3A_2965 : i32 to index
        %swap3A_3774 = arith.index_cast %add3A_3143 : i32 to index
        %swap3A_3775 = arith.constant 112 : index
        %swap3A_3776 = tpu.vector_load %arg8[%swap3A_3773, %swap3A_3774, %swap3A_3775] {strides = array<i32>} : memref<2x128x144xf32, #tpu.memory_space<vmem>>, vector<1x1x16xf32>,
        %swap3A_3777 = vector.shape_cast %swap3A_3776 : vector<1x1x16xf32> to vector<16xf32>
        %swap3A_3778 = vector.shape_cast %mul3A_3772 : vector<16xf32> to vector<1x1x16xf32>
        tpu.vector_store %arg8[%swap3A_3773, %swap3A_3774, %swap3A_3775], %swap3A_3778 {strides = array<i32>} : memref<2x128x144xf32, #tpu.memory_space<vmem>>, vector<1x1x16xf32>,
        %jit3A_3779 = arith.constant 0.000000e+00 : f32
        %broadcast_in_dim3A_3780 = vector.broadcast %jit3A_3779 : f32 to vector<16xf32>
        %select_n3A_3781 = arith.select %eq3A_2908, %div3A_3722, %broadcast_in_dim3A_3780 : vector<16xi1>, vector<16xf32>
        %swap3A_3782 = arith.index_cast %rem3A_2965 : i32 to index
        %swap3A_3783 = arith.index_cast %add3A_3143 : i32 to index
        %swap3A_3784 = arith.constant 128 : index
        %swap3A_3785 = tpu.vector_load %arg8[%swap3A_3782, %swap3A_3783, %swap3A_3784] {strides = array<i32>} : memref<2x128x144xf32, #tpu.memory_space<vmem>>, vector<1x1x16xf32>,
        %swap3A_3786 = vector.shape_cast %swap3A_3785 : vector<1x1x16xf32> to vector<16xf32>
        %swap3A_3787 = vector.shape_cast %select_n3A_3781 : vector<16xf32> to vector<1x1x16xf32>
        tpu.vector_store %arg8[%swap3A_3782, %swap3A_3783, %swap3A_3784], %swap3A_3787 {strides = array<i32>} : memref<2x128x144xf32, #tpu.memory_space<vmem>>, vector<1x1x16xf32>,
        %sc_lane_xor_perm3A_3788 = arith.constant 1 : i32
        %sc_lane_xor_perm3A_3789 = vector.broadcast %sc_lane_xor_perm3A_3788 : i32 to vector<16xi32>
        %sc_lane_xor_perm3A_3790 = tpu.iota {dimensions = array<i32: 0>} : vector<16xi32>
        %sc_lane_xor_perm3A_3791 = arith.xori %sc_lane_xor_perm3A_3789, %sc_lane_xor_perm3A_3790 : vector<16xi32>
        %sc_lane_xor_perm3A_3792 = tpu.dynamic_gather %add3A_3257[%sc_lane_xor_perm3A_3791] in [0] : vector<16xf32>, vector<16xi32> -> vector<16xf32>
        %add3A_3793 = arith.addf %add3A_3257, %sc_lane_xor_perm3A_3792 : vector<16xf32>
        %sc_lane_xor_perm3A_3794 = arith.constant 2 : i32
        %sc_lane_xor_perm3A_3795 = vector.broadcast %sc_lane_xor_perm3A_3794 : i32 to vector<16xi32>
        %sc_lane_xor_perm3A_3796 = tpu.iota {dimensions = array<i32: 0>} : vector<16xi32>
        %sc_lane_xor_perm3A_3797 = arith.xori %sc_lane_xor_perm3A_3795, %sc_lane_xor_perm3A_3796 : vector<16xi32>
        %sc_lane_xor_perm3A_3798 = tpu.dynamic_gather %add3A_3793[%sc_lane_xor_perm3A_3797] in [0] : vector<16xf32>, vector<16xi32> -> vector<16xf32>
        %add3A_3799 = arith.addf %add3A_3793, %sc_lane_xor_perm3A_3798 : vector<16xf32>
        %sc_lane_xor_perm3A_3800 = arith.constant 4 : i32
        %sc_lane_xor_perm3A_3801 = vector.broadcast %sc_lane_xor_perm3A_3800 : i32 to vector<16xi32>
        %sc_lane_xor_perm3A_3802 = tpu.iota {dimensions = array<i32: 0>} : vector<16xi32>
        %sc_lane_xor_perm3A_3803 = arith.xori %sc_lane_xor_perm3A_3801, %sc_lane_xor_perm3A_3802 : vector<16xi32>
        %sc_lane_xor_perm3A_3804 = tpu.dynamic_gather %add3A_3799[%sc_lane_xor_perm3A_3803] in [0] : vector<16xf32>, vector<16xi32> -> vector<16xf32>
        %add3A_3805 = arith.addf %add3A_3799, %sc_lane_xor_perm3A_3804 : vector<16xf32>
        %sc_lane_xor_perm3A_3806 = arith.constant 8 : i32
        %sc_lane_xor_perm3A_3807 = vector.broadcast %sc_lane_xor_perm3A_3806 : i32 to vector<16xi32>
        %sc_lane_xor_perm3A_3808 = tpu.iota {dimensions = array<i32: 0>} : vector<16xi32>
        %sc_lane_xor_perm3A_3809 = arith.xori %sc_lane_xor_perm3A_3807, %sc_lane_xor_perm3A_3808 : vector<16xi32>
        %sc_lane_xor_perm3A_3810 = tpu.dynamic_gather %add3A_3805[%sc_lane_xor_perm3A_3809] in [0] : vector<16xf32>, vector<16xi32> -> vector<16xf32>
        %add3A_3811 = arith.addf %add3A_3805, %sc_lane_xor_perm3A_3810 : vector<16xf32>
        %add3A_3812 = arith.addf %add3A_3811, %get3A_2906 : vector<16xf32>
        %neg3A_3813 = arith.constant 0.000000e+00 : f32
        %neg3A_3814 = vector.broadcast %neg3A_3813 : f32 to vector<16xf32>
        %neg3A_3815 = arith.subf %neg3A_3814, %add3A_3812 : vector<16xf32>
        %exp3A_3816 = math.exp %neg3A_3815 : vector<16xf32>
        %add3A_3817 = arith.constant 1.000000e+00 : f32
        %add3A_3818 = vector.broadcast %add3A_3817 : f32 to vector<16xf32>
        %add3A_3819 = arith.addf %add3A_3818, %exp3A_3816 : vector<16xf32>
        %div3A_3820 = arith.constant 1.000000e+00 : f32
        %div3A_3821 = vector.broadcast %div3A_3820 : f32 to vector<16xf32>
        %div3A_3822 = arith.divf %div3A_3821, %add3A_3819 : vector<16xf32>
        %mul3A_3823 = arith.mulf %get3A_3207, %div3A_3822 : vector<16xf32>
        %swap3A_3824 = arith.index_cast %rem3A_2965 : i32 to index
        %swap3A_3825 = arith.index_cast %add3A_3202 : i32 to index
        %swap3A_3826 = arith.constant 0 : index
        %swap3A_3827 = tpu.vector_load %arg8[%swap3A_3824, %swap3A_3825, %swap3A_3826] {strides = array<i32>} : memref<2x128x144xf32, #tpu.memory_space<vmem>>, vector<1x1x16xf32>,
        %swap3A_3828 = vector.shape_cast %swap3A_3827 : vector<1x1x16xf32> to vector<16xf32>
        %swap3A_3829 = vector.shape_cast %mul3A_3823 : vector<16xf32> to vector<1x1x16xf32>
        tpu.vector_store %arg8[%swap3A_3824, %swap3A_3825, %swap3A_3826], %swap3A_3829 {strides = array<i32>} : memref<2x128x144xf32, #tpu.memory_space<vmem>>, vector<1x1x16xf32>,
        %mul3A_3830 = arith.mulf %get3A_3212, %div3A_3822 : vector<16xf32>
        %swap3A_3831 = arith.index_cast %rem3A_2965 : i32 to index
        %swap3A_3832 = arith.index_cast %add3A_3202 : i32 to index
        %swap3A_3833 = arith.constant 16 : index
        %swap3A_3834 = tpu.vector_load %arg8[%swap3A_3831, %swap3A_3832, %swap3A_3833] {strides = array<i32>} : memref<2x128x144xf32, #tpu.memory_space<vmem>>, vector<1x1x16xf32>,
        %swap3A_3835 = vector.shape_cast %swap3A_3834 : vector<1x1x16xf32> to vector<16xf32>
        %swap3A_3836 = vector.shape_cast %mul3A_3830 : vector<16xf32> to vector<1x1x16xf32>
        tpu.vector_store %arg8[%swap3A_3831, %swap3A_3832, %swap3A_3833], %swap3A_3836 {strides = array<i32>} : memref<2x128x144xf32, #tpu.memory_space<vmem>>, vector<1x1x16xf32>,
        %mul3A_3837 = arith.mulf %get3A_3217, %div3A_3822 : vector<16xf32>
        %swap3A_3838 = arith.index_cast %rem3A_2965 : i32 to index
        %swap3A_3839 = arith.index_cast %add3A_3202 : i32 to index
        %swap3A_3840 = arith.constant 32 : index
        %swap3A_3841 = tpu.vector_load %arg8[%swap3A_3838, %swap3A_3839, %swap3A_3840] {strides = array<i32>} : memref<2x128x144xf32, #tpu.memory_space<vmem>>, vector<1x1x16xf32>,
        %swap3A_3842 = vector.shape_cast %swap3A_3841 : vector<1x1x16xf32> to vector<16xf32>
        %swap3A_3843 = vector.shape_cast %mul3A_3837 : vector<16xf32> to vector<1x1x16xf32>
        tpu.vector_store %arg8[%swap3A_3838, %swap3A_3839, %swap3A_3840], %swap3A_3843 {strides = array<i32>} : memref<2x128x144xf32, #tpu.memory_space<vmem>>, vector<1x1x16xf32>,
        %mul3A_3844 = arith.mulf %get3A_3222, %div3A_3822 : vector<16xf32>
        %swap3A_3845 = arith.index_cast %rem3A_2965 : i32 to index
        %swap3A_3846 = arith.index_cast %add3A_3202 : i32 to index
        %swap3A_3847 = arith.constant 48 : index
        %swap3A_3848 = tpu.vector_load %arg8[%swap3A_3845, %swap3A_3846, %swap3A_3847] {strides = array<i32>} : memref<2x128x144xf32, #tpu.memory_space<vmem>>, vector<1x1x16xf32>,
        %swap3A_3849 = vector.shape_cast %swap3A_3848 : vector<1x1x16xf32> to vector<16xf32>
        %swap3A_3850 = vector.shape_cast %mul3A_3844 : vector<16xf32> to vector<1x1x16xf32>
        tpu.vector_store %arg8[%swap3A_3845, %swap3A_3846, %swap3A_3847], %swap3A_3850 {strides = array<i32>} : memref<2x128x144xf32, #tpu.memory_space<vmem>>, vector<1x1x16xf32>,
        %mul3A_3851 = arith.mulf %get3A_3227, %div3A_3822 : vector<16xf32>
        %swap3A_3852 = arith.index_cast %rem3A_2965 : i32 to index
        %swap3A_3853 = arith.index_cast %add3A_3202 : i32 to index
        %swap3A_3854 = arith.constant 64 : index
        %swap3A_3855 = tpu.vector_load %arg8[%swap3A_3852, %swap3A_3853, %swap3A_3854] {strides = array<i32>} : memref<2x128x144xf32, #tpu.memory_space<vmem>>, vector<1x1x16xf32>,
        %swap3A_3856 = vector.shape_cast %swap3A_3855 : vector<1x1x16xf32> to vector<16xf32>
        %swap3A_3857 = vector.shape_cast %mul3A_3851 : vector<16xf32> to vector<1x1x16xf32>
        tpu.vector_store %arg8[%swap3A_3852, %swap3A_3853, %swap3A_3854], %swap3A_3857 {strides = array<i32>} : memref<2x128x144xf32, #tpu.memory_space<vmem>>, vector<1x1x16xf32>,
        %mul3A_3858 = arith.mulf %get3A_3232, %div3A_3822 : vector<16xf32>
        %swap3A_3859 = arith.index_cast %rem3A_2965 : i32 to index
        %swap3A_3860 = arith.index_cast %add3A_3202 : i32 to index
        %swap3A_3861 = arith.constant 80 : index
        %swap3A_3862 = tpu.vector_load %arg8[%swap3A_3859, %swap3A_3860, %swap3A_3861] {strides = array<i32>} : memref<2x128x144xf32, #tpu.memory_space<vmem>>, vector<1x1x16xf32>,
        %swap3A_3863 = vector.shape_cast %swap3A_3862 : vector<1x1x16xf32> to vector<16xf32>
        %swap3A_3864 = vector.shape_cast %mul3A_3858 : vector<16xf32> to vector<1x1x16xf32>
        tpu.vector_store %arg8[%swap3A_3859, %swap3A_3860, %swap3A_3861], %swap3A_3864 {strides = array<i32>} : memref<2x128x144xf32, #tpu.memory_space<vmem>>, vector<1x1x16xf32>,
        %mul3A_3865 = arith.mulf %get3A_3237, %div3A_3822 : vector<16xf32>
        %swap3A_3866 = arith.index_cast %rem3A_2965 : i32 to index
        %swap3A_3867 = arith.index_cast %add3A_3202 : i32 to index
        %swap3A_3868 = arith.constant 96 : index
        %swap3A_3869 = tpu.vector_load %arg8[%swap3A_3866, %swap3A_3867, %swap3A_3868] {strides = array<i32>} : memref<2x128x144xf32, #tpu.memory_space<vmem>>, vector<1x1x16xf32>,
        %swap3A_3870 = vector.shape_cast %swap3A_3869 : vector<1x1x16xf32> to vector<16xf32>
        %swap3A_3871 = vector.shape_cast %mul3A_3865 : vector<16xf32> to vector<1x1x16xf32>
        tpu.vector_store %arg8[%swap3A_3866, %swap3A_3867, %swap3A_3868], %swap3A_3871 {strides = array<i32>} : memref<2x128x144xf32, #tpu.memory_space<vmem>>, vector<1x1x16xf32>,
        %mul3A_3872 = arith.mulf %get3A_3242, %div3A_3822 : vector<16xf32>
        %swap3A_3873 = arith.index_cast %rem3A_2965 : i32 to index
        %swap3A_3874 = arith.index_cast %add3A_3202 : i32 to index
        %swap3A_3875 = arith.constant 112 : index
        %swap3A_3876 = tpu.vector_load %arg8[%swap3A_3873, %swap3A_3874, %swap3A_3875] {strides = array<i32>} : memref<2x128x144xf32, #tpu.memory_space<vmem>>, vector<1x1x16xf32>,
        %swap3A_3877 = vector.shape_cast %swap3A_3876 : vector<1x1x16xf32> to vector<16xf32>
        %swap3A_3878 = vector.shape_cast %mul3A_3872 : vector<16xf32> to vector<1x1x16xf32>
        tpu.vector_store %arg8[%swap3A_3873, %swap3A_3874, %swap3A_3875], %swap3A_3878 {strides = array<i32>} : memref<2x128x144xf32, #tpu.memory_space<vmem>>, vector<1x1x16xf32>,
        %jit3A_3879 = arith.constant 0.000000e+00 : f32
        %broadcast_in_dim3A_3880 = vector.broadcast %jit3A_3879 : f32 to vector<16xf32>
        %select_n3A_3881 = arith.select %eq3A_2908, %div3A_3822, %broadcast_in_dim3A_3880 : vector<16xi1>, vector<16xf32>
        %swap3A_3882 = arith.index_cast %rem3A_2965 : i32 to index
        %swap3A_3883 = arith.index_cast %add3A_3202 : i32 to index
        %swap3A_3884 = arith.constant 128 : index
        %swap3A_3885 = tpu.vector_load %arg8[%swap3A_3882, %swap3A_3883, %swap3A_3884] {strides = array<i32>} : memref<2x128x144xf32, #tpu.memory_space<vmem>>, vector<1x1x16xf32>,
        %swap3A_3886 = vector.shape_cast %swap3A_3885 : vector<1x1x16xf32> to vector<16xf32>
        %swap3A_3887 = vector.shape_cast %select_n3A_3881 : vector<16xf32> to vector<1x1x16xf32>
        tpu.vector_store %arg8[%swap3A_3882, %swap3A_3883, %swap3A_3884], %swap3A_3887 {strides = array<i32>} : memref<2x128x144xf32, #tpu.memory_space<vmem>>, vector<1x1x16xf32>,
        %sc_lane_xor_perm3A_3888 = arith.constant 1 : i32
        %sc_lane_xor_perm3A_3889 = vector.broadcast %sc_lane_xor_perm3A_3888 : i32 to vector<16xi32>
        %sc_lane_xor_perm3A_3890 = tpu.iota {dimensions = array<i32: 0>} : vector<16xi32>
        %sc_lane_xor_perm3A_3891 = arith.xori %sc_lane_xor_perm3A_3889, %sc_lane_xor_perm3A_3890 : vector<16xi32>
        %sc_lane_xor_perm3A_3892 = tpu.dynamic_gather %add3A_3316[%sc_lane_xor_perm3A_3891] in [0] : vector<16xf32>, vector<16xi32> -> vector<16xf32>
        %add3A_3893 = arith.addf %add3A_3316, %sc_lane_xor_perm3A_3892 : vector<16xf32>
        %sc_lane_xor_perm3A_3894 = arith.constant 2 : i32
        %sc_lane_xor_perm3A_3895 = vector.broadcast %sc_lane_xor_perm3A_3894 : i32 to vector<16xi32>
        %sc_lane_xor_perm3A_3896 = tpu.iota {dimensions = array<i32: 0>} : vector<16xi32>
        %sc_lane_xor_perm3A_3897 = arith.xori %sc_lane_xor_perm3A_3895, %sc_lane_xor_perm3A_3896 : vector<16xi32>
        %sc_lane_xor_perm3A_3898 = tpu.dynamic_gather %add3A_3893[%sc_lane_xor_perm3A_3897] in [0] : vector<16xf32>, vector<16xi32> -> vector<16xf32>
        %add3A_3899 = arith.addf %add3A_3893, %sc_lane_xor_perm3A_3898 : vector<16xf32>
        %sc_lane_xor_perm3A_3900 = arith.constant 4 : i32
        %sc_lane_xor_perm3A_3901 = vector.broadcast %sc_lane_xor_perm3A_3900 : i32 to vector<16xi32>
        %sc_lane_xor_perm3A_3902 = tpu.iota {dimensions = array<i32: 0>} : vector<16xi32>
        %sc_lane_xor_perm3A_3903 = arith.xori %sc_lane_xor_perm3A_3901, %sc_lane_xor_perm3A_3902 : vector<16xi32>
        %sc_lane_xor_perm3A_3904 = tpu.dynamic_gather %add3A_3899[%sc_lane_xor_perm3A_3903] in [0] : vector<16xf32>, vector<16xi32> -> vector<16xf32>
        %add3A_3905 = arith.addf %add3A_3899, %sc_lane_xor_perm3A_3904 : vector<16xf32>
        %sc_lane_xor_perm3A_3906 = arith.constant 8 : i32
        %sc_lane_xor_perm3A_3907 = vector.broadcast %sc_lane_xor_perm3A_3906 : i32 to vector<16xi32>
        %sc_lane_xor_perm3A_3908 = tpu.iota {dimensions = array<i32: 0>} : vector<16xi32>
        %sc_lane_xor_perm3A_3909 = arith.xori %sc_lane_xor_perm3A_3907, %sc_lane_xor_perm3A_3908 : vector<16xi32>
        %sc_lane_xor_perm3A_3910 = tpu.dynamic_gather %add3A_3905[%sc_lane_xor_perm3A_3909] in [0] : vector<16xf32>, vector<16xi32> -> vector<16xf32>
        %add3A_3911 = arith.addf %add3A_3905, %sc_lane_xor_perm3A_3910 : vector<16xf32>
        %add3A_3912 = arith.addf %add3A_3911, %get3A_2906 : vector<16xf32>
        %neg3A_3913 = arith.constant 0.000000e+00 : f32
        %neg3A_3914 = vector.broadcast %neg3A_3913 : f32 to vector<16xf32>
        %neg3A_3915 = arith.subf %neg3A_3914, %add3A_3912 : vector<16xf32>
        %exp3A_3916 = math.exp %neg3A_3915 : vector<16xf32>
        %add3A_3917 = arith.constant 1.000000e+00 : f32
        %add3A_3918 = vector.broadcast %add3A_3917 : f32 to vector<16xf32>
        %add3A_3919 = arith.addf %add3A_3918, %exp3A_3916 : vector<16xf32>
        %div3A_3920 = arith.constant 1.000000e+00 : f32
        %div3A_3921 = vector.broadcast %div3A_3920 : f32 to vector<16xf32>
        %div3A_3922 = arith.divf %div3A_3921, %add3A_3919 : vector<16xf32>
        %mul3A_3923 = arith.mulf %get3A_3266, %div3A_3922 : vector<16xf32>
        %swap3A_3924 = arith.index_cast %rem3A_2965 : i32 to index
        %swap3A_3925 = arith.index_cast %add3A_3261 : i32 to index
        %swap3A_3926 = arith.constant 0 : index
        %swap3A_3927 = tpu.vector_load %arg8[%swap3A_3924, %swap3A_3925, %swap3A_3926] {strides = array<i32>} : memref<2x128x144xf32, #tpu.memory_space<vmem>>, vector<1x1x16xf32>,
        %swap3A_3928 = vector.shape_cast %swap3A_3927 : vector<1x1x16xf32> to vector<16xf32>
        %swap3A_3929 = vector.shape_cast %mul3A_3923 : vector<16xf32> to vector<1x1x16xf32>
        tpu.vector_store %arg8[%swap3A_3924, %swap3A_3925, %swap3A_3926], %swap3A_3929 {strides = array<i32>} : memref<2x128x144xf32, #tpu.memory_space<vmem>>, vector<1x1x16xf32>,
        %mul3A_3930 = arith.mulf %get3A_3271, %div3A_3922 : vector<16xf32>
        %swap3A_3931 = arith.index_cast %rem3A_2965 : i32 to index
        %swap3A_3932 = arith.index_cast %add3A_3261 : i32 to index
        %swap3A_3933 = arith.constant 16 : index
        %swap3A_3934 = tpu.vector_load %arg8[%swap3A_3931, %swap3A_3932, %swap3A_3933] {strides = array<i32>} : memref<2x128x144xf32, #tpu.memory_space<vmem>>, vector<1x1x16xf32>,
        %swap3A_3935 = vector.shape_cast %swap3A_3934 : vector<1x1x16xf32> to vector<16xf32>
        %swap3A_3936 = vector.shape_cast %mul3A_3930 : vector<16xf32> to vector<1x1x16xf32>
        tpu.vector_store %arg8[%swap3A_3931, %swap3A_3932, %swap3A_3933], %swap3A_3936 {strides = array<i32>} : memref<2x128x144xf32, #tpu.memory_space<vmem>>, vector<1x1x16xf32>,
        %mul3A_3937 = arith.mulf %get3A_3276, %div3A_3922 : vector<16xf32>
        %swap3A_3938 = arith.index_cast %rem3A_2965 : i32 to index
        %swap3A_3939 = arith.index_cast %add3A_3261 : i32 to index
        %swap3A_3940 = arith.constant 32 : index
        %swap3A_3941 = tpu.vector_load %arg8[%swap3A_3938, %swap3A_3939, %swap3A_3940] {strides = array<i32>} : memref<2x128x144xf32, #tpu.memory_space<vmem>>, vector<1x1x16xf32>,
        %swap3A_3942 = vector.shape_cast %swap3A_3941 : vector<1x1x16xf32> to vector<16xf32>
        %swap3A_3943 = vector.shape_cast %mul3A_3937 : vector<16xf32> to vector<1x1x16xf32>
        tpu.vector_store %arg8[%swap3A_3938, %swap3A_3939, %swap3A_3940], %swap3A_3943 {strides = array<i32>} : memref<2x128x144xf32, #tpu.memory_space<vmem>>, vector<1x1x16xf32>,
        %mul3A_3944 = arith.mulf %get3A_3281, %div3A_3922 : vector<16xf32>
        %swap3A_3945 = arith.index_cast %rem3A_2965 : i32 to index
        %swap3A_3946 = arith.index_cast %add3A_3261 : i32 to index
        %swap3A_3947 = arith.constant 48 : index
        %swap3A_3948 = tpu.vector_load %arg8[%swap3A_3945, %swap3A_3946, %swap3A_3947] {strides = array<i32>} : memref<2x128x144xf32, #tpu.memory_space<vmem>>, vector<1x1x16xf32>,
        %swap3A_3949 = vector.shape_cast %swap3A_3948 : vector<1x1x16xf32> to vector<16xf32>
        %swap3A_3950 = vector.shape_cast %mul3A_3944 : vector<16xf32> to vector<1x1x16xf32>
        tpu.vector_store %arg8[%swap3A_3945, %swap3A_3946, %swap3A_3947], %swap3A_3950 {strides = array<i32>} : memref<2x128x144xf32, #tpu.memory_space<vmem>>, vector<1x1x16xf32>,
        %mul3A_3951 = arith.mulf %get3A_3286, %div3A_3922 : vector<16xf32>
        %swap3A_3952 = arith.index_cast %rem3A_2965 : i32 to index
        %swap3A_3953 = arith.index_cast %add3A_3261 : i32 to index
        %swap3A_3954 = arith.constant 64 : index
        %swap3A_3955 = tpu.vector_load %arg8[%swap3A_3952, %swap3A_3953, %swap3A_3954] {strides = array<i32>} : memref<2x128x144xf32, #tpu.memory_space<vmem>>, vector<1x1x16xf32>,
        %swap3A_3956 = vector.shape_cast %swap3A_3955 : vector<1x1x16xf32> to vector<16xf32>
        %swap3A_3957 = vector.shape_cast %mul3A_3951 : vector<16xf32> to vector<1x1x16xf32>
        tpu.vector_store %arg8[%swap3A_3952, %swap3A_3953, %swap3A_3954], %swap3A_3957 {strides = array<i32>} : memref<2x128x144xf32, #tpu.memory_space<vmem>>, vector<1x1x16xf32>,
        %mul3A_3958 = arith.mulf %get3A_3291, %div3A_3922 : vector<16xf32>
        %swap3A_3959 = arith.index_cast %rem3A_2965 : i32 to index
        %swap3A_3960 = arith.index_cast %add3A_3261 : i32 to index
        %swap3A_3961 = arith.constant 80 : index
        %swap3A_3962 = tpu.vector_load %arg8[%swap3A_3959, %swap3A_3960, %swap3A_3961] {strides = array<i32>} : memref<2x128x144xf32, #tpu.memory_space<vmem>>, vector<1x1x16xf32>,
        %swap3A_3963 = vector.shape_cast %swap3A_3962 : vector<1x1x16xf32> to vector<16xf32>
        %swap3A_3964 = vector.shape_cast %mul3A_3958 : vector<16xf32> to vector<1x1x16xf32>
        tpu.vector_store %arg8[%swap3A_3959, %swap3A_3960, %swap3A_3961], %swap3A_3964 {strides = array<i32>} : memref<2x128x144xf32, #tpu.memory_space<vmem>>, vector<1x1x16xf32>,
        %mul3A_3965 = arith.mulf %get3A_3296, %div3A_3922 : vector<16xf32>
        %swap3A_3966 = arith.index_cast %rem3A_2965 : i32 to index
        %swap3A_3967 = arith.index_cast %add3A_3261 : i32 to index
        %swap3A_3968 = arith.constant 96 : index
        %swap3A_3969 = tpu.vector_load %arg8[%swap3A_3966, %swap3A_3967, %swap3A_3968] {strides = array<i32>} : memref<2x128x144xf32, #tpu.memory_space<vmem>>, vector<1x1x16xf32>,
        %swap3A_3970 = vector.shape_cast %swap3A_3969 : vector<1x1x16xf32> to vector<16xf32>
        %swap3A_3971 = vector.shape_cast %mul3A_3965 : vector<16xf32> to vector<1x1x16xf32>
        tpu.vector_store %arg8[%swap3A_3966, %swap3A_3967, %swap3A_3968], %swap3A_3971 {strides = array<i32>} : memref<2x128x144xf32, #tpu.memory_space<vmem>>, vector<1x1x16xf32>,
        %mul3A_3972 = arith.mulf %get3A_3301, %div3A_3922 : vector<16xf32>
        %swap3A_3973 = arith.index_cast %rem3A_2965 : i32 to index
        %swap3A_3974 = arith.index_cast %add3A_3261 : i32 to index
        %swap3A_3975 = arith.constant 112 : index
        %swap3A_3976 = tpu.vector_load %arg8[%swap3A_3973, %swap3A_3974, %swap3A_3975] {strides = array<i32>} : memref<2x128x144xf32, #tpu.memory_space<vmem>>, vector<1x1x16xf32>,
        %swap3A_3977 = vector.shape_cast %swap3A_3976 : vector<1x1x16xf32> to vector<16xf32>
        %swap3A_3978 = vector.shape_cast %mul3A_3972 : vector<16xf32> to vector<1x1x16xf32>
        tpu.vector_store %arg8[%swap3A_3973, %swap3A_3974, %swap3A_3975], %swap3A_3978 {strides = array<i32>} : memref<2x128x144xf32, #tpu.memory_space<vmem>>, vector<1x1x16xf32>,
        %jit3A_3979 = arith.constant 0.000000e+00 : f32
        %broadcast_in_dim3A_3980 = vector.broadcast %jit3A_3979 : f32 to vector<16xf32>
        %select_n3A_3981 = arith.select %eq3A_2908, %div3A_3922, %broadcast_in_dim3A_3980 : vector<16xi1>, vector<16xf32>
        %swap3A_3982 = arith.index_cast %rem3A_2965 : i32 to index
        %swap3A_3983 = arith.index_cast %add3A_3261 : i32 to index
        %swap3A_3984 = arith.constant 128 : index
        %swap3A_3985 = tpu.vector_load %arg8[%swap3A_3982, %swap3A_3983, %swap3A_3984] {strides = array<i32>} : memref<2x128x144xf32, #tpu.memory_space<vmem>>, vector<1x1x16xf32>,
        %swap3A_3986 = vector.shape_cast %swap3A_3985 : vector<1x1x16xf32> to vector<16xf32>
        %swap3A_3987 = vector.shape_cast %select_n3A_3981 : vector<16xf32> to vector<1x1x16xf32>
        tpu.vector_store %arg8[%swap3A_3982, %swap3A_3983, %swap3A_3984], %swap3A_3987 {strides = array<i32>} : memref<2x128x144xf32, #tpu.memory_space<vmem>>, vector<1x1x16xf32>,
        %sc_lane_xor_perm3A_3988 = arith.constant 1 : i32
        %sc_lane_xor_perm3A_3989 = vector.broadcast %sc_lane_xor_perm3A_3988 : i32 to vector<16xi32>
        %sc_lane_xor_perm3A_3990 = tpu.iota {dimensions = array<i32: 0>} : vector<16xi32>
        %sc_lane_xor_perm3A_3991 = arith.xori %sc_lane_xor_perm3A_3989, %sc_lane_xor_perm3A_3990 : vector<16xi32>
        %sc_lane_xor_perm3A_3992 = tpu.dynamic_gather %add3A_3375[%sc_lane_xor_perm3A_3991] in [0] : vector<16xf32>, vector<16xi32> -> vector<16xf32>
        %add3A_3993 = arith.addf %add3A_3375, %sc_lane_xor_perm3A_3992 : vector<16xf32>
        %sc_lane_xor_perm3A_3994 = arith.constant 2 : i32
        %sc_lane_xor_perm3A_3995 = vector.broadcast %sc_lane_xor_perm3A_3994 : i32 to vector<16xi32>
        %sc_lane_xor_perm3A_3996 = tpu.iota {dimensions = array<i32: 0>} : vector<16xi32>
        %sc_lane_xor_perm3A_3997 = arith.xori %sc_lane_xor_perm3A_3995, %sc_lane_xor_perm3A_3996 : vector<16xi32>
        %sc_lane_xor_perm3A_3998 = tpu.dynamic_gather %add3A_3993[%sc_lane_xor_perm3A_3997] in [0] : vector<16xf32>, vector<16xi32> -> vector<16xf32>
        %add3A_3999 = arith.addf %add3A_3993, %sc_lane_xor_perm3A_3998 : vector<16xf32>
        %sc_lane_xor_perm3A_4000 = arith.constant 4 : i32
        %sc_lane_xor_perm3A_4001 = vector.broadcast %sc_lane_xor_perm3A_4000 : i32 to vector<16xi32>
        %sc_lane_xor_perm3A_4002 = tpu.iota {dimensions = array<i32: 0>} : vector<16xi32>
        %sc_lane_xor_perm3A_4003 = arith.xori %sc_lane_xor_perm3A_4001, %sc_lane_xor_perm3A_4002 : vector<16xi32>
        %sc_lane_xor_perm3A_4004 = tpu.dynamic_gather %add3A_3999[%sc_lane_xor_perm3A_4003] in [0] : vector<16xf32>, vector<16xi32> -> vector<16xf32>
        %add3A_4005 = arith.addf %add3A_3999, %sc_lane_xor_perm3A_4004 : vector<16xf32>
        %sc_lane_xor_perm3A_4006 = arith.constant 8 : i32
        %sc_lane_xor_perm3A_4007 = vector.broadcast %sc_lane_xor_perm3A_4006 : i32 to vector<16xi32>
        %sc_lane_xor_perm3A_4008 = tpu.iota {dimensions = array<i32: 0>} : vector<16xi32>
        %sc_lane_xor_perm3A_4009 = arith.xori %sc_lane_xor_perm3A_4007, %sc_lane_xor_perm3A_4008 : vector<16xi32>
        %sc_lane_xor_perm3A_4010 = tpu.dynamic_gather %add3A_4005[%sc_lane_xor_perm3A_4009] in [0] : vector<16xf32>, vector<16xi32> -> vector<16xf32>
        %add3A_4011 = arith.addf %add3A_4005, %sc_lane_xor_perm3A_4010 : vector<16xf32>
        %add3A_4012 = arith.addf %add3A_4011, %get3A_2906 : vector<16xf32>
        %neg3A_4013 = arith.constant 0.000000e+00 : f32
        %neg3A_4014 = vector.broadcast %neg3A_4013 : f32 to vector<16xf32>
        %neg3A_4015 = arith.subf %neg3A_4014, %add3A_4012 : vector<16xf32>
        %exp3A_4016 = math.exp %neg3A_4015 : vector<16xf32>
        %add3A_4017 = arith.constant 1.000000e+00 : f32
        %add3A_4018 = vector.broadcast %add3A_4017 : f32 to vector<16xf32>
        %add3A_4019 = arith.addf %add3A_4018, %exp3A_4016 : vector<16xf32>
        %div3A_4020 = arith.constant 1.000000e+00 : f32
        %div3A_4021 = vector.broadcast %div3A_4020 : f32 to vector<16xf32>
        %div3A_4022 = arith.divf %div3A_4021, %add3A_4019 : vector<16xf32>
        %mul3A_4023 = arith.mulf %get3A_3325, %div3A_4022 : vector<16xf32>
        %swap3A_4024 = arith.index_cast %rem3A_2965 : i32 to index
        %swap3A_4025 = arith.index_cast %add3A_3320 : i32 to index
        %swap3A_4026 = arith.constant 0 : index
        %swap3A_4027 = tpu.vector_load %arg8[%swap3A_4024, %swap3A_4025, %swap3A_4026] {strides = array<i32>} : memref<2x128x144xf32, #tpu.memory_space<vmem>>, vector<1x1x16xf32>,
        %swap3A_4028 = vector.shape_cast %swap3A_4027 : vector<1x1x16xf32> to vector<16xf32>
        %swap3A_4029 = vector.shape_cast %mul3A_4023 : vector<16xf32> to vector<1x1x16xf32>
        tpu.vector_store %arg8[%swap3A_4024, %swap3A_4025, %swap3A_4026], %swap3A_4029 {strides = array<i32>} : memref<2x128x144xf32, #tpu.memory_space<vmem>>, vector<1x1x16xf32>,
        %mul3A_4030 = arith.mulf %get3A_3330, %div3A_4022 : vector<16xf32>
        %swap3A_4031 = arith.index_cast %rem3A_2965 : i32 to index
        %swap3A_4032 = arith.index_cast %add3A_3320 : i32 to index
        %swap3A_4033 = arith.constant 16 : index
        %swap3A_4034 = tpu.vector_load %arg8[%swap3A_4031, %swap3A_4032, %swap3A_4033] {strides = array<i32>} : memref<2x128x144xf32, #tpu.memory_space<vmem>>, vector<1x1x16xf32>,
        %swap3A_4035 = vector.shape_cast %swap3A_4034 : vector<1x1x16xf32> to vector<16xf32>
        %swap3A_4036 = vector.shape_cast %mul3A_4030 : vector<16xf32> to vector<1x1x16xf32>
        tpu.vector_store %arg8[%swap3A_4031, %swap3A_4032, %swap3A_4033], %swap3A_4036 {strides = array<i32>} : memref<2x128x144xf32, #tpu.memory_space<vmem>>, vector<1x1x16xf32>,
        %mul3A_4037 = arith.mulf %get3A_3335, %div3A_4022 : vector<16xf32>
        %swap3A_4038 = arith.index_cast %rem3A_2965 : i32 to index
        %swap3A_4039 = arith.index_cast %add3A_3320 : i32 to index
        %swap3A_4040 = arith.constant 32 : index
        %swap3A_4041 = tpu.vector_load %arg8[%swap3A_4038, %swap3A_4039, %swap3A_4040] {strides = array<i32>} : memref<2x128x144xf32, #tpu.memory_space<vmem>>, vector<1x1x16xf32>,
        %swap3A_4042 = vector.shape_cast %swap3A_4041 : vector<1x1x16xf32> to vector<16xf32>
        %swap3A_4043 = vector.shape_cast %mul3A_4037 : vector<16xf32> to vector<1x1x16xf32>
        tpu.vector_store %arg8[%swap3A_4038, %swap3A_4039, %swap3A_4040], %swap3A_4043 {strides = array<i32>} : memref<2x128x144xf32, #tpu.memory_space<vmem>>, vector<1x1x16xf32>,
        %mul3A_4044 = arith.mulf %get3A_3340, %div3A_4022 : vector<16xf32>
        %swap3A_4045 = arith.index_cast %rem3A_2965 : i32 to index
        %swap3A_4046 = arith.index_cast %add3A_3320 : i32 to index
        %swap3A_4047 = arith.constant 48 : index
        %swap3A_4048 = tpu.vector_load %arg8[%swap3A_4045, %swap3A_4046, %swap3A_4047] {strides = array<i32>} : memref<2x128x144xf32, #tpu.memory_space<vmem>>, vector<1x1x16xf32>,
        %swap3A_4049 = vector.shape_cast %swap3A_4048 : vector<1x1x16xf32> to vector<16xf32>
        %swap3A_4050 = vector.shape_cast %mul3A_4044 : vector<16xf32> to vector<1x1x16xf32>
        tpu.vector_store %arg8[%swap3A_4045, %swap3A_4046, %swap3A_4047], %swap3A_4050 {strides = array<i32>} : memref<2x128x144xf32, #tpu.memory_space<vmem>>, vector<1x1x16xf32>,
        %mul3A_4051 = arith.mulf %get3A_3345, %div3A_4022 : vector<16xf32>
        %swap3A_4052 = arith.index_cast %rem3A_2965 : i32 to index
        %swap3A_4053 = arith.index_cast %add3A_3320 : i32 to index
        %swap3A_4054 = arith.constant 64 : index
        %swap3A_4055 = tpu.vector_load %arg8[%swap3A_4052, %swap3A_4053, %swap3A_4054] {strides = array<i32>} : memref<2x128x144xf32, #tpu.memory_space<vmem>>, vector<1x1x16xf32>,
        %swap3A_4056 = vector.shape_cast %swap3A_4055 : vector<1x1x16xf32> to vector<16xf32>
        %swap3A_4057 = vector.shape_cast %mul3A_4051 : vector<16xf32> to vector<1x1x16xf32>
        tpu.vector_store %arg8[%swap3A_4052, %swap3A_4053, %swap3A_4054], %swap3A_4057 {strides = array<i32>} : memref<2x128x144xf32, #tpu.memory_space<vmem>>, vector<1x1x16xf32>,
        %mul3A_4058 = arith.mulf %get3A_3350, %div3A_4022 : vector<16xf32>
        %swap3A_4059 = arith.index_cast %rem3A_2965 : i32 to index
        %swap3A_4060 = arith.index_cast %add3A_3320 : i32 to index
        %swap3A_4061 = arith.constant 80 : index
        %swap3A_4062 = tpu.vector_load %arg8[%swap3A_4059, %swap3A_4060, %swap3A_4061] {strides = array<i32>} : memref<2x128x144xf32, #tpu.memory_space<vmem>>, vector<1x1x16xf32>,
        %swap3A_4063 = vector.shape_cast %swap3A_4062 : vector<1x1x16xf32> to vector<16xf32>
        %swap3A_4064 = vector.shape_cast %mul3A_4058 : vector<16xf32> to vector<1x1x16xf32>
        tpu.vector_store %arg8[%swap3A_4059, %swap3A_4060, %swap3A_4061], %swap3A_4064 {strides = array<i32>} : memref<2x128x144xf32, #tpu.memory_space<vmem>>, vector<1x1x16xf32>,
        %mul3A_4065 = arith.mulf %get3A_3355, %div3A_4022 : vector<16xf32>
        %swap3A_4066 = arith.index_cast %rem3A_2965 : i32 to index
        %swap3A_4067 = arith.index_cast %add3A_3320 : i32 to index
        %swap3A_4068 = arith.constant 96 : index
        %swap3A_4069 = tpu.vector_load %arg8[%swap3A_4066, %swap3A_4067, %swap3A_4068] {strides = array<i32>} : memref<2x128x144xf32, #tpu.memory_space<vmem>>, vector<1x1x16xf32>,
        %swap3A_4070 = vector.shape_cast %swap3A_4069 : vector<1x1x16xf32> to vector<16xf32>
        %swap3A_4071 = vector.shape_cast %mul3A_4065 : vector<16xf32> to vector<1x1x16xf32>
        tpu.vector_store %arg8[%swap3A_4066, %swap3A_4067, %swap3A_4068], %swap3A_4071 {strides = array<i32>} : memref<2x128x144xf32, #tpu.memory_space<vmem>>, vector<1x1x16xf32>,
        %mul3A_4072 = arith.mulf %get3A_3360, %div3A_4022 : vector<16xf32>
        %swap3A_4073 = arith.index_cast %rem3A_2965 : i32 to index
        %swap3A_4074 = arith.index_cast %add3A_3320 : i32 to index
        %swap3A_4075 = arith.constant 112 : index
        %swap3A_4076 = tpu.vector_load %arg8[%swap3A_4073, %swap3A_4074, %swap3A_4075] {strides = array<i32>} : memref<2x128x144xf32, #tpu.memory_space<vmem>>, vector<1x1x16xf32>,
        %swap3A_4077 = vector.shape_cast %swap3A_4076 : vector<1x1x16xf32> to vector<16xf32>
        %swap3A_4078 = vector.shape_cast %mul3A_4072 : vector<16xf32> to vector<1x1x16xf32>
        tpu.vector_store %arg8[%swap3A_4073, %swap3A_4074, %swap3A_4075], %swap3A_4078 {strides = array<i32>} : memref<2x128x144xf32, #tpu.memory_space<vmem>>, vector<1x1x16xf32>,
        %jit3A_4079 = arith.constant 0.000000e+00 : f32
        %broadcast_in_dim3A_4080 = vector.broadcast %jit3A_4079 : f32 to vector<16xf32>
        %select_n3A_4081 = arith.select %eq3A_2908, %div3A_4022, %broadcast_in_dim3A_4080 : vector<16xi1>, vector<16xf32>
        %swap3A_4082 = arith.index_cast %rem3A_2965 : i32 to index
        %swap3A_4083 = arith.index_cast %add3A_3320 : i32 to index
        %swap3A_4084 = arith.constant 128 : index
        %swap3A_4085 = tpu.vector_load %arg8[%swap3A_4082, %swap3A_4083, %swap3A_4084] {strides = array<i32>} : memref<2x128x144xf32, #tpu.memory_space<vmem>>, vector<1x1x16xf32>,
        %swap3A_4086 = vector.shape_cast %swap3A_4085 : vector<1x1x16xf32> to vector<16xf32>
        %swap3A_4087 = vector.shape_cast %select_n3A_4081 : vector<16xf32> to vector<1x1x16xf32>
        tpu.vector_store %arg8[%swap3A_4082, %swap3A_4083, %swap3A_4084], %swap3A_4087 {strides = array<i32>} : memref<2x128x144xf32, #tpu.memory_space<vmem>>, vector<1x1x16xf32>,
        %sc_lane_xor_perm3A_4088 = arith.constant 1 : i32
        %sc_lane_xor_perm3A_4089 = vector.broadcast %sc_lane_xor_perm3A_4088 : i32 to vector<16xi32>
        %sc_lane_xor_perm3A_4090 = tpu.iota {dimensions = array<i32: 0>} : vector<16xi32>
        %sc_lane_xor_perm3A_4091 = arith.xori %sc_lane_xor_perm3A_4089, %sc_lane_xor_perm3A_4090 : vector<16xi32>
        %sc_lane_xor_perm3A_4092 = tpu.dynamic_gather %add3A_3434[%sc_lane_xor_perm3A_4091] in [0] : vector<16xf32>, vector<16xi32> -> vector<16xf32>
        %add3A_4093 = arith.addf %add3A_3434, %sc_lane_xor_perm3A_4092 : vector<16xf32>
        %sc_lane_xor_perm3A_4094 = arith.constant 2 : i32
        %sc_lane_xor_perm3A_4095 = vector.broadcast %sc_lane_xor_perm3A_4094 : i32 to vector<16xi32>
        %sc_lane_xor_perm3A_4096 = tpu.iota {dimensions = array<i32: 0>} : vector<16xi32>
        %sc_lane_xor_perm3A_4097 = arith.xori %sc_lane_xor_perm3A_4095, %sc_lane_xor_perm3A_4096 : vector<16xi32>
        %sc_lane_xor_perm3A_4098 = tpu.dynamic_gather %add3A_4093[%sc_lane_xor_perm3A_4097] in [0] : vector<16xf32>, vector<16xi32> -> vector<16xf32>
        %add3A_4099 = arith.addf %add3A_4093, %sc_lane_xor_perm3A_4098 : vector<16xf32>
        %sc_lane_xor_perm3A_4100 = arith.constant 4 : i32
        %sc_lane_xor_perm3A_4101 = vector.broadcast %sc_lane_xor_perm3A_4100 : i32 to vector<16xi32>
        %sc_lane_xor_perm3A_4102 = tpu.iota {dimensions = array<i32: 0>} : vector<16xi32>
        %sc_lane_xor_perm3A_4103 = arith.xori %sc_lane_xor_perm3A_4101, %sc_lane_xor_perm3A_4102 : vector<16xi32>
        %sc_lane_xor_perm3A_4104 = tpu.dynamic_gather %add3A_4099[%sc_lane_xor_perm3A_4103] in [0] : vector<16xf32>, vector<16xi32> -> vector<16xf32>
        %add3A_4105 = arith.addf %add3A_4099, %sc_lane_xor_perm3A_4104 : vector<16xf32>
        %sc_lane_xor_perm3A_4106 = arith.constant 8 : i32
        %sc_lane_xor_perm3A_4107 = vector.broadcast %sc_lane_xor_perm3A_4106 : i32 to vector<16xi32>
        %sc_lane_xor_perm3A_4108 = tpu.iota {dimensions = array<i32: 0>} : vector<16xi32>
        %sc_lane_xor_perm3A_4109 = arith.xori %sc_lane_xor_perm3A_4107, %sc_lane_xor_perm3A_4108 : vector<16xi32>
        %sc_lane_xor_perm3A_4110 = tpu.dynamic_gather %add3A_4105[%sc_lane_xor_perm3A_4109] in [0] : vector<16xf32>, vector<16xi32> -> vector<16xf32>
        %add3A_4111 = arith.addf %add3A_4105, %sc_lane_xor_perm3A_4110 : vector<16xf32>
        %add3A_4112 = arith.addf %add3A_4111, %get3A_2906 : vector<16xf32>
        %neg3A_4113 = arith.constant 0.000000e+00 : f32
        %neg3A_4114 = vector.broadcast %neg3A_4113 : f32 to vector<16xf32>
        %neg3A_4115 = arith.subf %neg3A_4114, %add3A_4112 : vector<16xf32>
        %exp3A_4116 = math.exp %neg3A_4115 : vector<16xf32>
        %add3A_4117 = arith.constant 1.000000e+00 : f32
        %add3A_4118 = vector.broadcast %add3A_4117 : f32 to vector<16xf32>
        %add3A_4119 = arith.addf %add3A_4118, %exp3A_4116 : vector<16xf32>
        %div3A_4120 = arith.constant 1.000000e+00 : f32
        %div3A_4121 = vector.broadcast %div3A_4120 : f32 to vector<16xf32>
        %div3A_4122 = arith.divf %div3A_4121, %add3A_4119 : vector<16xf32>
        %mul3A_4123 = arith.mulf %get3A_3384, %div3A_4122 : vector<16xf32>
        %swap3A_4124 = arith.index_cast %rem3A_2965 : i32 to index
        %swap3A_4125 = arith.index_cast %add3A_3379 : i32 to index
        %swap3A_4126 = arith.constant 0 : index
        %swap3A_4127 = tpu.vector_load %arg8[%swap3A_4124, %swap3A_4125, %swap3A_4126] {strides = array<i32>} : memref<2x128x144xf32, #tpu.memory_space<vmem>>, vector<1x1x16xf32>,
        %swap3A_4128 = vector.shape_cast %swap3A_4127 : vector<1x1x16xf32> to vector<16xf32>
        %swap3A_4129 = vector.shape_cast %mul3A_4123 : vector<16xf32> to vector<1x1x16xf32>
        tpu.vector_store %arg8[%swap3A_4124, %swap3A_4125, %swap3A_4126], %swap3A_4129 {strides = array<i32>} : memref<2x128x144xf32, #tpu.memory_space<vmem>>, vector<1x1x16xf32>,
        %mul3A_4130 = arith.mulf %get3A_3389, %div3A_4122 : vector<16xf32>
        %swap3A_4131 = arith.index_cast %rem3A_2965 : i32 to index
        %swap3A_4132 = arith.index_cast %add3A_3379 : i32 to index
        %swap3A_4133 = arith.constant 16 : index
        %swap3A_4134 = tpu.vector_load %arg8[%swap3A_4131, %swap3A_4132, %swap3A_4133] {strides = array<i32>} : memref<2x128x144xf32, #tpu.memory_space<vmem>>, vector<1x1x16xf32>,
        %swap3A_4135 = vector.shape_cast %swap3A_4134 : vector<1x1x16xf32> to vector<16xf32>
        %swap3A_4136 = vector.shape_cast %mul3A_4130 : vector<16xf32> to vector<1x1x16xf32>
        tpu.vector_store %arg8[%swap3A_4131, %swap3A_4132, %swap3A_4133], %swap3A_4136 {strides = array<i32>} : memref<2x128x144xf32, #tpu.memory_space<vmem>>, vector<1x1x16xf32>,
        %mul3A_4137 = arith.mulf %get3A_3394, %div3A_4122 : vector<16xf32>
        %swap3A_4138 = arith.index_cast %rem3A_2965 : i32 to index
        %swap3A_4139 = arith.index_cast %add3A_3379 : i32 to index
        %swap3A_4140 = arith.constant 32 : index
        %swap3A_4141 = tpu.vector_load %arg8[%swap3A_4138, %swap3A_4139, %swap3A_4140] {strides = array<i32>} : memref<2x128x144xf32, #tpu.memory_space<vmem>>, vector<1x1x16xf32>,
        %swap3A_4142 = vector.shape_cast %swap3A_4141 : vector<1x1x16xf32> to vector<16xf32>
        %swap3A_4143 = vector.shape_cast %mul3A_4137 : vector<16xf32> to vector<1x1x16xf32>
        tpu.vector_store %arg8[%swap3A_4138, %swap3A_4139, %swap3A_4140], %swap3A_4143 {strides = array<i32>} : memref<2x128x144xf32, #tpu.memory_space<vmem>>, vector<1x1x16xf32>,
        %mul3A_4144 = arith.mulf %get3A_3399, %div3A_4122 : vector<16xf32>
        %swap3A_4145 = arith.index_cast %rem3A_2965 : i32 to index
        %swap3A_4146 = arith.index_cast %add3A_3379 : i32 to index
        %swap3A_4147 = arith.constant 48 : index
        %swap3A_4148 = tpu.vector_load %arg8[%swap3A_4145, %swap3A_4146, %swap3A_4147] {strides = array<i32>} : memref<2x128x144xf32, #tpu.memory_space<vmem>>, vector<1x1x16xf32>,
        %swap3A_4149 = vector.shape_cast %swap3A_4148 : vector<1x1x16xf32> to vector<16xf32>
        %swap3A_4150 = vector.shape_cast %mul3A_4144 : vector<16xf32> to vector<1x1x16xf32>
        tpu.vector_store %arg8[%swap3A_4145, %swap3A_4146, %swap3A_4147], %swap3A_4150 {strides = array<i32>} : memref<2x128x144xf32, #tpu.memory_space<vmem>>, vector<1x1x16xf32>,
        %mul3A_4151 = arith.mulf %get3A_3404, %div3A_4122 : vector<16xf32>
        %swap3A_4152 = arith.index_cast %rem3A_2965 : i32 to index
        %swap3A_4153 = arith.index_cast %add3A_3379 : i32 to index
        %swap3A_4154 = arith.constant 64 : index
        %swap3A_4155 = tpu.vector_load %arg8[%swap3A_4152, %swap3A_4153, %swap3A_4154] {strides = array<i32>} : memref<2x128x144xf32, #tpu.memory_space<vmem>>, vector<1x1x16xf32>,
        %swap3A_4156 = vector.shape_cast %swap3A_4155 : vector<1x1x16xf32> to vector<16xf32>
        %swap3A_4157 = vector.shape_cast %mul3A_4151 : vector<16xf32> to vector<1x1x16xf32>
        tpu.vector_store %arg8[%swap3A_4152, %swap3A_4153, %swap3A_4154], %swap3A_4157 {strides = array<i32>} : memref<2x128x144xf32, #tpu.memory_space<vmem>>, vector<1x1x16xf32>,
        %mul3A_4158 = arith.mulf %get3A_3409, %div3A_4122 : vector<16xf32>
        %swap3A_4159 = arith.index_cast %rem3A_2965 : i32 to index
        %swap3A_4160 = arith.index_cast %add3A_3379 : i32 to index
        %swap3A_4161 = arith.constant 80 : index
        %swap3A_4162 = tpu.vector_load %arg8[%swap3A_4159, %swap3A_4160, %swap3A_4161] {strides = array<i32>} : memref<2x128x144xf32, #tpu.memory_space<vmem>>, vector<1x1x16xf32>,
        %swap3A_4163 = vector.shape_cast %swap3A_4162 : vector<1x1x16xf32> to vector<16xf32>
        %swap3A_4164 = vector.shape_cast %mul3A_4158 : vector<16xf32> to vector<1x1x16xf32>
        tpu.vector_store %arg8[%swap3A_4159, %swap3A_4160, %swap3A_4161], %swap3A_4164 {strides = array<i32>} : memref<2x128x144xf32, #tpu.memory_space<vmem>>, vector<1x1x16xf32>,
        %mul3A_4165 = arith.mulf %get3A_3414, %div3A_4122 : vector<16xf32>
        %swap3A_4166 = arith.index_cast %rem3A_2965 : i32 to index
        %swap3A_4167 = arith.index_cast %add3A_3379 : i32 to index
        %swap3A_4168 = arith.constant 96 : index
        %swap3A_4169 = tpu.vector_load %arg8[%swap3A_4166, %swap3A_4167, %swap3A_4168] {strides = array<i32>} : memref<2x128x144xf32, #tpu.memory_space<vmem>>, vector<1x1x16xf32>,
        %swap3A_4170 = vector.shape_cast %swap3A_4169 : vector<1x1x16xf32> to vector<16xf32>
        %swap3A_4171 = vector.shape_cast %mul3A_4165 : vector<16xf32> to vector<1x1x16xf32>
        tpu.vector_store %arg8[%swap3A_4166, %swap3A_4167, %swap3A_4168], %swap3A_4171 {strides = array<i32>} : memref<2x128x144xf32, #tpu.memory_space<vmem>>, vector<1x1x16xf32>,
        %mul3A_4172 = arith.mulf %get3A_3419, %div3A_4122 : vector<16xf32>
        %swap3A_4173 = arith.index_cast %rem3A_2965 : i32 to index
        %swap3A_4174 = arith.index_cast %add3A_3379 : i32 to index
        %swap3A_4175 = arith.constant 112 : index
        %swap3A_4176 = tpu.vector_load %arg8[%swap3A_4173, %swap3A_4174, %swap3A_4175] {strides = array<i32>} : memref<2x128x144xf32, #tpu.memory_space<vmem>>, vector<1x1x16xf32>,
        %swap3A_4177 = vector.shape_cast %swap3A_4176 : vector<1x1x16xf32> to vector<16xf32>
        %swap3A_4178 = vector.shape_cast %mul3A_4172 : vector<16xf32> to vector<1x1x16xf32>
        tpu.vector_store %arg8[%swap3A_4173, %swap3A_4174, %swap3A_4175], %swap3A_4178 {strides = array<i32>} : memref<2x128x144xf32, #tpu.memory_space<vmem>>, vector<1x1x16xf32>,
        %jit3A_4179 = arith.constant 0.000000e+00 : f32
        %broadcast_in_dim3A_4180 = vector.broadcast %jit3A_4179 : f32 to vector<16xf32>
        %select_n3A_4181 = arith.select %eq3A_2908, %div3A_4122, %broadcast_in_dim3A_4180 : vector<16xi1>, vector<16xf32>
        %swap3A_4182 = arith.index_cast %rem3A_2965 : i32 to index
        %swap3A_4183 = arith.index_cast %add3A_3379 : i32 to index
        %swap3A_4184 = arith.constant 128 : index
        %swap3A_4185 = tpu.vector_load %arg8[%swap3A_4182, %swap3A_4183, %swap3A_4184] {strides = array<i32>} : memref<2x128x144xf32, #tpu.memory_space<vmem>>, vector<1x1x16xf32>,
        %swap3A_4186 = vector.shape_cast %swap3A_4185 : vector<1x1x16xf32> to vector<16xf32>
        %swap3A_4187 = vector.shape_cast %select_n3A_4181 : vector<16xf32> to vector<1x1x16xf32>
        tpu.vector_store %arg8[%swap3A_4182, %swap3A_4183, %swap3A_4184], %swap3A_4187 {strides = array<i32>} : memref<2x128x144xf32, #tpu.memory_space<vmem>>, vector<1x1x16xf32>,
        %sc_lane_xor_perm3A_4188 = arith.constant 1 : i32
        %sc_lane_xor_perm3A_4189 = vector.broadcast %sc_lane_xor_perm3A_4188 : i32 to vector<16xi32>
        %sc_lane_xor_perm3A_4190 = tpu.iota {dimensions = array<i32: 0>} : vector<16xi32>
        %sc_lane_xor_perm3A_4191 = arith.xori %sc_lane_xor_perm3A_4189, %sc_lane_xor_perm3A_4190 : vector<16xi32>
        %sc_lane_xor_perm3A_4192 = tpu.dynamic_gather %add3A_3493[%sc_lane_xor_perm3A_4191] in [0] : vector<16xf32>, vector<16xi32> -> vector<16xf32>
        %add3A_4193 = arith.addf %add3A_3493, %sc_lane_xor_perm3A_4192 : vector<16xf32>
        %sc_lane_xor_perm3A_4194 = arith.constant 2 : i32
        %sc_lane_xor_perm3A_4195 = vector.broadcast %sc_lane_xor_perm3A_4194 : i32 to vector<16xi32>
        %sc_lane_xor_perm3A_4196 = tpu.iota {dimensions = array<i32: 0>} : vector<16xi32>
        %sc_lane_xor_perm3A_4197 = arith.xori %sc_lane_xor_perm3A_4195, %sc_lane_xor_perm3A_4196 : vector<16xi32>
        %sc_lane_xor_perm3A_4198 = tpu.dynamic_gather %add3A_4193[%sc_lane_xor_perm3A_4197] in [0] : vector<16xf32>, vector<16xi32> -> vector<16xf32>
        %add3A_4199 = arith.addf %add3A_4193, %sc_lane_xor_perm3A_4198 : vector<16xf32>
        %sc_lane_xor_perm3A_4200 = arith.constant 4 : i32
        %sc_lane_xor_perm3A_4201 = vector.broadcast %sc_lane_xor_perm3A_4200 : i32 to vector<16xi32>
        %sc_lane_xor_perm3A_4202 = tpu.iota {dimensions = array<i32: 0>} : vector<16xi32>
        %sc_lane_xor_perm3A_4203 = arith.xori %sc_lane_xor_perm3A_4201, %sc_lane_xor_perm3A_4202 : vector<16xi32>
        %sc_lane_xor_perm3A_4204 = tpu.dynamic_gather %add3A_4199[%sc_lane_xor_perm3A_4203] in [0] : vector<16xf32>, vector<16xi32> -> vector<16xf32>
        %add3A_4205 = arith.addf %add3A_4199, %sc_lane_xor_perm3A_4204 : vector<16xf32>
        %sc_lane_xor_perm3A_4206 = arith.constant 8 : i32
        %sc_lane_xor_perm3A_4207 = vector.broadcast %sc_lane_xor_perm3A_4206 : i32 to vector<16xi32>
        %sc_lane_xor_perm3A_4208 = tpu.iota {dimensions = array<i32: 0>} : vector<16xi32>
        %sc_lane_xor_perm3A_4209 = arith.xori %sc_lane_xor_perm3A_4207, %sc_lane_xor_perm3A_4208 : vector<16xi32>
        %sc_lane_xor_perm3A_4210 = tpu.dynamic_gather %add3A_4205[%sc_lane_xor_perm3A_4209] in [0] : vector<16xf32>, vector<16xi32> -> vector<16xf32>
        %add3A_4211 = arith.addf %add3A_4205, %sc_lane_xor_perm3A_4210 : vector<16xf32>
        %add3A_4212 = arith.addf %add3A_4211, %get3A_2906 : vector<16xf32>
        %neg3A_4213 = arith.constant 0.000000e+00 : f32
        %neg3A_4214 = vector.broadcast %neg3A_4213 : f32 to vector<16xf32>
        %neg3A_4215 = arith.subf %neg3A_4214, %add3A_4212 : vector<16xf32>
        %exp3A_4216 = math.exp %neg3A_4215 : vector<16xf32>
        %add3A_4217 = arith.constant 1.000000e+00 : f32
        %add3A_4218 = vector.broadcast %add3A_4217 : f32 to vector<16xf32>
        %add3A_4219 = arith.addf %add3A_4218, %exp3A_4216 : vector<16xf32>
        %div3A_4220 = arith.constant 1.000000e+00 : f32
        %div3A_4221 = vector.broadcast %div3A_4220 : f32 to vector<16xf32>
        %div3A_4222 = arith.divf %div3A_4221, %add3A_4219 : vector<16xf32>
        %mul3A_4223 = arith.mulf %get3A_3443, %div3A_4222 : vector<16xf32>
        %swap3A_4224 = arith.index_cast %rem3A_2965 : i32 to index
        %swap3A_4225 = arith.index_cast %add3A_3438 : i32 to index
        %swap3A_4226 = arith.constant 0 : index
        %swap3A_4227 = tpu.vector_load %arg8[%swap3A_4224, %swap3A_4225, %swap3A_4226] {strides = array<i32>} : memref<2x128x144xf32, #tpu.memory_space<vmem>>, vector<1x1x16xf32>,
        %swap3A_4228 = vector.shape_cast %swap3A_4227 : vector<1x1x16xf32> to vector<16xf32>
        %swap3A_4229 = vector.shape_cast %mul3A_4223 : vector<16xf32> to vector<1x1x16xf32>
        tpu.vector_store %arg8[%swap3A_4224, %swap3A_4225, %swap3A_4226], %swap3A_4229 {strides = array<i32>} : memref<2x128x144xf32, #tpu.memory_space<vmem>>, vector<1x1x16xf32>,
        %mul3A_4230 = arith.mulf %get3A_3448, %div3A_4222 : vector<16xf32>
        %swap3A_4231 = arith.index_cast %rem3A_2965 : i32 to index
        %swap3A_4232 = arith.index_cast %add3A_3438 : i32 to index
        %swap3A_4233 = arith.constant 16 : index
        %swap3A_4234 = tpu.vector_load %arg8[%swap3A_4231, %swap3A_4232, %swap3A_4233] {strides = array<i32>} : memref<2x128x144xf32, #tpu.memory_space<vmem>>, vector<1x1x16xf32>,
        %swap3A_4235 = vector.shape_cast %swap3A_4234 : vector<1x1x16xf32> to vector<16xf32>
        %swap3A_4236 = vector.shape_cast %mul3A_4230 : vector<16xf32> to vector<1x1x16xf32>
        tpu.vector_store %arg8[%swap3A_4231, %swap3A_4232, %swap3A_4233], %swap3A_4236 {strides = array<i32>} : memref<2x128x144xf32, #tpu.memory_space<vmem>>, vector<1x1x16xf32>,
        %mul3A_4237 = arith.mulf %get3A_3453, %div3A_4222 : vector<16xf32>
        %swap3A_4238 = arith.index_cast %rem3A_2965 : i32 to index
        %swap3A_4239 = arith.index_cast %add3A_3438 : i32 to index
        %swap3A_4240 = arith.constant 32 : index
        %swap3A_4241 = tpu.vector_load %arg8[%swap3A_4238, %swap3A_4239, %swap3A_4240] {strides = array<i32>} : memref<2x128x144xf32, #tpu.memory_space<vmem>>, vector<1x1x16xf32>,
        %swap3A_4242 = vector.shape_cast %swap3A_4241 : vector<1x1x16xf32> to vector<16xf32>
        %swap3A_4243 = vector.shape_cast %mul3A_4237 : vector<16xf32> to vector<1x1x16xf32>
        tpu.vector_store %arg8[%swap3A_4238, %swap3A_4239, %swap3A_4240], %swap3A_4243 {strides = array<i32>} : memref<2x128x144xf32, #tpu.memory_space<vmem>>, vector<1x1x16xf32>,
        %mul3A_4244 = arith.mulf %get3A_3458, %div3A_4222 : vector<16xf32>
        %swap3A_4245 = arith.index_cast %rem3A_2965 : i32 to index
        %swap3A_4246 = arith.index_cast %add3A_3438 : i32 to index
        %swap3A_4247 = arith.constant 48 : index
        %swap3A_4248 = tpu.vector_load %arg8[%swap3A_4245, %swap3A_4246, %swap3A_4247] {strides = array<i32>} : memref<2x128x144xf32, #tpu.memory_space<vmem>>, vector<1x1x16xf32>,
        %swap3A_4249 = vector.shape_cast %swap3A_4248 : vector<1x1x16xf32> to vector<16xf32>
        %swap3A_4250 = vector.shape_cast %mul3A_4244 : vector<16xf32> to vector<1x1x16xf32>
        tpu.vector_store %arg8[%swap3A_4245, %swap3A_4246, %swap3A_4247], %swap3A_4250 {strides = array<i32>} : memref<2x128x144xf32, #tpu.memory_space<vmem>>, vector<1x1x16xf32>,
        %mul3A_4251 = arith.mulf %get3A_3463, %div3A_4222 : vector<16xf32>
        %swap3A_4252 = arith.index_cast %rem3A_2965 : i32 to index
        %swap3A_4253 = arith.index_cast %add3A_3438 : i32 to index
        %swap3A_4254 = arith.constant 64 : index
        %swap3A_4255 = tpu.vector_load %arg8[%swap3A_4252, %swap3A_4253, %swap3A_4254] {strides = array<i32>} : memref<2x128x144xf32, #tpu.memory_space<vmem>>, vector<1x1x16xf32>,
        %swap3A_4256 = vector.shape_cast %swap3A_4255 : vector<1x1x16xf32> to vector<16xf32>
        %swap3A_4257 = vector.shape_cast %mul3A_4251 : vector<16xf32> to vector<1x1x16xf32>
        tpu.vector_store %arg8[%swap3A_4252, %swap3A_4253, %swap3A_4254], %swap3A_4257 {strides = array<i32>} : memref<2x128x144xf32, #tpu.memory_space<vmem>>, vector<1x1x16xf32>,
        %mul3A_4258 = arith.mulf %get3A_3468, %div3A_4222 : vector<16xf32>
        %swap3A_4259 = arith.index_cast %rem3A_2965 : i32 to index
        %swap3A_4260 = arith.index_cast %add3A_3438 : i32 to index
        %swap3A_4261 = arith.constant 80 : index
        %swap3A_4262 = tpu.vector_load %arg8[%swap3A_4259, %swap3A_4260, %swap3A_4261] {strides = array<i32>} : memref<2x128x144xf32, #tpu.memory_space<vmem>>, vector<1x1x16xf32>,
        %swap3A_4263 = vector.shape_cast %swap3A_4262 : vector<1x1x16xf32> to vector<16xf32>
        %swap3A_4264 = vector.shape_cast %mul3A_4258 : vector<16xf32> to vector<1x1x16xf32>
        tpu.vector_store %arg8[%swap3A_4259, %swap3A_4260, %swap3A_4261], %swap3A_4264 {strides = array<i32>} : memref<2x128x144xf32, #tpu.memory_space<vmem>>, vector<1x1x16xf32>,
        %mul3A_4265 = arith.mulf %get3A_3473, %div3A_4222 : vector<16xf32>
        %swap3A_4266 = arith.index_cast %rem3A_2965 : i32 to index
        %swap3A_4267 = arith.index_cast %add3A_3438 : i32 to index
        %swap3A_4268 = arith.constant 96 : index
        %swap3A_4269 = tpu.vector_load %arg8[%swap3A_4266, %swap3A_4267, %swap3A_4268] {strides = array<i32>} : memref<2x128x144xf32, #tpu.memory_space<vmem>>, vector<1x1x16xf32>,
        %swap3A_4270 = vector.shape_cast %swap3A_4269 : vector<1x1x16xf32> to vector<16xf32>
        %swap3A_4271 = vector.shape_cast %mul3A_4265 : vector<16xf32> to vector<1x1x16xf32>
        tpu.vector_store %arg8[%swap3A_4266, %swap3A_4267, %swap3A_4268], %swap3A_4271 {strides = array<i32>} : memref<2x128x144xf32, #tpu.memory_space<vmem>>, vector<1x1x16xf32>,
        %mul3A_4272 = arith.mulf %get3A_3478, %div3A_4222 : vector<16xf32>
        %swap3A_4273 = arith.index_cast %rem3A_2965 : i32 to index
        %swap3A_4274 = arith.index_cast %add3A_3438 : i32 to index
        %swap3A_4275 = arith.constant 112 : index
        %swap3A_4276 = tpu.vector_load %arg8[%swap3A_4273, %swap3A_4274, %swap3A_4275] {strides = array<i32>} : memref<2x128x144xf32, #tpu.memory_space<vmem>>, vector<1x1x16xf32>,
        %swap3A_4277 = vector.shape_cast %swap3A_4276 : vector<1x1x16xf32> to vector<16xf32>
        %swap3A_4278 = vector.shape_cast %mul3A_4272 : vector<16xf32> to vector<1x1x16xf32>
        tpu.vector_store %arg8[%swap3A_4273, %swap3A_4274, %swap3A_4275], %swap3A_4278 {strides = array<i32>} : memref<2x128x144xf32, #tpu.memory_space<vmem>>, vector<1x1x16xf32>,
        %jit3A_4279 = arith.constant 0.000000e+00 : f32
        %broadcast_in_dim3A_4280 = vector.broadcast %jit3A_4279 : f32 to vector<16xf32>
        %select_n3A_4281 = arith.select %eq3A_2908, %div3A_4222, %broadcast_in_dim3A_4280 : vector<16xi1>, vector<16xf32>
        %swap3A_4282 = arith.index_cast %rem3A_2965 : i32 to index
        %swap3A_4283 = arith.index_cast %add3A_3438 : i32 to index
        %swap3A_4284 = arith.constant 128 : index
        %swap3A_4285 = tpu.vector_load %arg8[%swap3A_4282, %swap3A_4283, %swap3A_4284] {strides = array<i32>} : memref<2x128x144xf32, #tpu.memory_space<vmem>>, vector<1x1x16xf32>,
        %swap3A_4286 = vector.shape_cast %swap3A_4285 : vector<1x1x16xf32> to vector<16xf32>
        %swap3A_4287 = vector.shape_cast %select_n3A_4281 : vector<16xf32> to vector<1x1x16xf32>
        tpu.vector_store %arg8[%swap3A_4282, %swap3A_4283, %swap3A_4284], %swap3A_4287 {strides = array<i32>} : memref<2x128x144xf32, #tpu.memory_space<vmem>>, vector<1x1x16xf32>,
      }
      %scan3A_3008 = arith.constant 16 : i32
      %dma_start3A_3009 = arith.constant 0 : i32
      %dma_start3A_3010 = arith.constant 0 : i32
      %dma_start3A_3011 = tpu.memref_slice %arg8[%rem3A_2965, %dma_start3A_3009, %dma_start3A_3010] : memref<2x128x144xf32, #tpu.memory_space<vmem>> -> memref<1x128x144xf32, #tpu.memory_space<vmem>>
      %dma_start3A_3012 = tpu.memref_squeeze %dma_start3A_3011 : memref<1x128x144xf32, #tpu.memory_space<vmem>> -> memref<128x144xf32, #tpu.memory_space<vmem>>
      %dma_start3A_3013 = arith.constant 0 : i32
      %dma_start3A_3014 = tpu.memref_slice %arg7[%rem3A_2965, %dma_start3A_3013] : memref<2x128xi32, #tpu.memory_space<vmem>> -> memref<1x128xi32, #tpu.memory_space<vmem>>
      %dma_start3A_3015 = tpu.memref_squeeze %dma_start3A_3014 : memref<1x128xi32, #tpu.memory_space<vmem>> -> memref<128xi32, #tpu.memory_space<vmem>>
      %dma_start3A_3016 = arith.constant 0 : i32
      %dma_start3A_3017 = arith.constant 0 : i32
      %dma_start3A_3018 = tpu.memref_slice %arg10[%dma_start3A_3016, %dma_start3A_3017] : memref<512x144xf32, #tpu.memory_space<vmem_shared>> -> memref<512x144xf32, #tpu.memory_space<vmem_shared>>
      %dma_start3A_3019 = tpu.memref_slice %arg13[%rem3A_2965] : memref<2x!tpu.dma_semaphore, #tpu.memory_space<semaphore_mem>> -> memref<1x!tpu.dma_semaphore, #tpu.memory_space<semaphore_mem>>
      %dma_start3A_3020 = tpu.memref_squeeze %dma_start3A_3019 : memref<1x!tpu.dma_semaphore, #tpu.memory_space<semaphore_mem>> -> memref<!tpu.dma_semaphore, #tpu.memory_space<semaphore_mem>>
      tpu.enqueue_indirect_dma source(%dma_start3A_3012 : memref<128x144xf32, #tpu.memory_space<vmem>>) target(%dma_start3A_3018 : memref<512x144xf32, #tpu.memory_space<vmem_shared>>) offsets(%dma_start3A_3015 : memref<128xi32, #tpu.memory_space<vmem>>) semaphore(%dma_start3A_3020 : memref<!tpu.dma_semaphore, #tpu.memory_space<semaphore_mem>>) {add = true}
    }
    %scan3A_2944 = arith.constant 13 : i32
    %rem3A = arith.constant 12 : i32
    %rem3A_2945 = arith.constant 2 : i32
    %rem3A_2946 = arith.remsi %rem3A, %rem3A_2945 : i32
    %dma_wait3A = arith.constant 0 : i32
    %dma_wait3A_2947 = arith.constant 0 : i32
    %dma_wait3A_2948 = tpu.memref_slice %arg8[%rem3A_2946, %dma_wait3A, %dma_wait3A_2947] : memref<2x128x144xf32, #tpu.memory_space<vmem>> -> memref<1x128x144xf32, #tpu.memory_space<vmem>>
    %dma_wait3A_2949 = tpu.memref_squeeze %dma_wait3A_2948 : memref<1x128x144xf32, #tpu.memory_space<vmem>> -> memref<128x144xf32, #tpu.memory_space<vmem>>
    %dma_wait3A_2950 = arith.constant 0 : i32
    %dma_wait3A_2951 = tpu.memref_slice %arg7[%rem3A_2946, %dma_wait3A_2950] : memref<2x128xi32, #tpu.memory_space<vmem>> -> memref<1x128xi32, #tpu.memory_space<vmem>>
    %dma_wait3A_2952 = tpu.memref_squeeze %dma_wait3A_2951 : memref<1x128xi32, #tpu.memory_space<vmem>> -> memref<128xi32, #tpu.memory_space<vmem>>
    %dma_wait3A_2953 = arith.constant 0 : i32
    %dma_wait3A_2954 = arith.constant 0 : i32
    %dma_wait3A_2955 = tpu.memref_slice %arg10[%dma_wait3A_2953, %dma_wait3A_2954] : memref<512x144xf32, #tpu.memory_space<vmem_shared>> -> memref<512x144xf32, #tpu.memory_space<vmem_shared>>
    %dma_wait3A_2956 = tpu.memref_slice %arg13[%rem3A_2946] : memref<2x!tpu.dma_semaphore, #tpu.memory_space<semaphore_mem>> -> memref<1x!tpu.dma_semaphore, #tpu.memory_space<semaphore_mem>>
    %dma_wait3A_2957 = tpu.memref_squeeze %dma_wait3A_2956 : memref<1x!tpu.dma_semaphore, #tpu.memory_space<semaphore_mem>> -> memref<!tpu.dma_semaphore, #tpu.memory_space<semaphore_mem>>
    tpu.wait_indirect_dma semaphore(%dma_wait3A_2957 : memref<!tpu.dma_semaphore, #tpu.memory_space<semaphore_mem>>) src(%dma_wait3A_2949 : memref<128x144xf32, #tpu.memory_space<vmem>>) dst(%dma_wait3A_2955 : memref<512x144xf32, #tpu.memory_space<vmem_shared>>)
    %barrier3A_2958 = arith.constant 0 : index
    tpu.barrier barrier_id(%barrier3A_2958)
    %mul3A_2959 = arith.constant 32 : i32
    %mul3A_2960 = arith.muli %arg1, %mul3A_2959 : i32
    %mul3A_2961 = arith.constant 32 : i32
    %mul3A_2962 = arith.muli %arg1, %mul3A_2961 : i32
    "tpu.region"() ({
      %run_scoped3A_2963 = tpu.sem_alloc : memref<!tpu.dma_semaphore, #tpu.memory_space<semaphore_mem>>
      %dma_start3A_2964 = arith.constant 0 : i32
      %dma_start3A_2965 = tpu.memref_slice %arg5[%arg0, %mul3A_2962, %dma_start3A_2964] : memref<2x512x144xf32, #tpu.memory_space<hbm>> -> memref<1x32x144xf32, #tpu.memory_space<hbm>>
      %dma_start3A_2966 = tpu.memref_squeeze %dma_start3A_2965 : memref<1x32x144xf32, #tpu.memory_space<hbm>> -> memref<32x144xf32, #tpu.memory_space<hbm>>
      %dma_start3A_2967 = arith.constant 0 : i32
      %dma_start3A_2968 = tpu.memref_slice %arg10[%mul3A_2960, %dma_start3A_2967] : memref<512x144xf32, #tpu.memory_space<vmem_shared>> -> memref<32x144xf32, #tpu.memory_space<vmem_shared>>
      tpu.enqueue_dma source(%dma_start3A_2968 : memref<32x144xf32, #tpu.memory_space<vmem_shared>>) target(%dma_start3A_2966 : memref<32x144xf32, #tpu.memory_space<hbm>>) target_semaphore(%run_scoped3A_2963 : memref<!tpu.dma_semaphore, #tpu.memory_space<semaphore_mem>>)
      %dma_wait3A_2969 = arith.constant 0 : i32
      %dma_wait3A_2970 = tpu.memref_slice %arg5[%arg0, %mul3A_2962, %dma_wait3A_2969] : memref<2x512x144xf32, #tpu.memory_space<hbm>> -> memref<1x32x144xf32, #tpu.memory_space<hbm>>
      %dma_wait3A_2971 = tpu.memref_squeeze %dma_wait3A_2970 : memref<1x32x144xf32, #tpu.memory_space<hbm>> -> memref<32x144xf32, #tpu.memory_space<hbm>>
      %dma_wait3A_2972 = arith.constant 0 : i32
      %dma_wait3A_2973 = tpu.memref_slice %arg10[%mul3A_2960, %dma_wait3A_2972] : memref<512x144xf32, #tpu.memory_space<vmem_shared>> -> memref<32x144xf32, #tpu.memory_space<vmem_shared>>
      tpu.wait_dma2 semaphore(%run_scoped3A_2963 : memref<!tpu.dma_semaphore, #tpu.memory_space<semaphore_mem>>) src(%dma_wait3A_2973 : memref<32x144xf32, #tpu.memory_space<vmem_shared>>) dst(%dma_wait3A_2971 : memref<32x144xf32, #tpu.memory_space<hbm>>)
      tpu.yield
    }) : () -> ()
    return
  }
}

module attributes {stable_mosaic.version = 14 : i64} {
  func.func @_tc_partial_body(%arg0: i32, %arg1: memref<4096x128xf32, #tpu.memory_space<vmem>>, %arg2: memref<1x4096xi32, #tpu.memory_space<vmem>>, %arg3: memref<1x128xf32, #tpu.memory_space<vmem>>, %arg4: memref<1xf32, #tpu.memory_space<smem>>, %arg5: memref<512x136xf32, #tpu.memory_space<vmem>>) attributes {dimension_semantics = [#tpu.dimension_semantics<arbitrary>], iteration_bounds = array<i64: 12>, scalar_prefetch = 0 : i64, scratch_operands = 0 : i64, tpu.core_type = #tpu.core_type<tc>, window_params = [{transform_indices = @transform_0, window_bounds = array<i64: 4096, 128>}, {transform_indices = @transform_1, window_bounds = array<i64: 1, 4096>}, {pipeline_mode = #tpu.pipeline_mode<synchronous>, transform_indices = @transform_2, window_bounds = array<i64: 1, 128>}, {transform_indices = @transform_3, window_bounds = array<i64: 1>}, {pipeline_mode = #tpu.pipeline_mode<synchronous>, transform_indices = @transform_4, window_bounds = array<i64: 512, 136>}]} {
    %get3A = arith.constant 0 : index
    %get3A_0 = arith.constant 0 : index
    %get3A_1 = vector.load %arg1[%get3A, %get3A_0] : memref<4096x128xf32, #tpu.memory_space<vmem>>, vector<4096x128xf32>
    %get3A_2 = arith.constant 0 : index
    %get3A_3 = arith.constant 0 : index
    %get3A_4 = vector.load %arg3[%get3A_2, %get3A_3] : memref<1x128xf32, #tpu.memory_space<vmem>>, vector<1x128xf32>
    %dot_general3A = arith.constant dense<0.000000e+00> : vector<1x4096xf32>
    %dot_general3A_5 = tpu.matmul %get3A_4, %get3A_1, %dot_general3A {dimension_numbers = #tpu.dot_dimension_numbers<[1], [1], [0], [0], [0, 0, 1, 0], [], []>, transpose_lhs_hint = false} : vector<1x128xf32>, vector<4096x128xf32>, vector<1x4096xf32> -> vector<1x4096xf32>
    %get3A_6 = arith.constant 0 : index
    %get3A_7 = memref.load %arg4[%get3A_6] : memref<1xf32, #tpu.memory_space<smem>>
    %add3A = vector.broadcast %get3A_7 : f32 to vector<1x4096xf32>
    %add3A_8 = arith.addf %dot_general3A_5, %add3A : vector<1x4096xf32>
    %neg3A = arith.constant 0.000000e+00 : f32
    %neg3A_9 = vector.broadcast %neg3A : f32 to vector<1x4096xf32>
    %neg3A_10 = arith.subf %neg3A_9, %add3A_8 : vector<1x4096xf32>
    %exp3A = math.exp %neg3A_10 : vector<1x4096xf32>
    %add3A_11 = arith.constant 1.000000e+00 : f32
    %add3A_12 = vector.broadcast %add3A_11 : f32 to vector<1x4096xf32>
    %add3A_13 = arith.addf %add3A_12, %exp3A : vector<1x4096xf32>
    %div3A = arith.constant 1.000000e+00 : f32
    %div3A_14 = vector.broadcast %div3A : f32 to vector<1x4096xf32>
    %div3A_15 = arith.divf %div3A_14, %add3A_13 : vector<1x4096xf32>
    %iota3A = tpu.iota {dimensions = array<i32: 1>} : vector<1x4096xi32>
    %mul3A = arith.constant 4096 : i32
    %mul3A_16 = arith.muli %arg0, %mul3A : i32
    %add3A_17 = vector.broadcast %mul3A_16 : i32 to vector<1x4096xi32>
    %add3A_18 = arith.addi %iota3A, %add3A_17 : vector<1x4096xi32>
    %lt3A = arith.constant 46752 : i32
    %lt3A_19 = vector.broadcast %lt3A : i32 to vector<1x4096xi32>
    %lt3A_20 = arith.cmpi slt, %add3A_18, %lt3A_19 : vector<1x4096xi32>
    %jit3A = arith.constant 0.000000e+00 : f32
    %broadcast_in_dim3A = vector.broadcast %jit3A : f32 to vector<1x4096xf32>
    %select_n3A = arith.select %lt3A_20, %div3A_15, %broadcast_in_dim3A : vector<1x4096xi1>, vector<1x4096xf32>
    %reshape3A = vector.shape_cast %select_n3A : vector<1x4096xf32> to vector<4096x1xf32>
    %iota3A_21 = tpu.iota {dimensions = array<i32: 0>} : vector<512x4096xi32>
    %get3A_22 = arith.constant 0 : index
    %get3A_23 = arith.constant 0 : index
    %get3A_24 = vector.load %arg2[%get3A_22, %get3A_23] : memref<1x4096xi32, #tpu.memory_space<vmem>>, vector<1x4096xi32>
    %eq3A = vector.broadcast %get3A_24 : vector<1x4096xi32> to vector<512x4096xi32>
    %eq3A_25 = arith.cmpi eq, %iota3A_21, %eq3A : vector<512x4096xi32>
    %jit3A_26 = arith.constant 1.000000e+00 : f32
    %jit3A_27 = arith.constant 0.000000e+00 : f32
    %broadcast_in_dim3A_28 = vector.broadcast %jit3A_26 : f32 to vector<512x4096xf32>
    %broadcast_in_dim3A_29 = vector.broadcast %jit3A_27 : f32 to vector<512x4096xf32>
    %select_n3A_30 = arith.select %eq3A_25, %broadcast_in_dim3A_28, %broadcast_in_dim3A_29 : vector<512x4096xi1>, vector<512x4096xf32>
    %mul3A_31 = vector.broadcast %reshape3A : vector<4096x1xf32> to vector<4096x128xf32>
    %mul3A_32 = arith.mulf %get3A_1, %mul3A_31 : vector<4096x128xf32>
    %broadcast_in_dim3A_33 = vector.shape_cast %reshape3A : vector<4096x1xf32> to vector<4096x1xf32>
    %broadcast_in_dim3A_34 = vector.broadcast %broadcast_in_dim3A_33 : vector<4096x1xf32> to vector<4096x8xf32>
    %concatenate3A = tpu.concatenate %mul3A_32, %broadcast_in_dim3A_34 in 1 : vector<4096x128xf32>, vector<4096x8xf32> -> vector<4096x136xf32>
    %dot_general3A_35 = arith.constant dense<0.000000e+00> : vector<512x136xf32>
    %dot_general3A_36 = tpu.matmul %select_n3A_30, %concatenate3A, %dot_general3A_35 {dimension_numbers = #tpu.dot_dimension_numbers<[1], [0], [0], [1], [0, 0, 1, 1], [], []>, transpose_lhs_hint = false} : vector<512x4096xf32>, vector<4096x136xf32>, vector<512x136xf32> -> vector<512x136xf32>
    %eq3A_37 = arith.constant 0 : i32
    %eq3A_38 = arith.cmpi eq, %arg0, %eq3A_37 : i32
    %convert_element_type3A = arith.extui %eq3A_38 : i1 to i32
    %cond3A = arith.constant 0 : i32
    %cond3A_39 = arith.cmpi ne, %convert_element_type3A, %cond3A : i32
    scf.if %cond3A_39 {
      %broadcast_in_dim3A_46 = arith.constant 0.000000e+00 : f32
      %broadcast_in_dim3A_47 = vector.broadcast %broadcast_in_dim3A_46 : f32 to vector<512x136xf32>
      %swap3A_48 = arith.constant 0 : index
      %swap3A_49 = arith.constant 0 : index
      %swap3A_50 = vector.load %arg5[%swap3A_48, %swap3A_49] : memref<512x136xf32, #tpu.memory_space<vmem>>, vector<512x136xf32>
      tpu.vector_store %arg5[%swap3A_48, %swap3A_49], %broadcast_in_dim3A_47 {strides = array<i32>} : memref<512x136xf32, #tpu.memory_space<vmem>>, vector<512x136xf32>,
    } else {
    }
    %get3A_40 = arith.constant 0 : index
    %get3A_41 = arith.constant 0 : index
    %get3A_42 = vector.load %arg5[%get3A_40, %get3A_41] : memref<512x136xf32, #tpu.memory_space<vmem>>, vector<512x136xf32>
    %add3A_43 = arith.addf %get3A_42, %dot_general3A_36 : vector<512x136xf32>
    %swap3A = arith.constant 0 : index
    %swap3A_44 = arith.constant 0 : index
    %swap3A_45 = vector.load %arg5[%swap3A, %swap3A_44] : memref<512x136xf32, #tpu.memory_space<vmem>>, vector<512x136xf32>
    tpu.vector_store %arg5[%swap3A, %swap3A_44], %add3A_43 {strides = array<i32>} : memref<512x136xf32, #tpu.memory_space<vmem>>, vector<512x136xf32>,
    return
  }
  func.func @transform_0(%arg0: i32) -> (i32, i32) {
    %add3A = arith.constant 13 : i32
    %add3A_0 = arith.addi %add3A, %arg0 : i32
    %c0_i32 = arith.constant 0 : i32
    %c0_i32_1 = arith.constant 0 : i32
    return %add3A_0, %c0_i32 : i32, i32
  }
  func.func @transform_1(%arg0: i32) -> (i32, i32) {
    %add3A = arith.constant 13 : i32
    %add3A_0 = arith.addi %add3A, %arg0 : i32
    %c0_i32 = arith.constant 0 : i32
    %c0_i32_1 = arith.constant 0 : i32
    return %c0_i32, %add3A_0 : i32, i32
  }
  func.func @transform_2(%arg0: i32) -> (i32, i32) {
    %c0_i32 = arith.constant 0 : i32
    %c0_i32_0 = arith.constant 0 : i32
    %c0_i32_1 = arith.constant 0 : i32
    return %c0_i32, %c0_i32_0 : i32, i32
  }
  func.func @transform_3(%arg0: i32) -> i32 {
    %c0_i32 = arith.constant 0 : i32
    %c0_i32_0 = arith.constant 0 : i32
    return %c0_i32 : i32
  }
  func.func @transform_4(%arg0: i32) -> (i32, i32) {
    %c0_i32 = arith.constant 0 : i32
    %c0_i32_0 = arith.constant 0 : i32
    %c0_i32_1 = arith.constant 0 : i32
    return %c0_i32, %c0_i32_0 : i32, i32
  }
}

module attributes {stable_mosaic.version = 14 : i64} {
  func.func @_tc_combine_body(%arg0: memref<2x512x144xf32, #tpu.memory_space<vmem>>, %arg1: memref<512x136xf32, #tpu.memory_space<vmem>>, %arg2: memref<512x128xf32, #tpu.memory_space<vmem>>) attributes {dimension_semantics = [], scalar_prefetch = 0 : i64, scratch_operands = 0 : i64, tpu.core_type = #tpu.core_type<tc>} {
    %get3A = arith.constant 0 : index
    %get3A_0 = arith.constant 0 : index
    %get3A_1 = arith.constant 0 : index
    %get3A_2 = vector.load %arg0[%get3A, %get3A_0, %get3A_1] : memref<2x512x144xf32, #tpu.memory_space<vmem>>, vector<1x512x144xf32>
    %get3A_3 = vector.shape_cast %get3A_2 : vector<1x512x144xf32> to vector<512x144xf32>
    %get3A_4 = arith.constant 1 : index
    %get3A_5 = arith.constant 0 : index
    %get3A_6 = arith.constant 0 : index
    %get3A_7 = vector.load %arg0[%get3A_4, %get3A_5, %get3A_6] : memref<2x512x144xf32, #tpu.memory_space<vmem>>, vector<1x512x144xf32>
    %get3A_8 = vector.shape_cast %get3A_7 : vector<1x512x144xf32> to vector<512x144xf32>
    %add3A = arith.addf %get3A_3, %get3A_8 : vector<512x144xf32>
    %get3A_9 = arith.constant 0 : index
    %get3A_10 = arith.constant 0 : index
    %get3A_11 = vector.load %arg1[%get3A_9, %get3A_10] : memref<512x136xf32, #tpu.memory_space<vmem>>, vector<512x136xf32>
    %slice3A = vector.extract_strided_slice %add3A {offsets = [0, 0], sizes = [512, 128], strides = [1, 1]} : vector<512x144xf32> to vector<512x128xf32>
    %slice3A_12 = vector.extract_strided_slice %get3A_11 {offsets = [0, 0], sizes = [512, 128], strides = [1, 1]} : vector<512x136xf32> to vector<512x128xf32>
    %add3A_13 = arith.addf %slice3A, %slice3A_12 : vector<512x128xf32>
    %slice3A_14 = vector.extract_strided_slice %add3A {offsets = [0, 128], sizes = [512, 1], strides = [1, 1]} : vector<512x144xf32> to vector<512x1xf32>
    %slice3A_15 = vector.extract_strided_slice %get3A_11 {offsets = [0, 128], sizes = [512, 1], strides = [1, 1]} : vector<512x136xf32> to vector<512x1xf32>
    %add3A_16 = arith.addf %slice3A_14, %slice3A_15 : vector<512x1xf32>
    %add3A_17 = arith.constant 9.99999996E-13 : f32
    %add3A_18 = vector.broadcast %add3A_17 : f32 to vector<512x1xf32>
    %add3A_19 = arith.addf %add3A_16, %add3A_18 : vector<512x1xf32>
    %div3A = vector.broadcast %add3A_19 : vector<512x1xf32> to vector<512x128xf32>
    %div3A_20 = arith.divf %add3A_13, %div3A : vector<512x128xf32>
    %swap3A = arith.constant 0 : index
    %swap3A_21 = arith.constant 0 : index
    %swap3A_22 = vector.load %arg2[%swap3A, %swap3A_21] : memref<512x128xf32, #tpu.memory_space<vmem>>, vector<512x128xf32>
    tpu.vector_store %arg2[%swap3A, %swap3A_21], %div3A_20 {strides = array<i32>} : memref<512x128xf32, #tpu.memory_space<vmem>>, vector<512x128xf32>,
    return
  }
}

</mosaic_0001>

<sc_bundles>
// kernel: kernel.5.cloned.1.call-start
scs
__scs_entry_jumppad:
0x0: {  	(pc) =	sbr.rel $0x88, $3  }
0x1: {  	(tag) =	ssettag $0x0;
	lr =	simm.s32 $0x1  }
0x2: {  	[smem:$0x3F9D] =	sst lr;
	_ =	strace $0xD0000000  }
0x3: {  	_ = 	snop  }
0x4: {  	_ = 	snop  }
0x5: {  	_ = 	snop  }
0x6: {  	_ = 	snop  }
0x7: {  	_ = 	snop  }
__scs_overlays_trampoline_lowered:
0x8: {  	[smem:$0x3FAC] =	sst s0  }
0x9: {  	[smem:$0x3FAD] =	sst s1  }
0xa: {  	[smem:$0x3FAE] =	sst s2  }
0xb: {  	[smem:$0x3FAF] =	sst s3  }
0xc: {  	[smem:$0x3FB0] =	sst s4  }
0xd: {  	[smem:$0x3FB1] =	sst s5  }
0xe: {  	[smem:$0x3FB2] =	sst s6  }
0xf: {  	[smem:$0x3FB3] =	sst s7  }
0x10: {  	[smem:$0x3FB4] =	sst s8  }
0x11: {  	[smem:$0x3FB5] =	sst s9;
	s0 =	simm.s32 @!p0 $0x0  }
0x12: {  	s1 =	sld [smem:$0x3F9B];
	s0 =	simm.s32 @p0 $0x1  }
0x13: {  	[smem:$0x3FB6] =	sst s0;
	s0 =	simm.s32 @!p1 $0x0  }
0x14: {  	s2 =	sld [smem:$0x3F9A];
	s0 =	simm.s32 @p1 $0x1  }
0x15: {  	[smem:$0x3FB7] =	sst s0;
	s0 =	simm.s32 @!p2 $0x0  }
0x16: {  	s3 =	sld [smem:$0x3FDB];
	s0 =	simm.s32 @p2 $0x1  }
0x17: {  	s4 =	simm.s32 $0x1BF5;
	[smem:$0x3FB9] =	sst s0  }
0x18: {  	s0 =	sld [smem:$0x3F9C];
	_ =	swait.ge [sflag:s4], $0x0  }
0x19: {  	s7 =	sld [smem:$0x3F9D]  }
0x1a: {  	s8 =	sadd.s32 $0xFFFFE003, lr  }
0x1b: {  	s9 =	sadd.s32 $0xFFFFFEF7, lr;
	s5 =	simm.s32 $0xFFFFFFFF;
	p2 =	slt.u32 s8, $0xFFFFF086  }
0x1c: {  	p1 =	slt.u32 s9, $0xF7A;
	s5 =	simm.s32 @!p2 $0x0  }
0x1d: {  	s5 =	simm.s32 @p1 $0x1;
	p0 =	seq.s32 s7, s2  }
0x1e: {  	s7 =	smul.u32 @!p0 $0xF7A, s2;
	p2 =	seq.s32 @!p0 s5, $0x0  }
0x1f: {  	s9 =	smul.u32 $0xF7A, s1;
	s8 =	simm.s32 @!p0 $0x1BF5;
	p2 =	por !p2, p0  }
0x20: {  	[sflag:s8] =	ssyncset.s32 @!p0 $0xFFFFF086;
	s6 =	sadd.s32 @!p0 s3, s7;
	s7 =	simm.s32 @!p0 $0x108  }
0x21: {  	s3 =	sadd.s32 s3, s9;
	s6 =	sadd.s32 @!p0 $0x88, s6;
	s7 =	simm.s32 @p2 $0x1082  }
0x22: {  	[simem:s7], [sflag:s8] =	dma.local @!p0 [hbm:s6], $0xF7A  }
0x23: {  	s9 =	sor.u32 $0xD0000000, s2;
	s6 =	simm.s32 $0x108;
	_ =	swait.ge @!p0 [sflag:s8], $0x0  }
0x24: {  	s3 =	sadd.s32 $0x88, s3;
	s6 =	simm.s32 @!p1 $0x1082;
	[sflag:s4] =	ssyncset.s32 $0xFFFFF086  }
0x25: {  	[simem:s6], [sflag:s4] =	dma.local [hbm:s3], $0xF7A  }
0x26: {  	[smem:$0x3F9D] =	sst s1;
	(tag) =	ssettag s2;
	_ =	strace s9  }
0x27: {  	s1 =	sld [smem:$0x3FAD]  }
0x28: {  	s2 =	sld [smem:$0x3FAE]  }
0x29: {  	s4 =	sld [smem:$0x3FB0]  }
0x2a: {  	p0 =	seq.s32 s5, $0x0;
	s5 =	sld [smem:$0x3FB1]  }
0x2b: {  	s6 =	sld [smem:$0x3FB2]  }
0x2c: {  	s7 =	sld [smem:$0x3FB3]  }
0x2d: {  	s3 =	simm.s32 $0x108;
	s8 =	sld [smem:$0x3FB4]  }
0x2e: {  	s3 =	simm.s32 @!p0 $0x1082;
	s9 =	sld [smem:$0x3FB5]  }
0x2f: {  	lr =	sadd.s32 s0, s3;
	s0 =	sld [smem:$0x3FAC]  }
0x30: {  	s3 =	sld [smem:$0x3FAF]  }
0x31: {  	[smem:$0x3FB8] =	sst s10  }
0x32: {  	s10 =	sld [smem:$0x3FB6];
	_ =	sdelay $0x3  }
0x33: {  	p0 =	seq.s32 s10, $0x1;
	s10 =	sld [smem:$0x3FB8];
	_ =	sdelay $0x3  }
0x34: {  	[smem:$0x3FB8] =	sst s10  }
0x35: {  	s10 =	sld [smem:$0x3FB7];
	_ =	sdelay $0x3  }
0x36: {  	p1 =	seq.s32 s10, $0x1;
	s10 =	sld [smem:$0x3FB8];
	_ =	sdelay $0x3  }
0x37: {  	[smem:$0x3FB8] =	sst s10  }
0x38: {  	s10 =	sld [smem:$0x3FB9]  }
0x39: {  	_ = 	snop;
	(pc) =	sbr.ind lr, $3  }
0x3a: {  	_ = 	snop  }
0x3b: {  	_ = 	snop  }
0x3c: {  	p2 =	seq.s32 s10, $0x1;
	s10 =	sld [smem:$0x3FB8]  }
0x3d: {  	_ =	shalt  }
0x3e: {  	_ =	shalt  }
0x3f: {  	_ =	shalt  }
0x40: {  	_ =	shalt  }
0x41: {  	_ =	shalt  }
0x42: {  	_ =	shalt  }
0x43: {  	_ =	shalt  }
0x44: {  	_ =	shalt  }
0x45: {  	_ =	shalt  }
0x46: {  	_ =	shalt  }
0x47: {  	_ =	shalt  }
0x48: {  	_ =	shalt  }
0x49: {  	_ =	shalt  }
0x4a: {  	_ =	shalt  }
0x4b: {  	_ =	shalt  }
0x4c: {  	_ =	shalt  }
0x4d: {  	_ =	shalt  }
0x4e: {  	_ =	shalt  }
0x4f: {  	_ =	shalt  }
0x50: {  	_ =	shalt  }
0x51: {  	_ =	shalt  }
0x52: {  	_ =	shalt  }
0x53: {  	_ =	shalt  }
0x54: {  	_ =	shalt  }
0x55: {  	_ =	shalt  }
0x56: {  	_ =	shalt  }
0x57: {  	_ =	shalt  }
0x58: {  	_ =	shalt  }
0x59: {  	_ =	shalt  }
0x5a: {  	_ =	shalt  }
0x5b: {  	_ =	shalt  }
0x5c: {  	_ =	shalt  }
0x5d: {  	_ =	shalt  }
0x5e: {  	_ =	shalt  }
0x5f: {  	_ =	shalt  }
0x60: {  	_ =	shalt  }
0x61: {  	_ =	shalt  }
0x62: {  	_ =	shalt  }
0x63: {  	_ =	shalt  }
0x64: {  	_ =	shalt  }
0x65: {  	_ =	shalt  }
0x66: {  	_ =	shalt  }
0x67: {  	_ =	shalt  }
0x68: {  	_ =	shalt  }
0x69: {  	_ =	shalt  }
0x6a: {  	_ =	shalt  }
0x6b: {  	_ =	shalt  }
0x6c: {  	_ =	shalt  }
0x6d: {  	_ =	shalt  }
0x6e: {  	_ =	shalt  }
0x6f: {  	_ =	shalt  }
0x70: {  	_ =	shalt  }
0x71: {  	_ =	shalt  }
0x72: {  	_ =	shalt  }
0x73: {  	_ =	shalt  }
0x74: {  	_ =	shalt  }
0x75: {  	_ =	shalt  }
0x76: {  	_ =	shalt  }
0x77: {  	_ =	shalt  }
0x78: {  	_ =	shalt  }
0x79: {  	_ =	shalt  }
0x7a: {  	_ =	shalt  }
0x7b: {  	_ =	shalt  }
0x7c: {  	_ =	shalt  }
0x7d: {  	_ =	shalt  }
0x7e: {  	_ =	shalt  }
0x7f: {  	_ =	shalt  }
0x80: {  	_ =	shalt  }
0x81: {  	_ =	shalt  }
0x82: {  	_ =	shalt  }
0x83: {  	_ =	shalt  }
0x84: {  	_ =	shalt  }
0x85: {  	_ =	shalt  }
0x86: {  	_ =	shalt  }
0x87: {  	_ =	shalt  }
.Lfunc_end0:
.L_simem_size_0:
called_computation_lowered:
.L_overlay_start_0:
0x88: {  	s2 =	sld [smem:$0x3FD9]  }
0x89: {  	s3 =	sld [smem:$0x3FFE];
	_ =	sdelay $0x1  }
0x8a: {  	s1 =	srdreg.scid  }
0x8b: {  	s0 =	sand.u32 $0x1, s1  }
0x8c: {  	s17 =	sshll.u32 s0, $0xA;
	s2 =	sadd.s32 s3, s2  }
0x8d: {  	s2 =	sadd.s32 s2, s17  }
0x8e: {  	[smem:$0x3FC4] =	sst s2  }
0x8f: {  	_ = 	snop  }
0x90: {  	s2 =	sld [smem:$0x3FC9]  }
0x91: {  	s18 =	sld [smem:$0x3FC8]  }
0x92: {  	s4 =	sld [smem:$0x3FD0];
	(tm) =	ssettm $0x1  }
0x93: {  	s5 =	sld [smem:$0x3FFB];
	_ =	sdelay $0x3  }
0x94: {  	_ =	strace s5  }
0x95: {  	s5 =	sld [smem:$0x3FFC];
	_ =	sdelay $0x3  }
0x96: {  	_ =	strace s5  }
0x97: {  	s5 =	sld [smem:$0x3FFD];
	_ =	sdelay $0x3  }
0x98: {  	_ =	strace s5  }
0x99: {  	_ =	strace $0x8FFFFFFF  }
0x9a: {  	s19 =	sld [smem:$0x3FDB];
	_ =	sdelay $0x1  }
0x9b: {  	s6 =	simm.s32 $_scs_section_size  }
0x9c: {  	s7 =	simm.s32 $_size__tile_overlayer_lowered;
	s8 =	simm.s32 $_tile_overlayer_lowered  }
0x9d: {  	s22 =	simm.s32 $0x1BFF;
	s21 =	sshll.u32 s8, $0x1;
	s5 =	sadd.s32 s6, s19  }
0x9e: {  	s9 =	simm.s32 $0x0;
	s20 =	sshll.u32 s7, $0x1;
	s7 =	sadd.s32 s21, s5  }
0x9f: {  	[timem:s9], [sflag:s22] =	dma.local [hbm:s7], s20  }
0xa0: {  	_ =	swait.ge [sflag:s22], s20  }
0xa1: {  	s6 =	ssub.s32 $0x0, s20;
	[sflag:s22] =	ssyncset.done $0x0  }
0xa2: {  	[sflag:s22] =	ssyncadd.s32 s6;
	_ =	sdelay $0x1  }
0xa3: {  	s23 =	simm.s32 $0x1B8B  }
0xa4: {  	_ =	swait.ge [sflag:s23], $0x1  }
0xa5: {  	[sflag:s23] =	ssyncset.done $0x0  }
0xa6: {  	s25 =	simm.s32 $0x1B8E;
	s24 =	sld [smem:$0x3FFE];
	[sflag:s23] =	ssyncadd.s32 $0xFFFFFFFF  }
0xa7: {  	s26 =	simm.s32 $execute0_lowered;
	[smem:$0x3FD2] =	sst s25  }
0xa8: {  	s7 =	sshll.u32 s26, $0x1;
	_ =	strace $0x80000046;
	[dreg:$0x1] =	wrdreg $0xFFFFFFFF  }
0xa9: {  	s28 =	simm.s32 $_size_execute0_lowered;
	s5 =	sadd.s32 s5, s7;
	[dreg:$0x0] =	wrdreg $0x0  }
0xaa: {  	s7 =	sshll.u32 s28, $0x1;
	[dreg:$0x2] =	wrdreg s5  }
0xab: {  	[dreg:$0x3] =	wrdreg s7  }
0xac: {  	[dreg:$0x4] =	wrdreg $0xC0  }
0xad: {  	_ =	task [dreg:s9], $0x5FFFF  }
0xae: {  	[dreg:$0x1] =	wrdreg $0xFFFFFFFF  }
0xaf: {  	[dreg:$0x0] =	wrdreg $0x60  }
0xb0: {  	[dreg:$0x2] =	wrdreg s2  }
0xb1: {  	[dreg:$0x3] =	wrdreg s18  }
0xb2: {  	[dreg:$0x4] =	wrdreg s4  }
0xb3: {  	[dreg:$0x5] =	wrdreg s24  }
0xb4: {  	[dreg:$0x6] =	wrdreg $0x111900  }
0xb5: {  	[dreg:$0x7] =	wrdreg $0x9  }
0xb6: {  	_ =	task.clear_ibuf [dreg:s9], $0x8FFFF;
	_ =	strace $0x90000046  }
0xb7: {  	s29 =	simm.s32 $0x9;
	_ =	strace $0x80000048  }
0xb8: {  	_ =	swait.ge [sflag:s29], $0x1  }
0xb9: {  	[sflag:s29] =	ssyncadd.s32 $0xFFFFFFFF  }
0xba: {  	_ =	strace $0x90000048  }
0xbb: {  	_ =	sfence  }
0xbc: {  	s30 =	sld [smem:$0x0];
	_ =	sdelay $0x2  }
0xbd: {  	s31 =	sshll.u32 s1, $0xD;
	s1 =	sshrl.u32 s1, $0x2  }
0xbe: {  	s3 =	sand.u32 $0x4000, s31;
	s1 =	sadd.s32 s1, s30  }
0xbf: {  	s0 =	sor.u32 s3, s0;
	s1 =	sshll.u32 s1, $0x11  }
0xc0: {  	s0 =	sor.u32 s1, s0  }
0xc1: {  	s0 =	sadd.s32 $0x8F2B, s0  }
0xc2: {  	[sflag:s0] =	ssyncadd.remote.s32 $0x1  }
0xc3: {  	_ =	sfence.sel $0xFFFF  }
0xc4: {  	[dreg:$0x0] =	wrdreg $0xFFFFFFFF;
	(pc) =	sbr.abs _section_cstart, $3  }
0xc5: {  	[dreg:$0x1] =	wrdreg $0xFFFFFFFF  }
0xc6: {  	_ =	task.clear_ibuf [dreg:s9], $0x2FFFF;
	_ =	strace $0x9FFFFFFF  }
0xc7: {  	(tm) =	ssettm $0x7FFFFFFF  }
tec
execute0_lowered:
.L_overlay_start_1:
0x0: {  	(tag) =	ssettag $0x1  }
0x1: {  	s0 =	rddreg [dreg:$0x0]  }
0x2: {  	s1 =	rddreg [dreg:$0x1]  }
0x3: {  	s3 =	rddreg [dreg:$0x2]  }
0x4: {  	s7 =	rddreg [dreg:$0x3];
	v0 =	vimm.s32 $0xEFCDAB89;
	s4 =	srdreg.scid;
	v1 =	vimm.s32 $0x67452301;
	v2 =	vimm.s32 $0xDCFE98BA  }
0x5: {  	s2 =	stileid.u32;
	s5 =	rddreg [dreg:$0x4];
	v3 =	vimm.s32 $0x54761032;
	v4 =	vimm.s32 $0xBA98FEDC;
	v5 =	vimm.s32 $0x32107654  }
0x6: {  	s6 =	simm.s32 $0x0;
	v6 =	vimm.s32 $0xFEDCBA98;
	v7 =	vimm.s32 $0x76543210;
	s14 =	simm.s32 $0x7;
	s15 =	simm.s32 $0x11100  }
0x7: {  	s16 =	simm.s32 $0x8000;
	s17 =	simm.s32 $0x80;
	s18 =	simm.s32 $0x5;
	v0 =	vunpack.c.l.s4.s8 v0;
	v1 =	vunpack.c.l.s4.s8 v1;
	v2 =	vunpack.c.l.s4.s8 v2  }
0x8: {  	s8 =	sand.u32 $0x1, s4;
	s9 =	smul.u32 $0x1200, s2;
	s4 =	rddreg [dreg:$0x5];
	v3 =	vunpack.c.l.s4.s8 v3;
	v4 =	vunpack.c.l.s4.s8 v4;
	v5 =	vunpack.c.l.s4.s8 v5  }
0x9: {  	s19 =	simm.s32 $0x0;
	[smem:$0x7FF] =	sst s6;
	v6 =	vunpack.c.l.s4.s8 v6;
	v7 =	vunpack.c.l.s4.s8 v7;
	s10 =	smul.u32 $0x12000, s8;
	v0 =	vunpack.c.0.s8.s32 v0  }
0xa: {  	_ =	strace $0x80000047;
	s11 =	ssub.s32 $0x2, s8;
	s8 =	sshll.u32 s8, $0x4;
	v1 =	vunpack.c.0.s8.s32 v1;
	v2 =	vunpack.c.0.s8.s32 v2;
	v3 =	vunpack.c.0.s8.s32 v3  }
0xb: {  	s12 =	sshrl.u32 s11, $0x1;
	s30 =	sor.u32 s2, s8;
	v4 =	vunpack.c.0.s8.s32 v4;
	v5 =	vunpack.c.0.s8.s32 v5;
	v60 =	vunpack.c.0.s8.s32 v6;
	s10 =	sadd.s32 s9, s10  }
0xc: {  	v62 =	vunpack.c.0.s8.s32 v7;
	s12 =	ssub.s32 s11, s12;
	s8 =	sshll.u32 s30, $0xB;
	s31 =	sshll.u32 s30, $0x4;
	v0 =	vcombine.low v1, v0  }
0xd: {  	s10 =	sshrl.u32 s10, $0x3;
	v59 =	vcombine.low v3, v2;
	s8 =	sadd.s32 s0, s8;
	s12 =	smax.u32 s12, $0x1;
	v61 =	vcombine.low v5, v4;
	v63 =	vand.u32 $0xF, v60  }
0xe: {  	vm0 =	vmmov $0x1;
	s13 =	sadd.s32 s10, s7;
	s7 =	sadd.s32 s9, s5;
	s9 =	sadd.s32 s1, s31;
	v38 =	vcombine.low v63, v62  }
0xf: {  	s10 =	sshll.u32 s30, $0x7;
	s11 =	sadd.s32 $0xA00, s13;
	s13 =	simm.s32 $0x8100;
	v31 =	vand.u32 $0xF, v0;
	v30 =	vand.u32 $0xF, v59;
	v33 =	vand.u32 $0xF, v61  }
.LBB2_1:
0x10: {  	v0 =	vimm.f32 $0.0e+00  }
0x11: {  	[tilespmem:$0x8100] =	vst v0  }
0x12: {  	[tilespmem:$0x8110] =	vst v0  }
0x13: {  	[tilespmem:$0x8120] =	vst v0  }
0x14: {  	[tilespmem:$0x8130] =	vst v0  }
0x15: {  	[tilespmem:$0x8140] =	vst v0  }
0x16: {  	[tilespmem:$0x8150] =	vst v0  }
0x17: {  	[tilespmem:$0x8160] =	vst v0  }
0x18: {  	[tilespmem:$0x8170] =	vst v0  }
0x19: {  	[tilespmem:$0x8180] =	vst v0  }
0x1a: {  	[tilespmem:$0x8190] =	vst v0  }
0x1b: {  	[tilespmem:$0x81A0] =	vst v0  }
0x1c: {  	[tilespmem:$0x81B0] =	vst v0  }
0x1d: {  	[tilespmem:$0x81C0] =	vst v0  }
0x1e: {  	[tilespmem:$0x81D0] =	vst v0  }
0x1f: {  	[tilespmem:$0x81E0] =	vst v0  }
0x20: {  	[tilespmem:$0x81F0] =	vst v0  }
0x21: {  	[tilespmem:$0x8200] =	vst v0  }
0x22: {  	[tilespmem:$0x8210] =	vst v0  }
0x23: {  	[tilespmem:$0x8220] =	vst v0  }
0x24: {  	[tilespmem:$0x8230] =	vst v0  }
0x25: {  	[tilespmem:$0x8240] =	vst v0  }
0x26: {  	[tilespmem:$0x8250] =	vst v0  }
0x27: {  	[tilespmem:$0x8260] =	vst v0  }
0x28: {  	[tilespmem:$0x8270] =	vst v0  }
0x29: {  	[tilespmem:$0x8280] =	vst v0  }
0x2a: {  	[tilespmem:$0x8290] =	vst v0  }
0x2b: {  	[tilespmem:$0x82A0] =	vst v0  }
0x2c: {  	[tilespmem:$0x82B0] =	vst v0  }
0x2d: {  	[tilespmem:$0x82C0] =	vst v0  }
0x2e: {  	[tilespmem:$0x82D0] =	vst v0  }
0x2f: {  	[tilespmem:$0x82E0] =	vst v0  }
0x30: {  	[tilespmem:$0x82F0] =	vst v0  }
0x31: {  	[tilespmem:$0x8300] =	vst v0  }
0x32: {  	[tilespmem:$0x8310] =	vst v0  }
0x33: {  	[tilespmem:$0x8320] =	vst v0  }
0x34: {  	[tilespmem:$0x8330] =	vst v0  }
0x35: {  	[tilespmem:$0x8340] =	vst v0  }
0x36: {  	[tilespmem:$0x8350] =	vst v0  }
0x37: {  	[tilespmem:$0x8360] =	vst v0  }
0x38: {  	[tilespmem:$0x8370] =	vst v0  }
0x39: {  	[tilespmem:$0x8380] =	vst v0  }
0x3a: {  	[tilespmem:$0x8390] =	vst v0  }
0x3b: {  	[tilespmem:$0x83A0] =	vst v0  }
0x3c: {  	[tilespmem:$0x83B0] =	vst v0  }
0x3d: {  	[tilespmem:$0x83C0] =	vst v0  }
0x3e: {  	[tilespmem:$0x83D0] =	vst v0  }
0x3f: {  	[tilespmem:$0x83E0] =	vst v0  }
0x40: {  	[tilespmem:$0x83F0] =	vst v0  }
0x41: {  	[tilespmem:$0x8400] =	vst v0  }
0x42: {  	[tilespmem:$0x8410] =	vst v0  }
0x43: {  	[tilespmem:$0x8420] =	vst v0  }
0x44: {  	[tilespmem:$0x8430] =	vst v0  }
0x45: {  	[tilespmem:$0x8440] =	vst v0  }
0x46: {  	[tilespmem:$0x8450] =	vst v0  }
0x47: {  	[tilespmem:$0x8460] =	vst v0  }
0x48: {  	[tilespmem:$0x8470] =	vst v0  }
0x49: {  	[tilespmem:$0x8480] =	vst v0  }
0x4a: {  	[tilespmem:$0x8490] =	vst v0  }
0x4b: {  	[tilespmem:$0x84A0] =	vst v0  }
0x4c: {  	[tilespmem:$0x84B0] =	vst v0  }
0x4d: {  	[tilespmem:$0x84C0] =	vst v0  }
0x4e: {  	[tilespmem:$0x84D0] =	vst v0  }
0x4f: {  	[tilespmem:$0x84E0] =	vst v0  }
0x50: {  	[tilespmem:$0x84F0] =	vst v0  }
0x51: {  	[tilespmem:$0x8500] =	vst v0  }
0x52: {  	[tilespmem:$0x8510] =	vst v0  }
0x53: {  	[tilespmem:$0x8520] =	vst v0  }
0x54: {  	[tilespmem:$0x8530] =	vst v0  }
0x55: {  	[tilespmem:$0x8540] =	vst v0  }
0x56: {  	[tilespmem:$0x8550] =	vst v0  }
0x57: {  	[tilespmem:$0x8560] =	vst v0  }
0x58: {  	[tilespmem:$0x8570] =	vst v0  }
0x59: {  	[tilespmem:$0x8580] =	vst v0  }
0x5a: {  	[tilespmem:$0x8590] =	vst v0  }
0x5b: {  	[tilespmem:$0x85A0] =	vst v0  }
0x5c: {  	[tilespmem:$0x85B0] =	vst v0  }
0x5d: {  	[tilespmem:$0x85C0] =	vst v0  }
0x5e: {  	[tilespmem:$0x85D0] =	vst v0  }
0x5f: {  	[tilespmem:$0x85E0] =	vst v0  }
0x60: {  	[tilespmem:$0x85F0] =	vst v0  }
0x61: {  	[tilespmem:$0x8600] =	vst v0  }
0x62: {  	[tilespmem:$0x8610] =	vst v0  }
0x63: {  	[tilespmem:$0x8620] =	vst v0  }
0x64: {  	[tilespmem:$0x8630] =	vst v0  }
0x65: {  	[tilespmem:$0x8640] =	vst v0  }
0x66: {  	[tilespmem:$0x8650] =	vst v0  }
0x67: {  	[tilespmem:$0x8660] =	vst v0  }
0x68: {  	[tilespmem:$0x8670] =	vst v0  }
0x69: {  	[tilespmem:$0x8680] =	vst v0  }
0x6a: {  	[tilespmem:$0x8690] =	vst v0  }
0x6b: {  	[tilespmem:$0x86A0] =	vst v0  }
0x6c: {  	[tilespmem:$0x86B0] =	vst v0  }
0x6d: {  	[tilespmem:$0x86C0] =	vst v0  }
0x6e: {  	[tilespmem:$0x86D0] =	vst v0  }
0x6f: {  	[tilespmem:$0x86E0] =	vst v0  }
0x70: {  	[tilespmem:$0x86F0] =	vst v0  }
0x71: {  	[tilespmem:$0x8700] =	vst v0  }
0x72: {  	[tilespmem:$0x8710] =	vst v0  }
0x73: {  	[tilespmem:$0x8720] =	vst v0  }
0x74: {  	[tilespmem:$0x8730] =	vst v0  }
0x75: {  	[tilespmem:$0x8740] =	vst v0  }
0x76: {  	[tilespmem:$0x8750] =	vst v0  }
0x77: {  	[tilespmem:$0x8760] =	vst v0  }
0x78: {  	[tilespmem:$0x8770] =	vst v0  }
0x79: {  	[tilespmem:$0x8780] =	vst v0  }
0x7a: {  	[tilespmem:$0x8790] =	vst v0  }
0x7b: {  	[tilespmem:$0x87A0] =	vst v0  }
0x7c: {  	[tilespmem:$0x87B0] =	vst v0  }
0x7d: {  	[tilespmem:$0x87C0] =	vst v0  }
0x7e: {  	[tilespmem:$0x87D0] =	vst v0  }
0x7f: {  	[tilespmem:$0x87E0] =	vst v0  }
0x80: {  	[tilespmem:$0x87F0] =	vst v0  }
0x81: {  	[tilespmem:$0x8800] =	vst v0  }
0x82: {  	[tilespmem:$0x8810] =	vst v0  }
0x83: {  	[tilespmem:$0x8820] =	vst v0  }
0x84: {  	[tilespmem:$0x8830] =	vst v0  }
0x85: {  	[tilespmem:$0x8840] =	vst v0  }
0x86: {  	[tilespmem:$0x8850] =	vst v0  }
0x87: {  	[tilespmem:$0x8860] =	vst v0  }
0x88: {  	[tilespmem:$0x8870] =	vst v0  }
0x89: {  	[tilespmem:$0x8880] =	vst v0  }
0x8a: {  	[tilespmem:$0x8890] =	vst v0  }
0x8b: {  	[tilespmem:$0x88A0] =	vst v0  }
0x8c: {  	[tilespmem:$0x88B0] =	vst v0  }
0x8d: {  	[tilespmem:$0x88C0] =	vst v0  }
0x8e: {  	[tilespmem:$0x88D0] =	vst v0  }
0x8f: {  	[tilespmem:$0x88E0] =	vst v0  }
0x90: {  	[tilespmem:$0x88F0] =	vst v0  }
0x91: {  	[tilespmem:$0x8900] =	vst v0  }
0x92: {  	[tilespmem:$0x8910] =	vst v0  }
0x93: {  	[tilespmem:$0x8920] =	vst v0  }
0x94: {  	[tilespmem:$0x8930] =	vst v0  }
0x95: {  	[tilespmem:$0x8940] =	vst v0  }
0x96: {  	[tilespmem:$0x8950] =	vst v0  }
0x97: {  	[tilespmem:$0x8960] =	vst v0  }
0x98: {  	[tilespmem:$0x8970] =	vst v0  }
0x99: {  	[tilespmem:$0x8980] =	vst v0  }
0x9a: {  	[tilespmem:$0x8990] =	vst v0  }
0x9b: {  	[tilespmem:$0x89A0] =	vst v0  }
0x9c: {  	[tilespmem:$0x89B0] =	vst v0  }
0x9d: {  	[tilespmem:$0x89C0] =	vst v0  }
0x9e: {  	[tilespmem:$0x89D0] =	vst v0  }
0x9f: {  	[tilespmem:$0x89E0] =	vst v0  }
0xa0: {  	[tilespmem:$0x89F0] =	vst v0  }
0xa1: {  	[tilespmem:$0x8A00] =	vst v0  }
0xa2: {  	[tilespmem:$0x8A10] =	vst v0  }
0xa3: {  	[tilespmem:$0x8A20] =	vst v0  }
0xa4: {  	[tilespmem:$0x8A30] =	vst v0  }
0xa5: {  	[tilespmem:$0x8A40] =	vst v0  }
0xa6: {  	[tilespmem:$0x8A50] =	vst v0  }
0xa7: {  	[tilespmem:$0x8A60] =	vst v0  }
0xa8: {  	[tilespmem:$0x8A70] =	vst v0  }
0xa9: {  	[tilespmem:$0x8A80] =	vst v0  }
0xaa: {  	[tilespmem:$0x8A90] =	vst v0  }
0xab: {  	[tilespmem:$0x8AA0] =	vst v0  }
0xac: {  	[tilespmem:$0x8AB0] =	vst v0  }
0xad: {  	[tilespmem:$0x8AC0] =	vst v0  }
0xae: {  	[tilespmem:$0x8AD0] =	vst v0  }
0xaf: {  	[tilespmem:$0x8AE0] =	vst v0  }
0xb0: {  	[tilespmem:$0x8AF0] =	vst v0  }
0xb1: {  	[tilespmem:$0x8B00] =	vst v0  }
0xb2: {  	[tilespmem:$0x8B10] =	vst v0  }
0xb3: {  	[tilespmem:$0x8B20] =	vst v0  }
0xb4: {  	[tilespmem:$0x8B30] =	vst v0  }
0xb5: {  	[tilespmem:$0x8B40] =	vst v0  }
0xb6: {  	[tilespmem:$0x8B50] =	vst v0  }
0xb7: {  	[tilespmem:$0x8B60] =	vst v0  }
0xb8: {  	[tilespmem:$0x8B70] =	vst v0  }
0xb9: {  	[tilespmem:$0x8B80] =	vst v0  }
0xba: {  	[tilespmem:$0x8B90] =	vst v0  }
0xbb: {  	[tilespmem:$0x8BA0] =	vst v0  }
0xbc: {  	[tilespmem:$0x8BB0] =	vst v0  }
0xbd: {  	[tilespmem:$0x8BC0] =	vst v0  }
0xbe: {  	[tilespmem:$0x8BD0] =	vst v0  }
0xbf: {  	[tilespmem:$0x8BE0] =	vst v0  }
0xc0: {  	[tilespmem:$0x8BF0] =	vst v0  }
0xc1: {  	[tilespmem:$0x8C00] =	vst v0  }
0xc2: {  	[tilespmem:$0x8C10] =	vst v0  }
0xc3: {  	[tilespmem:$0x8C20] =	vst v0  }
0xc4: {  	[tilespmem:$0x8C30] =	vst v0  }
0xc5: {  	[tilespmem:$0x8C40] =	vst v0  }
0xc6: {  	[tilespmem:$0x8C50] =	vst v0  }
0xc7: {  	[tilespmem:$0x8C60] =	vst v0  }
0xc8: {  	[tilespmem:$0x8C70] =	vst v0  }
0xc9: {  	[tilespmem:$0x8C80] =	vst v0  }
0xca: {  	[tilespmem:$0x8C90] =	vst v0  }
0xcb: {  	[tilespmem:$0x8CA0] =	vst v0  }
0xcc: {  	[tilespmem:$0x8CB0] =	vst v0  }
0xcd: {  	[tilespmem:$0x8CC0] =	vst v0  }
0xce: {  	[tilespmem:$0x8CD0] =	vst v0  }
0xcf: {  	[tilespmem:$0x8CE0] =	vst v0  }
0xd0: {  	[tilespmem:$0x8CF0] =	vst v0  }
0xd1: {  	[tilespmem:$0x8D00] =	vst v0  }
0xd2: {  	[tilespmem:$0x8D10] =	vst v0  }
0xd3: {  	[tilespmem:$0x8D20] =	vst v0  }
0xd4: {  	[tilespmem:$0x8D30] =	vst v0  }
0xd5: {  	[tilespmem:$0x8D40] =	vst v0  }
0xd6: {  	[tilespmem:$0x8D50] =	vst v0  }
0xd7: {  	[tilespmem:$0x8D60] =	vst v0  }
0xd8: {  	[tilespmem:$0x8D70] =	vst v0  }
0xd9: {  	[tilespmem:$0x8D80] =	vst v0  }
0xda: {  	[tilespmem:$0x8D90] =	vst v0  }
0xdb: {  	[tilespmem:$0x8DA0] =	vst v0  }
0xdc: {  	[tilespmem:$0x8DB0] =	vst v0  }
0xdd: {  	[tilespmem:$0x8DC0] =	vst v0  }
0xde: {  	[tilespmem:$0x8DD0] =	vst v0  }
0xdf: {  	[tilespmem:$0x8DE0] =	vst v0  }
0xe0: {  	[tilespmem:$0x8DF0] =	vst v0  }
0xe1: {  	[tilespmem:$0x8E00] =	vst v0  }
0xe2: {  	[tilespmem:$0x8E10] =	vst v0  }
0xe3: {  	[tilespmem:$0x8E20] =	vst v0  }
0xe4: {  	[tilespmem:$0x8E30] =	vst v0  }
0xe5: {  	[tilespmem:$0x8E40] =	vst v0  }
0xe6: {  	[tilespmem:$0x8E50] =	vst v0  }
0xe7: {  	[tilespmem:$0x8E60] =	vst v0  }
0xe8: {  	[tilespmem:$0x8E70] =	vst v0  }
0xe9: {  	[tilespmem:$0x8E80] =	vst v0  }
0xea: {  	[tilespmem:$0x8E90] =	vst v0  }
0xeb: {  	[tilespmem:$0x8EA0] =	vst v0  }
0xec: {  	[tilespmem:$0x8EB0] =	vst v0  }
0xed: {  	[tilespmem:$0x8EC0] =	vst v0  }
0xee: {  	[tilespmem:$0x8ED0] =	vst v0  }
0xef: {  	[tilespmem:$0x8EE0] =	vst v0  }
0xf0: {  	[tilespmem:$0x8EF0] =	vst v0  }
0xf1: {  	[tilespmem:$0x8F00] =	vst v0  }
0xf2: {  	[tilespmem:$0x8F10] =	vst v0  }
0xf3: {  	[tilespmem:$0x8F20] =	vst v0  }
0xf4: {  	[tilespmem:$0x8F30] =	vst v0  }
0xf5: {  	[tilespmem:$0x8F40] =	vst v0  }
0xf6: {  	[tilespmem:$0x8F50] =	vst v0  }
0xf7: {  	[tilespmem:$0x8F60] =	vst v0  }
0xf8: {  	[tilespmem:$0x8F70] =	vst v0  }
0xf9: {  	[tilespmem:$0x8F80] =	vst v0  }
0xfa: {  	[tilespmem:$0x8F90] =	vst v0  }
0xfb: {  	[tilespmem:$0x8FA0] =	vst v0  }
0xfc: {  	[tilespmem:$0x8FB0] =	vst v0  }
0xfd: {  	[tilespmem:$0x8FC0] =	vst v0  }
0xfe: {  	[tilespmem:$0x8FD0] =	vst v0  }
0xff: {  	[tilespmem:$0x8FE0] =	vst v0  }
0x100: {  	[tilespmem:$0x8FF0] =	vst v0  }
0x101: {  	[tilespmem:$0x9000] =	vst v0  }
0x102: {  	[tilespmem:$0x9010] =	vst v0  }
0x103: {  	[tilespmem:$0x9020] =	vst v0  }
0x104: {  	[tilespmem:$0x9030] =	vst v0  }
0x105: {  	[tilespmem:$0x9040] =	vst v0  }
0x106: {  	[tilespmem:$0x9050] =	vst v0  }
0x107: {  	[tilespmem:$0x9060] =	vst v0  }
0x108: {  	[tilespmem:$0x9070] =	vst v0  }
0x109: {  	[tilespmem:$0x9080] =	vst v0  }
0x10a: {  	[tilespmem:$0x9090] =	vst v0  }
0x10b: {  	[tilespmem:$0x90A0] =	vst v0  }
0x10c: {  	[tilespmem:$0x90B0] =	vst v0  }
0x10d: {  	[tilespmem:$0x90C0] =	vst v0  }
0x10e: {  	[tilespmem:$0x90D0] =	vst v0  }
0x10f: {  	[tilespmem:$0x90E0] =	vst v0  }
0x110: {  	[tilespmem:$0x90F0] =	vst v0  }
0x111: {  	[tilespmem:$0x9100] =	vst v0  }
0x112: {  	[tilespmem:$0x9110] =	vst v0  }
0x113: {  	[tilespmem:$0x9120] =	vst v0  }
0x114: {  	[tilespmem:$0x9130] =	vst v0  }
0x115: {  	[tilespmem:$0x9140] =	vst v0  }
0x116: {  	[tilespmem:$0x9150] =	vst v0  }
0x117: {  	[tilespmem:$0x9160] =	vst v0  }
0x118: {  	[tilespmem:$0x9170] =	vst v0  }
0x119: {  	[tilespmem:$0x9180] =	vst v0  }
0x11a: {  	[tilespmem:$0x9190] =	vst v0  }
0x11b: {  	[tilespmem:$0x91A0] =	vst v0  }
0x11c: {  	[tilespmem:$0x91B0] =	vst v0  }
0x11d: {  	[tilespmem:$0x91C0] =	vst v0  }
0x11e: {  	[tilespmem:$0x91D0] =	vst v0  }
0x11f: {  	[tilespmem:$0x91E0] =	vst v0  }
0x120: {  	[tilespmem:$0x91F0] =	vst v0  }
0x121: {  	[tilespmem:$0x9200] =	vst v0  }
0x122: {  	[tilespmem:$0x9210] =	vst v0  }
0x123: {  	[tilespmem:$0x9220] =	vst v0  }
0x124: {  	[tilespmem:$0x9230] =	vst v0  }
0x125: {  	[tilespmem:$0x9240] =	vst v0  }
0x126: {  	[tilespmem:$0x9250] =	vst v0  }
0x127: {  	[tilespmem:$0x9260] =	vst v0  }
0x128: {  	[tilespmem:$0x9270] =	vst v0  }
0x129: {  	[tilespmem:$0x9280] =	vst v0  }
0x12a: {  	[tilespmem:$0x9290] =	vst v0  }
0x12b: {  	[tilespmem:$0x92A0] =	vst v0  }
0x12c: {  	[tilespmem:$0x92B0] =	vst v0  }
0x12d: {  	[tilespmem:$0x92C0] =	vst v0  }
0x12e: {  	[tilespmem:$0x92D0] =	vst v0  }
0x12f: {  	[tilespmem:$0x92E0] =	vst v0  }
0x130: {  	[tilespmem:$0x92F0] =	vst v0  }
0x131: {  	[spmem:s7] =	stream.linear.scatter [tilespmem:s13], [sflag:$0x7], $0x1200, $0x38;
	[tilespmem:$0x12390] =	vst v63  }
0x132: {  	_ =	swait.ge [sflag:s14], $0x1200  }
0x133: {  	[sflag:s14] =	ssyncset.done $0x0  }
0x134: {  	[sflag:s14] =	ssyncadd.s32 $0xFFFFEE00  }
0x135: {  	[bflag:$0x0] =	sbarrier.arrive $0xFFFF  }
0x136: {  	[tilespmem:s15], [sflag:$0x7] =	stream.linear.gather [hbm4b:s3+s6], $0x90, $0x38;
	[tilespmem:$0x12390] =	vst v63  }
0x137: {  	_ =	swait.ge [sflag:s14], $0x90  }
0x138: {  	[sflag:s14] =	ssyncset.done $0x0  }
0x139: {  	[sflag:s14] =	ssyncadd.s32 $0xFFFFFF70  }
0x13a: {  	v39 =	vld [tilespmem:$0x11100]  }
0x13b: {  	v6 =	vld [tilespmem:$0x11110]  }
0x13c: {  	v7 =	vld [tilespmem:$0x11120]  }
0x13d: {  	v8 =	vld [tilespmem:$0x11130]  }
0x13e: {  	v9 =	vld [tilespmem:$0x11140]  }
0x13f: {  	v10 =	vld [tilespmem:$0x11150]  }
0x140: {  	v11 =	vld [tilespmem:$0x11160]  }
0x141: {  	v12 =	vld [tilespmem:$0x11170]  }
0x142: {  	v13 =	vld [tilespmem:$0x11180];
	[tilespmem:s6], [sflag:$0x1] =	stream.linear.gather [hbm4b:s8+s6], $0x4000, $0x38  }
0x143: {  	s23 =	simm.s32 $0x0  }
0x144: {  	[tilespmem:s16], [sflag:$0x3] =	stream.linear.gather [hbm4b:s9+s6], $0x80, $0x38;
	[tilespmem:$0x12390] =	vst v63  }
.LBB2_2:
0x145: {  	p0 =	seq.s32 s23, $0x0  }
0x146: {  	p1 =	seq.s32 @!p0 s23, $0xC  }
0x147: {  	s20 =	sand.u32 $0x1, s23;
	p1 =	por p0, !p1  }
.Ltmp0:
0x148: {  	s22 =	sxor.u32 $0x1, s20;
	(pc) =	sbr.rel @!p1 .LBB2_4-.Ltmp0, $4  }
0x149: {  	s21 =	sadd.s32 @!p0 $0x5, s22  }
0x14a: {  	_ =	swait.ge @!p0 [sflag:s21], $0x4800  }
0x14b: {  	[sflag:s21] =	ssyncset.done @!p0 $0x0  }
0x14c: {  	[sflag:s21] =	ssyncadd.s32 @!p0 $0xFFFFB800;
	s21 =	simm.s32 @!p0 $0xD  }
0x14d: {  	s21 =	sadd.s32 @!p0 $0x1, s23  }
0x14e: {  	s21 =	simm.s32 @p0 $0x1  }
0x14f: {  	s29 =	sshll.u32 s21, $0xC  }
0x150: {  	s23 =	sor.u32 s10, s29  }
0x151: {  	s24 =	sshll.u32 s23, $0x4  }
0x152: {  	s25 =	sshll.u32 s22, $0xE;
	s26 =	sadd.s32 $0x1, s22;
	s24 =	sand.u32 $0x1FFFF800, s24  }
0x153: {  	s30 =	sshll.u32 s22, $0x7;
	s23 =	sshrl.u32 s23, $0x3;
	s24 =	sadd.s32 s0, s24  }
0x154: {  	[tilespmem:s25], [sflag:s26] =	stream.linear.gather [hbm4b:s24+s6], $0x4000, $0x38;
	[tilespmem:$0x12390] =	vst v63  }
0x155: {  	s31 =	sadd.s32 $0x3, s22;
	s23 =	sadd.s32 s1, s23;
	s24 =	sor.u32 $0x8000, s30  }
0x156: {  	[tilespmem:s24], [sflag:s31] =	stream.linear.gather [hbm4b:s23+s6], $0x80, $0x38;
	[tilespmem:$0x12390] =	vst v63  }
.LBB2_4:
0x157: {  	s22 =	sadd.s32 $0x1, s20  }
0x158: {  	s24 =	sshll.u32 s20, $0xE;
	_ =	swait.ge [sflag:s22], $0x4000  }
0x159: {  	s25 =	sor.u32 $0x3F0, s24;
	[sflag:s22] =	ssyncset.done $0x0  }
0x15a: {  	s31 =	sadd.s32 $0x3, s20;
	s23 =	smul.u32 $0x12000, s20;
	v14 =	vmov s25;
	[sflag:s22] =	ssyncadd.s32 $0xFFFFC000  }
0x15b: {  	_ =	swait.ge [sflag:s31], $0x80  }
0x15c: {  	s24 =	simm.s32 $0x0;
	s23 =	sshrl.u32 s23, $0x2;
	[sflag:s31] =	ssyncset.done $0x0  }
0x15d: {  	s22 =	sor.u32 $0x8100, s23;
	s23 =	sor.u32 $0x8340, s23;
	[sflag:s31] =	ssyncadd.s32 $0xFFFFFF80  }
.LBB2_5:
0x15e: {  	s25 =	sshra.s32 s24, $0x2  }
0x15f: {  	v54 =	vld.idx.msk [tilespmem:v14+s25+$0xFFFFFC10 ss:$0x1], $0xffff  }
0x160: {  	v52 =	vld.idx.msk [tilespmem:v14+s25+$0xFFFFFC20 ss:$0x1], $0xffff  }
0x161: {  	v53 =	vld.idx.msk [tilespmem:v14+s25+$0xFFFFFC30 ss:$0x1], $0xffff  }
0x162: {  	v51 =	vld.idx.msk [tilespmem:v14+s25+$0xFFFFFC40 ss:$0x1], $0xffff  }
0x163: {  	v49 =	vld.idx.msk [tilespmem:v14+s25+$0xFFFFFC50 ss:$0x1], $0xffff  }
0x164: {  	v50 =	vld.idx.msk [tilespmem:v14+s25+$0xFFFFFC60 ss:$0x1], $0xffff  }
0x165: {  	v37 =	vld.idx.msk [tilespmem:v14+s25+$0xFFFFFC70 ss:$0x1], $0xffff  }
0x166: {  	v4 =	vld.idx.msk [tilespmem:v14+s25+$0xFFFFFC80 ss:$0x1], $0xffff;
	v0 =	vmul.f32 v54, v39;
	v1 =	vmul.f32 v53, v7  }
0x167: {  	v2 =	vmul.f32 v52, v6;
	v3 =	vmul.f32 v51, v8  }
0x168: {  	v18 =	vmul.f32 v49, v9  }
0x169: {  	v19 =	vmul.f32 v50, v10;
	v0 =	vadd.f32 v1, v0;
	v2 =	vadd.f32 v3, v2  }
0x16a: {  	v21 =	vmul.f32 v37, v11  }
0x16b: {  	v22 =	vmul.f32 v4, v12;
	v0 =	vadd.f32 v18, v0;
	v20 =	vadd.f32 v19, v2  }
0x16c: {  	v40 =	vld.idx.msk [tilespmem:v14+s25+$0xFFFFFC90 ss:$0x1], $0xffff  }
0x16d: {  	v32 =	vld.idx.msk [tilespmem:v14+s25+$0xFFFFFCA0 ss:$0x1], $0xffff;
	v0 =	vadd.f32 v21, v0;
	v1 =	vadd.f32 v22, v20  }
0x16e: {  	v35 =	vld.idx.msk [tilespmem:v14+s25+$0xFFFFFCB0 ss:$0x1], $0xffff  }
0x16f: {  	v36 =	vld.idx.msk [tilespmem:v14+s25+$0xFFFFFCC0 ss:$0x1], $0xffff;
	v0 =	vadd.f32 v1, v0  }
0x170: {  	v5 =	vld.idx.msk [tilespmem:v14+s25+$0xFFFFFCD0 ss:$0x1], $0xffff  }
0x171: {  	v17 =	vld.idx.msk [tilespmem:v14+s25+$0xFFFFFCE0 ss:$0x1], $0xffff;
	v1 =	vperm.xlane v0, v31  }
0x172: {  	v16 =	vld.idx.msk [tilespmem:v14+s25+$0xFFFFFCF0 ss:$0x1], $0xffff  }
0x173: {  	v15 =	vld.idx.msk [tilespmem:v14+s25+$0xFFFFFD00 ss:$0x1], $0xffff;
	v23 =	vmul.f32 v40, v39;
	v24 =	vmul.f32 v35, v7;
	v0 =	vadd.f32 v1, v0  }
0x174: {  	[tilespmem:$0x1FEB0] =	vst v4;
	v25 =	vmul.f32 v32, v6;
	v4 =	vmul.f32 v36, v8  }
0x175: {  	[tilespmem:$0x1FEC0] =	vst v5;
	v26 =	vmul.f32 v5, v9;
	v5 =	vperm.xlane v0, v30  }
0x176: {  	v2 =	vadd.f32 v24, v23;
	v1 =	vadd.f32 v4, v25;
	v4 =	vmul.f32 v17, v10  }
0x177: {  	v42 =	vld.idx.msk [tilespmem:v14+s25+$0xFFFFFD70 ss:$0x1], $0xffff;
	v27 =	vmul.f32 v16, v11;
	v0 =	vadd.f32 v5, v0  }
0x178: {  	v19 =	vld.idx.msk [tilespmem:v14+s25+$0xFFFFFD10 ss:$0x1], $0xffff;
	v2 =	vadd.f32 v26, v2;
	v1 =	vadd.f32 v4, v1;
	v4 =	vmul.f32 v15, v12  }
0x179: {  	v20 =	vld.idx.msk [tilespmem:v14+s25+$0xFFFFFD20 ss:$0x1], $0xffff;
	v5 =	vperm.xlane v0, v33  }
0x17a: {  	v2 =	vadd.f32 v27, v2;
	v1 =	vadd.f32 v4, v1;
	v4 =	vld.idx.msk [tilespmem:v14+s25+$0xFFFFFD30 ss:$0x1], $0xffff  }
0x17b: {  	v0 =	vadd.f32 v5, v0;
	v5 =	vld.idx.msk [tilespmem:v14+s25+$0xFFFFFD40 ss:$0x1], $0xffff  }
0x17c: {  	[tilespmem:$0x1FEF0] =	vst v15;
	v15 =	vld.idx.msk [tilespmem:v14+s25+$0xFFFFFD50 ss:$0x1], $0xffff;
	v1 =	vadd.f32 v1, v2  }
0x17d: {  	v18 =	vld.idx.msk [tilespmem:v14+s25+$0xFFFFFD60 ss:$0x1], $0xffff;
	v34 =	vperm.xlane v0, v38  }
0x17e: {  	v43 =	vld.idx.msk [tilespmem:v14+s25+$0xFFFFFD80 ss:$0x1], $0xffff;
	v41 =	vperm.xlane v1, v31  }
0x17f: {  	v44 =	vmul.f32 v19, v39;
	[tilespmem:$0x1FF20] =	vst v4;
	v4 =	vmul.f32 v4, v7;
	v0 =	vadd.f32 v34, v0  }
0x180: {  	v45 =	vmul.f32 v20, v6;
	v1 =	vadd.f32 v41, v1;
	[tilespmem:$0x1FF30] =	vst v5;
	v5 =	vmul.f32 v5, v8  }
0x181: {  	v2 =	vadd.f32 v4, v44;
	v4 =	vmul.f32 v15, v9;
	v0 =	vadd.f32 v0, v13  }
0x182: {  	[tilespmem:$0x1FF40] =	vst v15;
	v15 =	vperm.xlane v1, v30;
	v3 =	vadd.f32 v5, v45;
	v5 =	vmul.f32 v18, v10  }
0x183: {  	v2 =	vadd.f32 v4, v2;
	v4 =	vmul.f32 v42, v11;
	v0 =	vsub.f32 $0.0e+00, v0  }
0x184: {  	v46 =	vld.idx.msk [tilespmem:v14+s25+$0xFFFFFD90 ss:$0x1], $0xffff;
	v1 =	vadd.f32 v15, v1;
	v3 =	vadd.f32 v5, v3;
	v5 =	vmul.f32 v43, v12  }
0x185: {  	v47 =	vld.idx.msk [tilespmem:v14+s25+$0xFFFFFDA0 ss:$0x1], $0xffff;
	v0 =	vmul.f32 $1.442695020e+00, v0  }
0x186: {  	v2 =	vadd.f32 v4, v2;
	v15 =	vperm.xlane v1, v33;
	v3 =	vadd.f32 v5, v3;
	v5 =	vld.idx.msk [tilespmem:v14+s25+$0xFFFFFDB0 ss:$0x1], $0xffff  }
0x187: {  	v48 =	vld.idx.msk [tilespmem:v14+s25+$0xFFFFFDC0 ss:$0x1], $0xffff;
	(erf) = vpow2.f32 v0  }
0x188: {  	v21 =	vld.idx.msk [tilespmem:v14+s25+$0xFFFFFDD0 ss:$0x1], $0xffff;
	v55 =	vadd.f32 v15, v1;
	v56 =	vadd.f32 v3, v2;
	_ =	sdelay $0x1  }
0x189: {  	v58 =	vld.idx.msk [tilespmem:v14+s25+$0xFFFFFDE0 ss:$0x1], $0xffff;
	v57 =	vperm.xlane v55, v38;
	v3 =	vperm.xlane v56, v31  }
0x18a: {  	v59 =	vld.idx.msk [tilespmem:v14+s25+$0xFFFFFDF0 ss:$0x1], $0xffff;
	v4 =	vmul.f32 v46, v39;
	[tilespmem:$0x1FFA0] =	vst v5;
	v5 =	vmul.f32 v5, v7  }
0x18b: {  	v60 =	vld.idx.msk [tilespmem:v14+s25+$0xFFFFFE00 ss:$0x1], $0xffff;
	v15 =	vmul.f32 v48, v8;
	v0 =	vadd.f32 v57, v55;
	v1 =	vadd.f32 v3, v56  }
0x18c: {  	v61 =	vmul.f32 v47, v6;
	v62 =	vadd.f32 v5, v4;
	v4 =	vmul.f32 v21, v9  }
0x18d: {  	v0 =	vadd.f32 v0, v13;
	v5 =	vperm.xlane v1, v30  }
0x18e: {  	v2 =	vadd.f32 v15, v61;
	v3 =	vadd.f32 v4, v62;
	v4 =	vmul.f32 v58, v10  }
0x18f: {  	[tilespmem:$0x1FED0] =	vst v17;
	v63 =	vmul.f32 v59, v11;
	v0 =	vsub.f32 $0.0e+00, v0;
	v15 =	vpop (erf);
	v1 =	vadd.f32 v5, v1  }
0x190: {  	[tilespmem:$0x1FF60] =	vst v42;
	v44 =	vld.idx.msk [tilespmem:v14+s25+$0xFFFFFE20 ss:$0x1], $0xffff;
	v15 =	vadd.f32 $1.000000000e+00, v15;
	v2 =	vadd.f32 v4, v2;
	v4 =	vmul.f32 v60, v12  }
0x191: {  	[tilespmem:$0x1FF90] =	vst v47;
	v47 =	vld.idx.msk [tilespmem:v14+s25+$0xFFFFFE10 ss:$0x1], $0xffff;
	v0 =	vmul.f32 $1.442695020e+00, v0;
	v3 =	vadd.f32 v63, v3  }
0x192: {  	[tilespmem:$0x1FFB0] =	vst v48;
	v48 =	vld.idx.msk [tilespmem:v14+s25+$0xFFFFFE30 ss:$0x1], $0xffff;
	v5 =	vperm.xlane v1, v33;
	(erf) = vrcp.f32 v15;
	v2 =	vadd.f32 v4, v2  }
0x193: {  	[tilespmem:$0x1FF70] =	vst v43;
	v45 =	vld.idx.msk [tilespmem:v14+s25+$0xFFFFFE40 ss:$0x1], $0xffff;
	(erf) = vpow2.f32 v0  }
0x194: {  	[tilespmem:$0x1FF50] =	vst v18;
	v43 =	vld.idx.msk [tilespmem:v14+s25+$0xFFFFFE50 ss:$0x1], $0xffff;
	v17 =	vadd.f32 v5, v1;
	v18 =	vadd.f32 v2, v3  }
0x195: {  	[tilespmem:$0x1FF10] =	vst v20;
	v20 =	vmul.f32 v44, v6  }
0x196: {  	[tilespmem:$0x1FF00] =	vst v19;
	v41 =	vld.idx.msk [tilespmem:v14+s25+$0xFFFFFE60 ss:$0x1], $0xffff;
	v19 =	vperm.xlane v17, v38;
	v3 =	vperm.xlane v18, v31  }
0x197: {  	[tilespmem:$0x1FF80] =	vst v46;
	v42 =	vld.idx.msk [tilespmem:v14+s25+$0xFFFFFE70 ss:$0x1], $0xffff;
	v4 =	vmul.f32 v47, v39;
	v5 =	vmul.f32 v48, v7  }
0x198: {  	v46 =	vld.idx.msk [tilespmem:v14+s25+$0xFFFFFE80 ss:$0x1], $0xffff;
	v15 =	vmul.f32 v45, v8;
	v0 =	vadd.f32 v19, v17;
	v1 =	vadd.f32 v3, v18  }
0x199: {  	[tilespmem:$0x1FFC0] =	vst v21;
	v21 =	vadd.f32 v5, v4;
	v4 =	vmul.f32 v43, v9  }
0x19a: {  	v2 =	vadd.f32 v15, v20;
	v0 =	vadd.f32 v0, v13;
	v15 =	vperm.xlane v1, v30  }
0x19b: {  	v3 =	vadd.f32 v4, v21;
	v4 =	vmul.f32 v41, v10;
	v5 =	vpop (erf)  }
0x19c: {  	v23 =	vmul.f32 v42, v11;
	v0 =	vsub.f32 $0.0e+00, v0;
	v22 =	vpop (erf);
	v1 =	vadd.f32 v15, v1  }
0x19d: {  	[tilespmem:$0x1FEE0] =	vst v16;
	v2 =	vadd.f32 v4, v2;
	v4 =	vmul.f32 v46, v12;
	v16 =	vadd.f32 $1.000000000e+00, v22  }
0x19e: {  	v0 =	vmul.f32 $1.442695020e+00, v0;
	v15 =	vperm.xlane v1, v33  }
0x19f: {  	v3 =	vadd.f32 v23, v3;
	(erf) = vrcp.f32 v16  }
0x1a0: {  	[tilespmem:$0x1FFE0] =	vst v59;
	v59 =	vld.idx.msk [tilespmem:v14+s25+$0xFFFFFE90 ss:$0x1], $0xffff;
	v2 =	vadd.f32 v4, v2;
	(erf) = vpow2.f32 v0;
	v24 =	vadd.f32 v15, v1  }
0x1a1: {  	v55 =	vld.idx.msk [tilespmem:v14+s25+$0xFFFFFEB0 ss:$0x1], $0xffff  }
0x1a2: {  	v25 =	vadd.f32 v2, v3;
	v26 =	vperm.xlane v24, v38  }
0x1a3: {  	v57 =	vld.idx.msk [tilespmem:v14+s25+$0xFFFFFED0 ss:$0x1], $0xffff  }
0x1a4: {  	[tilespmem:$0x1FFF0] =	vst v60;
	v60 =	vld.idx.msk [tilespmem:v14+s25+$0xFFFFFEC0 ss:$0x1], $0xffff;
	v3 =	vperm.xlane v25, v31;
	v0 =	vadd.f32 v26, v24  }
0x1a5: {  	[tilespmem:$0x1FFD0] =	vst v58;
	v62 =	vld.idx.msk [tilespmem:v14+s25+$0xFFFFFEA0 ss:$0x1], $0xffff  }
0x1a6: {  	v27 =	vmul.f32 v59, v39;
	v58 =	vld.idx.msk [tilespmem:v14+s25+$0xFFFFFEE0 ss:$0x1], $0xffff;
	v4 =	vmul.f32 v55, v7;
	v1 =	vadd.f32 v3, v25  }
0x1a7: {  	v34 =	vadd.f32 v0, v13  }
0x1a8: {  	v61 =	vld.idx.msk [tilespmem:v14+s25+$0xFFFFFF00 ss:$0x1], $0xffff;
	v2 =	vadd.f32 v4, v27;
	v4 =	vperm.xlane v1, v30;
	v0 =	vpop (erf)  }
0x1a9: {  	v56 =	vld.idx.msk [tilespmem:v14+s25+$0xFFFFFEF0 ss:$0x1], $0xffff;
	v21 =	vmul.f32 v60, v8;
	v22 =	vmul.f32 v57, v9;
	v3 =	vsub.f32 $0.0e+00, v34;
	v23 =	vpop (erf)  }
0x1aa: {  	v15 =	vmul.f32 v62, v6;
	v1 =	vadd.f32 v4, v1;
	v18 =	vadd.f32 $1.000000000e+00, v23  }
0x1ab: {  	v63 =	vld.idx.msk [tilespmem:v14+s25+$0xFFFFFF10 ss:$0x1], $0xffff;
	v2 =	vadd.f32 v22, v2;
	v24 =	vmul.f32 v58, v10;
	v3 =	vmul.f32 $1.442695020e+00, v3  }
0x1ac: {  	v22 =	vld.idx.msk [tilespmem:v14+s25+$0xFFFFFF40 ss:$0x1], $0xffff;
	v4 =	vadd.f32 v21, v15;
	v25 =	vperm.xlane v1, v33;
	(erf) = vrcp.f32 v18  }
0x1ad: {  	v26 =	vmul.f32 v61, v12;
	v21 =	vld.idx.msk [tilespmem:v14+s25+$0xFFFFFF30 ss:$0x1], $0xffff;
	(erf) = vpow2.f32 v3  }
0x1ae: {  	v15 =	vmul.f32 v56, v11;
	v34 =	vld.idx.msk [tilespmem:v14+s25+$0xFFFFFF20 ss:$0x1], $0xffff;
	v4 =	vadd.f32 v24, v4;
	v1 =	vadd.f32 v25, v1;
	_ =	sdelay $0x1  }
0x1af: {  	v19 =	vld.idx.msk [tilespmem:v14+s25+$0xFFFFFF50 ss:$0x1], $0xffff;
	v2 =	vadd.f32 v15, v2;
	v27 =	vadd.f32 v26, v4;
	v4 =	vperm.xlane v1, v38  }
0x1b0: {  	v23 =	vmul.f32 v22, v8;
	v18 =	vld.idx.msk [tilespmem:v14+s25+$0xFFFFFF60 ss:$0x1], $0xffff  }
0x1b1: {  	v20 =	vld.idx.msk [tilespmem:v14+s25+$0xFFFFFF70 ss:$0x1], $0xffff;
	v2 =	vadd.f32 v27, v2;
	v3 =	vmul.f32 v63, v39;
	v1 =	vadd.f32 v4, v1  }
0x1b2: {  	v15 =	vmul.f32 v34, v6;
	v4 =	vmul.f32 v21, v7  }
0x1b3: {  	v17 =	vld.idx.msk [tilespmem:v14+s25+$0xFFFFFF80 ss:$0x1], $0xffff;
	v24 =	vperm.xlane v2, v31;
	v1 =	vadd.f32 v1, v13  }
0x1b4: {  	v16 =	vld.idx.msk [tilespmem:v14+s25+$0xFFFFFF90 ss:$0x1], $0xffff;
	v23 =	vadd.f32 v23, v15;
	v3 =	vadd.f32 v4, v3;
	v4 =	vmul.f32 v19, v9;
	v25 =	vpop (erf)  }
0x1b5: {  	v15 =	vld.idx.msk [tilespmem:v14+s25+$0xFFFFFFD0 ss:$0x1], $0xffff;
	v2 =	vadd.f32 v24, v2;
	v26 =	vmul.f32 v18, v10;
	v1 =	vsub.f32 $0.0e+00, v1;
	v27 =	vpop (erf)  }
0x1b6: {  	v28 =	vmul.f32 v20, v11;
	v24 =	vld.idx.msk [tilespmem:v14+s25+$0xFFFFFFA0 ss:$0x1], $0xffff;
	v3 =	vadd.f32 v4, v3;
	v4 =	vadd.f32 $1.000000000e+00, v27  }
0x1b7: {  	v29 =	vperm.xlane v2, v30;
	v26 =	vadd.f32 v26, v23;
	v23 =	vld.idx.msk [tilespmem:v14+s25+$0xFFFFFFC0 ss:$0x1], $0xffff;
	v1 =	vmul.f32 $1.442695020e+00, v1  }
0x1b8: {  	v28 =	vadd.f32 v28, v3;
	v27 =	vld.idx.msk [tilespmem:v14+s25+$0xFFFFFFB0 ss:$0x1], $0xffff;
	(erf) = vrcp.f32 v4;
	v4 =	vmul.f32 v17, v12  }
0x1b9: {  	(erf) = vpow2.f32 v1;
	v1 =	vadd.f32 v29, v2;
	v2 =	vmul.f32 v5, v54;
	v54 =	vld.idx.msk [tilespmem:v14+s25+$0xFFFFFFE0 ss:$0x1], $0xffff  }
0x1ba: {  	v29 =	vmul.f32 v5, v53;
	v53 =	vmul.f32 v5, v51;
	v51 =	vld.idx.msk [tilespmem:v14+s25+$0x0 ss:$0x1], $0xffff;
	v4 =	vadd.f32 v4, v26  }
0x1bb: {  	v3 =	vmov v30;
	v26 =	vmul.f32 v5, v52;
	v52 =	vld.idx.msk [tilespmem:v14+s25+$0xFFFFFFF0 ss:$0x1], $0xffff;
	v30 =	vperm.xlane v1, v33;
	[tilespmem:s23+$0xFFFFFDC0] =	vst v2  }
0x1bc: {  	[tilespmem:s23+$0xFFFFFDE0] =	vst v29;
	v4 =	vadd.f32 v4, v28;
	v28 =	vmul.f32 v5, v50  }
0x1bd: {  	[tilespmem:s23+$0xFFFFFDD0] =	vst v26;
	v26 =	vmul.f32 v16, v39;
	v1 =	vadd.f32 v30, v1;
	v30 =	vmul.f32 v27, v7  }
0x1be: {  	v2 =	vmul.f32 v5, v49;
	v29 =	vmul.f32 v24, v6;
	[tilespmem:s23+$0xFFFFFE10] =	vst v28;
	v28 =	vld [tilespmem:$0x1FEB0]  }
0x1bf: {  	v49 =	vperm.xlane v4, v31;
	v26 =	vadd.f32 v30, v26;
	v30 =	vmul.f32 v23, v8  }
0x1c0: {  	[tilespmem:s23+$0xFFFFFDF0] =	vst v53;
	v53 =	vmul.f32 v15, v9;
	v50 =	vperm.xlane v1, v38  }
0x1c1: {  	v49 =	vadd.f32 v49, v4;
	v4 =	vmul.f32 v5, v37;
	v29 =	vadd.f32 v30, v29  }
0x1c2: {  	v1 =	vadd.f32 v50, v1;
	v26 =	vadd.f32 v53, v26;
	v30 =	vmul.f32 v54, v10  }
0x1c3: {  	[tilespmem:s23+$0xFFFFFE20] =	vst v4;
	v4 =	vnsel vm0, $0x0, v5;
	v28 =	vmul.f32 v5, v28;
	v5 =	vperm.xlane v49, v3  }
0x1c4: {  	v50 =	vmul.f32 v51, v12;
	v1 =	vadd.f32 v1, v13;
	[tilespmem:s23+$0xFFFFFE40] =	vst v4;
	v4 =	vmul.f32 v52, v11  }
0x1c5: {  	[tilespmem:s23+$0xFFFFFE00] =	vst v2;
	v29 =	vadd.f32 v30, v29;
	v2 =	vadd.f32 v5, v49;
	v5 =	vmul.f32 v0, v32  }
0x1c6: {  	v37 =	vpop (erf);
	v53 =	vld [tilespmem:$0x1FED0];
	[tilespmem:s23+$0xFFFFFE30] =	vst v28;
	v28 =	vmul.f32 v0, v40;
	v1 =	vsub.f32 $0.0e+00, v1  }
0x1c7: {  	v40 =	vpop (erf);
	v4 =	vadd.f32 v4, v26;
	v29 =	vadd.f32 v50, v29;
	[tilespmem:s23+$0xFFFFFE60] =	vst v5;
	v5 =	vld [tilespmem:$0x1FEC0]  }
0x1c8: {  	v49 =	vadd.f32 $1.000000000e+00, v40;
	[tilespmem:s23+$0xFFFFFE50] =	vst v28;
	v28 =	vmul.f32 v0, v35;
	v35 =	vmul.f32 v0, v36;
	v36 =	vld [tilespmem:$0x1FEE0];
	_ =	sdelay $0x1  }
0x1c9: {  	v40 =	vld [tilespmem:$0x1FEF0];
	v1 =	vmul.f32 $1.442695020e+00, v1;
	v4 =	vadd.f32 v29, v4;
	(erf) = vrcp.f32 v49;
	[tilespmem:s23+$0xFFFFFE70] =	vst v28  }
0x1ca: {  	v49 =	vld [tilespmem:$0x1FF00];
	v28 =	vmul.f32 v0, v53;
	[tilespmem:s23+$0xFFFFFE80] =	vst v35;
	v35 =	vperm.xlane v2, v33  }
0x1cb: {  	v50 =	vld [tilespmem:$0x1FF10];
	v53 =	vperm.xlane v4, v31;
	v5 =	vmul.f32 v0, v5  }
0x1cc: {  	(erf) = vpow2.f32 v1;
	v1 =	vmul.f32 v0, v36  }
0x1cd: {  	v2 =	vadd.f32 v35, v2;
	v35 =	vld [tilespmem:$0x1FF20];
	v36 =	vadd.f32 v53, v4;
	[tilespmem:s23+$0xFFFFFE90] =	vst v5  }
0x1ce: {  	v30 =	vmov v3;
	v5 =	vmul.f32 v0, v40;
	[tilespmem:s23+$0xFFFFFEB0] =	vst v1;
	v0 =	vnsel vm0, $0x0, v0;
	v40 =	vld [tilespmem:$0x1FF30]  }
0x1cf: {  	v1 =	vmul.f32 v25, v49;
	v49 =	vld [tilespmem:$0x1FF40];
	v26 =	vperm.xlane v36, v30;
	[tilespmem:s23+$0xFFFFFED0] =	vst v0  }
0x1d0: {  	v0 =	vmul.f32 v25, v50;
	v50 =	vld [tilespmem:$0x1FF50];
	[tilespmem:s23+$0xFFFFFEC0] =	vst v5;
	v5 =	vperm.xlane v2, v38  }
0x1d1: {  	[tilespmem:s23+$0xFFFFFEA0] =	vst v28  }
0x1d2: {  	[tilespmem:s23+$0xFFFFFEF0] =	vst v0;
	v0 =	vadd.f32 v26, v36;
	v32 =	vadd.f32 v5, v2;
	v2 =	vmul.f32 v25, v35  }
0x1d3: {  	[tilespmem:s23+$0xFFFFFEE0] =	vst v1;
	v4 =	vmul.f32 v25, v40  }
0x1d4: {  	v53 =	vld [tilespmem:$0x1FF60];
	v36 =	vperm.xlane v0, v33;
	[tilespmem:s23+$0xFFFFFF00] =	vst v2;
	v2 =	vmul.f32 v25, v49  }
0x1d5: {  	v26 =	vld [tilespmem:$0x1FF70];
	v1 =	vadd.f32 v32, v13;
	v5 =	vpop (erf);
	[tilespmem:s23+$0xFFFFFF10] =	vst v4;
	v4 =	vmul.f32 v25, v50  }
0x1d6: {  	v0 =	vadd.f32 v36, v0;
	v36 =	vmul.f32 v5, v47;
	[tilespmem:s23+$0xFFFFFF20] =	vst v2  }
0x1d7: {  	v35 =	vld [tilespmem:$0x1FF80];
	v28 =	vpop (erf);
	v45 =	vmul.f32 v5, v45;
	v1 =	vsub.f32 $0.0e+00, v1;
	[tilespmem:s23+$0xFFFFFF30] =	vst v4  }
0x1d8: {  	v47 =	vmul.f32 v5, v43;
	v32 =	vadd.f32 $1.000000000e+00, v28;
	[tilespmem:s23+$0x0] =	vst v36  }
0x1d9: {  	v40 =	vld [tilespmem:$0x1FF90];
	v2 =	vmul.f32 v25, v53;
	[tilespmem:s23+$0x30] =	vst v45;
	v1 =	vmul.f32 $1.442695020e+00, v1  }
0x1da: {  	v49 =	vld [tilespmem:$0x1FFA0];
	v4 =	vmul.f32 v25, v26;
	[tilespmem:s23+$0x40] =	vst v47;
	(erf) = vrcp.f32 v32  }
0x1db: {  	[tilespmem:s23+$0xFFFFFF40] =	vst v2;
	(erf) = vpow2.f32 v1  }
0x1dc: {  	v50 =	vld [tilespmem:$0x1FFB0];
	v2 =	vmul.f32 v37, v35;
	v35 =	vnsel vm0, $0x0, v37;
	[tilespmem:s23+$0xFFFFFF50] =	vst v4  }
0x1dd: {  	v53 =	vld [tilespmem:$0x1FFC0];
	v4 =	vnsel vm0, $0x0, v25;
	[tilespmem:s23+$0xFFFFFFF0] =	vst v35  }
0x1de: {  	[tilespmem:s23+$0xFFFFFF60] =	vst v4;
	v1 =	vmul.f32 v37, v40;
	v4 =	vperm.xlane v0, v38  }
0x1df: {  	[tilespmem:s23+$0xFFFFFF70] =	vst v2;
	v2 =	vmul.f32 v37, v49  }
0x1e0: {  	v25 =	vld [tilespmem:$0x1FFD0];
	v49 =	vmul.f32 v5, v42;
	[tilespmem:s23+$0xFFFFFF80] =	vst v1;
	v0 =	vadd.f32 v4, v0  }
0x1e1: {  	v26 =	vld [tilespmem:$0x1FFE0];
	v1 =	vmul.f32 v37, v50;
	[tilespmem:s23+$0xFFFFFF90] =	vst v2  }
0x1e2: {  	v32 =	vld [tilespmem:$0x1FFF0];
	v2 =	vmul.f32 v37, v53;
	[tilespmem:s23+$0x60] =	vst v49;
	v53 =	vnsel vm0, $0x0, v5;
	v0 =	vadd.f32 v0, v13  }
0x1e3: {  	[tilespmem:s23+$0x80] =	vst v53;
	v4 =	vpop (erf)  }
0x1e4: {  	v50 =	vmul.f32 v5, v46;
	[tilespmem:s23+$0xFFFFFFA0] =	vst v1;
	v0 =	vsub.f32 $0.0e+00, v0;
	v40 =	vpop (erf)  }
0x1e5: {  	v1 =	vmul.f32 v37, v25;
	[tilespmem:s23+$0xFFFFFFB0] =	vst v2;
	v25 =	vadd.f32 $1.000000000e+00, v40  }
0x1e6: {  	v2 =	vmul.f32 v37, v26;
	[tilespmem:s23+$0x70] =	vst v50;
	v0 =	vmul.f32 $1.442695020e+00, v0  }
0x1e7: {  	[tilespmem:s23+$0xFFFFFFC0] =	vst v1;
	v1 =	vmul.f32 v37, v32;
	(erf) = vrcp.f32 v25  }
0x1e8: {  	[tilespmem:s23+$0xFFFFFFD0] =	vst v2;
	v37 =	vmul.f32 v5, v44;
	(erf) = vpow2.f32 v0  }
0x1e9: {  	v44 =	vmul.f32 v5, v48;
	[tilespmem:s23+$0xFFFFFFE0] =	vst v1  }
0x1ea: {  	v48 =	vmul.f32 v5, v41;
	[tilespmem:s23+$0x10] =	vst v37  }
0x1eb: {  	[tilespmem:s23+$0x20] =	vst v44  }
0x1ec: {  	[tilespmem:s23+$0x50] =	vst v48;
	v59 =	vmul.f32 v4, v59;
	v41 =	vnsel vm0, $0x0, v4  }
0x1ed: {  	v62 =	vmul.f32 v4, v62;
	[tilespmem:s23+$0x110] =	vst v41  }
0x1ee: {  	v26 =	vmul.f32 v4, v60;
	[tilespmem:s23+$0x90] =	vst v59  }
0x1ef: {  	v35 =	vmul.f32 v4, v57;
	[tilespmem:s23+$0xA0] =	vst v62  }
0x1f0: {  	v36 =	vmul.f32 v4, v58;
	[tilespmem:s23+$0xC0] =	vst v26;
	v32 =	vpop (erf)  }
0x1f1: {  	v37 =	vmul.f32 v4, v56;
	[tilespmem:s23+$0xD0] =	vst v35;
	v5 =	vpop (erf)  }
0x1f2: {  	[tilespmem:s23+$0xE0] =	vst v36;
	v40 =	vmul.f32 v4, v61;
	v5 =	vadd.f32 $1.000000000e+00, v5  }
0x1f3: {  	[tilespmem:s23+$0xF0] =	vst v37;
	v25 =	vmul.f32 v4, v55  }
0x1f4: {  	[tilespmem:s23+$0x100] =	vst v40;
	(erf) = vrcp.f32 v5  }
0x1f5: {  	[tilespmem:s23+$0xB0] =	vst v25;
	v42 =	vmul.f32 v32, v63;
	v53 =	vnsel vm0, $0x0, v32  }
0x1f6: {  	v43 =	vmul.f32 v32, v34;
	[tilespmem:s23+$0x1A0] =	vst v53  }
0x1f7: {  	v44 =	vmul.f32 v32, v21;
	[tilespmem:s23+$0x120] =	vst v42  }
0x1f8: {  	v45 =	vmul.f32 v32, v22;
	[tilespmem:s23+$0x130] =	vst v43  }
0x1f9: {  	v46 =	vmul.f32 v32, v19;
	[tilespmem:s23+$0x140] =	vst v44  }
0x1fa: {  	v47 =	vmul.f32 v32, v18;
	[tilespmem:s23+$0x150] =	vst v45  }
0x1fb: {  	v48 =	vmul.f32 v32, v20;
	[tilespmem:s23+$0x160] =	vst v46  }
0x1fc: {  	v49 =	vmul.f32 v32, v17;
	[tilespmem:s23+$0x170] =	vst v47  }
0x1fd: {  	[tilespmem:s23+$0x180] =	vst v48;
	v50 =	vpop (erf)  }
0x1fe: {  	[tilespmem:s23+$0x190] =	vst v49;
	v55 =	vmul.f32 v50, v16;
	v63 =	vnsel vm0, $0x0, v50  }
0x1ff: {  	v56 =	vmul.f32 v50, v24;
	[tilespmem:s23+$0x230] =	vst v63  }
0x200: {  	v57 =	vmul.f32 v50, v27;
	[tilespmem:s23+$0x1B0] =	vst v55  }
0x201: {  	v58 =	vmul.f32 v50, v23;
	[tilespmem:s23+$0x1C0] =	vst v56  }
0x202: {  	p0 =	sne.s32 s24, $0xF000;
	v59 =	vmul.f32 v50, v15;
	[tilespmem:s23+$0x1D0] =	vst v57  }
.Ltmp1:
0x203: {  	v60 =	vmul.f32 v50, v54;
	[tilespmem:s23+$0x1E0] =	vst v58;
	(pc) =	sbr.rel @p0 .LBB2_5-.Ltmp1, $4  }
0x204: {  	v61 =	vmul.f32 v50, v52;
	[tilespmem:s23+$0x1F0] =	vst v59  }
0x205: {  	v62 =	vmul.f32 v50, v51;
	[tilespmem:s23+$0x200] =	vst v60  }
0x206: {  	[tilespmem:s23+$0x210] =	vst v61  }
0x207: {  	s24 =	sadd.s32 $0x1000, s24;
	[tilespmem:s23+$0x220] =	vst v62;
	s23 =	sadd.s32 $0x480, s23  }
0x208: {  	p0 =	slt.u32 s21, $0xD  }
.Ltmp2:
0x209: {  	_ = 	snop;
	(pc) =	sbr.rel @p0 .LBB2_2-.Ltmp2, $4  }
0x20a: {  	s23 =	sshll.u32 s20, $0x7  }
0x20b: {  	s31 =	sadd.s32 $0x5, s20;
	s23 =	sor.u32 $0x8000, s23  }
0x20c: {  	[spmem:s5] =	stream.indirect.scatter.add.f32 [tilespmem:s22], [sflag:s31], $0x90, s23, s17, $0xb8;
	[tilespmem:$0x12390] =	vst v63  }
0x20d: {  	s23 =	smov.u32 s21  }
0x20e: {  	_ =	swait.ge [sflag:s18], $0x4800  }
0x20f: {  	s20 =	sshll.u32 s2, $0x6;
	s19 =	sadd.s32 $0x1, s19;
	[sflag:s18] =	ssyncset.done $0x0  }
0x210: {  	s21 =	sshrl.u32 s7, $0x3;
	p0 =	sne.s32 s19, s12;
	[sflag:s18] =	ssyncadd.s32 $0xFFFFB800  }
.Ltmp3:
0x211: {  	s20 =	sor.u32 $0x1C07, s20;
	[bflag:$0x0] =	sbarrier.arrive $0xFFFF;
	(pc) =	sbr.rel @p0 .LBB2_1-.Ltmp3, $4  }
0x212: {  	[hbm:s11], [sflag:s20] =	dma.local [spmem:s21], $0x240  }
0x213: {  	_ =	swait.ge [sflag:s14], $0x240  }
0x214: {  	[sflag:s14] =	ssyncset.done $0x0  }
0x215: {  	[sflag:s14] =	ssyncadd.s32 $0xFFFFFDC0  }
0x216: {  	_ =	sfence.sel $0x180000  }
0x217: {  	[bflag:$0x0] =	sbarrier.arrive $0xFFFF  }
0x218: {  	p0 =	sne.s32 s2, $0x0;
	_ =	strace $0x90000047  }
0x219: {  	s0 =	sadd.s32 @!p0 $0x100000, s4;
	[bflag:$0x2] =	sbarrier.arrive $0xFFFF  }
0x21a: {  	[sflag:s0] =	ssyncadd.tile.s32 @!p0 $0x1;
	_ =	shalt  }
.Lfunc_end2:
_tile_overlayer_lowered:
.L_overlay_start_2:
0x21b: {  	(tag) =	ssettag $0x2  }
0x21c: {  	s0 =	rddreg [dreg:$0x0];
	s2 =	stileid.u32  }
0x21d: {  	s1 =	rddreg [dreg:$0x1];
	p0 =	sne.s32 s2, $0x0  }
0x21e: {  	s3 =	rddreg [dreg:$0x2];
	[bflag:$0x3] =	sbarrier.arrive $0xFFFF;
	s2 =	simm.s32 @!p0 $0x1C07  }
0x21f: {  	[timem:s3], [sflag:s2] =	dma.local @!p0 [hbm:s0], s1  }
0x220: {  	s0 =	simm.s32 @!p0 $0x7  }
0x221: {  	_ =	swait.ge @!p0 [sflag:s0], s1  }
0x222: {  	s1 =	ssub.s32 @!p0 $0x0, s1;
	[sflag:s0] =	ssyncset.done @!p0 $0x0  }
0x223: {  	[sflag:s0] =	ssyncadd.s32 @!p0 s1  }
0x224: {  	[bflag:$0x3] =	sbarrier.arrive $0xFFFF  }
0x225: {  	_ =	shalt  }

</sc_bundles>
